<compile_context>
chip_gen: v7x
topology: tpu7x:2x2x1
jax: 0.10.2.dev20260603
libtpu: 0.0.44.dev20260713+nightly
codegen_flags: <defaults>
</compile_context>

<pallas_src>
import functools

import jax
import jax.numpy as jnp
from jax import lax
from jax.experimental import pallas as pl
from jax.experimental.pallas import tpu as pltpu
from jax.experimental.pallas import tpu_sc as plsc

BATCH = 16384
EMB = 16
LANES = 128
NUM_CORES = 2
NUM_SUBCORES = 16
NUM_WORKERS = NUM_CORES * NUM_SUBCORES
ROWS_PER_WORKER = BATCH // NUM_WORKERS
GROUP = 8


def kernel(user_idx, item_idx, user_emb, item_emb):
    uembT = user_emb.T
    iembT = item_emb.T

    mesh = plsc.VectorSubcoreMesh(core_axis_name="c", subcore_axis_name="s")

    @functools.partial(
        pl.kernel,
        out_type=jax.ShapeDtypeStruct((EMB, BATCH), jnp.float32),
        mesh=mesh,
        compiler_params=pltpu.CompilerParams(needs_layout_passes=False),
        scratch_types=[
            pltpu.VMEM((ROWS_PER_WORKER + 16,), jnp.int32),
            pltpu.VMEM((ROWS_PER_WORKER + 16,), jnp.int32),
            pltpu.VMEM((3, GROUP * EMB, LANES), jnp.float32),
            pltpu.VMEM((3, GROUP * EMB, LANES), jnp.float32),
            pltpu.VMEM((EMB, ROWS_PER_WORKER), jnp.float32),
            pltpu.SemaphoreType.DMA,
            pltpu.SemaphoreType.DMA,
        ],
    )
    def gmf(uix_hbm, iix_hbm, uembT_hbm, iembT_hbm, outT_hbm,
            uix_v, iix_v, ublk, iblk, out_v, sem_u, sem_i):
        wid = lax.axis_index("s") * NUM_CORES + lax.axis_index("c")
        base = wid * ROWS_PER_WORKER
        pltpu.sync_copy(uix_hbm.at[pl.ds(base, ROWS_PER_WORKER)],
                        uix_v.at[pl.ds(0, ROWS_PER_WORKER)])
        pltpu.sync_copy(iix_hbm.at[pl.ds(base, ROWS_PER_WORKER)],
                        iix_v.at[pl.ds(0, ROWS_PER_WORKER)])

        iota16 = lax.broadcasted_iota(jnp.int32, (16,), 0)
        slot8 = iota16 & 7
        dhalf = iota16 >> 3

        def fire(g, buf):
            uc016 = uix_v[pl.ds(g * GROUP, 16)] & -LANES
            ic016 = iix_v[pl.ds(g * GROUP, 16)] & -LANES
            for j in range(GROUP):
                c0u = pl.multiple_of(uc016[j], LANES)
                c0i = pl.multiple_of(ic016[j], LANES)
                pltpu.make_async_copy(
                    uembT_hbm.at[:, pl.ds(c0u, LANES)],
                    ublk.at[buf].at[pl.ds(j * EMB, EMB)], sem_u).start()
                pltpu.make_async_copy(
                    iembT_hbm.at[:, pl.ds(c0i, LANES)],
                    iblk.at[buf].at[pl.ds(j * EMB, EMB)], sem_i).start()

        def drain(buf):
            dummy = uembT_hbm.at[:, pl.ds(0, LANES)]
            for j in range(GROUP):
                pltpu.make_async_copy(
                    dummy, ublk.at[buf].at[pl.ds(j * EMB, EMB)], sem_u).wait()
                pltpu.make_async_copy(
                    dummy, iblk.at[buf].at[pl.ds(j * EMB, EMB)], sem_i).wait()

        def compute(g, buf):
            rows8 = jnp.broadcast_to(g * GROUP, (16,)) + slot8
            ulanes = plsc.load_gather(uix_v, [rows8]) & (LANES - 1)
            ilanes = plsc.load_gather(iix_v, [rows8]) & (LANES - 1)
            for d0 in range(0, EMB, 2):
                brow = slot8 * EMB + dhalf + d0
                u16 = plsc.load_gather(ublk.at[buf], [brow, ulanes])
                i16 = plsc.load_gather(iblk.at[buf], [brow, ilanes])
                plsc.store_scatter(out_v, [dhalf + d0, rows8], u16 * i16)

        NUM_GROUPS = ROWS_PER_WORKER // GROUP

        def fire_if_valid(g, buf):
            @pl.when(g < NUM_GROUPS)
            def _():
                fire(g, buf)

        fire(0, 0)
        fire(1, 1)

        @pl.loop(0, (NUM_GROUPS - 1) // 3)
        def _(k):
            g0 = k * 3
            fire(g0 + 2, 2)
            drain(0)
            compute(g0, 0)
            fire_if_valid(g0 + 3, 0)
            drain(1)
            compute(g0 + 1, 1)
            fire_if_valid(g0 + 4, 1)
            drain(2)
            compute(g0 + 2, 2)

        drain(0)
        compute(NUM_GROUPS - 1, 0)

        pltpu.sync_copy(out_v, outT_hbm.at[:, pl.ds(base, ROWS_PER_WORKER)])

    return gmf(user_idx, item_idx, uembT, iembT).T

# --- scband reference (transcript-rebuilt; emitter-appended) ---
"""Pipeline reference for scband-gmf-81647328297118 (READ-ONLY COPY).

The authoritative reference and input builder live on the scoring server;
editing this copy changes nothing except your own understanding.
"""

import jax, jax.numpy as jnp
import numpy as np

NUM_USERS = 1000000
NUM_ITEMS = 1000000
EMB_SIZE = 16
BATCH = 16384

def setup_inputs(seed: int = 0) -> dict:
    key = jax.random.key(seed)
    k1, k2, k3, k4 = jax.random.split(key, 4)
    user_idx = jax.random.randint(k1, (BATCH,), 0, NUM_USERS, dtype=jnp.int64 if jax.config.jax_enable_x64 else jnp.int32)
    item_idx = jax.random.randint(k2, (BATCH,), 0, NUM_ITEMS, dtype=jnp.int64 if jax.config.jax_enable_x64 else jnp.int32)
    # Xavier-uniform init: bound = sqrt(6 / (fan_in + fan_out))
    bound_u = float(np.sqrt(6.0 / (NUM_USERS + EMB_SIZE)))
    bound_i = float(np.sqrt(6.0 / (NUM_ITEMS + EMB_SIZE)))
    user_emb = jax.random.uniform(k3, (NUM_USERS, EMB_SIZE), minval=-bound_u, maxval=bound_u, dtype=jnp.float32)
    item_emb = jax.random.uniform(k4, (NUM_ITEMS, EMB_SIZE), minval=-bound_i, maxval=bound_i, dtype=jnp.float32)
    return {"user_idx": user_idx, "item_idx": item_idx, "user_emb": user_emb, "item_emb": item_emb}

def reference(user_idx, item_idx, user_emb, item_emb):
    u = jnp.take(user_emb, user_idx, axis=0)
    i = jnp.take(item_emb, item_idx, axis=0)
    return u * i

if __name__ == "__main__":
    import jax
    _d = setup_inputs()
    print(jax.jit(kernel)(*tuple(_d.values())))

</pallas_src>

<mosaic_0001>
#map = affine_map<(d0, d1) -> (0)>
#map1 = affine_map<(d0, d1) -> (0, 0)>
module attributes {stable_mosaic.version = 14 : i64} {
  func.func @gmf(%arg0: i32, %arg1: i32, %arg2: memref<16384xi32, #tpu.memory_space<hbm>>, %arg3: memref<16384xi32, #tpu.memory_space<hbm>>, %arg4: memref<16x1000000xf32, #tpu.memory_space<hbm>>, %arg5: memref<16x1000000xf32, #tpu.memory_space<hbm>>, %arg6: memref<16x16384xf32, #tpu.memory_space<hbm>>, %arg7: memref<528xi32, #tpu.memory_space<vmem>>, %arg8: memref<528xi32, #tpu.memory_space<vmem>>, %arg9: memref<3x128x128xf32, #tpu.memory_space<vmem>>, %arg10: memref<3x128x128xf32, #tpu.memory_space<vmem>>, %arg11: memref<16x512xf32, #tpu.memory_space<vmem>>, %arg12: memref<!tpu.dma_semaphore, #tpu.memory_space<semaphore_mem>>, %arg13: memref<!tpu.dma_semaphore, #tpu.memory_space<semaphore_mem>>) attributes {dimension_semantics = [#tpu.dimension_semantics<core_parallel>, #tpu.dimension_semantics<subcore_parallel>], iteration_bounds = array<i64: 2, 16>, scalar_prefetch = 0 : i64, scratch_operands = 7 : i64, tpu.core_type = #tpu.core_type<sc_vector_subcore>, window_params = [{transform_indices = #map}, {transform_indices = #map}, {transform_indices = #map1}, {transform_indices = #map1}, {transform_indices = #map1}]} {
    %mul3A = arith.constant 2 : i32
    %mul3A_0 = arith.muli %arg1, %mul3A : i32
    %add3A = arith.addi %mul3A_0, %arg0 : i32
    %mul3A_1 = arith.constant 512 : i32
    %mul3A_2 = arith.muli %add3A, %mul3A_1 : i32
    "tpu.region"() ({
      %run_scoped3A = tpu.sem_alloc : memref<!tpu.dma_semaphore, #tpu.memory_space<semaphore_mem>>
      %dma_start3A_1258 = arith.constant 0 : i32
      %dma_start3A_1259 = tpu.memref_slice %arg7[%dma_start3A_1258] : memref<528xi32, #tpu.memory_space<vmem>> -> memref<512xi32, #tpu.memory_space<vmem>>
      %dma_start3A_1260 = tpu.memref_slice %arg2[%mul3A_2] : memref<16384xi32, #tpu.memory_space<hbm>> -> memref<512xi32, #tpu.memory_space<hbm>>
      %dma_start3A_1261 = arith.constant 0 : i32
      %dma_start3A_1262 = tpu.memref_slice %arg7[%dma_start3A_1261] : memref<528xi32, #tpu.memory_space<vmem>> -> memref<512xi32, #tpu.memory_space<vmem>>
      %dma_start3A_1263 = tpu.memref_slice %arg2[%mul3A_2] : memref<16384xi32, #tpu.memory_space<hbm>> -> memref<512xi32, #tpu.memory_space<hbm>>
      tpu.enqueue_dma source(%dma_start3A_1263 : memref<512xi32, #tpu.memory_space<hbm>>) target(%dma_start3A_1262 : memref<512xi32, #tpu.memory_space<vmem>>) target_semaphore(%run_scoped3A : memref<!tpu.dma_semaphore, #tpu.memory_space<semaphore_mem>>)
      %dma_wait3A_1264 = arith.constant 0 : i32
      %dma_wait3A_1265 = tpu.memref_slice %arg7[%dma_wait3A_1264] : memref<528xi32, #tpu.memory_space<vmem>> -> memref<512xi32, #tpu.memory_space<vmem>>
      %dma_wait3A_1266 = tpu.memref_slice %arg2[%mul3A_2] : memref<16384xi32, #tpu.memory_space<hbm>> -> memref<512xi32, #tpu.memory_space<hbm>>
      %dma_wait3A_1267 = arith.constant 0 : i32
      %dma_wait3A_1268 = tpu.memref_slice %arg7[%dma_wait3A_1267] : memref<528xi32, #tpu.memory_space<vmem>> -> memref<512xi32, #tpu.memory_space<vmem>>
      %dma_wait3A_1269 = tpu.memref_slice %arg2[%mul3A_2] : memref<16384xi32, #tpu.memory_space<hbm>> -> memref<512xi32, #tpu.memory_space<hbm>>
      tpu.wait_dma2 semaphore(%run_scoped3A : memref<!tpu.dma_semaphore, #tpu.memory_space<semaphore_mem>>) src(%dma_wait3A_1269 : memref<512xi32, #tpu.memory_space<hbm>>) dst(%dma_wait3A_1268 : memref<512xi32, #tpu.memory_space<vmem>>)
      tpu.yield
    }) : () -> ()
    "tpu.region"() ({
      %run_scoped3A = tpu.sem_alloc : memref<!tpu.dma_semaphore, #tpu.memory_space<semaphore_mem>>
      %dma_start3A_1258 = arith.constant 0 : i32
      %dma_start3A_1259 = tpu.memref_slice %arg8[%dma_start3A_1258] : memref<528xi32, #tpu.memory_space<vmem>> -> memref<512xi32, #tpu.memory_space<vmem>>
      %dma_start3A_1260 = tpu.memref_slice %arg3[%mul3A_2] : memref<16384xi32, #tpu.memory_space<hbm>> -> memref<512xi32, #tpu.memory_space<hbm>>
      %dma_start3A_1261 = arith.constant 0 : i32
      %dma_start3A_1262 = tpu.memref_slice %arg8[%dma_start3A_1261] : memref<528xi32, #tpu.memory_space<vmem>> -> memref<512xi32, #tpu.memory_space<vmem>>
      %dma_start3A_1263 = tpu.memref_slice %arg3[%mul3A_2] : memref<16384xi32, #tpu.memory_space<hbm>> -> memref<512xi32, #tpu.memory_space<hbm>>
      tpu.enqueue_dma source(%dma_start3A_1263 : memref<512xi32, #tpu.memory_space<hbm>>) target(%dma_start3A_1262 : memref<512xi32, #tpu.memory_space<vmem>>) target_semaphore(%run_scoped3A : memref<!tpu.dma_semaphore, #tpu.memory_space<semaphore_mem>>)
      %dma_wait3A_1264 = arith.constant 0 : i32
      %dma_wait3A_1265 = tpu.memref_slice %arg8[%dma_wait3A_1264] : memref<528xi32, #tpu.memory_space<vmem>> -> memref<512xi32, #tpu.memory_space<vmem>>
      %dma_wait3A_1266 = tpu.memref_slice %arg3[%mul3A_2] : memref<16384xi32, #tpu.memory_space<hbm>> -> memref<512xi32, #tpu.memory_space<hbm>>
      %dma_wait3A_1267 = arith.constant 0 : i32
      %dma_wait3A_1268 = tpu.memref_slice %arg8[%dma_wait3A_1267] : memref<528xi32, #tpu.memory_space<vmem>> -> memref<512xi32, #tpu.memory_space<vmem>>
      %dma_wait3A_1269 = tpu.memref_slice %arg3[%mul3A_2] : memref<16384xi32, #tpu.memory_space<hbm>> -> memref<512xi32, #tpu.memory_space<hbm>>
      tpu.wait_dma2 semaphore(%run_scoped3A : memref<!tpu.dma_semaphore, #tpu.memory_space<semaphore_mem>>) src(%dma_wait3A_1269 : memref<512xi32, #tpu.memory_space<hbm>>) dst(%dma_wait3A_1268 : memref<512xi32, #tpu.memory_space<vmem>>)
      tpu.yield
    }) : () -> ()
    %iota3A = tpu.iota {dimensions = array<i32: 0>} : vector<16xi32>
    %and3A = arith.constant 7 : i32
    %and3A_3 = vector.broadcast %and3A : i32 to vector<16xi32>
    %and3A_4 = arith.andi %iota3A, %and3A_3 : vector<16xi32>
    %shift_right_arithmetic3A = arith.constant 3 : i32
    %shift_right_arithmetic3A_5 = vector.broadcast %shift_right_arithmetic3A : i32 to vector<16xi32>
    %shift_right_arithmetic3A_6 = arith.shrsi %iota3A, %shift_right_arithmetic3A_5 : vector<16xi32>
    %get3A = arith.constant 0 : index
    %get3A_7 = tpu.vector_load %arg7[%get3A] {strides = array<i32>} : memref<528xi32, #tpu.memory_space<vmem>>, vector<16xi32>,
    %and3A_8 = arith.constant -128 : i32
    %and3A_9 = vector.broadcast %and3A_8 : i32 to vector<16xi32>
    %and3A_10 = arith.andi %get3A_7, %and3A_9 : vector<16xi32>
    %get3A_11 = arith.constant 0 : index
    %get3A_12 = tpu.vector_load %arg8[%get3A_11] {strides = array<i32>} : memref<528xi32, #tpu.memory_space<vmem>>, vector<16xi32>,
    %and3A_13 = arith.constant -128 : i32
    %and3A_14 = vector.broadcast %and3A_13 : i32 to vector<16xi32>
    %and3A_15 = arith.andi %get3A_12, %and3A_14 : vector<16xi32>
    %slice3A = vector.extract_strided_slice %and3A_10 {offsets = [0], sizes = [1], strides = [1]} : vector<16xi32> to vector<1xi32>
    %squeeze3A = vector.extract %slice3A[0] : i32 from vector<1xi32>
    %multiple_of3A = tpu.assume_multiple %squeeze3A, 128 : i32
    %slice3A_16 = vector.extract_strided_slice %and3A_15 {offsets = [0], sizes = [1], strides = [1]} : vector<16xi32> to vector<1xi32>
    %squeeze3A_17 = vector.extract %slice3A_16[0] : i32 from vector<1xi32>
    %multiple_of3A_18 = tpu.assume_multiple %squeeze3A_17, 128 : i32
    %dma_start3A = arith.constant 0 : i32
    %dma_start3A_19 = arith.constant 0 : i32
    %dma_start3A_20 = arith.constant 0 : i32
    %dma_start3A_21 = tpu.memref_slice %arg9[%dma_start3A, %dma_start3A_19, %dma_start3A_20] : memref<3x128x128xf32, #tpu.memory_space<vmem>> -> memref<1x128x128xf32, #tpu.memory_space<vmem>>
    %dma_start3A_22 = tpu.memref_squeeze %dma_start3A_21 : memref<1x128x128xf32, #tpu.memory_space<vmem>> -> memref<128x128xf32, #tpu.memory_space<vmem>>
    %dma_start3A_23 = arith.constant 0 : i32
    %dma_start3A_24 = arith.constant 0 : i32
    %dma_start3A_25 = tpu.memref_slice %dma_start3A_22[%dma_start3A_23, %dma_start3A_24] : memref<128x128xf32, #tpu.memory_space<vmem>> -> memref<16x128xf32, #tpu.memory_space<vmem>>
    %dma_start3A_26 = arith.constant 0 : i32
    %dma_start3A_27 = tpu.memref_slice %arg4[%dma_start3A_26, %multiple_of3A] : memref<16x1000000xf32, #tpu.memory_space<hbm>> -> memref<16x128xf32, #tpu.memory_space<hbm>>
    %dma_start3A_28 = arith.constant 0 : i32
    %dma_start3A_29 = arith.constant 0 : i32
    %dma_start3A_30 = tpu.memref_slice %arg9[%dma_start3A, %dma_start3A_28, %dma_start3A_29] : memref<3x128x128xf32, #tpu.memory_space<vmem>> -> memref<1x128x128xf32, #tpu.memory_space<vmem>>
    %dma_start3A_31 = tpu.memref_squeeze %dma_start3A_30 : memref<1x128x128xf32, #tpu.memory_space<vmem>> -> memref<128x128xf32, #tpu.memory_space<vmem>>
    %dma_start3A_32 = arith.constant 0 : i32
    %dma_start3A_33 = arith.constant 0 : i32
    %dma_start3A_34 = tpu.memref_slice %dma_start3A_31[%dma_start3A_32, %dma_start3A_33] : memref<128x128xf32, #tpu.memory_space<vmem>> -> memref<16x128xf32, #tpu.memory_space<vmem>>
    %dma_start3A_35 = arith.constant 0 : i32
    %dma_start3A_36 = tpu.memref_slice %arg4[%dma_start3A_35, %multiple_of3A] : memref<16x1000000xf32, #tpu.memory_space<hbm>> -> memref<16x128xf32, #tpu.memory_space<hbm>>
    tpu.enqueue_dma source(%dma_start3A_36 : memref<16x128xf32, #tpu.memory_space<hbm>>) target(%dma_start3A_34 : memref<16x128xf32, #tpu.memory_space<vmem>>) target_semaphore(%arg12 : memref<!tpu.dma_semaphore, #tpu.memory_space<semaphore_mem>>)
    %dma_start3A_37 = arith.constant 0 : i32
    %dma_start3A_38 = arith.constant 0 : i32
    %dma_start3A_39 = arith.constant 0 : i32
    %dma_start3A_40 = tpu.memref_slice %arg10[%dma_start3A_37, %dma_start3A_38, %dma_start3A_39] : memref<3x128x128xf32, #tpu.memory_space<vmem>> -> memref<1x128x128xf32, #tpu.memory_space<vmem>>
    %dma_start3A_41 = tpu.memref_squeeze %dma_start3A_40 : memref<1x128x128xf32, #tpu.memory_space<vmem>> -> memref<128x128xf32, #tpu.memory_space<vmem>>
    %dma_start3A_42 = arith.constant 0 : i32
    %dma_start3A_43 = arith.constant 0 : i32
    %dma_start3A_44 = tpu.memref_slice %dma_start3A_41[%dma_start3A_42, %dma_start3A_43] : memref<128x128xf32, #tpu.memory_space<vmem>> -> memref<16x128xf32, #tpu.memory_space<vmem>>
    %dma_start3A_45 = arith.constant 0 : i32
    %dma_start3A_46 = tpu.memref_slice %arg5[%dma_start3A_45, %multiple_of3A_18] : memref<16x1000000xf32, #tpu.memory_space<hbm>> -> memref<16x128xf32, #tpu.memory_space<hbm>>
    %dma_start3A_47 = arith.constant 0 : i32
    %dma_start3A_48 = arith.constant 0 : i32
    %dma_start3A_49 = tpu.memref_slice %arg10[%dma_start3A_37, %dma_start3A_47, %dma_start3A_48] : memref<3x128x128xf32, #tpu.memory_space<vmem>> -> memref<1x128x128xf32, #tpu.memory_space<vmem>>
    %dma_start3A_50 = tpu.memref_squeeze %dma_start3A_49 : memref<1x128x128xf32, #tpu.memory_space<vmem>> -> memref<128x128xf32, #tpu.memory_space<vmem>>
    %dma_start3A_51 = arith.constant 0 : i32
    %dma_start3A_52 = arith.constant 0 : i32
    %dma_start3A_53 = tpu.memref_slice %dma_start3A_50[%dma_start3A_51, %dma_start3A_52] : memref<128x128xf32, #tpu.memory_space<vmem>> -> memref<16x128xf32, #tpu.memory_space<vmem>>
    %dma_start3A_54 = arith.constant 0 : i32
    %dma_start3A_55 = tpu.memref_slice %arg5[%dma_start3A_54, %multiple_of3A_18] : memref<16x1000000xf32, #tpu.memory_space<hbm>> -> memref<16x128xf32, #tpu.memory_space<hbm>>
    tpu.enqueue_dma source(%dma_start3A_55 : memref<16x128xf32, #tpu.memory_space<hbm>>) target(%dma_start3A_53 : memref<16x128xf32, #tpu.memory_space<vmem>>) target_semaphore(%arg13 : memref<!tpu.dma_semaphore, #tpu.memory_space<semaphore_mem>>)
    %slice3A_56 = vector.extract_strided_slice %and3A_10 {offsets = [1], sizes = [1], strides = [1]} : vector<16xi32> to vector<1xi32>
    %squeeze3A_57 = vector.extract %slice3A_56[0] : i32 from vector<1xi32>
    %multiple_of3A_58 = tpu.assume_multiple %squeeze3A_57, 128 : i32
    %slice3A_59 = vector.extract_strided_slice %and3A_15 {offsets = [1], sizes = [1], strides = [1]} : vector<16xi32> to vector<1xi32>
    %squeeze3A_60 = vector.extract %slice3A_59[0] : i32 from vector<1xi32>
    %multiple_of3A_61 = tpu.assume_multiple %squeeze3A_60, 128 : i32
    %dma_start3A_62 = arith.constant 0 : i32
    %dma_start3A_63 = arith.constant 0 : i32
    %dma_start3A_64 = arith.constant 0 : i32
    %dma_start3A_65 = tpu.memref_slice %arg9[%dma_start3A_62, %dma_start3A_63, %dma_start3A_64] : memref<3x128x128xf32, #tpu.memory_space<vmem>> -> memref<1x128x128xf32, #tpu.memory_space<vmem>>
    %dma_start3A_66 = tpu.memref_squeeze %dma_start3A_65 : memref<1x128x128xf32, #tpu.memory_space<vmem>> -> memref<128x128xf32, #tpu.memory_space<vmem>>
    %dma_start3A_67 = arith.constant 16 : i32
    %dma_start3A_68 = arith.constant 0 : i32
    %dma_start3A_69 = tpu.memref_slice %dma_start3A_66[%dma_start3A_67, %dma_start3A_68] : memref<128x128xf32, #tpu.memory_space<vmem>> -> memref<16x128xf32, #tpu.memory_space<vmem>>
    %dma_start3A_70 = arith.constant 0 : i32
    %dma_start3A_71 = tpu.memref_slice %arg4[%dma_start3A_70, %multiple_of3A_58] : memref<16x1000000xf32, #tpu.memory_space<hbm>> -> memref<16x128xf32, #tpu.memory_space<hbm>>
    %dma_start3A_72 = arith.constant 0 : i32
    %dma_start3A_73 = arith.constant 0 : i32
    %dma_start3A_74 = tpu.memref_slice %arg9[%dma_start3A_62, %dma_start3A_72, %dma_start3A_73] : memref<3x128x128xf32, #tpu.memory_space<vmem>> -> memref<1x128x128xf32, #tpu.memory_space<vmem>>
    %dma_start3A_75 = tpu.memref_squeeze %dma_start3A_74 : memref<1x128x128xf32, #tpu.memory_space<vmem>> -> memref<128x128xf32, #tpu.memory_space<vmem>>
    %dma_start3A_76 = arith.constant 16 : i32
    %dma_start3A_77 = arith.constant 0 : i32
    %dma_start3A_78 = tpu.memref_slice %dma_start3A_75[%dma_start3A_76, %dma_start3A_77] : memref<128x128xf32, #tpu.memory_space<vmem>> -> memref<16x128xf32, #tpu.memory_space<vmem>>
    %dma_start3A_79 = arith.constant 0 : i32
    %dma_start3A_80 = tpu.memref_slice %arg4[%dma_start3A_79, %multiple_of3A_58] : memref<16x1000000xf32, #tpu.memory_space<hbm>> -> memref<16x128xf32, #tpu.memory_space<hbm>>
    tpu.enqueue_dma source(%dma_start3A_80 : memref<16x128xf32, #tpu.memory_space<hbm>>) target(%dma_start3A_78 : memref<16x128xf32, #tpu.memory_space<vmem>>) target_semaphore(%arg12 : memref<!tpu.dma_semaphore, #tpu.memory_space<semaphore_mem>>)
    %dma_start3A_81 = arith.constant 0 : i32
    %dma_start3A_82 = arith.constant 0 : i32
    %dma_start3A_83 = arith.constant 0 : i32
    %dma_start3A_84 = tpu.memref_slice %arg10[%dma_start3A_81, %dma_start3A_82, %dma_start3A_83] : memref<3x128x128xf32, #tpu.memory_space<vmem>> -> memref<1x128x128xf32, #tpu.memory_space<vmem>>
    %dma_start3A_85 = tpu.memref_squeeze %dma_start3A_84 : memref<1x128x128xf32, #tpu.memory_space<vmem>> -> memref<128x128xf32, #tpu.memory_space<vmem>>
    %dma_start3A_86 = arith.constant 16 : i32
    %dma_start3A_87 = arith.constant 0 : i32
    %dma_start3A_88 = tpu.memref_slice %dma_start3A_85[%dma_start3A_86, %dma_start3A_87] : memref<128x128xf32, #tpu.memory_space<vmem>> -> memref<16x128xf32, #tpu.memory_space<vmem>>
    %dma_start3A_89 = arith.constant 0 : i32
    %dma_start3A_90 = tpu.memref_slice %arg5[%dma_start3A_89, %multiple_of3A_61] : memref<16x1000000xf32, #tpu.memory_space<hbm>> -> memref<16x128xf32, #tpu.memory_space<hbm>>
    %dma_start3A_91 = arith.constant 0 : i32
    %dma_start3A_92 = arith.constant 0 : i32
    %dma_start3A_93 = tpu.memref_slice %arg10[%dma_start3A_81, %dma_start3A_91, %dma_start3A_92] : memref<3x128x128xf32, #tpu.memory_space<vmem>> -> memref<1x128x128xf32, #tpu.memory_space<vmem>>
    %dma_start3A_94 = tpu.memref_squeeze %dma_start3A_93 : memref<1x128x128xf32, #tpu.memory_space<vmem>> -> memref<128x128xf32, #tpu.memory_space<vmem>>
    %dma_start3A_95 = arith.constant 16 : i32
    %dma_start3A_96 = arith.constant 0 : i32
    %dma_start3A_97 = tpu.memref_slice %dma_start3A_94[%dma_start3A_95, %dma_start3A_96] : memref<128x128xf32, #tpu.memory_space<vmem>> -> memref<16x128xf32, #tpu.memory_space<vmem>>
    %dma_start3A_98 = arith.constant 0 : i32
    %dma_start3A_99 = tpu.memref_slice %arg5[%dma_start3A_98, %multiple_of3A_61] : memref<16x1000000xf32, #tpu.memory_space<hbm>> -> memref<16x128xf32, #tpu.memory_space<hbm>>
    tpu.enqueue_dma source(%dma_start3A_99 : memref<16x128xf32, #tpu.memory_space<hbm>>) target(%dma_start3A_97 : memref<16x128xf32, #tpu.memory_space<vmem>>) target_semaphore(%arg13 : memref<!tpu.dma_semaphore, #tpu.memory_space<semaphore_mem>>)
    %slice3A_100 = vector.extract_strided_slice %and3A_10 {offsets = [2], sizes = [1], strides = [1]} : vector<16xi32> to vector<1xi32>
    %squeeze3A_101 = vector.extract %slice3A_100[0] : i32 from vector<1xi32>
    %multiple_of3A_102 = tpu.assume_multiple %squeeze3A_101, 128 : i32
    %slice3A_103 = vector.extract_strided_slice %and3A_15 {offsets = [2], sizes = [1], strides = [1]} : vector<16xi32> to vector<1xi32>
    %squeeze3A_104 = vector.extract %slice3A_103[0] : i32 from vector<1xi32>
    %multiple_of3A_105 = tpu.assume_multiple %squeeze3A_104, 128 : i32
    %dma_start3A_106 = arith.constant 0 : i32
    %dma_start3A_107 = arith.constant 0 : i32
    %dma_start3A_108 = arith.constant 0 : i32
    %dma_start3A_109 = tpu.memref_slice %arg9[%dma_start3A_106, %dma_start3A_107, %dma_start3A_108] : memref<3x128x128xf32, #tpu.memory_space<vmem>> -> memref<1x128x128xf32, #tpu.memory_space<vmem>>
    %dma_start3A_110 = tpu.memref_squeeze %dma_start3A_109 : memref<1x128x128xf32, #tpu.memory_space<vmem>> -> memref<128x128xf32, #tpu.memory_space<vmem>>
    %dma_start3A_111 = arith.constant 32 : i32
    %dma_start3A_112 = arith.constant 0 : i32
    %dma_start3A_113 = tpu.memref_slice %dma_start3A_110[%dma_start3A_111, %dma_start3A_112] : memref<128x128xf32, #tpu.memory_space<vmem>> -> memref<16x128xf32, #tpu.memory_space<vmem>>
    %dma_start3A_114 = arith.constant 0 : i32
    %dma_start3A_115 = tpu.memref_slice %arg4[%dma_start3A_114, %multiple_of3A_102] : memref<16x1000000xf32, #tpu.memory_space<hbm>> -> memref<16x128xf32, #tpu.memory_space<hbm>>
    %dma_start3A_116 = arith.constant 0 : i32
    %dma_start3A_117 = arith.constant 0 : i32
    %dma_start3A_118 = tpu.memref_slice %arg9[%dma_start3A_106, %dma_start3A_116, %dma_start3A_117] : memref<3x128x128xf32, #tpu.memory_space<vmem>> -> memref<1x128x128xf32, #tpu.memory_space<vmem>>
    %dma_start3A_119 = tpu.memref_squeeze %dma_start3A_118 : memref<1x128x128xf32, #tpu.memory_space<vmem>> -> memref<128x128xf32, #tpu.memory_space<vmem>>
    %dma_start3A_120 = arith.constant 32 : i32
    %dma_start3A_121 = arith.constant 0 : i32
    %dma_start3A_122 = tpu.memref_slice %dma_start3A_119[%dma_start3A_120, %dma_start3A_121] : memref<128x128xf32, #tpu.memory_space<vmem>> -> memref<16x128xf32, #tpu.memory_space<vmem>>
    %dma_start3A_123 = arith.constant 0 : i32
    %dma_start3A_124 = tpu.memref_slice %arg4[%dma_start3A_123, %multiple_of3A_102] : memref<16x1000000xf32, #tpu.memory_space<hbm>> -> memref<16x128xf32, #tpu.memory_space<hbm>>
    tpu.enqueue_dma source(%dma_start3A_124 : memref<16x128xf32, #tpu.memory_space<hbm>>) target(%dma_start3A_122 : memref<16x128xf32, #tpu.memory_space<vmem>>) target_semaphore(%arg12 : memref<!tpu.dma_semaphore, #tpu.memory_space<semaphore_mem>>)
    %dma_start3A_125 = arith.constant 0 : i32
    %dma_start3A_126 = arith.constant 0 : i32
    %dma_start3A_127 = arith.constant 0 : i32
    %dma_start3A_128 = tpu.memref_slice %arg10[%dma_start3A_125, %dma_start3A_126, %dma_start3A_127] : memref<3x128x128xf32, #tpu.memory_space<vmem>> -> memref<1x128x128xf32, #tpu.memory_space<vmem>>
    %dma_start3A_129 = tpu.memref_squeeze %dma_start3A_128 : memref<1x128x128xf32, #tpu.memory_space<vmem>> -> memref<128x128xf32, #tpu.memory_space<vmem>>
    %dma_start3A_130 = arith.constant 32 : i32
    %dma_start3A_131 = arith.constant 0 : i32
    %dma_start3A_132 = tpu.memref_slice %dma_start3A_129[%dma_start3A_130, %dma_start3A_131] : memref<128x128xf32, #tpu.memory_space<vmem>> -> memref<16x128xf32, #tpu.memory_space<vmem>>
    %dma_start3A_133 = arith.constant 0 : i32
    %dma_start3A_134 = tpu.memref_slice %arg5[%dma_start3A_133, %multiple_of3A_105] : memref<16x1000000xf32, #tpu.memory_space<hbm>> -> memref<16x128xf32, #tpu.memory_space<hbm>>
    %dma_start3A_135 = arith.constant 0 : i32
    %dma_start3A_136 = arith.constant 0 : i32
    %dma_start3A_137 = tpu.memref_slice %arg10[%dma_start3A_125, %dma_start3A_135, %dma_start3A_136] : memref<3x128x128xf32, #tpu.memory_space<vmem>> -> memref<1x128x128xf32, #tpu.memory_space<vmem>>
    %dma_start3A_138 = tpu.memref_squeeze %dma_start3A_137 : memref<1x128x128xf32, #tpu.memory_space<vmem>> -> memref<128x128xf32, #tpu.memory_space<vmem>>
    %dma_start3A_139 = arith.constant 32 : i32
    %dma_start3A_140 = arith.constant 0 : i32
    %dma_start3A_141 = tpu.memref_slice %dma_start3A_138[%dma_start3A_139, %dma_start3A_140] : memref<128x128xf32, #tpu.memory_space<vmem>> -> memref<16x128xf32, #tpu.memory_space<vmem>>
    %dma_start3A_142 = arith.constant 0 : i32
    %dma_start3A_143 = tpu.memref_slice %arg5[%dma_start3A_142, %multiple_of3A_105] : memref<16x1000000xf32, #tpu.memory_space<hbm>> -> memref<16x128xf32, #tpu.memory_space<hbm>>
    tpu.enqueue_dma source(%dma_start3A_143 : memref<16x128xf32, #tpu.memory_space<hbm>>) target(%dma_start3A_141 : memref<16x128xf32, #tpu.memory_space<vmem>>) target_semaphore(%arg13 : memref<!tpu.dma_semaphore, #tpu.memory_space<semaphore_mem>>)
    %slice3A_144 = vector.extract_strided_slice %and3A_10 {offsets = [3], sizes = [1], strides = [1]} : vector<16xi32> to vector<1xi32>
    %squeeze3A_145 = vector.extract %slice3A_144[0] : i32 from vector<1xi32>
    %multiple_of3A_146 = tpu.assume_multiple %squeeze3A_145, 128 : i32
    %slice3A_147 = vector.extract_strided_slice %and3A_15 {offsets = [3], sizes = [1], strides = [1]} : vector<16xi32> to vector<1xi32>
    %squeeze3A_148 = vector.extract %slice3A_147[0] : i32 from vector<1xi32>
    %multiple_of3A_149 = tpu.assume_multiple %squeeze3A_148, 128 : i32
    %dma_start3A_150 = arith.constant 0 : i32
    %dma_start3A_151 = arith.constant 0 : i32
    %dma_start3A_152 = arith.constant 0 : i32
    %dma_start3A_153 = tpu.memref_slice %arg9[%dma_start3A_150, %dma_start3A_151, %dma_start3A_152] : memref<3x128x128xf32, #tpu.memory_space<vmem>> -> memref<1x128x128xf32, #tpu.memory_space<vmem>>
    %dma_start3A_154 = tpu.memref_squeeze %dma_start3A_153 : memref<1x128x128xf32, #tpu.memory_space<vmem>> -> memref<128x128xf32, #tpu.memory_space<vmem>>
    %dma_start3A_155 = arith.constant 48 : i32
    %dma_start3A_156 = arith.constant 0 : i32
    %dma_start3A_157 = tpu.memref_slice %dma_start3A_154[%dma_start3A_155, %dma_start3A_156] : memref<128x128xf32, #tpu.memory_space<vmem>> -> memref<16x128xf32, #tpu.memory_space<vmem>>
    %dma_start3A_158 = arith.constant 0 : i32
    %dma_start3A_159 = tpu.memref_slice %arg4[%dma_start3A_158, %multiple_of3A_146] : memref<16x1000000xf32, #tpu.memory_space<hbm>> -> memref<16x128xf32, #tpu.memory_space<hbm>>
    %dma_start3A_160 = arith.constant 0 : i32
    %dma_start3A_161 = arith.constant 0 : i32
    %dma_start3A_162 = tpu.memref_slice %arg9[%dma_start3A_150, %dma_start3A_160, %dma_start3A_161] : memref<3x128x128xf32, #tpu.memory_space<vmem>> -> memref<1x128x128xf32, #tpu.memory_space<vmem>>
    %dma_start3A_163 = tpu.memref_squeeze %dma_start3A_162 : memref<1x128x128xf32, #tpu.memory_space<vmem>> -> memref<128x128xf32, #tpu.memory_space<vmem>>
    %dma_start3A_164 = arith.constant 48 : i32
    %dma_start3A_165 = arith.constant 0 : i32
    %dma_start3A_166 = tpu.memref_slice %dma_start3A_163[%dma_start3A_164, %dma_start3A_165] : memref<128x128xf32, #tpu.memory_space<vmem>> -> memref<16x128xf32, #tpu.memory_space<vmem>>
    %dma_start3A_167 = arith.constant 0 : i32
    %dma_start3A_168 = tpu.memref_slice %arg4[%dma_start3A_167, %multiple_of3A_146] : memref<16x1000000xf32, #tpu.memory_space<hbm>> -> memref<16x128xf32, #tpu.memory_space<hbm>>
    tpu.enqueue_dma source(%dma_start3A_168 : memref<16x128xf32, #tpu.memory_space<hbm>>) target(%dma_start3A_166 : memref<16x128xf32, #tpu.memory_space<vmem>>) target_semaphore(%arg12 : memref<!tpu.dma_semaphore, #tpu.memory_space<semaphore_mem>>)
    %dma_start3A_169 = arith.constant 0 : i32
    %dma_start3A_170 = arith.constant 0 : i32
    %dma_start3A_171 = arith.constant 0 : i32
    %dma_start3A_172 = tpu.memref_slice %arg10[%dma_start3A_169, %dma_start3A_170, %dma_start3A_171] : memref<3x128x128xf32, #tpu.memory_space<vmem>> -> memref<1x128x128xf32, #tpu.memory_space<vmem>>
    %dma_start3A_173 = tpu.memref_squeeze %dma_start3A_172 : memref<1x128x128xf32, #tpu.memory_space<vmem>> -> memref<128x128xf32, #tpu.memory_space<vmem>>
    %dma_start3A_174 = arith.constant 48 : i32
    %dma_start3A_175 = arith.constant 0 : i32
    %dma_start3A_176 = tpu.memref_slice %dma_start3A_173[%dma_start3A_174, %dma_start3A_175] : memref<128x128xf32, #tpu.memory_space<vmem>> -> memref<16x128xf32, #tpu.memory_space<vmem>>
    %dma_start3A_177 = arith.constant 0 : i32
    %dma_start3A_178 = tpu.memref_slice %arg5[%dma_start3A_177, %multiple_of3A_149] : memref<16x1000000xf32, #tpu.memory_space<hbm>> -> memref<16x128xf32, #tpu.memory_space<hbm>>
    %dma_start3A_179 = arith.constant 0 : i32
    %dma_start3A_180 = arith.constant 0 : i32
    %dma_start3A_181 = tpu.memref_slice %arg10[%dma_start3A_169, %dma_start3A_179, %dma_start3A_180] : memref<3x128x128xf32, #tpu.memory_space<vmem>> -> memref<1x128x128xf32, #tpu.memory_space<vmem>>
    %dma_start3A_182 = tpu.memref_squeeze %dma_start3A_181 : memref<1x128x128xf32, #tpu.memory_space<vmem>> -> memref<128x128xf32, #tpu.memory_space<vmem>>
    %dma_start3A_183 = arith.constant 48 : i32
    %dma_start3A_184 = arith.constant 0 : i32
    %dma_start3A_185 = tpu.memref_slice %dma_start3A_182[%dma_start3A_183, %dma_start3A_184] : memref<128x128xf32, #tpu.memory_space<vmem>> -> memref<16x128xf32, #tpu.memory_space<vmem>>
    %dma_start3A_186 = arith.constant 0 : i32
    %dma_start3A_187 = tpu.memref_slice %arg5[%dma_start3A_186, %multiple_of3A_149] : memref<16x1000000xf32, #tpu.memory_space<hbm>> -> memref<16x128xf32, #tpu.memory_space<hbm>>
    tpu.enqueue_dma source(%dma_start3A_187 : memref<16x128xf32, #tpu.memory_space<hbm>>) target(%dma_start3A_185 : memref<16x128xf32, #tpu.memory_space<vmem>>) target_semaphore(%arg13 : memref<!tpu.dma_semaphore, #tpu.memory_space<semaphore_mem>>)
    %slice3A_188 = vector.extract_strided_slice %and3A_10 {offsets = [4], sizes = [1], strides = [1]} : vector<16xi32> to vector<1xi32>
    %squeeze3A_189 = vector.extract %slice3A_188[0] : i32 from vector<1xi32>
    %multiple_of3A_190 = tpu.assume_multiple %squeeze3A_189, 128 : i32
    %slice3A_191 = vector.extract_strided_slice %and3A_15 {offsets = [4], sizes = [1], strides = [1]} : vector<16xi32> to vector<1xi32>
    %squeeze3A_192 = vector.extract %slice3A_191[0] : i32 from vector<1xi32>
    %multiple_of3A_193 = tpu.assume_multiple %squeeze3A_192, 128 : i32
    %dma_start3A_194 = arith.constant 0 : i32
    %dma_start3A_195 = arith.constant 0 : i32
    %dma_start3A_196 = arith.constant 0 : i32
    %dma_start3A_197 = tpu.memref_slice %arg9[%dma_start3A_194, %dma_start3A_195, %dma_start3A_196] : memref<3x128x128xf32, #tpu.memory_space<vmem>> -> memref<1x128x128xf32, #tpu.memory_space<vmem>>
    %dma_start3A_198 = tpu.memref_squeeze %dma_start3A_197 : memref<1x128x128xf32, #tpu.memory_space<vmem>> -> memref<128x128xf32, #tpu.memory_space<vmem>>
    %dma_start3A_199 = arith.constant 64 : i32
    %dma_start3A_200 = arith.constant 0 : i32
    %dma_start3A_201 = tpu.memref_slice %dma_start3A_198[%dma_start3A_199, %dma_start3A_200] : memref<128x128xf32, #tpu.memory_space<vmem>> -> memref<16x128xf32, #tpu.memory_space<vmem>>
    %dma_start3A_202 = arith.constant 0 : i32
    %dma_start3A_203 = tpu.memref_slice %arg4[%dma_start3A_202, %multiple_of3A_190] : memref<16x1000000xf32, #tpu.memory_space<hbm>> -> memref<16x128xf32, #tpu.memory_space<hbm>>
    %dma_start3A_204 = arith.constant 0 : i32
    %dma_start3A_205 = arith.constant 0 : i32
    %dma_start3A_206 = tpu.memref_slice %arg9[%dma_start3A_194, %dma_start3A_204, %dma_start3A_205] : memref<3x128x128xf32, #tpu.memory_space<vmem>> -> memref<1x128x128xf32, #tpu.memory_space<vmem>>
    %dma_start3A_207 = tpu.memref_squeeze %dma_start3A_206 : memref<1x128x128xf32, #tpu.memory_space<vmem>> -> memref<128x128xf32, #tpu.memory_space<vmem>>
    %dma_start3A_208 = arith.constant 64 : i32
    %dma_start3A_209 = arith.constant 0 : i32
    %dma_start3A_210 = tpu.memref_slice %dma_start3A_207[%dma_start3A_208, %dma_start3A_209] : memref<128x128xf32, #tpu.memory_space<vmem>> -> memref<16x128xf32, #tpu.memory_space<vmem>>
    %dma_start3A_211 = arith.constant 0 : i32
    %dma_start3A_212 = tpu.memref_slice %arg4[%dma_start3A_211, %multiple_of3A_190] : memref<16x1000000xf32, #tpu.memory_space<hbm>> -> memref<16x128xf32, #tpu.memory_space<hbm>>
    tpu.enqueue_dma source(%dma_start3A_212 : memref<16x128xf32, #tpu.memory_space<hbm>>) target(%dma_start3A_210 : memref<16x128xf32, #tpu.memory_space<vmem>>) target_semaphore(%arg12 : memref<!tpu.dma_semaphore, #tpu.memory_space<semaphore_mem>>)
    %dma_start3A_213 = arith.constant 0 : i32
    %dma_start3A_214 = arith.constant 0 : i32
    %dma_start3A_215 = arith.constant 0 : i32
    %dma_start3A_216 = tpu.memref_slice %arg10[%dma_start3A_213, %dma_start3A_214, %dma_start3A_215] : memref<3x128x128xf32, #tpu.memory_space<vmem>> -> memref<1x128x128xf32, #tpu.memory_space<vmem>>
    %dma_start3A_217 = tpu.memref_squeeze %dma_start3A_216 : memref<1x128x128xf32, #tpu.memory_space<vmem>> -> memref<128x128xf32, #tpu.memory_space<vmem>>
    %dma_start3A_218 = arith.constant 64 : i32
    %dma_start3A_219 = arith.constant 0 : i32
    %dma_start3A_220 = tpu.memref_slice %dma_start3A_217[%dma_start3A_218, %dma_start3A_219] : memref<128x128xf32, #tpu.memory_space<vmem>> -> memref<16x128xf32, #tpu.memory_space<vmem>>
    %dma_start3A_221 = arith.constant 0 : i32
    %dma_start3A_222 = tpu.memref_slice %arg5[%dma_start3A_221, %multiple_of3A_193] : memref<16x1000000xf32, #tpu.memory_space<hbm>> -> memref<16x128xf32, #tpu.memory_space<hbm>>
    %dma_start3A_223 = arith.constant 0 : i32
    %dma_start3A_224 = arith.constant 0 : i32
    %dma_start3A_225 = tpu.memref_slice %arg10[%dma_start3A_213, %dma_start3A_223, %dma_start3A_224] : memref<3x128x128xf32, #tpu.memory_space<vmem>> -> memref<1x128x128xf32, #tpu.memory_space<vmem>>
    %dma_start3A_226 = tpu.memref_squeeze %dma_start3A_225 : memref<1x128x128xf32, #tpu.memory_space<vmem>> -> memref<128x128xf32, #tpu.memory_space<vmem>>
    %dma_start3A_227 = arith.constant 64 : i32
    %dma_start3A_228 = arith.constant 0 : i32
    %dma_start3A_229 = tpu.memref_slice %dma_start3A_226[%dma_start3A_227, %dma_start3A_228] : memref<128x128xf32, #tpu.memory_space<vmem>> -> memref<16x128xf32, #tpu.memory_space<vmem>>
    %dma_start3A_230 = arith.constant 0 : i32
    %dma_start3A_231 = tpu.memref_slice %arg5[%dma_start3A_230, %multiple_of3A_193] : memref<16x1000000xf32, #tpu.memory_space<hbm>> -> memref<16x128xf32, #tpu.memory_space<hbm>>
    tpu.enqueue_dma source(%dma_start3A_231 : memref<16x128xf32, #tpu.memory_space<hbm>>) target(%dma_start3A_229 : memref<16x128xf32, #tpu.memory_space<vmem>>) target_semaphore(%arg13 : memref<!tpu.dma_semaphore, #tpu.memory_space<semaphore_mem>>)
    %slice3A_232 = vector.extract_strided_slice %and3A_10 {offsets = [5], sizes = [1], strides = [1]} : vector<16xi32> to vector<1xi32>
    %squeeze3A_233 = vector.extract %slice3A_232[0] : i32 from vector<1xi32>
    %multiple_of3A_234 = tpu.assume_multiple %squeeze3A_233, 128 : i32
    %slice3A_235 = vector.extract_strided_slice %and3A_15 {offsets = [5], sizes = [1], strides = [1]} : vector<16xi32> to vector<1xi32>
    %squeeze3A_236 = vector.extract %slice3A_235[0] : i32 from vector<1xi32>
    %multiple_of3A_237 = tpu.assume_multiple %squeeze3A_236, 128 : i32
    %dma_start3A_238 = arith.constant 0 : i32
    %dma_start3A_239 = arith.constant 0 : i32
    %dma_start3A_240 = arith.constant 0 : i32
    %dma_start3A_241 = tpu.memref_slice %arg9[%dma_start3A_238, %dma_start3A_239, %dma_start3A_240] : memref<3x128x128xf32, #tpu.memory_space<vmem>> -> memref<1x128x128xf32, #tpu.memory_space<vmem>>
    %dma_start3A_242 = tpu.memref_squeeze %dma_start3A_241 : memref<1x128x128xf32, #tpu.memory_space<vmem>> -> memref<128x128xf32, #tpu.memory_space<vmem>>
    %dma_start3A_243 = arith.constant 80 : i32
    %dma_start3A_244 = arith.constant 0 : i32
    %dma_start3A_245 = tpu.memref_slice %dma_start3A_242[%dma_start3A_243, %dma_start3A_244] : memref<128x128xf32, #tpu.memory_space<vmem>> -> memref<16x128xf32, #tpu.memory_space<vmem>>
    %dma_start3A_246 = arith.constant 0 : i32
    %dma_start3A_247 = tpu.memref_slice %arg4[%dma_start3A_246, %multiple_of3A_234] : memref<16x1000000xf32, #tpu.memory_space<hbm>> -> memref<16x128xf32, #tpu.memory_space<hbm>>
    %dma_start3A_248 = arith.constant 0 : i32
    %dma_start3A_249 = arith.constant 0 : i32
    %dma_start3A_250 = tpu.memref_slice %arg9[%dma_start3A_238, %dma_start3A_248, %dma_start3A_249] : memref<3x128x128xf32, #tpu.memory_space<vmem>> -> memref<1x128x128xf32, #tpu.memory_space<vmem>>
    %dma_start3A_251 = tpu.memref_squeeze %dma_start3A_250 : memref<1x128x128xf32, #tpu.memory_space<vmem>> -> memref<128x128xf32, #tpu.memory_space<vmem>>
    %dma_start3A_252 = arith.constant 80 : i32
    %dma_start3A_253 = arith.constant 0 : i32
    %dma_start3A_254 = tpu.memref_slice %dma_start3A_251[%dma_start3A_252, %dma_start3A_253] : memref<128x128xf32, #tpu.memory_space<vmem>> -> memref<16x128xf32, #tpu.memory_space<vmem>>
    %dma_start3A_255 = arith.constant 0 : i32
    %dma_start3A_256 = tpu.memref_slice %arg4[%dma_start3A_255, %multiple_of3A_234] : memref<16x1000000xf32, #tpu.memory_space<hbm>> -> memref<16x128xf32, #tpu.memory_space<hbm>>
    tpu.enqueue_dma source(%dma_start3A_256 : memref<16x128xf32, #tpu.memory_space<hbm>>) target(%dma_start3A_254 : memref<16x128xf32, #tpu.memory_space<vmem>>) target_semaphore(%arg12 : memref<!tpu.dma_semaphore, #tpu.memory_space<semaphore_mem>>)
    %dma_start3A_257 = arith.constant 0 : i32
    %dma_start3A_258 = arith.constant 0 : i32
    %dma_start3A_259 = arith.constant 0 : i32
    %dma_start3A_260 = tpu.memref_slice %arg10[%dma_start3A_257, %dma_start3A_258, %dma_start3A_259] : memref<3x128x128xf32, #tpu.memory_space<vmem>> -> memref<1x128x128xf32, #tpu.memory_space<vmem>>
    %dma_start3A_261 = tpu.memref_squeeze %dma_start3A_260 : memref<1x128x128xf32, #tpu.memory_space<vmem>> -> memref<128x128xf32, #tpu.memory_space<vmem>>
    %dma_start3A_262 = arith.constant 80 : i32
    %dma_start3A_263 = arith.constant 0 : i32
    %dma_start3A_264 = tpu.memref_slice %dma_start3A_261[%dma_start3A_262, %dma_start3A_263] : memref<128x128xf32, #tpu.memory_space<vmem>> -> memref<16x128xf32, #tpu.memory_space<vmem>>
    %dma_start3A_265 = arith.constant 0 : i32
    %dma_start3A_266 = tpu.memref_slice %arg5[%dma_start3A_265, %multiple_of3A_237] : memref<16x1000000xf32, #tpu.memory_space<hbm>> -> memref<16x128xf32, #tpu.memory_space<hbm>>
    %dma_start3A_267 = arith.constant 0 : i32
    %dma_start3A_268 = arith.constant 0 : i32
    %dma_start3A_269 = tpu.memref_slice %arg10[%dma_start3A_257, %dma_start3A_267, %dma_start3A_268] : memref<3x128x128xf32, #tpu.memory_space<vmem>> -> memref<1x128x128xf32, #tpu.memory_space<vmem>>
    %dma_start3A_270 = tpu.memref_squeeze %dma_start3A_269 : memref<1x128x128xf32, #tpu.memory_space<vmem>> -> memref<128x128xf32, #tpu.memory_space<vmem>>
    %dma_start3A_271 = arith.constant 80 : i32
    %dma_start3A_272 = arith.constant 0 : i32
    %dma_start3A_273 = tpu.memref_slice %dma_start3A_270[%dma_start3A_271, %dma_start3A_272] : memref<128x128xf32, #tpu.memory_space<vmem>> -> memref<16x128xf32, #tpu.memory_space<vmem>>
    %dma_start3A_274 = arith.constant 0 : i32
    %dma_start3A_275 = tpu.memref_slice %arg5[%dma_start3A_274, %multiple_of3A_237] : memref<16x1000000xf32, #tpu.memory_space<hbm>> -> memref<16x128xf32, #tpu.memory_space<hbm>>
    tpu.enqueue_dma source(%dma_start3A_275 : memref<16x128xf32, #tpu.memory_space<hbm>>) target(%dma_start3A_273 : memref<16x128xf32, #tpu.memory_space<vmem>>) target_semaphore(%arg13 : memref<!tpu.dma_semaphore, #tpu.memory_space<semaphore_mem>>)
    %slice3A_276 = vector.extract_strided_slice %and3A_10 {offsets = [6], sizes = [1], strides = [1]} : vector<16xi32> to vector<1xi32>
    %squeeze3A_277 = vector.extract %slice3A_276[0] : i32 from vector<1xi32>
    %multiple_of3A_278 = tpu.assume_multiple %squeeze3A_277, 128 : i32
    %slice3A_279 = vector.extract_strided_slice %and3A_15 {offsets = [6], sizes = [1], strides = [1]} : vector<16xi32> to vector<1xi32>
    %squeeze3A_280 = vector.extract %slice3A_279[0] : i32 from vector<1xi32>
    %multiple_of3A_281 = tpu.assume_multiple %squeeze3A_280, 128 : i32
    %dma_start3A_282 = arith.constant 0 : i32
    %dma_start3A_283 = arith.constant 0 : i32
    %dma_start3A_284 = arith.constant 0 : i32
    %dma_start3A_285 = tpu.memref_slice %arg9[%dma_start3A_282, %dma_start3A_283, %dma_start3A_284] : memref<3x128x128xf32, #tpu.memory_space<vmem>> -> memref<1x128x128xf32, #tpu.memory_space<vmem>>
    %dma_start3A_286 = tpu.memref_squeeze %dma_start3A_285 : memref<1x128x128xf32, #tpu.memory_space<vmem>> -> memref<128x128xf32, #tpu.memory_space<vmem>>
    %dma_start3A_287 = arith.constant 96 : i32
    %dma_start3A_288 = arith.constant 0 : i32
    %dma_start3A_289 = tpu.memref_slice %dma_start3A_286[%dma_start3A_287, %dma_start3A_288] : memref<128x128xf32, #tpu.memory_space<vmem>> -> memref<16x128xf32, #tpu.memory_space<vmem>>
    %dma_start3A_290 = arith.constant 0 : i32
    %dma_start3A_291 = tpu.memref_slice %arg4[%dma_start3A_290, %multiple_of3A_278] : memref<16x1000000xf32, #tpu.memory_space<hbm>> -> memref<16x128xf32, #tpu.memory_space<hbm>>
    %dma_start3A_292 = arith.constant 0 : i32
    %dma_start3A_293 = arith.constant 0 : i32
    %dma_start3A_294 = tpu.memref_slice %arg9[%dma_start3A_282, %dma_start3A_292, %dma_start3A_293] : memref<3x128x128xf32, #tpu.memory_space<vmem>> -> memref<1x128x128xf32, #tpu.memory_space<vmem>>
    %dma_start3A_295 = tpu.memref_squeeze %dma_start3A_294 : memref<1x128x128xf32, #tpu.memory_space<vmem>> -> memref<128x128xf32, #tpu.memory_space<vmem>>
    %dma_start3A_296 = arith.constant 96 : i32
    %dma_start3A_297 = arith.constant 0 : i32
    %dma_start3A_298 = tpu.memref_slice %dma_start3A_295[%dma_start3A_296, %dma_start3A_297] : memref<128x128xf32, #tpu.memory_space<vmem>> -> memref<16x128xf32, #tpu.memory_space<vmem>>
    %dma_start3A_299 = arith.constant 0 : i32
    %dma_start3A_300 = tpu.memref_slice %arg4[%dma_start3A_299, %multiple_of3A_278] : memref<16x1000000xf32, #tpu.memory_space<hbm>> -> memref<16x128xf32, #tpu.memory_space<hbm>>
    tpu.enqueue_dma source(%dma_start3A_300 : memref<16x128xf32, #tpu.memory_space<hbm>>) target(%dma_start3A_298 : memref<16x128xf32, #tpu.memory_space<vmem>>) target_semaphore(%arg12 : memref<!tpu.dma_semaphore, #tpu.memory_space<semaphore_mem>>)
    %dma_start3A_301 = arith.constant 0 : i32
    %dma_start3A_302 = arith.constant 0 : i32
    %dma_start3A_303 = arith.constant 0 : i32
    %dma_start3A_304 = tpu.memref_slice %arg10[%dma_start3A_301, %dma_start3A_302, %dma_start3A_303] : memref<3x128x128xf32, #tpu.memory_space<vmem>> -> memref<1x128x128xf32, #tpu.memory_space<vmem>>
    %dma_start3A_305 = tpu.memref_squeeze %dma_start3A_304 : memref<1x128x128xf32, #tpu.memory_space<vmem>> -> memref<128x128xf32, #tpu.memory_space<vmem>>
    %dma_start3A_306 = arith.constant 96 : i32
    %dma_start3A_307 = arith.constant 0 : i32
    %dma_start3A_308 = tpu.memref_slice %dma_start3A_305[%dma_start3A_306, %dma_start3A_307] : memref<128x128xf32, #tpu.memory_space<vmem>> -> memref<16x128xf32, #tpu.memory_space<vmem>>
    %dma_start3A_309 = arith.constant 0 : i32
    %dma_start3A_310 = tpu.memref_slice %arg5[%dma_start3A_309, %multiple_of3A_281] : memref<16x1000000xf32, #tpu.memory_space<hbm>> -> memref<16x128xf32, #tpu.memory_space<hbm>>
    %dma_start3A_311 = arith.constant 0 : i32
    %dma_start3A_312 = arith.constant 0 : i32
    %dma_start3A_313 = tpu.memref_slice %arg10[%dma_start3A_301, %dma_start3A_311, %dma_start3A_312] : memref<3x128x128xf32, #tpu.memory_space<vmem>> -> memref<1x128x128xf32, #tpu.memory_space<vmem>>
    %dma_start3A_314 = tpu.memref_squeeze %dma_start3A_313 : memref<1x128x128xf32, #tpu.memory_space<vmem>> -> memref<128x128xf32, #tpu.memory_space<vmem>>
    %dma_start3A_315 = arith.constant 96 : i32
    %dma_start3A_316 = arith.constant 0 : i32
    %dma_start3A_317 = tpu.memref_slice %dma_start3A_314[%dma_start3A_315, %dma_start3A_316] : memref<128x128xf32, #tpu.memory_space<vmem>> -> memref<16x128xf32, #tpu.memory_space<vmem>>
    %dma_start3A_318 = arith.constant 0 : i32
    %dma_start3A_319 = tpu.memref_slice %arg5[%dma_start3A_318, %multiple_of3A_281] : memref<16x1000000xf32, #tpu.memory_space<hbm>> -> memref<16x128xf32, #tpu.memory_space<hbm>>
    tpu.enqueue_dma source(%dma_start3A_319 : memref<16x128xf32, #tpu.memory_space<hbm>>) target(%dma_start3A_317 : memref<16x128xf32, #tpu.memory_space<vmem>>) target_semaphore(%arg13 : memref<!tpu.dma_semaphore, #tpu.memory_space<semaphore_mem>>)
    %slice3A_320 = vector.extract_strided_slice %and3A_10 {offsets = [7], sizes = [1], strides = [1]} : vector<16xi32> to vector<1xi32>
    %squeeze3A_321 = vector.extract %slice3A_320[0] : i32 from vector<1xi32>
    %multiple_of3A_322 = tpu.assume_multiple %squeeze3A_321, 128 : i32
    %slice3A_323 = vector.extract_strided_slice %and3A_15 {offsets = [7], sizes = [1], strides = [1]} : vector<16xi32> to vector<1xi32>
    %squeeze3A_324 = vector.extract %slice3A_323[0] : i32 from vector<1xi32>
    %multiple_of3A_325 = tpu.assume_multiple %squeeze3A_324, 128 : i32
    %dma_start3A_326 = arith.constant 0 : i32
    %dma_start3A_327 = arith.constant 0 : i32
    %dma_start3A_328 = arith.constant 0 : i32
    %dma_start3A_329 = tpu.memref_slice %arg9[%dma_start3A_326, %dma_start3A_327, %dma_start3A_328] : memref<3x128x128xf32, #tpu.memory_space<vmem>> -> memref<1x128x128xf32, #tpu.memory_space<vmem>>
    %dma_start3A_330 = tpu.memref_squeeze %dma_start3A_329 : memref<1x128x128xf32, #tpu.memory_space<vmem>> -> memref<128x128xf32, #tpu.memory_space<vmem>>
    %dma_start3A_331 = arith.constant 112 : i32
    %dma_start3A_332 = arith.constant 0 : i32
    %dma_start3A_333 = tpu.memref_slice %dma_start3A_330[%dma_start3A_331, %dma_start3A_332] : memref<128x128xf32, #tpu.memory_space<vmem>> -> memref<16x128xf32, #tpu.memory_space<vmem>>
    %dma_start3A_334 = arith.constant 0 : i32
    %dma_start3A_335 = tpu.memref_slice %arg4[%dma_start3A_334, %multiple_of3A_322] : memref<16x1000000xf32, #tpu.memory_space<hbm>> -> memref<16x128xf32, #tpu.memory_space<hbm>>
    %dma_start3A_336 = arith.constant 0 : i32
    %dma_start3A_337 = arith.constant 0 : i32
    %dma_start3A_338 = tpu.memref_slice %arg9[%dma_start3A_326, %dma_start3A_336, %dma_start3A_337] : memref<3x128x128xf32, #tpu.memory_space<vmem>> -> memref<1x128x128xf32, #tpu.memory_space<vmem>>
    %dma_start3A_339 = tpu.memref_squeeze %dma_start3A_338 : memref<1x128x128xf32, #tpu.memory_space<vmem>> -> memref<128x128xf32, #tpu.memory_space<vmem>>
    %dma_start3A_340 = arith.constant 112 : i32
    %dma_start3A_341 = arith.constant 0 : i32
    %dma_start3A_342 = tpu.memref_slice %dma_start3A_339[%dma_start3A_340, %dma_start3A_341] : memref<128x128xf32, #tpu.memory_space<vmem>> -> memref<16x128xf32, #tpu.memory_space<vmem>>
    %dma_start3A_343 = arith.constant 0 : i32
    %dma_start3A_344 = tpu.memref_slice %arg4[%dma_start3A_343, %multiple_of3A_322] : memref<16x1000000xf32, #tpu.memory_space<hbm>> -> memref<16x128xf32, #tpu.memory_space<hbm>>
    tpu.enqueue_dma source(%dma_start3A_344 : memref<16x128xf32, #tpu.memory_space<hbm>>) target(%dma_start3A_342 : memref<16x128xf32, #tpu.memory_space<vmem>>) target_semaphore(%arg12 : memref<!tpu.dma_semaphore, #tpu.memory_space<semaphore_mem>>)
    %dma_start3A_345 = arith.constant 0 : i32
    %dma_start3A_346 = arith.constant 0 : i32
    %dma_start3A_347 = arith.constant 0 : i32
    %dma_start3A_348 = tpu.memref_slice %arg10[%dma_start3A_345, %dma_start3A_346, %dma_start3A_347] : memref<3x128x128xf32, #tpu.memory_space<vmem>> -> memref<1x128x128xf32, #tpu.memory_space<vmem>>
    %dma_start3A_349 = tpu.memref_squeeze %dma_start3A_348 : memref<1x128x128xf32, #tpu.memory_space<vmem>> -> memref<128x128xf32, #tpu.memory_space<vmem>>
    %dma_start3A_350 = arith.constant 112 : i32
    %dma_start3A_351 = arith.constant 0 : i32
    %dma_start3A_352 = tpu.memref_slice %dma_start3A_349[%dma_start3A_350, %dma_start3A_351] : memref<128x128xf32, #tpu.memory_space<vmem>> -> memref<16x128xf32, #tpu.memory_space<vmem>>
    %dma_start3A_353 = arith.constant 0 : i32
    %dma_start3A_354 = tpu.memref_slice %arg5[%dma_start3A_353, %multiple_of3A_325] : memref<16x1000000xf32, #tpu.memory_space<hbm>> -> memref<16x128xf32, #tpu.memory_space<hbm>>
    %dma_start3A_355 = arith.constant 0 : i32
    %dma_start3A_356 = arith.constant 0 : i32
    %dma_start3A_357 = tpu.memref_slice %arg10[%dma_start3A_345, %dma_start3A_355, %dma_start3A_356] : memref<3x128x128xf32, #tpu.memory_space<vmem>> -> memref<1x128x128xf32, #tpu.memory_space<vmem>>
    %dma_start3A_358 = tpu.memref_squeeze %dma_start3A_357 : memref<1x128x128xf32, #tpu.memory_space<vmem>> -> memref<128x128xf32, #tpu.memory_space<vmem>>
    %dma_start3A_359 = arith.constant 112 : i32
    %dma_start3A_360 = arith.constant 0 : i32
    %dma_start3A_361 = tpu.memref_slice %dma_start3A_358[%dma_start3A_359, %dma_start3A_360] : memref<128x128xf32, #tpu.memory_space<vmem>> -> memref<16x128xf32, #tpu.memory_space<vmem>>
    %dma_start3A_362 = arith.constant 0 : i32
    %dma_start3A_363 = tpu.memref_slice %arg5[%dma_start3A_362, %multiple_of3A_325] : memref<16x1000000xf32, #tpu.memory_space<hbm>> -> memref<16x128xf32, #tpu.memory_space<hbm>>
    tpu.enqueue_dma source(%dma_start3A_363 : memref<16x128xf32, #tpu.memory_space<hbm>>) target(%dma_start3A_361 : memref<16x128xf32, #tpu.memory_space<vmem>>) target_semaphore(%arg13 : memref<!tpu.dma_semaphore, #tpu.memory_space<semaphore_mem>>)
    %get3A_364 = arith.constant 8 : index
    %get3A_365 = tpu.vector_load %arg7[%get3A_364] {strides = array<i32>} : memref<528xi32, #tpu.memory_space<vmem>>, vector<16xi32>,
    %and3A_366 = arith.constant -128 : i32
    %and3A_367 = vector.broadcast %and3A_366 : i32 to vector<16xi32>
    %and3A_368 = arith.andi %get3A_365, %and3A_367 : vector<16xi32>
    %get3A_369 = arith.constant 8 : index
    %get3A_370 = tpu.vector_load %arg8[%get3A_369] {strides = array<i32>} : memref<528xi32, #tpu.memory_space<vmem>>, vector<16xi32>,
    %and3A_371 = arith.constant -128 : i32
    %and3A_372 = vector.broadcast %and3A_371 : i32 to vector<16xi32>
    %and3A_373 = arith.andi %get3A_370, %and3A_372 : vector<16xi32>
    %slice3A_374 = vector.extract_strided_slice %and3A_368 {offsets = [0], sizes = [1], strides = [1]} : vector<16xi32> to vector<1xi32>
    %squeeze3A_375 = vector.extract %slice3A_374[0] : i32 from vector<1xi32>
    %multiple_of3A_376 = tpu.assume_multiple %squeeze3A_375, 128 : i32
    %slice3A_377 = vector.extract_strided_slice %and3A_373 {offsets = [0], sizes = [1], strides = [1]} : vector<16xi32> to vector<1xi32>
    %squeeze3A_378 = vector.extract %slice3A_377[0] : i32 from vector<1xi32>
    %multiple_of3A_379 = tpu.assume_multiple %squeeze3A_378, 128 : i32
    %dma_start3A_380 = arith.constant 1 : i32
    %dma_start3A_381 = arith.constant 0 : i32
    %dma_start3A_382 = arith.constant 0 : i32
    %dma_start3A_383 = tpu.memref_slice %arg9[%dma_start3A_380, %dma_start3A_381, %dma_start3A_382] : memref<3x128x128xf32, #tpu.memory_space<vmem>> -> memref<1x128x128xf32, #tpu.memory_space<vmem>>
    %dma_start3A_384 = tpu.memref_squeeze %dma_start3A_383 : memref<1x128x128xf32, #tpu.memory_space<vmem>> -> memref<128x128xf32, #tpu.memory_space<vmem>>
    %dma_start3A_385 = arith.constant 0 : i32
    %dma_start3A_386 = arith.constant 0 : i32
    %dma_start3A_387 = tpu.memref_slice %dma_start3A_384[%dma_start3A_385, %dma_start3A_386] : memref<128x128xf32, #tpu.memory_space<vmem>> -> memref<16x128xf32, #tpu.memory_space<vmem>>
    %dma_start3A_388 = arith.constant 0 : i32
    %dma_start3A_389 = tpu.memref_slice %arg4[%dma_start3A_388, %multiple_of3A_376] : memref<16x1000000xf32, #tpu.memory_space<hbm>> -> memref<16x128xf32, #tpu.memory_space<hbm>>
    %dma_start3A_390 = arith.constant 0 : i32
    %dma_start3A_391 = arith.constant 0 : i32
    %dma_start3A_392 = tpu.memref_slice %arg9[%dma_start3A_380, %dma_start3A_390, %dma_start3A_391] : memref<3x128x128xf32, #tpu.memory_space<vmem>> -> memref<1x128x128xf32, #tpu.memory_space<vmem>>
    %dma_start3A_393 = tpu.memref_squeeze %dma_start3A_392 : memref<1x128x128xf32, #tpu.memory_space<vmem>> -> memref<128x128xf32, #tpu.memory_space<vmem>>
    %dma_start3A_394 = arith.constant 0 : i32
    %dma_start3A_395 = arith.constant 0 : i32
    %dma_start3A_396 = tpu.memref_slice %dma_start3A_393[%dma_start3A_394, %dma_start3A_395] : memref<128x128xf32, #tpu.memory_space<vmem>> -> memref<16x128xf32, #tpu.memory_space<vmem>>
    %dma_start3A_397 = arith.constant 0 : i32
    %dma_start3A_398 = tpu.memref_slice %arg4[%dma_start3A_397, %multiple_of3A_376] : memref<16x1000000xf32, #tpu.memory_space<hbm>> -> memref<16x128xf32, #tpu.memory_space<hbm>>
    tpu.enqueue_dma source(%dma_start3A_398 : memref<16x128xf32, #tpu.memory_space<hbm>>) target(%dma_start3A_396 : memref<16x128xf32, #tpu.memory_space<vmem>>) target_semaphore(%arg12 : memref<!tpu.dma_semaphore, #tpu.memory_space<semaphore_mem>>)
    %dma_start3A_399 = arith.constant 1 : i32
    %dma_start3A_400 = arith.constant 0 : i32
    %dma_start3A_401 = arith.constant 0 : i32
    %dma_start3A_402 = tpu.memref_slice %arg10[%dma_start3A_399, %dma_start3A_400, %dma_start3A_401] : memref<3x128x128xf32, #tpu.memory_space<vmem>> -> memref<1x128x128xf32, #tpu.memory_space<vmem>>
    %dma_start3A_403 = tpu.memref_squeeze %dma_start3A_402 : memref<1x128x128xf32, #tpu.memory_space<vmem>> -> memref<128x128xf32, #tpu.memory_space<vmem>>
    %dma_start3A_404 = arith.constant 0 : i32
    %dma_start3A_405 = arith.constant 0 : i32
    %dma_start3A_406 = tpu.memref_slice %dma_start3A_403[%dma_start3A_404, %dma_start3A_405] : memref<128x128xf32, #tpu.memory_space<vmem>> -> memref<16x128xf32, #tpu.memory_space<vmem>>
    %dma_start3A_407 = arith.constant 0 : i32
    %dma_start3A_408 = tpu.memref_slice %arg5[%dma_start3A_407, %multiple_of3A_379] : memref<16x1000000xf32, #tpu.memory_space<hbm>> -> memref<16x128xf32, #tpu.memory_space<hbm>>
    %dma_start3A_409 = arith.constant 0 : i32
    %dma_start3A_410 = arith.constant 0 : i32
    %dma_start3A_411 = tpu.memref_slice %arg10[%dma_start3A_399, %dma_start3A_409, %dma_start3A_410] : memref<3x128x128xf32, #tpu.memory_space<vmem>> -> memref<1x128x128xf32, #tpu.memory_space<vmem>>
    %dma_start3A_412 = tpu.memref_squeeze %dma_start3A_411 : memref<1x128x128xf32, #tpu.memory_space<vmem>> -> memref<128x128xf32, #tpu.memory_space<vmem>>
    %dma_start3A_413 = arith.constant 0 : i32
    %dma_start3A_414 = arith.constant 0 : i32
    %dma_start3A_415 = tpu.memref_slice %dma_start3A_412[%dma_start3A_413, %dma_start3A_414] : memref<128x128xf32, #tpu.memory_space<vmem>> -> memref<16x128xf32, #tpu.memory_space<vmem>>
    %dma_start3A_416 = arith.constant 0 : i32
    %dma_start3A_417 = tpu.memref_slice %arg5[%dma_start3A_416, %multiple_of3A_379] : memref<16x1000000xf32, #tpu.memory_space<hbm>> -> memref<16x128xf32, #tpu.memory_space<hbm>>
    tpu.enqueue_dma source(%dma_start3A_417 : memref<16x128xf32, #tpu.memory_space<hbm>>) target(%dma_start3A_415 : memref<16x128xf32, #tpu.memory_space<vmem>>) target_semaphore(%arg13 : memref<!tpu.dma_semaphore, #tpu.memory_space<semaphore_mem>>)
    %slice3A_418 = vector.extract_strided_slice %and3A_368 {offsets = [1], sizes = [1], strides = [1]} : vector<16xi32> to vector<1xi32>
    %squeeze3A_419 = vector.extract %slice3A_418[0] : i32 from vector<1xi32>
    %multiple_of3A_420 = tpu.assume_multiple %squeeze3A_419, 128 : i32
    %slice3A_421 = vector.extract_strided_slice %and3A_373 {offsets = [1], sizes = [1], strides = [1]} : vector<16xi32> to vector<1xi32>
    %squeeze3A_422 = vector.extract %slice3A_421[0] : i32 from vector<1xi32>
    %multiple_of3A_423 = tpu.assume_multiple %squeeze3A_422, 128 : i32
    %dma_start3A_424 = arith.constant 1 : i32
    %dma_start3A_425 = arith.constant 0 : i32
    %dma_start3A_426 = arith.constant 0 : i32
    %dma_start3A_427 = tpu.memref_slice %arg9[%dma_start3A_424, %dma_start3A_425, %dma_start3A_426] : memref<3x128x128xf32, #tpu.memory_space<vmem>> -> memref<1x128x128xf32, #tpu.memory_space<vmem>>
    %dma_start3A_428 = tpu.memref_squeeze %dma_start3A_427 : memref<1x128x128xf32, #tpu.memory_space<vmem>> -> memref<128x128xf32, #tpu.memory_space<vmem>>
    %dma_start3A_429 = arith.constant 16 : i32
    %dma_start3A_430 = arith.constant 0 : i32
    %dma_start3A_431 = tpu.memref_slice %dma_start3A_428[%dma_start3A_429, %dma_start3A_430] : memref<128x128xf32, #tpu.memory_space<vmem>> -> memref<16x128xf32, #tpu.memory_space<vmem>>
    %dma_start3A_432 = arith.constant 0 : i32
    %dma_start3A_433 = tpu.memref_slice %arg4[%dma_start3A_432, %multiple_of3A_420] : memref<16x1000000xf32, #tpu.memory_space<hbm>> -> memref<16x128xf32, #tpu.memory_space<hbm>>
    %dma_start3A_434 = arith.constant 0 : i32
    %dma_start3A_435 = arith.constant 0 : i32
    %dma_start3A_436 = tpu.memref_slice %arg9[%dma_start3A_424, %dma_start3A_434, %dma_start3A_435] : memref<3x128x128xf32, #tpu.memory_space<vmem>> -> memref<1x128x128xf32, #tpu.memory_space<vmem>>
    %dma_start3A_437 = tpu.memref_squeeze %dma_start3A_436 : memref<1x128x128xf32, #tpu.memory_space<vmem>> -> memref<128x128xf32, #tpu.memory_space<vmem>>
    %dma_start3A_438 = arith.constant 16 : i32
    %dma_start3A_439 = arith.constant 0 : i32
    %dma_start3A_440 = tpu.memref_slice %dma_start3A_437[%dma_start3A_438, %dma_start3A_439] : memref<128x128xf32, #tpu.memory_space<vmem>> -> memref<16x128xf32, #tpu.memory_space<vmem>>
    %dma_start3A_441 = arith.constant 0 : i32
    %dma_start3A_442 = tpu.memref_slice %arg4[%dma_start3A_441, %multiple_of3A_420] : memref<16x1000000xf32, #tpu.memory_space<hbm>> -> memref<16x128xf32, #tpu.memory_space<hbm>>
    tpu.enqueue_dma source(%dma_start3A_442 : memref<16x128xf32, #tpu.memory_space<hbm>>) target(%dma_start3A_440 : memref<16x128xf32, #tpu.memory_space<vmem>>) target_semaphore(%arg12 : memref<!tpu.dma_semaphore, #tpu.memory_space<semaphore_mem>>)
    %dma_start3A_443 = arith.constant 1 : i32
    %dma_start3A_444 = arith.constant 0 : i32
    %dma_start3A_445 = arith.constant 0 : i32
    %dma_start3A_446 = tpu.memref_slice %arg10[%dma_start3A_443, %dma_start3A_444, %dma_start3A_445] : memref<3x128x128xf32, #tpu.memory_space<vmem>> -> memref<1x128x128xf32, #tpu.memory_space<vmem>>
    %dma_start3A_447 = tpu.memref_squeeze %dma_start3A_446 : memref<1x128x128xf32, #tpu.memory_space<vmem>> -> memref<128x128xf32, #tpu.memory_space<vmem>>
    %dma_start3A_448 = arith.constant 16 : i32
    %dma_start3A_449 = arith.constant 0 : i32
    %dma_start3A_450 = tpu.memref_slice %dma_start3A_447[%dma_start3A_448, %dma_start3A_449] : memref<128x128xf32, #tpu.memory_space<vmem>> -> memref<16x128xf32, #tpu.memory_space<vmem>>
    %dma_start3A_451 = arith.constant 0 : i32
    %dma_start3A_452 = tpu.memref_slice %arg5[%dma_start3A_451, %multiple_of3A_423] : memref<16x1000000xf32, #tpu.memory_space<hbm>> -> memref<16x128xf32, #tpu.memory_space<hbm>>
    %dma_start3A_453 = arith.constant 0 : i32
    %dma_start3A_454 = arith.constant 0 : i32
    %dma_start3A_455 = tpu.memref_slice %arg10[%dma_start3A_443, %dma_start3A_453, %dma_start3A_454] : memref<3x128x128xf32, #tpu.memory_space<vmem>> -> memref<1x128x128xf32, #tpu.memory_space<vmem>>
    %dma_start3A_456 = tpu.memref_squeeze %dma_start3A_455 : memref<1x128x128xf32, #tpu.memory_space<vmem>> -> memref<128x128xf32, #tpu.memory_space<vmem>>
    %dma_start3A_457 = arith.constant 16 : i32
    %dma_start3A_458 = arith.constant 0 : i32
    %dma_start3A_459 = tpu.memref_slice %dma_start3A_456[%dma_start3A_457, %dma_start3A_458] : memref<128x128xf32, #tpu.memory_space<vmem>> -> memref<16x128xf32, #tpu.memory_space<vmem>>
    %dma_start3A_460 = arith.constant 0 : i32
    %dma_start3A_461 = tpu.memref_slice %arg5[%dma_start3A_460, %multiple_of3A_423] : memref<16x1000000xf32, #tpu.memory_space<hbm>> -> memref<16x128xf32, #tpu.memory_space<hbm>>
    tpu.enqueue_dma source(%dma_start3A_461 : memref<16x128xf32, #tpu.memory_space<hbm>>) target(%dma_start3A_459 : memref<16x128xf32, #tpu.memory_space<vmem>>) target_semaphore(%arg13 : memref<!tpu.dma_semaphore, #tpu.memory_space<semaphore_mem>>)
    %slice3A_462 = vector.extract_strided_slice %and3A_368 {offsets = [2], sizes = [1], strides = [1]} : vector<16xi32> to vector<1xi32>
    %squeeze3A_463 = vector.extract %slice3A_462[0] : i32 from vector<1xi32>
    %multiple_of3A_464 = tpu.assume_multiple %squeeze3A_463, 128 : i32
    %slice3A_465 = vector.extract_strided_slice %and3A_373 {offsets = [2], sizes = [1], strides = [1]} : vector<16xi32> to vector<1xi32>
    %squeeze3A_466 = vector.extract %slice3A_465[0] : i32 from vector<1xi32>
    %multiple_of3A_467 = tpu.assume_multiple %squeeze3A_466, 128 : i32
    %dma_start3A_468 = arith.constant 1 : i32
    %dma_start3A_469 = arith.constant 0 : i32
    %dma_start3A_470 = arith.constant 0 : i32
    %dma_start3A_471 = tpu.memref_slice %arg9[%dma_start3A_468, %dma_start3A_469, %dma_start3A_470] : memref<3x128x128xf32, #tpu.memory_space<vmem>> -> memref<1x128x128xf32, #tpu.memory_space<vmem>>
    %dma_start3A_472 = tpu.memref_squeeze %dma_start3A_471 : memref<1x128x128xf32, #tpu.memory_space<vmem>> -> memref<128x128xf32, #tpu.memory_space<vmem>>
    %dma_start3A_473 = arith.constant 32 : i32
    %dma_start3A_474 = arith.constant 0 : i32
    %dma_start3A_475 = tpu.memref_slice %dma_start3A_472[%dma_start3A_473, %dma_start3A_474] : memref<128x128xf32, #tpu.memory_space<vmem>> -> memref<16x128xf32, #tpu.memory_space<vmem>>
    %dma_start3A_476 = arith.constant 0 : i32
    %dma_start3A_477 = tpu.memref_slice %arg4[%dma_start3A_476, %multiple_of3A_464] : memref<16x1000000xf32, #tpu.memory_space<hbm>> -> memref<16x128xf32, #tpu.memory_space<hbm>>
    %dma_start3A_478 = arith.constant 0 : i32
    %dma_start3A_479 = arith.constant 0 : i32
    %dma_start3A_480 = tpu.memref_slice %arg9[%dma_start3A_468, %dma_start3A_478, %dma_start3A_479] : memref<3x128x128xf32, #tpu.memory_space<vmem>> -> memref<1x128x128xf32, #tpu.memory_space<vmem>>
    %dma_start3A_481 = tpu.memref_squeeze %dma_start3A_480 : memref<1x128x128xf32, #tpu.memory_space<vmem>> -> memref<128x128xf32, #tpu.memory_space<vmem>>
    %dma_start3A_482 = arith.constant 32 : i32
    %dma_start3A_483 = arith.constant 0 : i32
    %dma_start3A_484 = tpu.memref_slice %dma_start3A_481[%dma_start3A_482, %dma_start3A_483] : memref<128x128xf32, #tpu.memory_space<vmem>> -> memref<16x128xf32, #tpu.memory_space<vmem>>
    %dma_start3A_485 = arith.constant 0 : i32
    %dma_start3A_486 = tpu.memref_slice %arg4[%dma_start3A_485, %multiple_of3A_464] : memref<16x1000000xf32, #tpu.memory_space<hbm>> -> memref<16x128xf32, #tpu.memory_space<hbm>>
    tpu.enqueue_dma source(%dma_start3A_486 : memref<16x128xf32, #tpu.memory_space<hbm>>) target(%dma_start3A_484 : memref<16x128xf32, #tpu.memory_space<vmem>>) target_semaphore(%arg12 : memref<!tpu.dma_semaphore, #tpu.memory_space<semaphore_mem>>)
    %dma_start3A_487 = arith.constant 1 : i32
    %dma_start3A_488 = arith.constant 0 : i32
    %dma_start3A_489 = arith.constant 0 : i32
    %dma_start3A_490 = tpu.memref_slice %arg10[%dma_start3A_487, %dma_start3A_488, %dma_start3A_489] : memref<3x128x128xf32, #tpu.memory_space<vmem>> -> memref<1x128x128xf32, #tpu.memory_space<vmem>>
    %dma_start3A_491 = tpu.memref_squeeze %dma_start3A_490 : memref<1x128x128xf32, #tpu.memory_space<vmem>> -> memref<128x128xf32, #tpu.memory_space<vmem>>
    %dma_start3A_492 = arith.constant 32 : i32
    %dma_start3A_493 = arith.constant 0 : i32
    %dma_start3A_494 = tpu.memref_slice %dma_start3A_491[%dma_start3A_492, %dma_start3A_493] : memref<128x128xf32, #tpu.memory_space<vmem>> -> memref<16x128xf32, #tpu.memory_space<vmem>>
    %dma_start3A_495 = arith.constant 0 : i32
    %dma_start3A_496 = tpu.memref_slice %arg5[%dma_start3A_495, %multiple_of3A_467] : memref<16x1000000xf32, #tpu.memory_space<hbm>> -> memref<16x128xf32, #tpu.memory_space<hbm>>
    %dma_start3A_497 = arith.constant 0 : i32
    %dma_start3A_498 = arith.constant 0 : i32
    %dma_start3A_499 = tpu.memref_slice %arg10[%dma_start3A_487, %dma_start3A_497, %dma_start3A_498] : memref<3x128x128xf32, #tpu.memory_space<vmem>> -> memref<1x128x128xf32, #tpu.memory_space<vmem>>
    %dma_start3A_500 = tpu.memref_squeeze %dma_start3A_499 : memref<1x128x128xf32, #tpu.memory_space<vmem>> -> memref<128x128xf32, #tpu.memory_space<vmem>>
    %dma_start3A_501 = arith.constant 32 : i32
    %dma_start3A_502 = arith.constant 0 : i32
    %dma_start3A_503 = tpu.memref_slice %dma_start3A_500[%dma_start3A_501, %dma_start3A_502] : memref<128x128xf32, #tpu.memory_space<vmem>> -> memref<16x128xf32, #tpu.memory_space<vmem>>
    %dma_start3A_504 = arith.constant 0 : i32
    %dma_start3A_505 = tpu.memref_slice %arg5[%dma_start3A_504, %multiple_of3A_467] : memref<16x1000000xf32, #tpu.memory_space<hbm>> -> memref<16x128xf32, #tpu.memory_space<hbm>>
    tpu.enqueue_dma source(%dma_start3A_505 : memref<16x128xf32, #tpu.memory_space<hbm>>) target(%dma_start3A_503 : memref<16x128xf32, #tpu.memory_space<vmem>>) target_semaphore(%arg13 : memref<!tpu.dma_semaphore, #tpu.memory_space<semaphore_mem>>)
    %slice3A_506 = vector.extract_strided_slice %and3A_368 {offsets = [3], sizes = [1], strides = [1]} : vector<16xi32> to vector<1xi32>
    %squeeze3A_507 = vector.extract %slice3A_506[0] : i32 from vector<1xi32>
    %multiple_of3A_508 = tpu.assume_multiple %squeeze3A_507, 128 : i32
    %slice3A_509 = vector.extract_strided_slice %and3A_373 {offsets = [3], sizes = [1], strides = [1]} : vector<16xi32> to vector<1xi32>
    %squeeze3A_510 = vector.extract %slice3A_509[0] : i32 from vector<1xi32>
    %multiple_of3A_511 = tpu.assume_multiple %squeeze3A_510, 128 : i32
    %dma_start3A_512 = arith.constant 1 : i32
    %dma_start3A_513 = arith.constant 0 : i32
    %dma_start3A_514 = arith.constant 0 : i32
    %dma_start3A_515 = tpu.memref_slice %arg9[%dma_start3A_512, %dma_start3A_513, %dma_start3A_514] : memref<3x128x128xf32, #tpu.memory_space<vmem>> -> memref<1x128x128xf32, #tpu.memory_space<vmem>>
    %dma_start3A_516 = tpu.memref_squeeze %dma_start3A_515 : memref<1x128x128xf32, #tpu.memory_space<vmem>> -> memref<128x128xf32, #tpu.memory_space<vmem>>
    %dma_start3A_517 = arith.constant 48 : i32
    %dma_start3A_518 = arith.constant 0 : i32
    %dma_start3A_519 = tpu.memref_slice %dma_start3A_516[%dma_start3A_517, %dma_start3A_518] : memref<128x128xf32, #tpu.memory_space<vmem>> -> memref<16x128xf32, #tpu.memory_space<vmem>>
    %dma_start3A_520 = arith.constant 0 : i32
    %dma_start3A_521 = tpu.memref_slice %arg4[%dma_start3A_520, %multiple_of3A_508] : memref<16x1000000xf32, #tpu.memory_space<hbm>> -> memref<16x128xf32, #tpu.memory_space<hbm>>
    %dma_start3A_522 = arith.constant 0 : i32
    %dma_start3A_523 = arith.constant 0 : i32
    %dma_start3A_524 = tpu.memref_slice %arg9[%dma_start3A_512, %dma_start3A_522, %dma_start3A_523] : memref<3x128x128xf32, #tpu.memory_space<vmem>> -> memref<1x128x128xf32, #tpu.memory_space<vmem>>
    %dma_start3A_525 = tpu.memref_squeeze %dma_start3A_524 : memref<1x128x128xf32, #tpu.memory_space<vmem>> -> memref<128x128xf32, #tpu.memory_space<vmem>>
    %dma_start3A_526 = arith.constant 48 : i32
    %dma_start3A_527 = arith.constant 0 : i32
    %dma_start3A_528 = tpu.memref_slice %dma_start3A_525[%dma_start3A_526, %dma_start3A_527] : memref<128x128xf32, #tpu.memory_space<vmem>> -> memref<16x128xf32, #tpu.memory_space<vmem>>
    %dma_start3A_529 = arith.constant 0 : i32
    %dma_start3A_530 = tpu.memref_slice %arg4[%dma_start3A_529, %multiple_of3A_508] : memref<16x1000000xf32, #tpu.memory_space<hbm>> -> memref<16x128xf32, #tpu.memory_space<hbm>>
    tpu.enqueue_dma source(%dma_start3A_530 : memref<16x128xf32, #tpu.memory_space<hbm>>) target(%dma_start3A_528 : memref<16x128xf32, #tpu.memory_space<vmem>>) target_semaphore(%arg12 : memref<!tpu.dma_semaphore, #tpu.memory_space<semaphore_mem>>)
    %dma_start3A_531 = arith.constant 1 : i32
    %dma_start3A_532 = arith.constant 0 : i32
    %dma_start3A_533 = arith.constant 0 : i32
    %dma_start3A_534 = tpu.memref_slice %arg10[%dma_start3A_531, %dma_start3A_532, %dma_start3A_533] : memref<3x128x128xf32, #tpu.memory_space<vmem>> -> memref<1x128x128xf32, #tpu.memory_space<vmem>>
    %dma_start3A_535 = tpu.memref_squeeze %dma_start3A_534 : memref<1x128x128xf32, #tpu.memory_space<vmem>> -> memref<128x128xf32, #tpu.memory_space<vmem>>
    %dma_start3A_536 = arith.constant 48 : i32
    %dma_start3A_537 = arith.constant 0 : i32
    %dma_start3A_538 = tpu.memref_slice %dma_start3A_535[%dma_start3A_536, %dma_start3A_537] : memref<128x128xf32, #tpu.memory_space<vmem>> -> memref<16x128xf32, #tpu.memory_space<vmem>>
    %dma_start3A_539 = arith.constant 0 : i32
    %dma_start3A_540 = tpu.memref_slice %arg5[%dma_start3A_539, %multiple_of3A_511] : memref<16x1000000xf32, #tpu.memory_space<hbm>> -> memref<16x128xf32, #tpu.memory_space<hbm>>
    %dma_start3A_541 = arith.constant 0 : i32
    %dma_start3A_542 = arith.constant 0 : i32
    %dma_start3A_543 = tpu.memref_slice %arg10[%dma_start3A_531, %dma_start3A_541, %dma_start3A_542] : memref<3x128x128xf32, #tpu.memory_space<vmem>> -> memref<1x128x128xf32, #tpu.memory_space<vmem>>
    %dma_start3A_544 = tpu.memref_squeeze %dma_start3A_543 : memref<1x128x128xf32, #tpu.memory_space<vmem>> -> memref<128x128xf32, #tpu.memory_space<vmem>>
    %dma_start3A_545 = arith.constant 48 : i32
    %dma_start3A_546 = arith.constant 0 : i32
    %dma_start3A_547 = tpu.memref_slice %dma_start3A_544[%dma_start3A_545, %dma_start3A_546] : memref<128x128xf32, #tpu.memory_space<vmem>> -> memref<16x128xf32, #tpu.memory_space<vmem>>
    %dma_start3A_548 = arith.constant 0 : i32
    %dma_start3A_549 = tpu.memref_slice %arg5[%dma_start3A_548, %multiple_of3A_511] : memref<16x1000000xf32, #tpu.memory_space<hbm>> -> memref<16x128xf32, #tpu.memory_space<hbm>>
    tpu.enqueue_dma source(%dma_start3A_549 : memref<16x128xf32, #tpu.memory_space<hbm>>) target(%dma_start3A_547 : memref<16x128xf32, #tpu.memory_space<vmem>>) target_semaphore(%arg13 : memref<!tpu.dma_semaphore, #tpu.memory_space<semaphore_mem>>)
    %slice3A_550 = vector.extract_strided_slice %and3A_368 {offsets = [4], sizes = [1], strides = [1]} : vector<16xi32> to vector<1xi32>
    %squeeze3A_551 = vector.extract %slice3A_550[0] : i32 from vector<1xi32>
    %multiple_of3A_552 = tpu.assume_multiple %squeeze3A_551, 128 : i32
    %slice3A_553 = vector.extract_strided_slice %and3A_373 {offsets = [4], sizes = [1], strides = [1]} : vector<16xi32> to vector<1xi32>
    %squeeze3A_554 = vector.extract %slice3A_553[0] : i32 from vector<1xi32>
    %multiple_of3A_555 = tpu.assume_multiple %squeeze3A_554, 128 : i32
    %dma_start3A_556 = arith.constant 1 : i32
    %dma_start3A_557 = arith.constant 0 : i32
    %dma_start3A_558 = arith.constant 0 : i32
    %dma_start3A_559 = tpu.memref_slice %arg9[%dma_start3A_556, %dma_start3A_557, %dma_start3A_558] : memref<3x128x128xf32, #tpu.memory_space<vmem>> -> memref<1x128x128xf32, #tpu.memory_space<vmem>>
    %dma_start3A_560 = tpu.memref_squeeze %dma_start3A_559 : memref<1x128x128xf32, #tpu.memory_space<vmem>> -> memref<128x128xf32, #tpu.memory_space<vmem>>
    %dma_start3A_561 = arith.constant 64 : i32
    %dma_start3A_562 = arith.constant 0 : i32
    %dma_start3A_563 = tpu.memref_slice %dma_start3A_560[%dma_start3A_561, %dma_start3A_562] : memref<128x128xf32, #tpu.memory_space<vmem>> -> memref<16x128xf32, #tpu.memory_space<vmem>>
    %dma_start3A_564 = arith.constant 0 : i32
    %dma_start3A_565 = tpu.memref_slice %arg4[%dma_start3A_564, %multiple_of3A_552] : memref<16x1000000xf32, #tpu.memory_space<hbm>> -> memref<16x128xf32, #tpu.memory_space<hbm>>
    %dma_start3A_566 = arith.constant 0 : i32
    %dma_start3A_567 = arith.constant 0 : i32
    %dma_start3A_568 = tpu.memref_slice %arg9[%dma_start3A_556, %dma_start3A_566, %dma_start3A_567] : memref<3x128x128xf32, #tpu.memory_space<vmem>> -> memref<1x128x128xf32, #tpu.memory_space<vmem>>
    %dma_start3A_569 = tpu.memref_squeeze %dma_start3A_568 : memref<1x128x128xf32, #tpu.memory_space<vmem>> -> memref<128x128xf32, #tpu.memory_space<vmem>>
    %dma_start3A_570 = arith.constant 64 : i32
    %dma_start3A_571 = arith.constant 0 : i32
    %dma_start3A_572 = tpu.memref_slice %dma_start3A_569[%dma_start3A_570, %dma_start3A_571] : memref<128x128xf32, #tpu.memory_space<vmem>> -> memref<16x128xf32, #tpu.memory_space<vmem>>
    %dma_start3A_573 = arith.constant 0 : i32
    %dma_start3A_574 = tpu.memref_slice %arg4[%dma_start3A_573, %multiple_of3A_552] : memref<16x1000000xf32, #tpu.memory_space<hbm>> -> memref<16x128xf32, #tpu.memory_space<hbm>>
    tpu.enqueue_dma source(%dma_start3A_574 : memref<16x128xf32, #tpu.memory_space<hbm>>) target(%dma_start3A_572 : memref<16x128xf32, #tpu.memory_space<vmem>>) target_semaphore(%arg12 : memref<!tpu.dma_semaphore, #tpu.memory_space<semaphore_mem>>)
    %dma_start3A_575 = arith.constant 1 : i32
    %dma_start3A_576 = arith.constant 0 : i32
    %dma_start3A_577 = arith.constant 0 : i32
    %dma_start3A_578 = tpu.memref_slice %arg10[%dma_start3A_575, %dma_start3A_576, %dma_start3A_577] : memref<3x128x128xf32, #tpu.memory_space<vmem>> -> memref<1x128x128xf32, #tpu.memory_space<vmem>>
    %dma_start3A_579 = tpu.memref_squeeze %dma_start3A_578 : memref<1x128x128xf32, #tpu.memory_space<vmem>> -> memref<128x128xf32, #tpu.memory_space<vmem>>
    %dma_start3A_580 = arith.constant 64 : i32
    %dma_start3A_581 = arith.constant 0 : i32
    %dma_start3A_582 = tpu.memref_slice %dma_start3A_579[%dma_start3A_580, %dma_start3A_581] : memref<128x128xf32, #tpu.memory_space<vmem>> -> memref<16x128xf32, #tpu.memory_space<vmem>>
    %dma_start3A_583 = arith.constant 0 : i32
    %dma_start3A_584 = tpu.memref_slice %arg5[%dma_start3A_583, %multiple_of3A_555] : memref<16x1000000xf32, #tpu.memory_space<hbm>> -> memref<16x128xf32, #tpu.memory_space<hbm>>
    %dma_start3A_585 = arith.constant 0 : i32
    %dma_start3A_586 = arith.constant 0 : i32
    %dma_start3A_587 = tpu.memref_slice %arg10[%dma_start3A_575, %dma_start3A_585, %dma_start3A_586] : memref<3x128x128xf32, #tpu.memory_space<vmem>> -> memref<1x128x128xf32, #tpu.memory_space<vmem>>
    %dma_start3A_588 = tpu.memref_squeeze %dma_start3A_587 : memref<1x128x128xf32, #tpu.memory_space<vmem>> -> memref<128x128xf32, #tpu.memory_space<vmem>>
    %dma_start3A_589 = arith.constant 64 : i32
    %dma_start3A_590 = arith.constant 0 : i32
    %dma_start3A_591 = tpu.memref_slice %dma_start3A_588[%dma_start3A_589, %dma_start3A_590] : memref<128x128xf32, #tpu.memory_space<vmem>> -> memref<16x128xf32, #tpu.memory_space<vmem>>
    %dma_start3A_592 = arith.constant 0 : i32
    %dma_start3A_593 = tpu.memref_slice %arg5[%dma_start3A_592, %multiple_of3A_555] : memref<16x1000000xf32, #tpu.memory_space<hbm>> -> memref<16x128xf32, #tpu.memory_space<hbm>>
    tpu.enqueue_dma source(%dma_start3A_593 : memref<16x128xf32, #tpu.memory_space<hbm>>) target(%dma_start3A_591 : memref<16x128xf32, #tpu.memory_space<vmem>>) target_semaphore(%arg13 : memref<!tpu.dma_semaphore, #tpu.memory_space<semaphore_mem>>)
    %slice3A_594 = vector.extract_strided_slice %and3A_368 {offsets = [5], sizes = [1], strides = [1]} : vector<16xi32> to vector<1xi32>
    %squeeze3A_595 = vector.extract %slice3A_594[0] : i32 from vector<1xi32>
    %multiple_of3A_596 = tpu.assume_multiple %squeeze3A_595, 128 : i32
    %slice3A_597 = vector.extract_strided_slice %and3A_373 {offsets = [5], sizes = [1], strides = [1]} : vector<16xi32> to vector<1xi32>
    %squeeze3A_598 = vector.extract %slice3A_597[0] : i32 from vector<1xi32>
    %multiple_of3A_599 = tpu.assume_multiple %squeeze3A_598, 128 : i32
    %dma_start3A_600 = arith.constant 1 : i32
    %dma_start3A_601 = arith.constant 0 : i32
    %dma_start3A_602 = arith.constant 0 : i32
    %dma_start3A_603 = tpu.memref_slice %arg9[%dma_start3A_600, %dma_start3A_601, %dma_start3A_602] : memref<3x128x128xf32, #tpu.memory_space<vmem>> -> memref<1x128x128xf32, #tpu.memory_space<vmem>>
    %dma_start3A_604 = tpu.memref_squeeze %dma_start3A_603 : memref<1x128x128xf32, #tpu.memory_space<vmem>> -> memref<128x128xf32, #tpu.memory_space<vmem>>
    %dma_start3A_605 = arith.constant 80 : i32
    %dma_start3A_606 = arith.constant 0 : i32
    %dma_start3A_607 = tpu.memref_slice %dma_start3A_604[%dma_start3A_605, %dma_start3A_606] : memref<128x128xf32, #tpu.memory_space<vmem>> -> memref<16x128xf32, #tpu.memory_space<vmem>>
    %dma_start3A_608 = arith.constant 0 : i32
    %dma_start3A_609 = tpu.memref_slice %arg4[%dma_start3A_608, %multiple_of3A_596] : memref<16x1000000xf32, #tpu.memory_space<hbm>> -> memref<16x128xf32, #tpu.memory_space<hbm>>
    %dma_start3A_610 = arith.constant 0 : i32
    %dma_start3A_611 = arith.constant 0 : i32
    %dma_start3A_612 = tpu.memref_slice %arg9[%dma_start3A_600, %dma_start3A_610, %dma_start3A_611] : memref<3x128x128xf32, #tpu.memory_space<vmem>> -> memref<1x128x128xf32, #tpu.memory_space<vmem>>
    %dma_start3A_613 = tpu.memref_squeeze %dma_start3A_612 : memref<1x128x128xf32, #tpu.memory_space<vmem>> -> memref<128x128xf32, #tpu.memory_space<vmem>>
    %dma_start3A_614 = arith.constant 80 : i32
    %dma_start3A_615 = arith.constant 0 : i32
    %dma_start3A_616 = tpu.memref_slice %dma_start3A_613[%dma_start3A_614, %dma_start3A_615] : memref<128x128xf32, #tpu.memory_space<vmem>> -> memref<16x128xf32, #tpu.memory_space<vmem>>
    %dma_start3A_617 = arith.constant 0 : i32
    %dma_start3A_618 = tpu.memref_slice %arg4[%dma_start3A_617, %multiple_of3A_596] : memref<16x1000000xf32, #tpu.memory_space<hbm>> -> memref<16x128xf32, #tpu.memory_space<hbm>>
    tpu.enqueue_dma source(%dma_start3A_618 : memref<16x128xf32, #tpu.memory_space<hbm>>) target(%dma_start3A_616 : memref<16x128xf32, #tpu.memory_space<vmem>>) target_semaphore(%arg12 : memref<!tpu.dma_semaphore, #tpu.memory_space<semaphore_mem>>)
    %dma_start3A_619 = arith.constant 1 : i32
    %dma_start3A_620 = arith.constant 0 : i32
    %dma_start3A_621 = arith.constant 0 : i32
    %dma_start3A_622 = tpu.memref_slice %arg10[%dma_start3A_619, %dma_start3A_620, %dma_start3A_621] : memref<3x128x128xf32, #tpu.memory_space<vmem>> -> memref<1x128x128xf32, #tpu.memory_space<vmem>>
    %dma_start3A_623 = tpu.memref_squeeze %dma_start3A_622 : memref<1x128x128xf32, #tpu.memory_space<vmem>> -> memref<128x128xf32, #tpu.memory_space<vmem>>
    %dma_start3A_624 = arith.constant 80 : i32
    %dma_start3A_625 = arith.constant 0 : i32
    %dma_start3A_626 = tpu.memref_slice %dma_start3A_623[%dma_start3A_624, %dma_start3A_625] : memref<128x128xf32, #tpu.memory_space<vmem>> -> memref<16x128xf32, #tpu.memory_space<vmem>>
    %dma_start3A_627 = arith.constant 0 : i32
    %dma_start3A_628 = tpu.memref_slice %arg5[%dma_start3A_627, %multiple_of3A_599] : memref<16x1000000xf32, #tpu.memory_space<hbm>> -> memref<16x128xf32, #tpu.memory_space<hbm>>
    %dma_start3A_629 = arith.constant 0 : i32
    %dma_start3A_630 = arith.constant 0 : i32
    %dma_start3A_631 = tpu.memref_slice %arg10[%dma_start3A_619, %dma_start3A_629, %dma_start3A_630] : memref<3x128x128xf32, #tpu.memory_space<vmem>> -> memref<1x128x128xf32, #tpu.memory_space<vmem>>
    %dma_start3A_632 = tpu.memref_squeeze %dma_start3A_631 : memref<1x128x128xf32, #tpu.memory_space<vmem>> -> memref<128x128xf32, #tpu.memory_space<vmem>>
    %dma_start3A_633 = arith.constant 80 : i32
    %dma_start3A_634 = arith.constant 0 : i32
    %dma_start3A_635 = tpu.memref_slice %dma_start3A_632[%dma_start3A_633, %dma_start3A_634] : memref<128x128xf32, #tpu.memory_space<vmem>> -> memref<16x128xf32, #tpu.memory_space<vmem>>
    %dma_start3A_636 = arith.constant 0 : i32
    %dma_start3A_637 = tpu.memref_slice %arg5[%dma_start3A_636, %multiple_of3A_599] : memref<16x1000000xf32, #tpu.memory_space<hbm>> -> memref<16x128xf32, #tpu.memory_space<hbm>>
    tpu.enqueue_dma source(%dma_start3A_637 : memref<16x128xf32, #tpu.memory_space<hbm>>) target(%dma_start3A_635 : memref<16x128xf32, #tpu.memory_space<vmem>>) target_semaphore(%arg13 : memref<!tpu.dma_semaphore, #tpu.memory_space<semaphore_mem>>)
    %slice3A_638 = vector.extract_strided_slice %and3A_368 {offsets = [6], sizes = [1], strides = [1]} : vector<16xi32> to vector<1xi32>
    %squeeze3A_639 = vector.extract %slice3A_638[0] : i32 from vector<1xi32>
    %multiple_of3A_640 = tpu.assume_multiple %squeeze3A_639, 128 : i32
    %slice3A_641 = vector.extract_strided_slice %and3A_373 {offsets = [6], sizes = [1], strides = [1]} : vector<16xi32> to vector<1xi32>
    %squeeze3A_642 = vector.extract %slice3A_641[0] : i32 from vector<1xi32>
    %multiple_of3A_643 = tpu.assume_multiple %squeeze3A_642, 128 : i32
    %dma_start3A_644 = arith.constant 1 : i32
    %dma_start3A_645 = arith.constant 0 : i32
    %dma_start3A_646 = arith.constant 0 : i32
    %dma_start3A_647 = tpu.memref_slice %arg9[%dma_start3A_644, %dma_start3A_645, %dma_start3A_646] : memref<3x128x128xf32, #tpu.memory_space<vmem>> -> memref<1x128x128xf32, #tpu.memory_space<vmem>>
    %dma_start3A_648 = tpu.memref_squeeze %dma_start3A_647 : memref<1x128x128xf32, #tpu.memory_space<vmem>> -> memref<128x128xf32, #tpu.memory_space<vmem>>
    %dma_start3A_649 = arith.constant 96 : i32
    %dma_start3A_650 = arith.constant 0 : i32
    %dma_start3A_651 = tpu.memref_slice %dma_start3A_648[%dma_start3A_649, %dma_start3A_650] : memref<128x128xf32, #tpu.memory_space<vmem>> -> memref<16x128xf32, #tpu.memory_space<vmem>>
    %dma_start3A_652 = arith.constant 0 : i32
    %dma_start3A_653 = tpu.memref_slice %arg4[%dma_start3A_652, %multiple_of3A_640] : memref<16x1000000xf32, #tpu.memory_space<hbm>> -> memref<16x128xf32, #tpu.memory_space<hbm>>
    %dma_start3A_654 = arith.constant 0 : i32
    %dma_start3A_655 = arith.constant 0 : i32
    %dma_start3A_656 = tpu.memref_slice %arg9[%dma_start3A_644, %dma_start3A_654, %dma_start3A_655] : memref<3x128x128xf32, #tpu.memory_space<vmem>> -> memref<1x128x128xf32, #tpu.memory_space<vmem>>
    %dma_start3A_657 = tpu.memref_squeeze %dma_start3A_656 : memref<1x128x128xf32, #tpu.memory_space<vmem>> -> memref<128x128xf32, #tpu.memory_space<vmem>>
    %dma_start3A_658 = arith.constant 96 : i32
    %dma_start3A_659 = arith.constant 0 : i32
    %dma_start3A_660 = tpu.memref_slice %dma_start3A_657[%dma_start3A_658, %dma_start3A_659] : memref<128x128xf32, #tpu.memory_space<vmem>> -> memref<16x128xf32, #tpu.memory_space<vmem>>
    %dma_start3A_661 = arith.constant 0 : i32
    %dma_start3A_662 = tpu.memref_slice %arg4[%dma_start3A_661, %multiple_of3A_640] : memref<16x1000000xf32, #tpu.memory_space<hbm>> -> memref<16x128xf32, #tpu.memory_space<hbm>>
    tpu.enqueue_dma source(%dma_start3A_662 : memref<16x128xf32, #tpu.memory_space<hbm>>) target(%dma_start3A_660 : memref<16x128xf32, #tpu.memory_space<vmem>>) target_semaphore(%arg12 : memref<!tpu.dma_semaphore, #tpu.memory_space<semaphore_mem>>)
    %dma_start3A_663 = arith.constant 1 : i32
    %dma_start3A_664 = arith.constant 0 : i32
    %dma_start3A_665 = arith.constant 0 : i32
    %dma_start3A_666 = tpu.memref_slice %arg10[%dma_start3A_663, %dma_start3A_664, %dma_start3A_665] : memref<3x128x128xf32, #tpu.memory_space<vmem>> -> memref<1x128x128xf32, #tpu.memory_space<vmem>>
    %dma_start3A_667 = tpu.memref_squeeze %dma_start3A_666 : memref<1x128x128xf32, #tpu.memory_space<vmem>> -> memref<128x128xf32, #tpu.memory_space<vmem>>
    %dma_start3A_668 = arith.constant 96 : i32
    %dma_start3A_669 = arith.constant 0 : i32
    %dma_start3A_670 = tpu.memref_slice %dma_start3A_667[%dma_start3A_668, %dma_start3A_669] : memref<128x128xf32, #tpu.memory_space<vmem>> -> memref<16x128xf32, #tpu.memory_space<vmem>>
    %dma_start3A_671 = arith.constant 0 : i32
    %dma_start3A_672 = tpu.memref_slice %arg5[%dma_start3A_671, %multiple_of3A_643] : memref<16x1000000xf32, #tpu.memory_space<hbm>> -> memref<16x128xf32, #tpu.memory_space<hbm>>
    %dma_start3A_673 = arith.constant 0 : i32
    %dma_start3A_674 = arith.constant 0 : i32
    %dma_start3A_675 = tpu.memref_slice %arg10[%dma_start3A_663, %dma_start3A_673, %dma_start3A_674] : memref<3x128x128xf32, #tpu.memory_space<vmem>> -> memref<1x128x128xf32, #tpu.memory_space<vmem>>
    %dma_start3A_676 = tpu.memref_squeeze %dma_start3A_675 : memref<1x128x128xf32, #tpu.memory_space<vmem>> -> memref<128x128xf32, #tpu.memory_space<vmem>>
    %dma_start3A_677 = arith.constant 96 : i32
    %dma_start3A_678 = arith.constant 0 : i32
    %dma_start3A_679 = tpu.memref_slice %dma_start3A_676[%dma_start3A_677, %dma_start3A_678] : memref<128x128xf32, #tpu.memory_space<vmem>> -> memref<16x128xf32, #tpu.memory_space<vmem>>
    %dma_start3A_680 = arith.constant 0 : i32
    %dma_start3A_681 = tpu.memref_slice %arg5[%dma_start3A_680, %multiple_of3A_643] : memref<16x1000000xf32, #tpu.memory_space<hbm>> -> memref<16x128xf32, #tpu.memory_space<hbm>>
    tpu.enqueue_dma source(%dma_start3A_681 : memref<16x128xf32, #tpu.memory_space<hbm>>) target(%dma_start3A_679 : memref<16x128xf32, #tpu.memory_space<vmem>>) target_semaphore(%arg13 : memref<!tpu.dma_semaphore, #tpu.memory_space<semaphore_mem>>)
    %slice3A_682 = vector.extract_strided_slice %and3A_368 {offsets = [7], sizes = [1], strides = [1]} : vector<16xi32> to vector<1xi32>
    %squeeze3A_683 = vector.extract %slice3A_682[0] : i32 from vector<1xi32>
    %multiple_of3A_684 = tpu.assume_multiple %squeeze3A_683, 128 : i32
    %slice3A_685 = vector.extract_strided_slice %and3A_373 {offsets = [7], sizes = [1], strides = [1]} : vector<16xi32> to vector<1xi32>
    %squeeze3A_686 = vector.extract %slice3A_685[0] : i32 from vector<1xi32>
    %multiple_of3A_687 = tpu.assume_multiple %squeeze3A_686, 128 : i32
    %dma_start3A_688 = arith.constant 1 : i32
    %dma_start3A_689 = arith.constant 0 : i32
    %dma_start3A_690 = arith.constant 0 : i32
    %dma_start3A_691 = tpu.memref_slice %arg9[%dma_start3A_688, %dma_start3A_689, %dma_start3A_690] : memref<3x128x128xf32, #tpu.memory_space<vmem>> -> memref<1x128x128xf32, #tpu.memory_space<vmem>>
    %dma_start3A_692 = tpu.memref_squeeze %dma_start3A_691 : memref<1x128x128xf32, #tpu.memory_space<vmem>> -> memref<128x128xf32, #tpu.memory_space<vmem>>
    %dma_start3A_693 = arith.constant 112 : i32
    %dma_start3A_694 = arith.constant 0 : i32
    %dma_start3A_695 = tpu.memref_slice %dma_start3A_692[%dma_start3A_693, %dma_start3A_694] : memref<128x128xf32, #tpu.memory_space<vmem>> -> memref<16x128xf32, #tpu.memory_space<vmem>>
    %dma_start3A_696 = arith.constant 0 : i32
    %dma_start3A_697 = tpu.memref_slice %arg4[%dma_start3A_696, %multiple_of3A_684] : memref<16x1000000xf32, #tpu.memory_space<hbm>> -> memref<16x128xf32, #tpu.memory_space<hbm>>
    %dma_start3A_698 = arith.constant 0 : i32
    %dma_start3A_699 = arith.constant 0 : i32
    %dma_start3A_700 = tpu.memref_slice %arg9[%dma_start3A_688, %dma_start3A_698, %dma_start3A_699] : memref<3x128x128xf32, #tpu.memory_space<vmem>> -> memref<1x128x128xf32, #tpu.memory_space<vmem>>
    %dma_start3A_701 = tpu.memref_squeeze %dma_start3A_700 : memref<1x128x128xf32, #tpu.memory_space<vmem>> -> memref<128x128xf32, #tpu.memory_space<vmem>>
    %dma_start3A_702 = arith.constant 112 : i32
    %dma_start3A_703 = arith.constant 0 : i32
    %dma_start3A_704 = tpu.memref_slice %dma_start3A_701[%dma_start3A_702, %dma_start3A_703] : memref<128x128xf32, #tpu.memory_space<vmem>> -> memref<16x128xf32, #tpu.memory_space<vmem>>
    %dma_start3A_705 = arith.constant 0 : i32
    %dma_start3A_706 = tpu.memref_slice %arg4[%dma_start3A_705, %multiple_of3A_684] : memref<16x1000000xf32, #tpu.memory_space<hbm>> -> memref<16x128xf32, #tpu.memory_space<hbm>>
    tpu.enqueue_dma source(%dma_start3A_706 : memref<16x128xf32, #tpu.memory_space<hbm>>) target(%dma_start3A_704 : memref<16x128xf32, #tpu.memory_space<vmem>>) target_semaphore(%arg12 : memref<!tpu.dma_semaphore, #tpu.memory_space<semaphore_mem>>)
    %dma_start3A_707 = arith.constant 1 : i32
    %dma_start3A_708 = arith.constant 0 : i32
    %dma_start3A_709 = arith.constant 0 : i32
    %dma_start3A_710 = tpu.memref_slice %arg10[%dma_start3A_707, %dma_start3A_708, %dma_start3A_709] : memref<3x128x128xf32, #tpu.memory_space<vmem>> -> memref<1x128x128xf32, #tpu.memory_space<vmem>>
    %dma_start3A_711 = tpu.memref_squeeze %dma_start3A_710 : memref<1x128x128xf32, #tpu.memory_space<vmem>> -> memref<128x128xf32, #tpu.memory_space<vmem>>
    %dma_start3A_712 = arith.constant 112 : i32
    %dma_start3A_713 = arith.constant 0 : i32
    %dma_start3A_714 = tpu.memref_slice %dma_start3A_711[%dma_start3A_712, %dma_start3A_713] : memref<128x128xf32, #tpu.memory_space<vmem>> -> memref<16x128xf32, #tpu.memory_space<vmem>>
    %dma_start3A_715 = arith.constant 0 : i32
    %dma_start3A_716 = tpu.memref_slice %arg5[%dma_start3A_715, %multiple_of3A_687] : memref<16x1000000xf32, #tpu.memory_space<hbm>> -> memref<16x128xf32, #tpu.memory_space<hbm>>
    %dma_start3A_717 = arith.constant 0 : i32
    %dma_start3A_718 = arith.constant 0 : i32
    %dma_start3A_719 = tpu.memref_slice %arg10[%dma_start3A_707, %dma_start3A_717, %dma_start3A_718] : memref<3x128x128xf32, #tpu.memory_space<vmem>> -> memref<1x128x128xf32, #tpu.memory_space<vmem>>
    %dma_start3A_720 = tpu.memref_squeeze %dma_start3A_719 : memref<1x128x128xf32, #tpu.memory_space<vmem>> -> memref<128x128xf32, #tpu.memory_space<vmem>>
    %dma_start3A_721 = arith.constant 112 : i32
    %dma_start3A_722 = arith.constant 0 : i32
    %dma_start3A_723 = tpu.memref_slice %dma_start3A_720[%dma_start3A_721, %dma_start3A_722] : memref<128x128xf32, #tpu.memory_space<vmem>> -> memref<16x128xf32, #tpu.memory_space<vmem>>
    %dma_start3A_724 = arith.constant 0 : i32
    %dma_start3A_725 = tpu.memref_slice %arg5[%dma_start3A_724, %multiple_of3A_687] : memref<16x1000000xf32, #tpu.memory_space<hbm>> -> memref<16x128xf32, #tpu.memory_space<hbm>>
    tpu.enqueue_dma source(%dma_start3A_725 : memref<16x128xf32, #tpu.memory_space<hbm>>) target(%dma_start3A_723 : memref<16x128xf32, #tpu.memory_space<vmem>>) target_semaphore(%arg13 : memref<!tpu.dma_semaphore, #tpu.memory_space<semaphore_mem>>)
    %scan3A = arith.constant 0 : i32
    %scan3A_726 = arith.constant 21 : i32
    %scan3A_727 = arith.addi %scan3A, %scan3A_726 : i32
    %scan3A_728 = arith.constant 1 : i32
    scf.for %scan3A_1258 = %scan3A to %scan3A_727 step %scan3A_728  : i32 {
      %mul3A_1259 = arith.constant 1 : i32
      %mul3A_1260 = arith.muli %scan3A_1258, %mul3A_1259 : i32
      %add3A_1261 = arith.constant 0 : i32
      %add3A_1262 = arith.addi %add3A_1261, %mul3A_1260 : i32
      %mul3A_1263 = arith.constant 3 : i32
      %mul3A_1264 = arith.muli %add3A_1262, %mul3A_1263 : i32
      %add3A_1265 = arith.constant 2 : i32
      %add3A_1266 = arith.addi %mul3A_1264, %add3A_1265 : i32
      %mul3A_1267 = arith.constant 8 : i32
      %mul3A_1268 = arith.muli %add3A_1266, %mul3A_1267 : i32
      %get3A_1269 = arith.index_cast %mul3A_1268 : i32 to index
      %get3A_1270 = tpu.vector_load %arg7[%get3A_1269] {strides = array<i32>} : memref<528xi32, #tpu.memory_space<vmem>>, vector<16xi32>,
      %and3A_1271 = arith.constant -128 : i32
      %and3A_1272 = vector.broadcast %and3A_1271 : i32 to vector<16xi32>
      %and3A_1273 = arith.andi %get3A_1270, %and3A_1272 : vector<16xi32>
      %mul3A_1274 = arith.constant 8 : i32
      %mul3A_1275 = arith.muli %add3A_1266, %mul3A_1274 : i32
      %get3A_1276 = arith.index_cast %mul3A_1275 : i32 to index
      %get3A_1277 = tpu.vector_load %arg8[%get3A_1276] {strides = array<i32>} : memref<528xi32, #tpu.memory_space<vmem>>, vector<16xi32>,
      %and3A_1278 = arith.constant -128 : i32
      %and3A_1279 = vector.broadcast %and3A_1278 : i32 to vector<16xi32>
      %and3A_1280 = arith.andi %get3A_1277, %and3A_1279 : vector<16xi32>
      %slice3A_1281 = vector.extract_strided_slice %and3A_1273 {offsets = [0], sizes = [1], strides = [1]} : vector<16xi32> to vector<1xi32>
      %squeeze3A_1282 = vector.extract %slice3A_1281[0] : i32 from vector<1xi32>
      %multiple_of3A_1283 = tpu.assume_multiple %squeeze3A_1282, 128 : i32
      %slice3A_1284 = vector.extract_strided_slice %and3A_1280 {offsets = [0], sizes = [1], strides = [1]} : vector<16xi32> to vector<1xi32>
      %squeeze3A_1285 = vector.extract %slice3A_1284[0] : i32 from vector<1xi32>
      %multiple_of3A_1286 = tpu.assume_multiple %squeeze3A_1285, 128 : i32
      %dma_start3A_1287 = arith.constant 2 : i32
      %dma_start3A_1288 = arith.constant 0 : i32
      %dma_start3A_1289 = arith.constant 0 : i32
      %dma_start3A_1290 = tpu.memref_slice %arg9[%dma_start3A_1287, %dma_start3A_1288, %dma_start3A_1289] : memref<3x128x128xf32, #tpu.memory_space<vmem>> -> memref<1x128x128xf32, #tpu.memory_space<vmem>>
      %dma_start3A_1291 = tpu.memref_squeeze %dma_start3A_1290 : memref<1x128x128xf32, #tpu.memory_space<vmem>> -> memref<128x128xf32, #tpu.memory_space<vmem>>
      %dma_start3A_1292 = arith.constant 0 : i32
      %dma_start3A_1293 = arith.constant 0 : i32
      %dma_start3A_1294 = tpu.memref_slice %dma_start3A_1291[%dma_start3A_1292, %dma_start3A_1293] : memref<128x128xf32, #tpu.memory_space<vmem>> -> memref<16x128xf32, #tpu.memory_space<vmem>>
      %dma_start3A_1295 = arith.constant 0 : i32
      %dma_start3A_1296 = tpu.memref_slice %arg4[%dma_start3A_1295, %multiple_of3A_1283] : memref<16x1000000xf32, #tpu.memory_space<hbm>> -> memref<16x128xf32, #tpu.memory_space<hbm>>
      %dma_start3A_1297 = arith.constant 0 : i32
      %dma_start3A_1298 = arith.constant 0 : i32
      %dma_start3A_1299 = tpu.memref_slice %arg9[%dma_start3A_1287, %dma_start3A_1297, %dma_start3A_1298] : memref<3x128x128xf32, #tpu.memory_space<vmem>> -> memref<1x128x128xf32, #tpu.memory_space<vmem>>
      %dma_start3A_1300 = tpu.memref_squeeze %dma_start3A_1299 : memref<1x128x128xf32, #tpu.memory_space<vmem>> -> memref<128x128xf32, #tpu.memory_space<vmem>>
      %dma_start3A_1301 = arith.constant 0 : i32
      %dma_start3A_1302 = arith.constant 0 : i32
      %dma_start3A_1303 = tpu.memref_slice %dma_start3A_1300[%dma_start3A_1301, %dma_start3A_1302] : memref<128x128xf32, #tpu.memory_space<vmem>> -> memref<16x128xf32, #tpu.memory_space<vmem>>
      %dma_start3A_1304 = arith.constant 0 : i32
      %dma_start3A_1305 = tpu.memref_slice %arg4[%dma_start3A_1304, %multiple_of3A_1283] : memref<16x1000000xf32, #tpu.memory_space<hbm>> -> memref<16x128xf32, #tpu.memory_space<hbm>>
      tpu.enqueue_dma source(%dma_start3A_1305 : memref<16x128xf32, #tpu.memory_space<hbm>>) target(%dma_start3A_1303 : memref<16x128xf32, #tpu.memory_space<vmem>>) target_semaphore(%arg12 : memref<!tpu.dma_semaphore, #tpu.memory_space<semaphore_mem>>)
      %dma_start3A_1306 = arith.constant 2 : i32
      %dma_start3A_1307 = arith.constant 0 : i32
      %dma_start3A_1308 = arith.constant 0 : i32
      %dma_start3A_1309 = tpu.memref_slice %arg10[%dma_start3A_1306, %dma_start3A_1307, %dma_start3A_1308] : memref<3x128x128xf32, #tpu.memory_space<vmem>> -> memref<1x128x128xf32, #tpu.memory_space<vmem>>
      %dma_start3A_1310 = tpu.memref_squeeze %dma_start3A_1309 : memref<1x128x128xf32, #tpu.memory_space<vmem>> -> memref<128x128xf32, #tpu.memory_space<vmem>>
      %dma_start3A_1311 = arith.constant 0 : i32
      %dma_start3A_1312 = arith.constant 0 : i32
      %dma_start3A_1313 = tpu.memref_slice %dma_start3A_1310[%dma_start3A_1311, %dma_start3A_1312] : memref<128x128xf32, #tpu.memory_space<vmem>> -> memref<16x128xf32, #tpu.memory_space<vmem>>
      %dma_start3A_1314 = arith.constant 0 : i32
      %dma_start3A_1315 = tpu.memref_slice %arg5[%dma_start3A_1314, %multiple_of3A_1286] : memref<16x1000000xf32, #tpu.memory_space<hbm>> -> memref<16x128xf32, #tpu.memory_space<hbm>>
      %dma_start3A_1316 = arith.constant 0 : i32
      %dma_start3A_1317 = arith.constant 0 : i32
      %dma_start3A_1318 = tpu.memref_slice %arg10[%dma_start3A_1306, %dma_start3A_1316, %dma_start3A_1317] : memref<3x128x128xf32, #tpu.memory_space<vmem>> -> memref<1x128x128xf32, #tpu.memory_space<vmem>>
      %dma_start3A_1319 = tpu.memref_squeeze %dma_start3A_1318 : memref<1x128x128xf32, #tpu.memory_space<vmem>> -> memref<128x128xf32, #tpu.memory_space<vmem>>
      %dma_start3A_1320 = arith.constant 0 : i32
      %dma_start3A_1321 = arith.constant 0 : i32
      %dma_start3A_1322 = tpu.memref_slice %dma_start3A_1319[%dma_start3A_1320, %dma_start3A_1321] : memref<128x128xf32, #tpu.memory_space<vmem>> -> memref<16x128xf32, #tpu.memory_space<vmem>>
      %dma_start3A_1323 = arith.constant 0 : i32
      %dma_start3A_1324 = tpu.memref_slice %arg5[%dma_start3A_1323, %multiple_of3A_1286] : memref<16x1000000xf32, #tpu.memory_space<hbm>> -> memref<16x128xf32, #tpu.memory_space<hbm>>
      tpu.enqueue_dma source(%dma_start3A_1324 : memref<16x128xf32, #tpu.memory_space<hbm>>) target(%dma_start3A_1322 : memref<16x128xf32, #tpu.memory_space<vmem>>) target_semaphore(%arg13 : memref<!tpu.dma_semaphore, #tpu.memory_space<semaphore_mem>>)
      %slice3A_1325 = vector.extract_strided_slice %and3A_1273 {offsets = [1], sizes = [1], strides = [1]} : vector<16xi32> to vector<1xi32>
      %squeeze3A_1326 = vector.extract %slice3A_1325[0] : i32 from vector<1xi32>
      %multiple_of3A_1327 = tpu.assume_multiple %squeeze3A_1326, 128 : i32
      %slice3A_1328 = vector.extract_strided_slice %and3A_1280 {offsets = [1], sizes = [1], strides = [1]} : vector<16xi32> to vector<1xi32>
      %squeeze3A_1329 = vector.extract %slice3A_1328[0] : i32 from vector<1xi32>
      %multiple_of3A_1330 = tpu.assume_multiple %squeeze3A_1329, 128 : i32
      %dma_start3A_1331 = arith.constant 2 : i32
      %dma_start3A_1332 = arith.constant 0 : i32
      %dma_start3A_1333 = arith.constant 0 : i32
      %dma_start3A_1334 = tpu.memref_slice %arg9[%dma_start3A_1331, %dma_start3A_1332, %dma_start3A_1333] : memref<3x128x128xf32, #tpu.memory_space<vmem>> -> memref<1x128x128xf32, #tpu.memory_space<vmem>>
      %dma_start3A_1335 = tpu.memref_squeeze %dma_start3A_1334 : memref<1x128x128xf32, #tpu.memory_space<vmem>> -> memref<128x128xf32, #tpu.memory_space<vmem>>
      %dma_start3A_1336 = arith.constant 16 : i32
      %dma_start3A_1337 = arith.constant 0 : i32
      %dma_start3A_1338 = tpu.memref_slice %dma_start3A_1335[%dma_start3A_1336, %dma_start3A_1337] : memref<128x128xf32, #tpu.memory_space<vmem>> -> memref<16x128xf32, #tpu.memory_space<vmem>>
      %dma_start3A_1339 = arith.constant 0 : i32
      %dma_start3A_1340 = tpu.memref_slice %arg4[%dma_start3A_1339, %multiple_of3A_1327] : memref<16x1000000xf32, #tpu.memory_space<hbm>> -> memref<16x128xf32, #tpu.memory_space<hbm>>
      %dma_start3A_1341 = arith.constant 0 : i32
      %dma_start3A_1342 = arith.constant 0 : i32
      %dma_start3A_1343 = tpu.memref_slice %arg9[%dma_start3A_1331, %dma_start3A_1341, %dma_start3A_1342] : memref<3x128x128xf32, #tpu.memory_space<vmem>> -> memref<1x128x128xf32, #tpu.memory_space<vmem>>
      %dma_start3A_1344 = tpu.memref_squeeze %dma_start3A_1343 : memref<1x128x128xf32, #tpu.memory_space<vmem>> -> memref<128x128xf32, #tpu.memory_space<vmem>>
      %dma_start3A_1345 = arith.constant 16 : i32
      %dma_start3A_1346 = arith.constant 0 : i32
      %dma_start3A_1347 = tpu.memref_slice %dma_start3A_1344[%dma_start3A_1345, %dma_start3A_1346] : memref<128x128xf32, #tpu.memory_space<vmem>> -> memref<16x128xf32, #tpu.memory_space<vmem>>
      %dma_start3A_1348 = arith.constant 0 : i32
      %dma_start3A_1349 = tpu.memref_slice %arg4[%dma_start3A_1348, %multiple_of3A_1327] : memref<16x1000000xf32, #tpu.memory_space<hbm>> -> memref<16x128xf32, #tpu.memory_space<hbm>>
      tpu.enqueue_dma source(%dma_start3A_1349 : memref<16x128xf32, #tpu.memory_space<hbm>>) target(%dma_start3A_1347 : memref<16x128xf32, #tpu.memory_space<vmem>>) target_semaphore(%arg12 : memref<!tpu.dma_semaphore, #tpu.memory_space<semaphore_mem>>)
      %dma_start3A_1350 = arith.constant 2 : i32
      %dma_start3A_1351 = arith.constant 0 : i32
      %dma_start3A_1352 = arith.constant 0 : i32
      %dma_start3A_1353 = tpu.memref_slice %arg10[%dma_start3A_1350, %dma_start3A_1351, %dma_start3A_1352] : memref<3x128x128xf32, #tpu.memory_space<vmem>> -> memref<1x128x128xf32, #tpu.memory_space<vmem>>
      %dma_start3A_1354 = tpu.memref_squeeze %dma_start3A_1353 : memref<1x128x128xf32, #tpu.memory_space<vmem>> -> memref<128x128xf32, #tpu.memory_space<vmem>>
      %dma_start3A_1355 = arith.constant 16 : i32
      %dma_start3A_1356 = arith.constant 0 : i32
      %dma_start3A_1357 = tpu.memref_slice %dma_start3A_1354[%dma_start3A_1355, %dma_start3A_1356] : memref<128x128xf32, #tpu.memory_space<vmem>> -> memref<16x128xf32, #tpu.memory_space<vmem>>
      %dma_start3A_1358 = arith.constant 0 : i32
      %dma_start3A_1359 = tpu.memref_slice %arg5[%dma_start3A_1358, %multiple_of3A_1330] : memref<16x1000000xf32, #tpu.memory_space<hbm>> -> memref<16x128xf32, #tpu.memory_space<hbm>>
      %dma_start3A_1360 = arith.constant 0 : i32
      %dma_start3A_1361 = arith.constant 0 : i32
      %dma_start3A_1362 = tpu.memref_slice %arg10[%dma_start3A_1350, %dma_start3A_1360, %dma_start3A_1361] : memref<3x128x128xf32, #tpu.memory_space<vmem>> -> memref<1x128x128xf32, #tpu.memory_space<vmem>>
      %dma_start3A_1363 = tpu.memref_squeeze %dma_start3A_1362 : memref<1x128x128xf32, #tpu.memory_space<vmem>> -> memref<128x128xf32, #tpu.memory_space<vmem>>
      %dma_start3A_1364 = arith.constant 16 : i32
      %dma_start3A_1365 = arith.constant 0 : i32
      %dma_start3A_1366 = tpu.memref_slice %dma_start3A_1363[%dma_start3A_1364, %dma_start3A_1365] : memref<128x128xf32, #tpu.memory_space<vmem>> -> memref<16x128xf32, #tpu.memory_space<vmem>>
      %dma_start3A_1367 = arith.constant 0 : i32
      %dma_start3A_1368 = tpu.memref_slice %arg5[%dma_start3A_1367, %multiple_of3A_1330] : memref<16x1000000xf32, #tpu.memory_space<hbm>> -> memref<16x128xf32, #tpu.memory_space<hbm>>
      tpu.enqueue_dma source(%dma_start3A_1368 : memref<16x128xf32, #tpu.memory_space<hbm>>) target(%dma_start3A_1366 : memref<16x128xf32, #tpu.memory_space<vmem>>) target_semaphore(%arg13 : memref<!tpu.dma_semaphore, #tpu.memory_space<semaphore_mem>>)
      %slice3A_1369 = vector.extract_strided_slice %and3A_1273 {offsets = [2], sizes = [1], strides = [1]} : vector<16xi32> to vector<1xi32>
      %squeeze3A_1370 = vector.extract %slice3A_1369[0] : i32 from vector<1xi32>
      %multiple_of3A_1371 = tpu.assume_multiple %squeeze3A_1370, 128 : i32
      %slice3A_1372 = vector.extract_strided_slice %and3A_1280 {offsets = [2], sizes = [1], strides = [1]} : vector<16xi32> to vector<1xi32>
      %squeeze3A_1373 = vector.extract %slice3A_1372[0] : i32 from vector<1xi32>
      %multiple_of3A_1374 = tpu.assume_multiple %squeeze3A_1373, 128 : i32
      %dma_start3A_1375 = arith.constant 2 : i32
      %dma_start3A_1376 = arith.constant 0 : i32
      %dma_start3A_1377 = arith.constant 0 : i32
      %dma_start3A_1378 = tpu.memref_slice %arg9[%dma_start3A_1375, %dma_start3A_1376, %dma_start3A_1377] : memref<3x128x128xf32, #tpu.memory_space<vmem>> -> memref<1x128x128xf32, #tpu.memory_space<vmem>>
      %dma_start3A_1379 = tpu.memref_squeeze %dma_start3A_1378 : memref<1x128x128xf32, #tpu.memory_space<vmem>> -> memref<128x128xf32, #tpu.memory_space<vmem>>
      %dma_start3A_1380 = arith.constant 32 : i32
      %dma_start3A_1381 = arith.constant 0 : i32
      %dma_start3A_1382 = tpu.memref_slice %dma_start3A_1379[%dma_start3A_1380, %dma_start3A_1381] : memref<128x128xf32, #tpu.memory_space<vmem>> -> memref<16x128xf32, #tpu.memory_space<vmem>>
      %dma_start3A_1383 = arith.constant 0 : i32
      %dma_start3A_1384 = tpu.memref_slice %arg4[%dma_start3A_1383, %multiple_of3A_1371] : memref<16x1000000xf32, #tpu.memory_space<hbm>> -> memref<16x128xf32, #tpu.memory_space<hbm>>
      %dma_start3A_1385 = arith.constant 0 : i32
      %dma_start3A_1386 = arith.constant 0 : i32
      %dma_start3A_1387 = tpu.memref_slice %arg9[%dma_start3A_1375, %dma_start3A_1385, %dma_start3A_1386] : memref<3x128x128xf32, #tpu.memory_space<vmem>> -> memref<1x128x128xf32, #tpu.memory_space<vmem>>
      %dma_start3A_1388 = tpu.memref_squeeze %dma_start3A_1387 : memref<1x128x128xf32, #tpu.memory_space<vmem>> -> memref<128x128xf32, #tpu.memory_space<vmem>>
      %dma_start3A_1389 = arith.constant 32 : i32
      %dma_start3A_1390 = arith.constant 0 : i32
      %dma_start3A_1391 = tpu.memref_slice %dma_start3A_1388[%dma_start3A_1389, %dma_start3A_1390] : memref<128x128xf32, #tpu.memory_space<vmem>> -> memref<16x128xf32, #tpu.memory_space<vmem>>
      %dma_start3A_1392 = arith.constant 0 : i32
      %dma_start3A_1393 = tpu.memref_slice %arg4[%dma_start3A_1392, %multiple_of3A_1371] : memref<16x1000000xf32, #tpu.memory_space<hbm>> -> memref<16x128xf32, #tpu.memory_space<hbm>>
      tpu.enqueue_dma source(%dma_start3A_1393 : memref<16x128xf32, #tpu.memory_space<hbm>>) target(%dma_start3A_1391 : memref<16x128xf32, #tpu.memory_space<vmem>>) target_semaphore(%arg12 : memref<!tpu.dma_semaphore, #tpu.memory_space<semaphore_mem>>)
      %dma_start3A_1394 = arith.constant 2 : i32
      %dma_start3A_1395 = arith.constant 0 : i32
      %dma_start3A_1396 = arith.constant 0 : i32
      %dma_start3A_1397 = tpu.memref_slice %arg10[%dma_start3A_1394, %dma_start3A_1395, %dma_start3A_1396] : memref<3x128x128xf32, #tpu.memory_space<vmem>> -> memref<1x128x128xf32, #tpu.memory_space<vmem>>
      %dma_start3A_1398 = tpu.memref_squeeze %dma_start3A_1397 : memref<1x128x128xf32, #tpu.memory_space<vmem>> -> memref<128x128xf32, #tpu.memory_space<vmem>>
      %dma_start3A_1399 = arith.constant 32 : i32
      %dma_start3A_1400 = arith.constant 0 : i32
      %dma_start3A_1401 = tpu.memref_slice %dma_start3A_1398[%dma_start3A_1399, %dma_start3A_1400] : memref<128x128xf32, #tpu.memory_space<vmem>> -> memref<16x128xf32, #tpu.memory_space<vmem>>
      %dma_start3A_1402 = arith.constant 0 : i32
      %dma_start3A_1403 = tpu.memref_slice %arg5[%dma_start3A_1402, %multiple_of3A_1374] : memref<16x1000000xf32, #tpu.memory_space<hbm>> -> memref<16x128xf32, #tpu.memory_space<hbm>>
      %dma_start3A_1404 = arith.constant 0 : i32
      %dma_start3A_1405 = arith.constant 0 : i32
      %dma_start3A_1406 = tpu.memref_slice %arg10[%dma_start3A_1394, %dma_start3A_1404, %dma_start3A_1405] : memref<3x128x128xf32, #tpu.memory_space<vmem>> -> memref<1x128x128xf32, #tpu.memory_space<vmem>>
      %dma_start3A_1407 = tpu.memref_squeeze %dma_start3A_1406 : memref<1x128x128xf32, #tpu.memory_space<vmem>> -> memref<128x128xf32, #tpu.memory_space<vmem>>
      %dma_start3A_1408 = arith.constant 32 : i32
      %dma_start3A_1409 = arith.constant 0 : i32
      %dma_start3A_1410 = tpu.memref_slice %dma_start3A_1407[%dma_start3A_1408, %dma_start3A_1409] : memref<128x128xf32, #tpu.memory_space<vmem>> -> memref<16x128xf32, #tpu.memory_space<vmem>>
      %dma_start3A_1411 = arith.constant 0 : i32
      %dma_start3A_1412 = tpu.memref_slice %arg5[%dma_start3A_1411, %multiple_of3A_1374] : memref<16x1000000xf32, #tpu.memory_space<hbm>> -> memref<16x128xf32, #tpu.memory_space<hbm>>
      tpu.enqueue_dma source(%dma_start3A_1412 : memref<16x128xf32, #tpu.memory_space<hbm>>) target(%dma_start3A_1410 : memref<16x128xf32, #tpu.memory_space<vmem>>) target_semaphore(%arg13 : memref<!tpu.dma_semaphore, #tpu.memory_space<semaphore_mem>>)
      %slice3A_1413 = vector.extract_strided_slice %and3A_1273 {offsets = [3], sizes = [1], strides = [1]} : vector<16xi32> to vector<1xi32>
      %squeeze3A_1414 = vector.extract %slice3A_1413[0] : i32 from vector<1xi32>
      %multiple_of3A_1415 = tpu.assume_multiple %squeeze3A_1414, 128 : i32
      %slice3A_1416 = vector.extract_strided_slice %and3A_1280 {offsets = [3], sizes = [1], strides = [1]} : vector<16xi32> to vector<1xi32>
      %squeeze3A_1417 = vector.extract %slice3A_1416[0] : i32 from vector<1xi32>
      %multiple_of3A_1418 = tpu.assume_multiple %squeeze3A_1417, 128 : i32
      %dma_start3A_1419 = arith.constant 2 : i32
      %dma_start3A_1420 = arith.constant 0 : i32
      %dma_start3A_1421 = arith.constant 0 : i32
      %dma_start3A_1422 = tpu.memref_slice %arg9[%dma_start3A_1419, %dma_start3A_1420, %dma_start3A_1421] : memref<3x128x128xf32, #tpu.memory_space<vmem>> -> memref<1x128x128xf32, #tpu.memory_space<vmem>>
      %dma_start3A_1423 = tpu.memref_squeeze %dma_start3A_1422 : memref<1x128x128xf32, #tpu.memory_space<vmem>> -> memref<128x128xf32, #tpu.memory_space<vmem>>
      %dma_start3A_1424 = arith.constant 48 : i32
      %dma_start3A_1425 = arith.constant 0 : i32
      %dma_start3A_1426 = tpu.memref_slice %dma_start3A_1423[%dma_start3A_1424, %dma_start3A_1425] : memref<128x128xf32, #tpu.memory_space<vmem>> -> memref<16x128xf32, #tpu.memory_space<vmem>>
      %dma_start3A_1427 = arith.constant 0 : i32
      %dma_start3A_1428 = tpu.memref_slice %arg4[%dma_start3A_1427, %multiple_of3A_1415] : memref<16x1000000xf32, #tpu.memory_space<hbm>> -> memref<16x128xf32, #tpu.memory_space<hbm>>
      %dma_start3A_1429 = arith.constant 0 : i32
      %dma_start3A_1430 = arith.constant 0 : i32
      %dma_start3A_1431 = tpu.memref_slice %arg9[%dma_start3A_1419, %dma_start3A_1429, %dma_start3A_1430] : memref<3x128x128xf32, #tpu.memory_space<vmem>> -> memref<1x128x128xf32, #tpu.memory_space<vmem>>
      %dma_start3A_1432 = tpu.memref_squeeze %dma_start3A_1431 : memref<1x128x128xf32, #tpu.memory_space<vmem>> -> memref<128x128xf32, #tpu.memory_space<vmem>>
      %dma_start3A_1433 = arith.constant 48 : i32
      %dma_start3A_1434 = arith.constant 0 : i32
      %dma_start3A_1435 = tpu.memref_slice %dma_start3A_1432[%dma_start3A_1433, %dma_start3A_1434] : memref<128x128xf32, #tpu.memory_space<vmem>> -> memref<16x128xf32, #tpu.memory_space<vmem>>
      %dma_start3A_1436 = arith.constant 0 : i32
      %dma_start3A_1437 = tpu.memref_slice %arg4[%dma_start3A_1436, %multiple_of3A_1415] : memref<16x1000000xf32, #tpu.memory_space<hbm>> -> memref<16x128xf32, #tpu.memory_space<hbm>>
      tpu.enqueue_dma source(%dma_start3A_1437 : memref<16x128xf32, #tpu.memory_space<hbm>>) target(%dma_start3A_1435 : memref<16x128xf32, #tpu.memory_space<vmem>>) target_semaphore(%arg12 : memref<!tpu.dma_semaphore, #tpu.memory_space<semaphore_mem>>)
      %dma_start3A_1438 = arith.constant 2 : i32
      %dma_start3A_1439 = arith.constant 0 : i32
      %dma_start3A_1440 = arith.constant 0 : i32
      %dma_start3A_1441 = tpu.memref_slice %arg10[%dma_start3A_1438, %dma_start3A_1439, %dma_start3A_1440] : memref<3x128x128xf32, #tpu.memory_space<vmem>> -> memref<1x128x128xf32, #tpu.memory_space<vmem>>
      %dma_start3A_1442 = tpu.memref_squeeze %dma_start3A_1441 : memref<1x128x128xf32, #tpu.memory_space<vmem>> -> memref<128x128xf32, #tpu.memory_space<vmem>>
      %dma_start3A_1443 = arith.constant 48 : i32
      %dma_start3A_1444 = arith.constant 0 : i32
      %dma_start3A_1445 = tpu.memref_slice %dma_start3A_1442[%dma_start3A_1443, %dma_start3A_1444] : memref<128x128xf32, #tpu.memory_space<vmem>> -> memref<16x128xf32, #tpu.memory_space<vmem>>
      %dma_start3A_1446 = arith.constant 0 : i32
      %dma_start3A_1447 = tpu.memref_slice %arg5[%dma_start3A_1446, %multiple_of3A_1418] : memref<16x1000000xf32, #tpu.memory_space<hbm>> -> memref<16x128xf32, #tpu.memory_space<hbm>>
      %dma_start3A_1448 = arith.constant 0 : i32
      %dma_start3A_1449 = arith.constant 0 : i32
      %dma_start3A_1450 = tpu.memref_slice %arg10[%dma_start3A_1438, %dma_start3A_1448, %dma_start3A_1449] : memref<3x128x128xf32, #tpu.memory_space<vmem>> -> memref<1x128x128xf32, #tpu.memory_space<vmem>>
      %dma_start3A_1451 = tpu.memref_squeeze %dma_start3A_1450 : memref<1x128x128xf32, #tpu.memory_space<vmem>> -> memref<128x128xf32, #tpu.memory_space<vmem>>
      %dma_start3A_1452 = arith.constant 48 : i32
      %dma_start3A_1453 = arith.constant 0 : i32
      %dma_start3A_1454 = tpu.memref_slice %dma_start3A_1451[%dma_start3A_1452, %dma_start3A_1453] : memref<128x128xf32, #tpu.memory_space<vmem>> -> memref<16x128xf32, #tpu.memory_space<vmem>>
      %dma_start3A_1455 = arith.constant 0 : i32
      %dma_start3A_1456 = tpu.memref_slice %arg5[%dma_start3A_1455, %multiple_of3A_1418] : memref<16x1000000xf32, #tpu.memory_space<hbm>> -> memref<16x128xf32, #tpu.memory_space<hbm>>
      tpu.enqueue_dma source(%dma_start3A_1456 : memref<16x128xf32, #tpu.memory_space<hbm>>) target(%dma_start3A_1454 : memref<16x128xf32, #tpu.memory_space<vmem>>) target_semaphore(%arg13 : memref<!tpu.dma_semaphore, #tpu.memory_space<semaphore_mem>>)
      %slice3A_1457 = vector.extract_strided_slice %and3A_1273 {offsets = [4], sizes = [1], strides = [1]} : vector<16xi32> to vector<1xi32>
      %squeeze3A_1458 = vector.extract %slice3A_1457[0] : i32 from vector<1xi32>
      %multiple_of3A_1459 = tpu.assume_multiple %squeeze3A_1458, 128 : i32
      %slice3A_1460 = vector.extract_strided_slice %and3A_1280 {offsets = [4], sizes = [1], strides = [1]} : vector<16xi32> to vector<1xi32>
      %squeeze3A_1461 = vector.extract %slice3A_1460[0] : i32 from vector<1xi32>
      %multiple_of3A_1462 = tpu.assume_multiple %squeeze3A_1461, 128 : i32
      %dma_start3A_1463 = arith.constant 2 : i32
      %dma_start3A_1464 = arith.constant 0 : i32
      %dma_start3A_1465 = arith.constant 0 : i32
      %dma_start3A_1466 = tpu.memref_slice %arg9[%dma_start3A_1463, %dma_start3A_1464, %dma_start3A_1465] : memref<3x128x128xf32, #tpu.memory_space<vmem>> -> memref<1x128x128xf32, #tpu.memory_space<vmem>>
      %dma_start3A_1467 = tpu.memref_squeeze %dma_start3A_1466 : memref<1x128x128xf32, #tpu.memory_space<vmem>> -> memref<128x128xf32, #tpu.memory_space<vmem>>
      %dma_start3A_1468 = arith.constant 64 : i32
      %dma_start3A_1469 = arith.constant 0 : i32
      %dma_start3A_1470 = tpu.memref_slice %dma_start3A_1467[%dma_start3A_1468, %dma_start3A_1469] : memref<128x128xf32, #tpu.memory_space<vmem>> -> memref<16x128xf32, #tpu.memory_space<vmem>>
      %dma_start3A_1471 = arith.constant 0 : i32
      %dma_start3A_1472 = tpu.memref_slice %arg4[%dma_start3A_1471, %multiple_of3A_1459] : memref<16x1000000xf32, #tpu.memory_space<hbm>> -> memref<16x128xf32, #tpu.memory_space<hbm>>
      %dma_start3A_1473 = arith.constant 0 : i32
      %dma_start3A_1474 = arith.constant 0 : i32
      %dma_start3A_1475 = tpu.memref_slice %arg9[%dma_start3A_1463, %dma_start3A_1473, %dma_start3A_1474] : memref<3x128x128xf32, #tpu.memory_space<vmem>> -> memref<1x128x128xf32, #tpu.memory_space<vmem>>
      %dma_start3A_1476 = tpu.memref_squeeze %dma_start3A_1475 : memref<1x128x128xf32, #tpu.memory_space<vmem>> -> memref<128x128xf32, #tpu.memory_space<vmem>>
      %dma_start3A_1477 = arith.constant 64 : i32
      %dma_start3A_1478 = arith.constant 0 : i32
      %dma_start3A_1479 = tpu.memref_slice %dma_start3A_1476[%dma_start3A_1477, %dma_start3A_1478] : memref<128x128xf32, #tpu.memory_space<vmem>> -> memref<16x128xf32, #tpu.memory_space<vmem>>
      %dma_start3A_1480 = arith.constant 0 : i32
      %dma_start3A_1481 = tpu.memref_slice %arg4[%dma_start3A_1480, %multiple_of3A_1459] : memref<16x1000000xf32, #tpu.memory_space<hbm>> -> memref<16x128xf32, #tpu.memory_space<hbm>>
      tpu.enqueue_dma source(%dma_start3A_1481 : memref<16x128xf32, #tpu.memory_space<hbm>>) target(%dma_start3A_1479 : memref<16x128xf32, #tpu.memory_space<vmem>>) target_semaphore(%arg12 : memref<!tpu.dma_semaphore, #tpu.memory_space<semaphore_mem>>)
      %dma_start3A_1482 = arith.constant 2 : i32
      %dma_start3A_1483 = arith.constant 0 : i32
      %dma_start3A_1484 = arith.constant 0 : i32
      %dma_start3A_1485 = tpu.memref_slice %arg10[%dma_start3A_1482, %dma_start3A_1483, %dma_start3A_1484] : memref<3x128x128xf32, #tpu.memory_space<vmem>> -> memref<1x128x128xf32, #tpu.memory_space<vmem>>
      %dma_start3A_1486 = tpu.memref_squeeze %dma_start3A_1485 : memref<1x128x128xf32, #tpu.memory_space<vmem>> -> memref<128x128xf32, #tpu.memory_space<vmem>>
      %dma_start3A_1487 = arith.constant 64 : i32
      %dma_start3A_1488 = arith.constant 0 : i32
      %dma_start3A_1489 = tpu.memref_slice %dma_start3A_1486[%dma_start3A_1487, %dma_start3A_1488] : memref<128x128xf32, #tpu.memory_space<vmem>> -> memref<16x128xf32, #tpu.memory_space<vmem>>
      %dma_start3A_1490 = arith.constant 0 : i32
      %dma_start3A_1491 = tpu.memref_slice %arg5[%dma_start3A_1490, %multiple_of3A_1462] : memref<16x1000000xf32, #tpu.memory_space<hbm>> -> memref<16x128xf32, #tpu.memory_space<hbm>>
      %dma_start3A_1492 = arith.constant 0 : i32
      %dma_start3A_1493 = arith.constant 0 : i32
      %dma_start3A_1494 = tpu.memref_slice %arg10[%dma_start3A_1482, %dma_start3A_1492, %dma_start3A_1493] : memref<3x128x128xf32, #tpu.memory_space<vmem>> -> memref<1x128x128xf32, #tpu.memory_space<vmem>>
      %dma_start3A_1495 = tpu.memref_squeeze %dma_start3A_1494 : memref<1x128x128xf32, #tpu.memory_space<vmem>> -> memref<128x128xf32, #tpu.memory_space<vmem>>
      %dma_start3A_1496 = arith.constant 64 : i32
      %dma_start3A_1497 = arith.constant 0 : i32
      %dma_start3A_1498 = tpu.memref_slice %dma_start3A_1495[%dma_start3A_1496, %dma_start3A_1497] : memref<128x128xf32, #tpu.memory_space<vmem>> -> memref<16x128xf32, #tpu.memory_space<vmem>>
      %dma_start3A_1499 = arith.constant 0 : i32
      %dma_start3A_1500 = tpu.memref_slice %arg5[%dma_start3A_1499, %multiple_of3A_1462] : memref<16x1000000xf32, #tpu.memory_space<hbm>> -> memref<16x128xf32, #tpu.memory_space<hbm>>
      tpu.enqueue_dma source(%dma_start3A_1500 : memref<16x128xf32, #tpu.memory_space<hbm>>) target(%dma_start3A_1498 : memref<16x128xf32, #tpu.memory_space<vmem>>) target_semaphore(%arg13 : memref<!tpu.dma_semaphore, #tpu.memory_space<semaphore_mem>>)
      %slice3A_1501 = vector.extract_strided_slice %and3A_1273 {offsets = [5], sizes = [1], strides = [1]} : vector<16xi32> to vector<1xi32>
      %squeeze3A_1502 = vector.extract %slice3A_1501[0] : i32 from vector<1xi32>
      %multiple_of3A_1503 = tpu.assume_multiple %squeeze3A_1502, 128 : i32
      %slice3A_1504 = vector.extract_strided_slice %and3A_1280 {offsets = [5], sizes = [1], strides = [1]} : vector<16xi32> to vector<1xi32>
      %squeeze3A_1505 = vector.extract %slice3A_1504[0] : i32 from vector<1xi32>
      %multiple_of3A_1506 = tpu.assume_multiple %squeeze3A_1505, 128 : i32
      %dma_start3A_1507 = arith.constant 2 : i32
      %dma_start3A_1508 = arith.constant 0 : i32
      %dma_start3A_1509 = arith.constant 0 : i32
      %dma_start3A_1510 = tpu.memref_slice %arg9[%dma_start3A_1507, %dma_start3A_1508, %dma_start3A_1509] : memref<3x128x128xf32, #tpu.memory_space<vmem>> -> memref<1x128x128xf32, #tpu.memory_space<vmem>>
      %dma_start3A_1511 = tpu.memref_squeeze %dma_start3A_1510 : memref<1x128x128xf32, #tpu.memory_space<vmem>> -> memref<128x128xf32, #tpu.memory_space<vmem>>
      %dma_start3A_1512 = arith.constant 80 : i32
      %dma_start3A_1513 = arith.constant 0 : i32
      %dma_start3A_1514 = tpu.memref_slice %dma_start3A_1511[%dma_start3A_1512, %dma_start3A_1513] : memref<128x128xf32, #tpu.memory_space<vmem>> -> memref<16x128xf32, #tpu.memory_space<vmem>>
      %dma_start3A_1515 = arith.constant 0 : i32
      %dma_start3A_1516 = tpu.memref_slice %arg4[%dma_start3A_1515, %multiple_of3A_1503] : memref<16x1000000xf32, #tpu.memory_space<hbm>> -> memref<16x128xf32, #tpu.memory_space<hbm>>
      %dma_start3A_1517 = arith.constant 0 : i32
      %dma_start3A_1518 = arith.constant 0 : i32
      %dma_start3A_1519 = tpu.memref_slice %arg9[%dma_start3A_1507, %dma_start3A_1517, %dma_start3A_1518] : memref<3x128x128xf32, #tpu.memory_space<vmem>> -> memref<1x128x128xf32, #tpu.memory_space<vmem>>
      %dma_start3A_1520 = tpu.memref_squeeze %dma_start3A_1519 : memref<1x128x128xf32, #tpu.memory_space<vmem>> -> memref<128x128xf32, #tpu.memory_space<vmem>>
      %dma_start3A_1521 = arith.constant 80 : i32
      %dma_start3A_1522 = arith.constant 0 : i32
      %dma_start3A_1523 = tpu.memref_slice %dma_start3A_1520[%dma_start3A_1521, %dma_start3A_1522] : memref<128x128xf32, #tpu.memory_space<vmem>> -> memref<16x128xf32, #tpu.memory_space<vmem>>
      %dma_start3A_1524 = arith.constant 0 : i32
      %dma_start3A_1525 = tpu.memref_slice %arg4[%dma_start3A_1524, %multiple_of3A_1503] : memref<16x1000000xf32, #tpu.memory_space<hbm>> -> memref<16x128xf32, #tpu.memory_space<hbm>>
      tpu.enqueue_dma source(%dma_start3A_1525 : memref<16x128xf32, #tpu.memory_space<hbm>>) target(%dma_start3A_1523 : memref<16x128xf32, #tpu.memory_space<vmem>>) target_semaphore(%arg12 : memref<!tpu.dma_semaphore, #tpu.memory_space<semaphore_mem>>)
      %dma_start3A_1526 = arith.constant 2 : i32
      %dma_start3A_1527 = arith.constant 0 : i32
      %dma_start3A_1528 = arith.constant 0 : i32
      %dma_start3A_1529 = tpu.memref_slice %arg10[%dma_start3A_1526, %dma_start3A_1527, %dma_start3A_1528] : memref<3x128x128xf32, #tpu.memory_space<vmem>> -> memref<1x128x128xf32, #tpu.memory_space<vmem>>
      %dma_start3A_1530 = tpu.memref_squeeze %dma_start3A_1529 : memref<1x128x128xf32, #tpu.memory_space<vmem>> -> memref<128x128xf32, #tpu.memory_space<vmem>>
      %dma_start3A_1531 = arith.constant 80 : i32
      %dma_start3A_1532 = arith.constant 0 : i32
      %dma_start3A_1533 = tpu.memref_slice %dma_start3A_1530[%dma_start3A_1531, %dma_start3A_1532] : memref<128x128xf32, #tpu.memory_space<vmem>> -> memref<16x128xf32, #tpu.memory_space<vmem>>
      %dma_start3A_1534 = arith.constant 0 : i32
      %dma_start3A_1535 = tpu.memref_slice %arg5[%dma_start3A_1534, %multiple_of3A_1506] : memref<16x1000000xf32, #tpu.memory_space<hbm>> -> memref<16x128xf32, #tpu.memory_space<hbm>>
      %dma_start3A_1536 = arith.constant 0 : i32
      %dma_start3A_1537 = arith.constant 0 : i32
      %dma_start3A_1538 = tpu.memref_slice %arg10[%dma_start3A_1526, %dma_start3A_1536, %dma_start3A_1537] : memref<3x128x128xf32, #tpu.memory_space<vmem>> -> memref<1x128x128xf32, #tpu.memory_space<vmem>>
      %dma_start3A_1539 = tpu.memref_squeeze %dma_start3A_1538 : memref<1x128x128xf32, #tpu.memory_space<vmem>> -> memref<128x128xf32, #tpu.memory_space<vmem>>
      %dma_start3A_1540 = arith.constant 80 : i32
      %dma_start3A_1541 = arith.constant 0 : i32
      %dma_start3A_1542 = tpu.memref_slice %dma_start3A_1539[%dma_start3A_1540, %dma_start3A_1541] : memref<128x128xf32, #tpu.memory_space<vmem>> -> memref<16x128xf32, #tpu.memory_space<vmem>>
      %dma_start3A_1543 = arith.constant 0 : i32
      %dma_start3A_1544 = tpu.memref_slice %arg5[%dma_start3A_1543, %multiple_of3A_1506] : memref<16x1000000xf32, #tpu.memory_space<hbm>> -> memref<16x128xf32, #tpu.memory_space<hbm>>
      tpu.enqueue_dma source(%dma_start3A_1544 : memref<16x128xf32, #tpu.memory_space<hbm>>) target(%dma_start3A_1542 : memref<16x128xf32, #tpu.memory_space<vmem>>) target_semaphore(%arg13 : memref<!tpu.dma_semaphore, #tpu.memory_space<semaphore_mem>>)
      %slice3A_1545 = vector.extract_strided_slice %and3A_1273 {offsets = [6], sizes = [1], strides = [1]} : vector<16xi32> to vector<1xi32>
      %squeeze3A_1546 = vector.extract %slice3A_1545[0] : i32 from vector<1xi32>
      %multiple_of3A_1547 = tpu.assume_multiple %squeeze3A_1546, 128 : i32
      %slice3A_1548 = vector.extract_strided_slice %and3A_1280 {offsets = [6], sizes = [1], strides = [1]} : vector<16xi32> to vector<1xi32>
      %squeeze3A_1549 = vector.extract %slice3A_1548[0] : i32 from vector<1xi32>
      %multiple_of3A_1550 = tpu.assume_multiple %squeeze3A_1549, 128 : i32
      %dma_start3A_1551 = arith.constant 2 : i32
      %dma_start3A_1552 = arith.constant 0 : i32
      %dma_start3A_1553 = arith.constant 0 : i32
      %dma_start3A_1554 = tpu.memref_slice %arg9[%dma_start3A_1551, %dma_start3A_1552, %dma_start3A_1553] : memref<3x128x128xf32, #tpu.memory_space<vmem>> -> memref<1x128x128xf32, #tpu.memory_space<vmem>>
      %dma_start3A_1555 = tpu.memref_squeeze %dma_start3A_1554 : memref<1x128x128xf32, #tpu.memory_space<vmem>> -> memref<128x128xf32, #tpu.memory_space<vmem>>
      %dma_start3A_1556 = arith.constant 96 : i32
      %dma_start3A_1557 = arith.constant 0 : i32
      %dma_start3A_1558 = tpu.memref_slice %dma_start3A_1555[%dma_start3A_1556, %dma_start3A_1557] : memref<128x128xf32, #tpu.memory_space<vmem>> -> memref<16x128xf32, #tpu.memory_space<vmem>>
      %dma_start3A_1559 = arith.constant 0 : i32
      %dma_start3A_1560 = tpu.memref_slice %arg4[%dma_start3A_1559, %multiple_of3A_1547] : memref<16x1000000xf32, #tpu.memory_space<hbm>> -> memref<16x128xf32, #tpu.memory_space<hbm>>
      %dma_start3A_1561 = arith.constant 0 : i32
      %dma_start3A_1562 = arith.constant 0 : i32
      %dma_start3A_1563 = tpu.memref_slice %arg9[%dma_start3A_1551, %dma_start3A_1561, %dma_start3A_1562] : memref<3x128x128xf32, #tpu.memory_space<vmem>> -> memref<1x128x128xf32, #tpu.memory_space<vmem>>
      %dma_start3A_1564 = tpu.memref_squeeze %dma_start3A_1563 : memref<1x128x128xf32, #tpu.memory_space<vmem>> -> memref<128x128xf32, #tpu.memory_space<vmem>>
      %dma_start3A_1565 = arith.constant 96 : i32
      %dma_start3A_1566 = arith.constant 0 : i32
      %dma_start3A_1567 = tpu.memref_slice %dma_start3A_1564[%dma_start3A_1565, %dma_start3A_1566] : memref<128x128xf32, #tpu.memory_space<vmem>> -> memref<16x128xf32, #tpu.memory_space<vmem>>
      %dma_start3A_1568 = arith.constant 0 : i32
      %dma_start3A_1569 = tpu.memref_slice %arg4[%dma_start3A_1568, %multiple_of3A_1547] : memref<16x1000000xf32, #tpu.memory_space<hbm>> -> memref<16x128xf32, #tpu.memory_space<hbm>>
      tpu.enqueue_dma source(%dma_start3A_1569 : memref<16x128xf32, #tpu.memory_space<hbm>>) target(%dma_start3A_1567 : memref<16x128xf32, #tpu.memory_space<vmem>>) target_semaphore(%arg12 : memref<!tpu.dma_semaphore, #tpu.memory_space<semaphore_mem>>)
      %dma_start3A_1570 = arith.constant 2 : i32
      %dma_start3A_1571 = arith.constant 0 : i32
      %dma_start3A_1572 = arith.constant 0 : i32
      %dma_start3A_1573 = tpu.memref_slice %arg10[%dma_start3A_1570, %dma_start3A_1571, %dma_start3A_1572] : memref<3x128x128xf32, #tpu.memory_space<vmem>> -> memref<1x128x128xf32, #tpu.memory_space<vmem>>
      %dma_start3A_1574 = tpu.memref_squeeze %dma_start3A_1573 : memref<1x128x128xf32, #tpu.memory_space<vmem>> -> memref<128x128xf32, #tpu.memory_space<vmem>>
      %dma_start3A_1575 = arith.constant 96 : i32
      %dma_start3A_1576 = arith.constant 0 : i32
      %dma_start3A_1577 = tpu.memref_slice %dma_start3A_1574[%dma_start3A_1575, %dma_start3A_1576] : memref<128x128xf32, #tpu.memory_space<vmem>> -> memref<16x128xf32, #tpu.memory_space<vmem>>
      %dma_start3A_1578 = arith.constant 0 : i32
      %dma_start3A_1579 = tpu.memref_slice %arg5[%dma_start3A_1578, %multiple_of3A_1550] : memref<16x1000000xf32, #tpu.memory_space<hbm>> -> memref<16x128xf32, #tpu.memory_space<hbm>>
      %dma_start3A_1580 = arith.constant 0 : i32
      %dma_start3A_1581 = arith.constant 0 : i32
      %dma_start3A_1582 = tpu.memref_slice %arg10[%dma_start3A_1570, %dma_start3A_1580, %dma_start3A_1581] : memref<3x128x128xf32, #tpu.memory_space<vmem>> -> memref<1x128x128xf32, #tpu.memory_space<vmem>>
      %dma_start3A_1583 = tpu.memref_squeeze %dma_start3A_1582 : memref<1x128x128xf32, #tpu.memory_space<vmem>> -> memref<128x128xf32, #tpu.memory_space<vmem>>
      %dma_start3A_1584 = arith.constant 96 : i32
      %dma_start3A_1585 = arith.constant 0 : i32
      %dma_start3A_1586 = tpu.memref_slice %dma_start3A_1583[%dma_start3A_1584, %dma_start3A_1585] : memref<128x128xf32, #tpu.memory_space<vmem>> -> memref<16x128xf32, #tpu.memory_space<vmem>>
      %dma_start3A_1587 = arith.constant 0 : i32
      %dma_start3A_1588 = tpu.memref_slice %arg5[%dma_start3A_1587, %multiple_of3A_1550] : memref<16x1000000xf32, #tpu.memory_space<hbm>> -> memref<16x128xf32, #tpu.memory_space<hbm>>
      tpu.enqueue_dma source(%dma_start3A_1588 : memref<16x128xf32, #tpu.memory_space<hbm>>) target(%dma_start3A_1586 : memref<16x128xf32, #tpu.memory_space<vmem>>) target_semaphore(%arg13 : memref<!tpu.dma_semaphore, #tpu.memory_space<semaphore_mem>>)
      %slice3A_1589 = vector.extract_strided_slice %and3A_1273 {offsets = [7], sizes = [1], strides = [1]} : vector<16xi32> to vector<1xi32>
      %squeeze3A_1590 = vector.extract %slice3A_1589[0] : i32 from vector<1xi32>
      %multiple_of3A_1591 = tpu.assume_multiple %squeeze3A_1590, 128 : i32
      %slice3A_1592 = vector.extract_strided_slice %and3A_1280 {offsets = [7], sizes = [1], strides = [1]} : vector<16xi32> to vector<1xi32>
      %squeeze3A_1593 = vector.extract %slice3A_1592[0] : i32 from vector<1xi32>
      %multiple_of3A_1594 = tpu.assume_multiple %squeeze3A_1593, 128 : i32
      %dma_start3A_1595 = arith.constant 2 : i32
      %dma_start3A_1596 = arith.constant 0 : i32
      %dma_start3A_1597 = arith.constant 0 : i32
      %dma_start3A_1598 = tpu.memref_slice %arg9[%dma_start3A_1595, %dma_start3A_1596, %dma_start3A_1597] : memref<3x128x128xf32, #tpu.memory_space<vmem>> -> memref<1x128x128xf32, #tpu.memory_space<vmem>>
      %dma_start3A_1599 = tpu.memref_squeeze %dma_start3A_1598 : memref<1x128x128xf32, #tpu.memory_space<vmem>> -> memref<128x128xf32, #tpu.memory_space<vmem>>
      %dma_start3A_1600 = arith.constant 112 : i32
      %dma_start3A_1601 = arith.constant 0 : i32
      %dma_start3A_1602 = tpu.memref_slice %dma_start3A_1599[%dma_start3A_1600, %dma_start3A_1601] : memref<128x128xf32, #tpu.memory_space<vmem>> -> memref<16x128xf32, #tpu.memory_space<vmem>>
      %dma_start3A_1603 = arith.constant 0 : i32
      %dma_start3A_1604 = tpu.memref_slice %arg4[%dma_start3A_1603, %multiple_of3A_1591] : memref<16x1000000xf32, #tpu.memory_space<hbm>> -> memref<16x128xf32, #tpu.memory_space<hbm>>
      %dma_start3A_1605 = arith.constant 0 : i32
      %dma_start3A_1606 = arith.constant 0 : i32
      %dma_start3A_1607 = tpu.memref_slice %arg9[%dma_start3A_1595, %dma_start3A_1605, %dma_start3A_1606] : memref<3x128x128xf32, #tpu.memory_space<vmem>> -> memref<1x128x128xf32, #tpu.memory_space<vmem>>
      %dma_start3A_1608 = tpu.memref_squeeze %dma_start3A_1607 : memref<1x128x128xf32, #tpu.memory_space<vmem>> -> memref<128x128xf32, #tpu.memory_space<vmem>>
      %dma_start3A_1609 = arith.constant 112 : i32
      %dma_start3A_1610 = arith.constant 0 : i32
      %dma_start3A_1611 = tpu.memref_slice %dma_start3A_1608[%dma_start3A_1609, %dma_start3A_1610] : memref<128x128xf32, #tpu.memory_space<vmem>> -> memref<16x128xf32, #tpu.memory_space<vmem>>
      %dma_start3A_1612 = arith.constant 0 : i32
      %dma_start3A_1613 = tpu.memref_slice %arg4[%dma_start3A_1612, %multiple_of3A_1591] : memref<16x1000000xf32, #tpu.memory_space<hbm>> -> memref<16x128xf32, #tpu.memory_space<hbm>>
      tpu.enqueue_dma source(%dma_start3A_1613 : memref<16x128xf32, #tpu.memory_space<hbm>>) target(%dma_start3A_1611 : memref<16x128xf32, #tpu.memory_space<vmem>>) target_semaphore(%arg12 : memref<!tpu.dma_semaphore, #tpu.memory_space<semaphore_mem>>)
      %dma_start3A_1614 = arith.constant 2 : i32
      %dma_start3A_1615 = arith.constant 0 : i32
      %dma_start3A_1616 = arith.constant 0 : i32
      %dma_start3A_1617 = tpu.memref_slice %arg10[%dma_start3A_1614, %dma_start3A_1615, %dma_start3A_1616] : memref<3x128x128xf32, #tpu.memory_space<vmem>> -> memref<1x128x128xf32, #tpu.memory_space<vmem>>
      %dma_start3A_1618 = tpu.memref_squeeze %dma_start3A_1617 : memref<1x128x128xf32, #tpu.memory_space<vmem>> -> memref<128x128xf32, #tpu.memory_space<vmem>>
      %dma_start3A_1619 = arith.constant 112 : i32
      %dma_start3A_1620 = arith.constant 0 : i32
      %dma_start3A_1621 = tpu.memref_slice %dma_start3A_1618[%dma_start3A_1619, %dma_start3A_1620] : memref<128x128xf32, #tpu.memory_space<vmem>> -> memref<16x128xf32, #tpu.memory_space<vmem>>
      %dma_start3A_1622 = arith.constant 0 : i32
      %dma_start3A_1623 = tpu.memref_slice %arg5[%dma_start3A_1622, %multiple_of3A_1594] : memref<16x1000000xf32, #tpu.memory_space<hbm>> -> memref<16x128xf32, #tpu.memory_space<hbm>>
      %dma_start3A_1624 = arith.constant 0 : i32
      %dma_start3A_1625 = arith.constant 0 : i32
      %dma_start3A_1626 = tpu.memref_slice %arg10[%dma_start3A_1614, %dma_start3A_1624, %dma_start3A_1625] : memref<3x128x128xf32, #tpu.memory_space<vmem>> -> memref<1x128x128xf32, #tpu.memory_space<vmem>>
      %dma_start3A_1627 = tpu.memref_squeeze %dma_start3A_1626 : memref<1x128x128xf32, #tpu.memory_space<vmem>> -> memref<128x128xf32, #tpu.memory_space<vmem>>
      %dma_start3A_1628 = arith.constant 112 : i32
      %dma_start3A_1629 = arith.constant 0 : i32
      %dma_start3A_1630 = tpu.memref_slice %dma_start3A_1627[%dma_start3A_1628, %dma_start3A_1629] : memref<128x128xf32, #tpu.memory_space<vmem>> -> memref<16x128xf32, #tpu.memory_space<vmem>>
      %dma_start3A_1631 = arith.constant 0 : i32
      %dma_start3A_1632 = tpu.memref_slice %arg5[%dma_start3A_1631, %multiple_of3A_1594] : memref<16x1000000xf32, #tpu.memory_space<hbm>> -> memref<16x128xf32, #tpu.memory_space<hbm>>
      tpu.enqueue_dma source(%dma_start3A_1632 : memref<16x128xf32, #tpu.memory_space<hbm>>) target(%dma_start3A_1630 : memref<16x128xf32, #tpu.memory_space<vmem>>) target_semaphore(%arg13 : memref<!tpu.dma_semaphore, #tpu.memory_space<semaphore_mem>>)
      %dma_wait3A_1633 = arith.constant 0 : i32
      %dma_wait3A_1634 = arith.constant 0 : i32
      %dma_wait3A_1635 = arith.constant 0 : i32
      %dma_wait3A_1636 = tpu.memref_slice %arg9[%dma_wait3A_1633, %dma_wait3A_1634, %dma_wait3A_1635] : memref<3x128x128xf32, #tpu.memory_space<vmem>> -> memref<1x128x128xf32, #tpu.memory_space<vmem>>
      %dma_wait3A_1637 = tpu.memref_squeeze %dma_wait3A_1636 : memref<1x128x128xf32, #tpu.memory_space<vmem>> -> memref<128x128xf32, #tpu.memory_space<vmem>>
      %dma_wait3A_1638 = arith.constant 0 : i32
      %dma_wait3A_1639 = arith.constant 0 : i32
      %dma_wait3A_1640 = tpu.memref_slice %dma_wait3A_1637[%dma_wait3A_1638, %dma_wait3A_1639] : memref<128x128xf32, #tpu.memory_space<vmem>> -> memref<16x128xf32, #tpu.memory_space<vmem>>
      %dma_wait3A_1641 = arith.constant 0 : i32
      %dma_wait3A_1642 = arith.constant 0 : i32
      %dma_wait3A_1643 = tpu.memref_slice %arg4[%dma_wait3A_1641, %dma_wait3A_1642] : memref<16x1000000xf32, #tpu.memory_space<hbm>> -> memref<16x128xf32, #tpu.memory_space<hbm>>
      %dma_wait3A_1644 = arith.constant 0 : i32
      %dma_wait3A_1645 = arith.constant 0 : i32
      %dma_wait3A_1646 = tpu.memref_slice %arg9[%dma_wait3A_1633, %dma_wait3A_1644, %dma_wait3A_1645] : memref<3x128x128xf32, #tpu.memory_space<vmem>> -> memref<1x128x128xf32, #tpu.memory_space<vmem>>
      %dma_wait3A_1647 = tpu.memref_squeeze %dma_wait3A_1646 : memref<1x128x128xf32, #tpu.memory_space<vmem>> -> memref<128x128xf32, #tpu.memory_space<vmem>>
      %dma_wait3A_1648 = arith.constant 0 : i32
      %dma_wait3A_1649 = arith.constant 0 : i32
      %dma_wait3A_1650 = tpu.memref_slice %dma_wait3A_1647[%dma_wait3A_1648, %dma_wait3A_1649] : memref<128x128xf32, #tpu.memory_space<vmem>> -> memref<16x128xf32, #tpu.memory_space<vmem>>
      %dma_wait3A_1651 = arith.constant 0 : i32
      %dma_wait3A_1652 = arith.constant 0 : i32
      %dma_wait3A_1653 = tpu.memref_slice %arg4[%dma_wait3A_1651, %dma_wait3A_1652] : memref<16x1000000xf32, #tpu.memory_space<hbm>> -> memref<16x128xf32, #tpu.memory_space<hbm>>
      tpu.wait_dma2 semaphore(%arg12 : memref<!tpu.dma_semaphore, #tpu.memory_space<semaphore_mem>>) src(%dma_wait3A_1653 : memref<16x128xf32, #tpu.memory_space<hbm>>) dst(%dma_wait3A_1650 : memref<16x128xf32, #tpu.memory_space<vmem>>)
      %dma_wait3A_1654 = arith.constant 0 : i32
      %dma_wait3A_1655 = arith.constant 0 : i32
      %dma_wait3A_1656 = arith.constant 0 : i32
      %dma_wait3A_1657 = tpu.memref_slice %arg10[%dma_wait3A_1654, %dma_wait3A_1655, %dma_wait3A_1656] : memref<3x128x128xf32, #tpu.memory_space<vmem>> -> memref<1x128x128xf32, #tpu.memory_space<vmem>>
      %dma_wait3A_1658 = tpu.memref_squeeze %dma_wait3A_1657 : memref<1x128x128xf32, #tpu.memory_space<vmem>> -> memref<128x128xf32, #tpu.memory_space<vmem>>
      %dma_wait3A_1659 = arith.constant 0 : i32
      %dma_wait3A_1660 = arith.constant 0 : i32
      %dma_wait3A_1661 = tpu.memref_slice %dma_wait3A_1658[%dma_wait3A_1659, %dma_wait3A_1660] : memref<128x128xf32, #tpu.memory_space<vmem>> -> memref<16x128xf32, #tpu.memory_space<vmem>>
      %dma_wait3A_1662 = arith.constant 0 : i32
      %dma_wait3A_1663 = arith.constant 0 : i32
      %dma_wait3A_1664 = tpu.memref_slice %arg4[%dma_wait3A_1662, %dma_wait3A_1663] : memref<16x1000000xf32, #tpu.memory_space<hbm>> -> memref<16x128xf32, #tpu.memory_space<hbm>>
      %dma_wait3A_1665 = arith.constant 0 : i32
      %dma_wait3A_1666 = arith.constant 0 : i32
      %dma_wait3A_1667 = tpu.memref_slice %arg10[%dma_wait3A_1654, %dma_wait3A_1665, %dma_wait3A_1666] : memref<3x128x128xf32, #tpu.memory_space<vmem>> -> memref<1x128x128xf32, #tpu.memory_space<vmem>>
      %dma_wait3A_1668 = tpu.memref_squeeze %dma_wait3A_1667 : memref<1x128x128xf32, #tpu.memory_space<vmem>> -> memref<128x128xf32, #tpu.memory_space<vmem>>
      %dma_wait3A_1669 = arith.constant 0 : i32
      %dma_wait3A_1670 = arith.constant 0 : i32
      %dma_wait3A_1671 = tpu.memref_slice %dma_wait3A_1668[%dma_wait3A_1669, %dma_wait3A_1670] : memref<128x128xf32, #tpu.memory_space<vmem>> -> memref<16x128xf32, #tpu.memory_space<vmem>>
      %dma_wait3A_1672 = arith.constant 0 : i32
      %dma_wait3A_1673 = arith.constant 0 : i32
      %dma_wait3A_1674 = tpu.memref_slice %arg4[%dma_wait3A_1672, %dma_wait3A_1673] : memref<16x1000000xf32, #tpu.memory_space<hbm>> -> memref<16x128xf32, #tpu.memory_space<hbm>>
      tpu.wait_dma2 semaphore(%arg13 : memref<!tpu.dma_semaphore, #tpu.memory_space<semaphore_mem>>) src(%dma_wait3A_1674 : memref<16x128xf32, #tpu.memory_space<hbm>>) dst(%dma_wait3A_1671 : memref<16x128xf32, #tpu.memory_space<vmem>>)
      %dma_wait3A_1675 = arith.constant 0 : i32
      %dma_wait3A_1676 = arith.constant 0 : i32
      %dma_wait3A_1677 = arith.constant 0 : i32
      %dma_wait3A_1678 = tpu.memref_slice %arg9[%dma_wait3A_1675, %dma_wait3A_1676, %dma_wait3A_1677] : memref<3x128x128xf32, #tpu.memory_space<vmem>> -> memref<1x128x128xf32, #tpu.memory_space<vmem>>
      %dma_wait3A_1679 = tpu.memref_squeeze %dma_wait3A_1678 : memref<1x128x128xf32, #tpu.memory_space<vmem>> -> memref<128x128xf32, #tpu.memory_space<vmem>>
      %dma_wait3A_1680 = arith.constant 16 : i32
      %dma_wait3A_1681 = arith.constant 0 : i32
      %dma_wait3A_1682 = tpu.memref_slice %dma_wait3A_1679[%dma_wait3A_1680, %dma_wait3A_1681] : memref<128x128xf32, #tpu.memory_space<vmem>> -> memref<16x128xf32, #tpu.memory_space<vmem>>
      %dma_wait3A_1683 = arith.constant 0 : i32
      %dma_wait3A_1684 = arith.constant 0 : i32
      %dma_wait3A_1685 = tpu.memref_slice %arg4[%dma_wait3A_1683, %dma_wait3A_1684] : memref<16x1000000xf32, #tpu.memory_space<hbm>> -> memref<16x128xf32, #tpu.memory_space<hbm>>
      %dma_wait3A_1686 = arith.constant 0 : i32
      %dma_wait3A_1687 = arith.constant 0 : i32
      %dma_wait3A_1688 = tpu.memref_slice %arg9[%dma_wait3A_1675, %dma_wait3A_1686, %dma_wait3A_1687] : memref<3x128x128xf32, #tpu.memory_space<vmem>> -> memref<1x128x128xf32, #tpu.memory_space<vmem>>
      %dma_wait3A_1689 = tpu.memref_squeeze %dma_wait3A_1688 : memref<1x128x128xf32, #tpu.memory_space<vmem>> -> memref<128x128xf32, #tpu.memory_space<vmem>>
      %dma_wait3A_1690 = arith.constant 16 : i32
      %dma_wait3A_1691 = arith.constant 0 : i32
      %dma_wait3A_1692 = tpu.memref_slice %dma_wait3A_1689[%dma_wait3A_1690, %dma_wait3A_1691] : memref<128x128xf32, #tpu.memory_space<vmem>> -> memref<16x128xf32, #tpu.memory_space<vmem>>
      %dma_wait3A_1693 = arith.constant 0 : i32
      %dma_wait3A_1694 = arith.constant 0 : i32
      %dma_wait3A_1695 = tpu.memref_slice %arg4[%dma_wait3A_1693, %dma_wait3A_1694] : memref<16x1000000xf32, #tpu.memory_space<hbm>> -> memref<16x128xf32, #tpu.memory_space<hbm>>
      tpu.wait_dma2 semaphore(%arg12 : memref<!tpu.dma_semaphore, #tpu.memory_space<semaphore_mem>>) src(%dma_wait3A_1695 : memref<16x128xf32, #tpu.memory_space<hbm>>) dst(%dma_wait3A_1692 : memref<16x128xf32, #tpu.memory_space<vmem>>)
      %dma_wait3A_1696 = arith.constant 0 : i32
      %dma_wait3A_1697 = arith.constant 0 : i32
      %dma_wait3A_1698 = arith.constant 0 : i32
      %dma_wait3A_1699 = tpu.memref_slice %arg10[%dma_wait3A_1696, %dma_wait3A_1697, %dma_wait3A_1698] : memref<3x128x128xf32, #tpu.memory_space<vmem>> -> memref<1x128x128xf32, #tpu.memory_space<vmem>>
      %dma_wait3A_1700 = tpu.memref_squeeze %dma_wait3A_1699 : memref<1x128x128xf32, #tpu.memory_space<vmem>> -> memref<128x128xf32, #tpu.memory_space<vmem>>
      %dma_wait3A_1701 = arith.constant 16 : i32
      %dma_wait3A_1702 = arith.constant 0 : i32
      %dma_wait3A_1703 = tpu.memref_slice %dma_wait3A_1700[%dma_wait3A_1701, %dma_wait3A_1702] : memref<128x128xf32, #tpu.memory_space<vmem>> -> memref<16x128xf32, #tpu.memory_space<vmem>>
      %dma_wait3A_1704 = arith.constant 0 : i32
      %dma_wait3A_1705 = arith.constant 0 : i32
      %dma_wait3A_1706 = tpu.memref_slice %arg4[%dma_wait3A_1704, %dma_wait3A_1705] : memref<16x1000000xf32, #tpu.memory_space<hbm>> -> memref<16x128xf32, #tpu.memory_space<hbm>>
      %dma_wait3A_1707 = arith.constant 0 : i32
      %dma_wait3A_1708 = arith.constant 0 : i32
      %dma_wait3A_1709 = tpu.memref_slice %arg10[%dma_wait3A_1696, %dma_wait3A_1707, %dma_wait3A_1708] : memref<3x128x128xf32, #tpu.memory_space<vmem>> -> memref<1x128x128xf32, #tpu.memory_space<vmem>>
      %dma_wait3A_1710 = tpu.memref_squeeze %dma_wait3A_1709 : memref<1x128x128xf32, #tpu.memory_space<vmem>> -> memref<128x128xf32, #tpu.memory_space<vmem>>
      %dma_wait3A_1711 = arith.constant 16 : i32
      %dma_wait3A_1712 = arith.constant 0 : i32
      %dma_wait3A_1713 = tpu.memref_slice %dma_wait3A_1710[%dma_wait3A_1711, %dma_wait3A_1712] : memref<128x128xf32, #tpu.memory_space<vmem>> -> memref<16x128xf32, #tpu.memory_space<vmem>>
      %dma_wait3A_1714 = arith.constant 0 : i32
      %dma_wait3A_1715 = arith.constant 0 : i32
      %dma_wait3A_1716 = tpu.memref_slice %arg4[%dma_wait3A_1714, %dma_wait3A_1715] : memref<16x1000000xf32, #tpu.memory_space<hbm>> -> memref<16x128xf32, #tpu.memory_space<hbm>>
      tpu.wait_dma2 semaphore(%arg13 : memref<!tpu.dma_semaphore, #tpu.memory_space<semaphore_mem>>) src(%dma_wait3A_1716 : memref<16x128xf32, #tpu.memory_space<hbm>>) dst(%dma_wait3A_1713 : memref<16x128xf32, #tpu.memory_space<vmem>>)
      %dma_wait3A_1717 = arith.constant 0 : i32
      %dma_wait3A_1718 = arith.constant 0 : i32
      %dma_wait3A_1719 = arith.constant 0 : i32
      %dma_wait3A_1720 = tpu.memref_slice %arg9[%dma_wait3A_1717, %dma_wait3A_1718, %dma_wait3A_1719] : memref<3x128x128xf32, #tpu.memory_space<vmem>> -> memref<1x128x128xf32, #tpu.memory_space<vmem>>
      %dma_wait3A_1721 = tpu.memref_squeeze %dma_wait3A_1720 : memref<1x128x128xf32, #tpu.memory_space<vmem>> -> memref<128x128xf32, #tpu.memory_space<vmem>>
      %dma_wait3A_1722 = arith.constant 32 : i32
      %dma_wait3A_1723 = arith.constant 0 : i32
      %dma_wait3A_1724 = tpu.memref_slice %dma_wait3A_1721[%dma_wait3A_1722, %dma_wait3A_1723] : memref<128x128xf32, #tpu.memory_space<vmem>> -> memref<16x128xf32, #tpu.memory_space<vmem>>
      %dma_wait3A_1725 = arith.constant 0 : i32
      %dma_wait3A_1726 = arith.constant 0 : i32
      %dma_wait3A_1727 = tpu.memref_slice %arg4[%dma_wait3A_1725, %dma_wait3A_1726] : memref<16x1000000xf32, #tpu.memory_space<hbm>> -> memref<16x128xf32, #tpu.memory_space<hbm>>
      %dma_wait3A_1728 = arith.constant 0 : i32
      %dma_wait3A_1729 = arith.constant 0 : i32
      %dma_wait3A_1730 = tpu.memref_slice %arg9[%dma_wait3A_1717, %dma_wait3A_1728, %dma_wait3A_1729] : memref<3x128x128xf32, #tpu.memory_space<vmem>> -> memref<1x128x128xf32, #tpu.memory_space<vmem>>
      %dma_wait3A_1731 = tpu.memref_squeeze %dma_wait3A_1730 : memref<1x128x128xf32, #tpu.memory_space<vmem>> -> memref<128x128xf32, #tpu.memory_space<vmem>>
      %dma_wait3A_1732 = arith.constant 32 : i32
      %dma_wait3A_1733 = arith.constant 0 : i32
      %dma_wait3A_1734 = tpu.memref_slice %dma_wait3A_1731[%dma_wait3A_1732, %dma_wait3A_1733] : memref<128x128xf32, #tpu.memory_space<vmem>> -> memref<16x128xf32, #tpu.memory_space<vmem>>
      %dma_wait3A_1735 = arith.constant 0 : i32
      %dma_wait3A_1736 = arith.constant 0 : i32
      %dma_wait3A_1737 = tpu.memref_slice %arg4[%dma_wait3A_1735, %dma_wait3A_1736] : memref<16x1000000xf32, #tpu.memory_space<hbm>> -> memref<16x128xf32, #tpu.memory_space<hbm>>
      tpu.wait_dma2 semaphore(%arg12 : memref<!tpu.dma_semaphore, #tpu.memory_space<semaphore_mem>>) src(%dma_wait3A_1737 : memref<16x128xf32, #tpu.memory_space<hbm>>) dst(%dma_wait3A_1734 : memref<16x128xf32, #tpu.memory_space<vmem>>)
      %dma_wait3A_1738 = arith.constant 0 : i32
      %dma_wait3A_1739 = arith.constant 0 : i32
      %dma_wait3A_1740 = arith.constant 0 : i32
      %dma_wait3A_1741 = tpu.memref_slice %arg10[%dma_wait3A_1738, %dma_wait3A_1739, %dma_wait3A_1740] : memref<3x128x128xf32, #tpu.memory_space<vmem>> -> memref<1x128x128xf32, #tpu.memory_space<vmem>>
      %dma_wait3A_1742 = tpu.memref_squeeze %dma_wait3A_1741 : memref<1x128x128xf32, #tpu.memory_space<vmem>> -> memref<128x128xf32, #tpu.memory_space<vmem>>
      %dma_wait3A_1743 = arith.constant 32 : i32
      %dma_wait3A_1744 = arith.constant 0 : i32
      %dma_wait3A_1745 = tpu.memref_slice %dma_wait3A_1742[%dma_wait3A_1743, %dma_wait3A_1744] : memref<128x128xf32, #tpu.memory_space<vmem>> -> memref<16x128xf32, #tpu.memory_space<vmem>>
      %dma_wait3A_1746 = arith.constant 0 : i32
      %dma_wait3A_1747 = arith.constant 0 : i32
      %dma_wait3A_1748 = tpu.memref_slice %arg4[%dma_wait3A_1746, %dma_wait3A_1747] : memref<16x1000000xf32, #tpu.memory_space<hbm>> -> memref<16x128xf32, #tpu.memory_space<hbm>>
      %dma_wait3A_1749 = arith.constant 0 : i32
      %dma_wait3A_1750 = arith.constant 0 : i32
      %dma_wait3A_1751 = tpu.memref_slice %arg10[%dma_wait3A_1738, %dma_wait3A_1749, %dma_wait3A_1750] : memref<3x128x128xf32, #tpu.memory_space<vmem>> -> memref<1x128x128xf32, #tpu.memory_space<vmem>>
      %dma_wait3A_1752 = tpu.memref_squeeze %dma_wait3A_1751 : memref<1x128x128xf32, #tpu.memory_space<vmem>> -> memref<128x128xf32, #tpu.memory_space<vmem>>
      %dma_wait3A_1753 = arith.constant 32 : i32
      %dma_wait3A_1754 = arith.constant 0 : i32
      %dma_wait3A_1755 = tpu.memref_slice %dma_wait3A_1752[%dma_wait3A_1753, %dma_wait3A_1754] : memref<128x128xf32, #tpu.memory_space<vmem>> -> memref<16x128xf32, #tpu.memory_space<vmem>>
      %dma_wait3A_1756 = arith.constant 0 : i32
      %dma_wait3A_1757 = arith.constant 0 : i32
      %dma_wait3A_1758 = tpu.memref_slice %arg4[%dma_wait3A_1756, %dma_wait3A_1757] : memref<16x1000000xf32, #tpu.memory_space<hbm>> -> memref<16x128xf32, #tpu.memory_space<hbm>>
      tpu.wait_dma2 semaphore(%arg13 : memref<!tpu.dma_semaphore, #tpu.memory_space<semaphore_mem>>) src(%dma_wait3A_1758 : memref<16x128xf32, #tpu.memory_space<hbm>>) dst(%dma_wait3A_1755 : memref<16x128xf32, #tpu.memory_space<vmem>>)
      %dma_wait3A_1759 = arith.constant 0 : i32
      %dma_wait3A_1760 = arith.constant 0 : i32
      %dma_wait3A_1761 = arith.constant 0 : i32
      %dma_wait3A_1762 = tpu.memref_slice %arg9[%dma_wait3A_1759, %dma_wait3A_1760, %dma_wait3A_1761] : memref<3x128x128xf32, #tpu.memory_space<vmem>> -> memref<1x128x128xf32, #tpu.memory_space<vmem>>
      %dma_wait3A_1763 = tpu.memref_squeeze %dma_wait3A_1762 : memref<1x128x128xf32, #tpu.memory_space<vmem>> -> memref<128x128xf32, #tpu.memory_space<vmem>>
      %dma_wait3A_1764 = arith.constant 48 : i32
      %dma_wait3A_1765 = arith.constant 0 : i32
      %dma_wait3A_1766 = tpu.memref_slice %dma_wait3A_1763[%dma_wait3A_1764, %dma_wait3A_1765] : memref<128x128xf32, #tpu.memory_space<vmem>> -> memref<16x128xf32, #tpu.memory_space<vmem>>
      %dma_wait3A_1767 = arith.constant 0 : i32
      %dma_wait3A_1768 = arith.constant 0 : i32
      %dma_wait3A_1769 = tpu.memref_slice %arg4[%dma_wait3A_1767, %dma_wait3A_1768] : memref<16x1000000xf32, #tpu.memory_space<hbm>> -> memref<16x128xf32, #tpu.memory_space<hbm>>
      %dma_wait3A_1770 = arith.constant 0 : i32
      %dma_wait3A_1771 = arith.constant 0 : i32
      %dma_wait3A_1772 = tpu.memref_slice %arg9[%dma_wait3A_1759, %dma_wait3A_1770, %dma_wait3A_1771] : memref<3x128x128xf32, #tpu.memory_space<vmem>> -> memref<1x128x128xf32, #tpu.memory_space<vmem>>
      %dma_wait3A_1773 = tpu.memref_squeeze %dma_wait3A_1772 : memref<1x128x128xf32, #tpu.memory_space<vmem>> -> memref<128x128xf32, #tpu.memory_space<vmem>>
      %dma_wait3A_1774 = arith.constant 48 : i32
      %dma_wait3A_1775 = arith.constant 0 : i32
      %dma_wait3A_1776 = tpu.memref_slice %dma_wait3A_1773[%dma_wait3A_1774, %dma_wait3A_1775] : memref<128x128xf32, #tpu.memory_space<vmem>> -> memref<16x128xf32, #tpu.memory_space<vmem>>
      %dma_wait3A_1777 = arith.constant 0 : i32
      %dma_wait3A_1778 = arith.constant 0 : i32
      %dma_wait3A_1779 = tpu.memref_slice %arg4[%dma_wait3A_1777, %dma_wait3A_1778] : memref<16x1000000xf32, #tpu.memory_space<hbm>> -> memref<16x128xf32, #tpu.memory_space<hbm>>
      tpu.wait_dma2 semaphore(%arg12 : memref<!tpu.dma_semaphore, #tpu.memory_space<semaphore_mem>>) src(%dma_wait3A_1779 : memref<16x128xf32, #tpu.memory_space<hbm>>) dst(%dma_wait3A_1776 : memref<16x128xf32, #tpu.memory_space<vmem>>)
      %dma_wait3A_1780 = arith.constant 0 : i32
      %dma_wait3A_1781 = arith.constant 0 : i32
      %dma_wait3A_1782 = arith.constant 0 : i32
      %dma_wait3A_1783 = tpu.memref_slice %arg10[%dma_wait3A_1780, %dma_wait3A_1781, %dma_wait3A_1782] : memref<3x128x128xf32, #tpu.memory_space<vmem>> -> memref<1x128x128xf32, #tpu.memory_space<vmem>>
      %dma_wait3A_1784 = tpu.memref_squeeze %dma_wait3A_1783 : memref<1x128x128xf32, #tpu.memory_space<vmem>> -> memref<128x128xf32, #tpu.memory_space<vmem>>
      %dma_wait3A_1785 = arith.constant 48 : i32
      %dma_wait3A_1786 = arith.constant 0 : i32
      %dma_wait3A_1787 = tpu.memref_slice %dma_wait3A_1784[%dma_wait3A_1785, %dma_wait3A_1786] : memref<128x128xf32, #tpu.memory_space<vmem>> -> memref<16x128xf32, #tpu.memory_space<vmem>>
      %dma_wait3A_1788 = arith.constant 0 : i32
      %dma_wait3A_1789 = arith.constant 0 : i32
      %dma_wait3A_1790 = tpu.memref_slice %arg4[%dma_wait3A_1788, %dma_wait3A_1789] : memref<16x1000000xf32, #tpu.memory_space<hbm>> -> memref<16x128xf32, #tpu.memory_space<hbm>>
      %dma_wait3A_1791 = arith.constant 0 : i32
      %dma_wait3A_1792 = arith.constant 0 : i32
      %dma_wait3A_1793 = tpu.memref_slice %arg10[%dma_wait3A_1780, %dma_wait3A_1791, %dma_wait3A_1792] : memref<3x128x128xf32, #tpu.memory_space<vmem>> -> memref<1x128x128xf32, #tpu.memory_space<vmem>>
      %dma_wait3A_1794 = tpu.memref_squeeze %dma_wait3A_1793 : memref<1x128x128xf32, #tpu.memory_space<vmem>> -> memref<128x128xf32, #tpu.memory_space<vmem>>
      %dma_wait3A_1795 = arith.constant 48 : i32
      %dma_wait3A_1796 = arith.constant 0 : i32
      %dma_wait3A_1797 = tpu.memref_slice %dma_wait3A_1794[%dma_wait3A_1795, %dma_wait3A_1796] : memref<128x128xf32, #tpu.memory_space<vmem>> -> memref<16x128xf32, #tpu.memory_space<vmem>>
      %dma_wait3A_1798 = arith.constant 0 : i32
      %dma_wait3A_1799 = arith.constant 0 : i32
      %dma_wait3A_1800 = tpu.memref_slice %arg4[%dma_wait3A_1798, %dma_wait3A_1799] : memref<16x1000000xf32, #tpu.memory_space<hbm>> -> memref<16x128xf32, #tpu.memory_space<hbm>>
      tpu.wait_dma2 semaphore(%arg13 : memref<!tpu.dma_semaphore, #tpu.memory_space<semaphore_mem>>) src(%dma_wait3A_1800 : memref<16x128xf32, #tpu.memory_space<hbm>>) dst(%dma_wait3A_1797 : memref<16x128xf32, #tpu.memory_space<vmem>>)
      %dma_wait3A_1801 = arith.constant 0 : i32
      %dma_wait3A_1802 = arith.constant 0 : i32
      %dma_wait3A_1803 = arith.constant 0 : i32
      %dma_wait3A_1804 = tpu.memref_slice %arg9[%dma_wait3A_1801, %dma_wait3A_1802, %dma_wait3A_1803] : memref<3x128x128xf32, #tpu.memory_space<vmem>> -> memref<1x128x128xf32, #tpu.memory_space<vmem>>
      %dma_wait3A_1805 = tpu.memref_squeeze %dma_wait3A_1804 : memref<1x128x128xf32, #tpu.memory_space<vmem>> -> memref<128x128xf32, #tpu.memory_space<vmem>>
      %dma_wait3A_1806 = arith.constant 64 : i32
      %dma_wait3A_1807 = arith.constant 0 : i32
      %dma_wait3A_1808 = tpu.memref_slice %dma_wait3A_1805[%dma_wait3A_1806, %dma_wait3A_1807] : memref<128x128xf32, #tpu.memory_space<vmem>> -> memref<16x128xf32, #tpu.memory_space<vmem>>
      %dma_wait3A_1809 = arith.constant 0 : i32
      %dma_wait3A_1810 = arith.constant 0 : i32
      %dma_wait3A_1811 = tpu.memref_slice %arg4[%dma_wait3A_1809, %dma_wait3A_1810] : memref<16x1000000xf32, #tpu.memory_space<hbm>> -> memref<16x128xf32, #tpu.memory_space<hbm>>
      %dma_wait3A_1812 = arith.constant 0 : i32
      %dma_wait3A_1813 = arith.constant 0 : i32
      %dma_wait3A_1814 = tpu.memref_slice %arg9[%dma_wait3A_1801, %dma_wait3A_1812, %dma_wait3A_1813] : memref<3x128x128xf32, #tpu.memory_space<vmem>> -> memref<1x128x128xf32, #tpu.memory_space<vmem>>
      %dma_wait3A_1815 = tpu.memref_squeeze %dma_wait3A_1814 : memref<1x128x128xf32, #tpu.memory_space<vmem>> -> memref<128x128xf32, #tpu.memory_space<vmem>>
      %dma_wait3A_1816 = arith.constant 64 : i32
      %dma_wait3A_1817 = arith.constant 0 : i32
      %dma_wait3A_1818 = tpu.memref_slice %dma_wait3A_1815[%dma_wait3A_1816, %dma_wait3A_1817] : memref<128x128xf32, #tpu.memory_space<vmem>> -> memref<16x128xf32, #tpu.memory_space<vmem>>
      %dma_wait3A_1819 = arith.constant 0 : i32
      %dma_wait3A_1820 = arith.constant 0 : i32
      %dma_wait3A_1821 = tpu.memref_slice %arg4[%dma_wait3A_1819, %dma_wait3A_1820] : memref<16x1000000xf32, #tpu.memory_space<hbm>> -> memref<16x128xf32, #tpu.memory_space<hbm>>
      tpu.wait_dma2 semaphore(%arg12 : memref<!tpu.dma_semaphore, #tpu.memory_space<semaphore_mem>>) src(%dma_wait3A_1821 : memref<16x128xf32, #tpu.memory_space<hbm>>) dst(%dma_wait3A_1818 : memref<16x128xf32, #tpu.memory_space<vmem>>)
      %dma_wait3A_1822 = arith.constant 0 : i32
      %dma_wait3A_1823 = arith.constant 0 : i32
      %dma_wait3A_1824 = arith.constant 0 : i32
      %dma_wait3A_1825 = tpu.memref_slice %arg10[%dma_wait3A_1822, %dma_wait3A_1823, %dma_wait3A_1824] : memref<3x128x128xf32, #tpu.memory_space<vmem>> -> memref<1x128x128xf32, #tpu.memory_space<vmem>>
      %dma_wait3A_1826 = tpu.memref_squeeze %dma_wait3A_1825 : memref<1x128x128xf32, #tpu.memory_space<vmem>> -> memref<128x128xf32, #tpu.memory_space<vmem>>
      %dma_wait3A_1827 = arith.constant 64 : i32
      %dma_wait3A_1828 = arith.constant 0 : i32
      %dma_wait3A_1829 = tpu.memref_slice %dma_wait3A_1826[%dma_wait3A_1827, %dma_wait3A_1828] : memref<128x128xf32, #tpu.memory_space<vmem>> -> memref<16x128xf32, #tpu.memory_space<vmem>>
      %dma_wait3A_1830 = arith.constant 0 : i32
      %dma_wait3A_1831 = arith.constant 0 : i32
      %dma_wait3A_1832 = tpu.memref_slice %arg4[%dma_wait3A_1830, %dma_wait3A_1831] : memref<16x1000000xf32, #tpu.memory_space<hbm>> -> memref<16x128xf32, #tpu.memory_space<hbm>>
      %dma_wait3A_1833 = arith.constant 0 : i32
      %dma_wait3A_1834 = arith.constant 0 : i32
      %dma_wait3A_1835 = tpu.memref_slice %arg10[%dma_wait3A_1822, %dma_wait3A_1833, %dma_wait3A_1834] : memref<3x128x128xf32, #tpu.memory_space<vmem>> -> memref<1x128x128xf32, #tpu.memory_space<vmem>>
      %dma_wait3A_1836 = tpu.memref_squeeze %dma_wait3A_1835 : memref<1x128x128xf32, #tpu.memory_space<vmem>> -> memref<128x128xf32, #tpu.memory_space<vmem>>
      %dma_wait3A_1837 = arith.constant 64 : i32
      %dma_wait3A_1838 = arith.constant 0 : i32
      %dma_wait3A_1839 = tpu.memref_slice %dma_wait3A_1836[%dma_wait3A_1837, %dma_wait3A_1838] : memref<128x128xf32, #tpu.memory_space<vmem>> -> memref<16x128xf32, #tpu.memory_space<vmem>>
      %dma_wait3A_1840 = arith.constant 0 : i32
      %dma_wait3A_1841 = arith.constant 0 : i32
      %dma_wait3A_1842 = tpu.memref_slice %arg4[%dma_wait3A_1840, %dma_wait3A_1841] : memref<16x1000000xf32, #tpu.memory_space<hbm>> -> memref<16x128xf32, #tpu.memory_space<hbm>>
      tpu.wait_dma2 semaphore(%arg13 : memref<!tpu.dma_semaphore, #tpu.memory_space<semaphore_mem>>) src(%dma_wait3A_1842 : memref<16x128xf32, #tpu.memory_space<hbm>>) dst(%dma_wait3A_1839 : memref<16x128xf32, #tpu.memory_space<vmem>>)
      %dma_wait3A_1843 = arith.constant 0 : i32
      %dma_wait3A_1844 = arith.constant 0 : i32
      %dma_wait3A_1845 = arith.constant 0 : i32
      %dma_wait3A_1846 = tpu.memref_slice %arg9[%dma_wait3A_1843, %dma_wait3A_1844, %dma_wait3A_1845] : memref<3x128x128xf32, #tpu.memory_space<vmem>> -> memref<1x128x128xf32, #tpu.memory_space<vmem>>
      %dma_wait3A_1847 = tpu.memref_squeeze %dma_wait3A_1846 : memref<1x128x128xf32, #tpu.memory_space<vmem>> -> memref<128x128xf32, #tpu.memory_space<vmem>>
      %dma_wait3A_1848 = arith.constant 80 : i32
      %dma_wait3A_1849 = arith.constant 0 : i32
      %dma_wait3A_1850 = tpu.memref_slice %dma_wait3A_1847[%dma_wait3A_1848, %dma_wait3A_1849] : memref<128x128xf32, #tpu.memory_space<vmem>> -> memref<16x128xf32, #tpu.memory_space<vmem>>
      %dma_wait3A_1851 = arith.constant 0 : i32
      %dma_wait3A_1852 = arith.constant 0 : i32
      %dma_wait3A_1853 = tpu.memref_slice %arg4[%dma_wait3A_1851, %dma_wait3A_1852] : memref<16x1000000xf32, #tpu.memory_space<hbm>> -> memref<16x128xf32, #tpu.memory_space<hbm>>
      %dma_wait3A_1854 = arith.constant 0 : i32
      %dma_wait3A_1855 = arith.constant 0 : i32
      %dma_wait3A_1856 = tpu.memref_slice %arg9[%dma_wait3A_1843, %dma_wait3A_1854, %dma_wait3A_1855] : memref<3x128x128xf32, #tpu.memory_space<vmem>> -> memref<1x128x128xf32, #tpu.memory_space<vmem>>
      %dma_wait3A_1857 = tpu.memref_squeeze %dma_wait3A_1856 : memref<1x128x128xf32, #tpu.memory_space<vmem>> -> memref<128x128xf32, #tpu.memory_space<vmem>>
      %dma_wait3A_1858 = arith.constant 80 : i32
      %dma_wait3A_1859 = arith.constant 0 : i32
      %dma_wait3A_1860 = tpu.memref_slice %dma_wait3A_1857[%dma_wait3A_1858, %dma_wait3A_1859] : memref<128x128xf32, #tpu.memory_space<vmem>> -> memref<16x128xf32, #tpu.memory_space<vmem>>
      %dma_wait3A_1861 = arith.constant 0 : i32
      %dma_wait3A_1862 = arith.constant 0 : i32
      %dma_wait3A_1863 = tpu.memref_slice %arg4[%dma_wait3A_1861, %dma_wait3A_1862] : memref<16x1000000xf32, #tpu.memory_space<hbm>> -> memref<16x128xf32, #tpu.memory_space<hbm>>
      tpu.wait_dma2 semaphore(%arg12 : memref<!tpu.dma_semaphore, #tpu.memory_space<semaphore_mem>>) src(%dma_wait3A_1863 : memref<16x128xf32, #tpu.memory_space<hbm>>) dst(%dma_wait3A_1860 : memref<16x128xf32, #tpu.memory_space<vmem>>)
      %dma_wait3A_1864 = arith.constant 0 : i32
      %dma_wait3A_1865 = arith.constant 0 : i32
      %dma_wait3A_1866 = arith.constant 0 : i32
      %dma_wait3A_1867 = tpu.memref_slice %arg10[%dma_wait3A_1864, %dma_wait3A_1865, %dma_wait3A_1866] : memref<3x128x128xf32, #tpu.memory_space<vmem>> -> memref<1x128x128xf32, #tpu.memory_space<vmem>>
      %dma_wait3A_1868 = tpu.memref_squeeze %dma_wait3A_1867 : memref<1x128x128xf32, #tpu.memory_space<vmem>> -> memref<128x128xf32, #tpu.memory_space<vmem>>
      %dma_wait3A_1869 = arith.constant 80 : i32
      %dma_wait3A_1870 = arith.constant 0 : i32
      %dma_wait3A_1871 = tpu.memref_slice %dma_wait3A_1868[%dma_wait3A_1869, %dma_wait3A_1870] : memref<128x128xf32, #tpu.memory_space<vmem>> -> memref<16x128xf32, #tpu.memory_space<vmem>>
      %dma_wait3A_1872 = arith.constant 0 : i32
      %dma_wait3A_1873 = arith.constant 0 : i32
      %dma_wait3A_1874 = tpu.memref_slice %arg4[%dma_wait3A_1872, %dma_wait3A_1873] : memref<16x1000000xf32, #tpu.memory_space<hbm>> -> memref<16x128xf32, #tpu.memory_space<hbm>>
      %dma_wait3A_1875 = arith.constant 0 : i32
      %dma_wait3A_1876 = arith.constant 0 : i32
      %dma_wait3A_1877 = tpu.memref_slice %arg10[%dma_wait3A_1864, %dma_wait3A_1875, %dma_wait3A_1876] : memref<3x128x128xf32, #tpu.memory_space<vmem>> -> memref<1x128x128xf32, #tpu.memory_space<vmem>>
      %dma_wait3A_1878 = tpu.memref_squeeze %dma_wait3A_1877 : memref<1x128x128xf32, #tpu.memory_space<vmem>> -> memref<128x128xf32, #tpu.memory_space<vmem>>
      %dma_wait3A_1879 = arith.constant 80 : i32
      %dma_wait3A_1880 = arith.constant 0 : i32
      %dma_wait3A_1881 = tpu.memref_slice %dma_wait3A_1878[%dma_wait3A_1879, %dma_wait3A_1880] : memref<128x128xf32, #tpu.memory_space<vmem>> -> memref<16x128xf32, #tpu.memory_space<vmem>>
      %dma_wait3A_1882 = arith.constant 0 : i32
      %dma_wait3A_1883 = arith.constant 0 : i32
      %dma_wait3A_1884 = tpu.memref_slice %arg4[%dma_wait3A_1882, %dma_wait3A_1883] : memref<16x1000000xf32, #tpu.memory_space<hbm>> -> memref<16x128xf32, #tpu.memory_space<hbm>>
      tpu.wait_dma2 semaphore(%arg13 : memref<!tpu.dma_semaphore, #tpu.memory_space<semaphore_mem>>) src(%dma_wait3A_1884 : memref<16x128xf32, #tpu.memory_space<hbm>>) dst(%dma_wait3A_1881 : memref<16x128xf32, #tpu.memory_space<vmem>>)
      %dma_wait3A_1885 = arith.constant 0 : i32
      %dma_wait3A_1886 = arith.constant 0 : i32
      %dma_wait3A_1887 = arith.constant 0 : i32
      %dma_wait3A_1888 = tpu.memref_slice %arg9[%dma_wait3A_1885, %dma_wait3A_1886, %dma_wait3A_1887] : memref<3x128x128xf32, #tpu.memory_space<vmem>> -> memref<1x128x128xf32, #tpu.memory_space<vmem>>
      %dma_wait3A_1889 = tpu.memref_squeeze %dma_wait3A_1888 : memref<1x128x128xf32, #tpu.memory_space<vmem>> -> memref<128x128xf32, #tpu.memory_space<vmem>>
      %dma_wait3A_1890 = arith.constant 96 : i32
      %dma_wait3A_1891 = arith.constant 0 : i32
      %dma_wait3A_1892 = tpu.memref_slice %dma_wait3A_1889[%dma_wait3A_1890, %dma_wait3A_1891] : memref<128x128xf32, #tpu.memory_space<vmem>> -> memref<16x128xf32, #tpu.memory_space<vmem>>
      %dma_wait3A_1893 = arith.constant 0 : i32
      %dma_wait3A_1894 = arith.constant 0 : i32
      %dma_wait3A_1895 = tpu.memref_slice %arg4[%dma_wait3A_1893, %dma_wait3A_1894] : memref<16x1000000xf32, #tpu.memory_space<hbm>> -> memref<16x128xf32, #tpu.memory_space<hbm>>
      %dma_wait3A_1896 = arith.constant 0 : i32
      %dma_wait3A_1897 = arith.constant 0 : i32
      %dma_wait3A_1898 = tpu.memref_slice %arg9[%dma_wait3A_1885, %dma_wait3A_1896, %dma_wait3A_1897] : memref<3x128x128xf32, #tpu.memory_space<vmem>> -> memref<1x128x128xf32, #tpu.memory_space<vmem>>
      %dma_wait3A_1899 = tpu.memref_squeeze %dma_wait3A_1898 : memref<1x128x128xf32, #tpu.memory_space<vmem>> -> memref<128x128xf32, #tpu.memory_space<vmem>>
      %dma_wait3A_1900 = arith.constant 96 : i32
      %dma_wait3A_1901 = arith.constant 0 : i32
      %dma_wait3A_1902 = tpu.memref_slice %dma_wait3A_1899[%dma_wait3A_1900, %dma_wait3A_1901] : memref<128x128xf32, #tpu.memory_space<vmem>> -> memref<16x128xf32, #tpu.memory_space<vmem>>
      %dma_wait3A_1903 = arith.constant 0 : i32
      %dma_wait3A_1904 = arith.constant 0 : i32
      %dma_wait3A_1905 = tpu.memref_slice %arg4[%dma_wait3A_1903, %dma_wait3A_1904] : memref<16x1000000xf32, #tpu.memory_space<hbm>> -> memref<16x128xf32, #tpu.memory_space<hbm>>
      tpu.wait_dma2 semaphore(%arg12 : memref<!tpu.dma_semaphore, #tpu.memory_space<semaphore_mem>>) src(%dma_wait3A_1905 : memref<16x128xf32, #tpu.memory_space<hbm>>) dst(%dma_wait3A_1902 : memref<16x128xf32, #tpu.memory_space<vmem>>)
      %dma_wait3A_1906 = arith.constant 0 : i32
      %dma_wait3A_1907 = arith.constant 0 : i32
      %dma_wait3A_1908 = arith.constant 0 : i32
      %dma_wait3A_1909 = tpu.memref_slice %arg10[%dma_wait3A_1906, %dma_wait3A_1907, %dma_wait3A_1908] : memref<3x128x128xf32, #tpu.memory_space<vmem>> -> memref<1x128x128xf32, #tpu.memory_space<vmem>>
      %dma_wait3A_1910 = tpu.memref_squeeze %dma_wait3A_1909 : memref<1x128x128xf32, #tpu.memory_space<vmem>> -> memref<128x128xf32, #tpu.memory_space<vmem>>
      %dma_wait3A_1911 = arith.constant 96 : i32
      %dma_wait3A_1912 = arith.constant 0 : i32
      %dma_wait3A_1913 = tpu.memref_slice %dma_wait3A_1910[%dma_wait3A_1911, %dma_wait3A_1912] : memref<128x128xf32, #tpu.memory_space<vmem>> -> memref<16x128xf32, #tpu.memory_space<vmem>>
      %dma_wait3A_1914 = arith.constant 0 : i32
      %dma_wait3A_1915 = arith.constant 0 : i32
      %dma_wait3A_1916 = tpu.memref_slice %arg4[%dma_wait3A_1914, %dma_wait3A_1915] : memref<16x1000000xf32, #tpu.memory_space<hbm>> -> memref<16x128xf32, #tpu.memory_space<hbm>>
      %dma_wait3A_1917 = arith.constant 0 : i32
      %dma_wait3A_1918 = arith.constant 0 : i32
      %dma_wait3A_1919 = tpu.memref_slice %arg10[%dma_wait3A_1906, %dma_wait3A_1917, %dma_wait3A_1918] : memref<3x128x128xf32, #tpu.memory_space<vmem>> -> memref<1x128x128xf32, #tpu.memory_space<vmem>>
      %dma_wait3A_1920 = tpu.memref_squeeze %dma_wait3A_1919 : memref<1x128x128xf32, #tpu.memory_space<vmem>> -> memref<128x128xf32, #tpu.memory_space<vmem>>
      %dma_wait3A_1921 = arith.constant 96 : i32
      %dma_wait3A_1922 = arith.constant 0 : i32
      %dma_wait3A_1923 = tpu.memref_slice %dma_wait3A_1920[%dma_wait3A_1921, %dma_wait3A_1922] : memref<128x128xf32, #tpu.memory_space<vmem>> -> memref<16x128xf32, #tpu.memory_space<vmem>>
      %dma_wait3A_1924 = arith.constant 0 : i32
      %dma_wait3A_1925 = arith.constant 0 : i32
      %dma_wait3A_1926 = tpu.memref_slice %arg4[%dma_wait3A_1924, %dma_wait3A_1925] : memref<16x1000000xf32, #tpu.memory_space<hbm>> -> memref<16x128xf32, #tpu.memory_space<hbm>>
      tpu.wait_dma2 semaphore(%arg13 : memref<!tpu.dma_semaphore, #tpu.memory_space<semaphore_mem>>) src(%dma_wait3A_1926 : memref<16x128xf32, #tpu.memory_space<hbm>>) dst(%dma_wait3A_1923 : memref<16x128xf32, #tpu.memory_space<vmem>>)
      %dma_wait3A_1927 = arith.constant 0 : i32
      %dma_wait3A_1928 = arith.constant 0 : i32
      %dma_wait3A_1929 = arith.constant 0 : i32
      %dma_wait3A_1930 = tpu.memref_slice %arg9[%dma_wait3A_1927, %dma_wait3A_1928, %dma_wait3A_1929] : memref<3x128x128xf32, #tpu.memory_space<vmem>> -> memref<1x128x128xf32, #tpu.memory_space<vmem>>
      %dma_wait3A_1931 = tpu.memref_squeeze %dma_wait3A_1930 : memref<1x128x128xf32, #tpu.memory_space<vmem>> -> memref<128x128xf32, #tpu.memory_space<vmem>>
      %dma_wait3A_1932 = arith.constant 112 : i32
      %dma_wait3A_1933 = arith.constant 0 : i32
      %dma_wait3A_1934 = tpu.memref_slice %dma_wait3A_1931[%dma_wait3A_1932, %dma_wait3A_1933] : memref<128x128xf32, #tpu.memory_space<vmem>> -> memref<16x128xf32, #tpu.memory_space<vmem>>
      %dma_wait3A_1935 = arith.constant 0 : i32
      %dma_wait3A_1936 = arith.constant 0 : i32
      %dma_wait3A_1937 = tpu.memref_slice %arg4[%dma_wait3A_1935, %dma_wait3A_1936] : memref<16x1000000xf32, #tpu.memory_space<hbm>> -> memref<16x128xf32, #tpu.memory_space<hbm>>
      %dma_wait3A_1938 = arith.constant 0 : i32
      %dma_wait3A_1939 = arith.constant 0 : i32
      %dma_wait3A_1940 = tpu.memref_slice %arg9[%dma_wait3A_1927, %dma_wait3A_1938, %dma_wait3A_1939] : memref<3x128x128xf32, #tpu.memory_space<vmem>> -> memref<1x128x128xf32, #tpu.memory_space<vmem>>
      %dma_wait3A_1941 = tpu.memref_squeeze %dma_wait3A_1940 : memref<1x128x128xf32, #tpu.memory_space<vmem>> -> memref<128x128xf32, #tpu.memory_space<vmem>>
      %dma_wait3A_1942 = arith.constant 112 : i32
      %dma_wait3A_1943 = arith.constant 0 : i32
      %dma_wait3A_1944 = tpu.memref_slice %dma_wait3A_1941[%dma_wait3A_1942, %dma_wait3A_1943] : memref<128x128xf32, #tpu.memory_space<vmem>> -> memref<16x128xf32, #tpu.memory_space<vmem>>
      %dma_wait3A_1945 = arith.constant 0 : i32
      %dma_wait3A_1946 = arith.constant 0 : i32
      %dma_wait3A_1947 = tpu.memref_slice %arg4[%dma_wait3A_1945, %dma_wait3A_1946] : memref<16x1000000xf32, #tpu.memory_space<hbm>> -> memref<16x128xf32, #tpu.memory_space<hbm>>
      tpu.wait_dma2 semaphore(%arg12 : memref<!tpu.dma_semaphore, #tpu.memory_space<semaphore_mem>>) src(%dma_wait3A_1947 : memref<16x128xf32, #tpu.memory_space<hbm>>) dst(%dma_wait3A_1944 : memref<16x128xf32, #tpu.memory_space<vmem>>)
      %dma_wait3A_1948 = arith.constant 0 : i32
      %dma_wait3A_1949 = arith.constant 0 : i32
      %dma_wait3A_1950 = arith.constant 0 : i32
      %dma_wait3A_1951 = tpu.memref_slice %arg10[%dma_wait3A_1948, %dma_wait3A_1949, %dma_wait3A_1950] : memref<3x128x128xf32, #tpu.memory_space<vmem>> -> memref<1x128x128xf32, #tpu.memory_space<vmem>>
      %dma_wait3A_1952 = tpu.memref_squeeze %dma_wait3A_1951 : memref<1x128x128xf32, #tpu.memory_space<vmem>> -> memref<128x128xf32, #tpu.memory_space<vmem>>
      %dma_wait3A_1953 = arith.constant 112 : i32
      %dma_wait3A_1954 = arith.constant 0 : i32
      %dma_wait3A_1955 = tpu.memref_slice %dma_wait3A_1952[%dma_wait3A_1953, %dma_wait3A_1954] : memref<128x128xf32, #tpu.memory_space<vmem>> -> memref<16x128xf32, #tpu.memory_space<vmem>>
      %dma_wait3A_1956 = arith.constant 0 : i32
      %dma_wait3A_1957 = arith.constant 0 : i32
      %dma_wait3A_1958 = tpu.memref_slice %arg4[%dma_wait3A_1956, %dma_wait3A_1957] : memref<16x1000000xf32, #tpu.memory_space<hbm>> -> memref<16x128xf32, #tpu.memory_space<hbm>>
      %dma_wait3A_1959 = arith.constant 0 : i32
      %dma_wait3A_1960 = arith.constant 0 : i32
      %dma_wait3A_1961 = tpu.memref_slice %arg10[%dma_wait3A_1948, %dma_wait3A_1959, %dma_wait3A_1960] : memref<3x128x128xf32, #tpu.memory_space<vmem>> -> memref<1x128x128xf32, #tpu.memory_space<vmem>>
      %dma_wait3A_1962 = tpu.memref_squeeze %dma_wait3A_1961 : memref<1x128x128xf32, #tpu.memory_space<vmem>> -> memref<128x128xf32, #tpu.memory_space<vmem>>
      %dma_wait3A_1963 = arith.constant 112 : i32
      %dma_wait3A_1964 = arith.constant 0 : i32
      %dma_wait3A_1965 = tpu.memref_slice %dma_wait3A_1962[%dma_wait3A_1963, %dma_wait3A_1964] : memref<128x128xf32, #tpu.memory_space<vmem>> -> memref<16x128xf32, #tpu.memory_space<vmem>>
      %dma_wait3A_1966 = arith.constant 0 : i32
      %dma_wait3A_1967 = arith.constant 0 : i32
      %dma_wait3A_1968 = tpu.memref_slice %arg4[%dma_wait3A_1966, %dma_wait3A_1967] : memref<16x1000000xf32, #tpu.memory_space<hbm>> -> memref<16x128xf32, #tpu.memory_space<hbm>>
      tpu.wait_dma2 semaphore(%arg13 : memref<!tpu.dma_semaphore, #tpu.memory_space<semaphore_mem>>) src(%dma_wait3A_1968 : memref<16x128xf32, #tpu.memory_space<hbm>>) dst(%dma_wait3A_1965 : memref<16x128xf32, #tpu.memory_space<vmem>>)
      %mul3A_1969 = arith.constant 8 : i32
      %mul3A_1970 = arith.muli %mul3A_1264, %mul3A_1969 : i32
      %broadcast_in_dim3A_1971 = vector.broadcast %mul3A_1970 : i32 to vector<16xi32>
      %add3A_1972 = arith.addi %broadcast_in_dim3A_1971, %and3A_4 : vector<16xi32>
      %gather3A_1973 = tpu.vector_load_idx %arg7[%add3A_1972] : memref<528xi32, #tpu.memory_space<vmem>>[vector<16xi32>], vector<16xi32>,
      %and3A_1974 = arith.constant 127 : i32
      %and3A_1975 = vector.broadcast %and3A_1974 : i32 to vector<16xi32>
      %and3A_1976 = arith.andi %gather3A_1973, %and3A_1975 : vector<16xi32>
      %gather3A_1977 = tpu.vector_load_idx %arg8[%add3A_1972] : memref<528xi32, #tpu.memory_space<vmem>>[vector<16xi32>], vector<16xi32>,
      %and3A_1978 = arith.constant 127 : i32
      %and3A_1979 = vector.broadcast %and3A_1978 : i32 to vector<16xi32>
      %and3A_1980 = arith.andi %gather3A_1977, %and3A_1979 : vector<16xi32>
      %mul3A_1981 = arith.constant 16 : i32
      %mul3A_1982 = vector.broadcast %mul3A_1981 : i32 to vector<16xi32>
      %mul3A_1983 = arith.muli %and3A_4, %mul3A_1982 : vector<16xi32>
      %add3A_1984 = arith.addi %mul3A_1983, %shift_right_arithmetic3A_6 : vector<16xi32>
      %add3A_1985 = arith.constant 0 : i32
      %add3A_1986 = vector.broadcast %add3A_1985 : i32 to vector<16xi32>
      %add3A_1987 = arith.addi %add3A_1984, %add3A_1986 : vector<16xi32>
      %gather3A_1988 = arith.constant 0 : i32
      %gather3A_1989 = arith.constant 0 : i32
      %gather3A_1990 = arith.constant 0 : i32
      %gather3A_1991 = tpu.memref_slice %arg9[%gather3A_1988, %gather3A_1989, %gather3A_1990] : memref<3x128x128xf32, #tpu.memory_space<vmem>> -> memref<1x128x128xf32, #tpu.memory_space<vmem>>
      %gather3A_1992 = tpu.memref_squeeze %gather3A_1991 : memref<1x128x128xf32, #tpu.memory_space<vmem>> -> memref<128x128xf32, #tpu.memory_space<vmem>>
      %gather3A_1993 = tpu.vector_load_idx %gather3A_1992[%add3A_1987, %and3A_1976] : memref<128x128xf32, #tpu.memory_space<vmem>>[vector<16xi32>, vector<16xi32>], vector<16xf32>,
      %gather3A_1994 = arith.constant 0 : i32
      %gather3A_1995 = arith.constant 0 : i32
      %gather3A_1996 = arith.constant 0 : i32
      %gather3A_1997 = tpu.memref_slice %arg10[%gather3A_1994, %gather3A_1995, %gather3A_1996] : memref<3x128x128xf32, #tpu.memory_space<vmem>> -> memref<1x128x128xf32, #tpu.memory_space<vmem>>
      %gather3A_1998 = tpu.memref_squeeze %gather3A_1997 : memref<1x128x128xf32, #tpu.memory_space<vmem>> -> memref<128x128xf32, #tpu.memory_space<vmem>>
      %gather3A_1999 = tpu.vector_load_idx %gather3A_1998[%add3A_1987, %and3A_1980] : memref<128x128xf32, #tpu.memory_space<vmem>>[vector<16xi32>, vector<16xi32>], vector<16xf32>,
      %add3A_2000 = arith.constant 0 : i32
      %add3A_2001 = vector.broadcast %add3A_2000 : i32 to vector<16xi32>
      %add3A_2002 = arith.addi %shift_right_arithmetic3A_6, %add3A_2001 : vector<16xi32>
      %mul3A_2003 = arith.mulf %gather3A_1993, %gather3A_1999 : vector<16xf32>
      tpu.vector_store_idx %arg11[%add3A_2002, %add3A_1972], %mul3A_2003 : memref<16x512xf32, #tpu.memory_space<vmem>>[vector<16xi32>, vector<16xi32>], vector<16xf32>,
      %mul3A_2004 = arith.constant 16 : i32
      %mul3A_2005 = vector.broadcast %mul3A_2004 : i32 to vector<16xi32>
      %mul3A_2006 = arith.muli %and3A_4, %mul3A_2005 : vector<16xi32>
      %add3A_2007 = arith.addi %mul3A_2006, %shift_right_arithmetic3A_6 : vector<16xi32>
      %add3A_2008 = arith.constant 2 : i32
      %add3A_2009 = vector.broadcast %add3A_2008 : i32 to vector<16xi32>
      %add3A_2010 = arith.addi %add3A_2007, %add3A_2009 : vector<16xi32>
      %gather3A_2011 = arith.constant 0 : i32
      %gather3A_2012 = arith.constant 0 : i32
      %gather3A_2013 = arith.constant 0 : i32
      %gather3A_2014 = tpu.memref_slice %arg9[%gather3A_2011, %gather3A_2012, %gather3A_2013] : memref<3x128x128xf32, #tpu.memory_space<vmem>> -> memref<1x128x128xf32, #tpu.memory_space<vmem>>
      %gather3A_2015 = tpu.memref_squeeze %gather3A_2014 : memref<1x128x128xf32, #tpu.memory_space<vmem>> -> memref<128x128xf32, #tpu.memory_space<vmem>>
      %gather3A_2016 = tpu.vector_load_idx %gather3A_2015[%add3A_2010, %and3A_1976] : memref<128x128xf32, #tpu.memory_space<vmem>>[vector<16xi32>, vector<16xi32>], vector<16xf32>,
      %gather3A_2017 = arith.constant 0 : i32
      %gather3A_2018 = arith.constant 0 : i32
      %gather3A_2019 = arith.constant 0 : i32
      %gather3A_2020 = tpu.memref_slice %arg10[%gather3A_2017, %gather3A_2018, %gather3A_2019] : memref<3x128x128xf32, #tpu.memory_space<vmem>> -> memref<1x128x128xf32, #tpu.memory_space<vmem>>
      %gather3A_2021 = tpu.memref_squeeze %gather3A_2020 : memref<1x128x128xf32, #tpu.memory_space<vmem>> -> memref<128x128xf32, #tpu.memory_space<vmem>>
      %gather3A_2022 = tpu.vector_load_idx %gather3A_2021[%add3A_2010, %and3A_1980] : memref<128x128xf32, #tpu.memory_space<vmem>>[vector<16xi32>, vector<16xi32>], vector<16xf32>,
      %add3A_2023 = arith.constant 2 : i32
      %add3A_2024 = vector.broadcast %add3A_2023 : i32 to vector<16xi32>
      %add3A_2025 = arith.addi %shift_right_arithmetic3A_6, %add3A_2024 : vector<16xi32>
      %mul3A_2026 = arith.mulf %gather3A_2016, %gather3A_2022 : vector<16xf32>
      tpu.vector_store_idx %arg11[%add3A_2025, %add3A_1972], %mul3A_2026 : memref<16x512xf32, #tpu.memory_space<vmem>>[vector<16xi32>, vector<16xi32>], vector<16xf32>,
      %mul3A_2027 = arith.constant 16 : i32
      %mul3A_2028 = vector.broadcast %mul3A_2027 : i32 to vector<16xi32>
      %mul3A_2029 = arith.muli %and3A_4, %mul3A_2028 : vector<16xi32>
      %add3A_2030 = arith.addi %mul3A_2029, %shift_right_arithmetic3A_6 : vector<16xi32>
      %add3A_2031 = arith.constant 4 : i32
      %add3A_2032 = vector.broadcast %add3A_2031 : i32 to vector<16xi32>
      %add3A_2033 = arith.addi %add3A_2030, %add3A_2032 : vector<16xi32>
      %gather3A_2034 = arith.constant 0 : i32
      %gather3A_2035 = arith.constant 0 : i32
      %gather3A_2036 = arith.constant 0 : i32
      %gather3A_2037 = tpu.memref_slice %arg9[%gather3A_2034, %gather3A_2035, %gather3A_2036] : memref<3x128x128xf32, #tpu.memory_space<vmem>> -> memref<1x128x128xf32, #tpu.memory_space<vmem>>
      %gather3A_2038 = tpu.memref_squeeze %gather3A_2037 : memref<1x128x128xf32, #tpu.memory_space<vmem>> -> memref<128x128xf32, #tpu.memory_space<vmem>>
      %gather3A_2039 = tpu.vector_load_idx %gather3A_2038[%add3A_2033, %and3A_1976] : memref<128x128xf32, #tpu.memory_space<vmem>>[vector<16xi32>, vector<16xi32>], vector<16xf32>,
      %gather3A_2040 = arith.constant 0 : i32
      %gather3A_2041 = arith.constant 0 : i32
      %gather3A_2042 = arith.constant 0 : i32
      %gather3A_2043 = tpu.memref_slice %arg10[%gather3A_2040, %gather3A_2041, %gather3A_2042] : memref<3x128x128xf32, #tpu.memory_space<vmem>> -> memref<1x128x128xf32, #tpu.memory_space<vmem>>
      %gather3A_2044 = tpu.memref_squeeze %gather3A_2043 : memref<1x128x128xf32, #tpu.memory_space<vmem>> -> memref<128x128xf32, #tpu.memory_space<vmem>>
      %gather3A_2045 = tpu.vector_load_idx %gather3A_2044[%add3A_2033, %and3A_1980] : memref<128x128xf32, #tpu.memory_space<vmem>>[vector<16xi32>, vector<16xi32>], vector<16xf32>,
      %add3A_2046 = arith.constant 4 : i32
      %add3A_2047 = vector.broadcast %add3A_2046 : i32 to vector<16xi32>
      %add3A_2048 = arith.addi %shift_right_arithmetic3A_6, %add3A_2047 : vector<16xi32>
      %mul3A_2049 = arith.mulf %gather3A_2039, %gather3A_2045 : vector<16xf32>
      tpu.vector_store_idx %arg11[%add3A_2048, %add3A_1972], %mul3A_2049 : memref<16x512xf32, #tpu.memory_space<vmem>>[vector<16xi32>, vector<16xi32>], vector<16xf32>,
      %mul3A_2050 = arith.constant 16 : i32
      %mul3A_2051 = vector.broadcast %mul3A_2050 : i32 to vector<16xi32>
      %mul3A_2052 = arith.muli %and3A_4, %mul3A_2051 : vector<16xi32>
      %add3A_2053 = arith.addi %mul3A_2052, %shift_right_arithmetic3A_6 : vector<16xi32>
      %add3A_2054 = arith.constant 6 : i32
      %add3A_2055 = vector.broadcast %add3A_2054 : i32 to vector<16xi32>
      %add3A_2056 = arith.addi %add3A_2053, %add3A_2055 : vector<16xi32>
      %gather3A_2057 = arith.constant 0 : i32
      %gather3A_2058 = arith.constant 0 : i32
      %gather3A_2059 = arith.constant 0 : i32
      %gather3A_2060 = tpu.memref_slice %arg9[%gather3A_2057, %gather3A_2058, %gather3A_2059] : memref<3x128x128xf32, #tpu.memory_space<vmem>> -> memref<1x128x128xf32, #tpu.memory_space<vmem>>
      %gather3A_2061 = tpu.memref_squeeze %gather3A_2060 : memref<1x128x128xf32, #tpu.memory_space<vmem>> -> memref<128x128xf32, #tpu.memory_space<vmem>>
      %gather3A_2062 = tpu.vector_load_idx %gather3A_2061[%add3A_2056, %and3A_1976] : memref<128x128xf32, #tpu.memory_space<vmem>>[vector<16xi32>, vector<16xi32>], vector<16xf32>,
      %gather3A_2063 = arith.constant 0 : i32
      %gather3A_2064 = arith.constant 0 : i32
      %gather3A_2065 = arith.constant 0 : i32
      %gather3A_2066 = tpu.memref_slice %arg10[%gather3A_2063, %gather3A_2064, %gather3A_2065] : memref<3x128x128xf32, #tpu.memory_space<vmem>> -> memref<1x128x128xf32, #tpu.memory_space<vmem>>
      %gather3A_2067 = tpu.memref_squeeze %gather3A_2066 : memref<1x128x128xf32, #tpu.memory_space<vmem>> -> memref<128x128xf32, #tpu.memory_space<vmem>>
      %gather3A_2068 = tpu.vector_load_idx %gather3A_2067[%add3A_2056, %and3A_1980] : memref<128x128xf32, #tpu.memory_space<vmem>>[vector<16xi32>, vector<16xi32>], vector<16xf32>,
      %add3A_2069 = arith.constant 6 : i32
      %add3A_2070 = vector.broadcast %add3A_2069 : i32 to vector<16xi32>
      %add3A_2071 = arith.addi %shift_right_arithmetic3A_6, %add3A_2070 : vector<16xi32>
      %mul3A_2072 = arith.mulf %gather3A_2062, %gather3A_2068 : vector<16xf32>
      tpu.vector_store_idx %arg11[%add3A_2071, %add3A_1972], %mul3A_2072 : memref<16x512xf32, #tpu.memory_space<vmem>>[vector<16xi32>, vector<16xi32>], vector<16xf32>,
      %mul3A_2073 = arith.constant 16 : i32
      %mul3A_2074 = vector.broadcast %mul3A_2073 : i32 to vector<16xi32>
      %mul3A_2075 = arith.muli %and3A_4, %mul3A_2074 : vector<16xi32>
      %add3A_2076 = arith.addi %mul3A_2075, %shift_right_arithmetic3A_6 : vector<16xi32>
      %add3A_2077 = arith.constant 8 : i32
      %add3A_2078 = vector.broadcast %add3A_2077 : i32 to vector<16xi32>
      %add3A_2079 = arith.addi %add3A_2076, %add3A_2078 : vector<16xi32>
      %gather3A_2080 = arith.constant 0 : i32
      %gather3A_2081 = arith.constant 0 : i32
      %gather3A_2082 = arith.constant 0 : i32
      %gather3A_2083 = tpu.memref_slice %arg9[%gather3A_2080, %gather3A_2081, %gather3A_2082] : memref<3x128x128xf32, #tpu.memory_space<vmem>> -> memref<1x128x128xf32, #tpu.memory_space<vmem>>
      %gather3A_2084 = tpu.memref_squeeze %gather3A_2083 : memref<1x128x128xf32, #tpu.memory_space<vmem>> -> memref<128x128xf32, #tpu.memory_space<vmem>>
      %gather3A_2085 = tpu.vector_load_idx %gather3A_2084[%add3A_2079, %and3A_1976] : memref<128x128xf32, #tpu.memory_space<vmem>>[vector<16xi32>, vector<16xi32>], vector<16xf32>,
      %gather3A_2086 = arith.constant 0 : i32
      %gather3A_2087 = arith.constant 0 : i32
      %gather3A_2088 = arith.constant 0 : i32
      %gather3A_2089 = tpu.memref_slice %arg10[%gather3A_2086, %gather3A_2087, %gather3A_2088] : memref<3x128x128xf32, #tpu.memory_space<vmem>> -> memref<1x128x128xf32, #tpu.memory_space<vmem>>
      %gather3A_2090 = tpu.memref_squeeze %gather3A_2089 : memref<1x128x128xf32, #tpu.memory_space<vmem>> -> memref<128x128xf32, #tpu.memory_space<vmem>>
      %gather3A_2091 = tpu.vector_load_idx %gather3A_2090[%add3A_2079, %and3A_1980] : memref<128x128xf32, #tpu.memory_space<vmem>>[vector<16xi32>, vector<16xi32>], vector<16xf32>,
      %add3A_2092 = arith.constant 8 : i32
      %add3A_2093 = vector.broadcast %add3A_2092 : i32 to vector<16xi32>
      %add3A_2094 = arith.addi %shift_right_arithmetic3A_6, %add3A_2093 : vector<16xi32>
      %mul3A_2095 = arith.mulf %gather3A_2085, %gather3A_2091 : vector<16xf32>
      tpu.vector_store_idx %arg11[%add3A_2094, %add3A_1972], %mul3A_2095 : memref<16x512xf32, #tpu.memory_space<vmem>>[vector<16xi32>, vector<16xi32>], vector<16xf32>,
      %mul3A_2096 = arith.constant 16 : i32
      %mul3A_2097 = vector.broadcast %mul3A_2096 : i32 to vector<16xi32>
      %mul3A_2098 = arith.muli %and3A_4, %mul3A_2097 : vector<16xi32>
      %add3A_2099 = arith.addi %mul3A_2098, %shift_right_arithmetic3A_6 : vector<16xi32>
      %add3A_2100 = arith.constant 10 : i32
      %add3A_2101 = vector.broadcast %add3A_2100 : i32 to vector<16xi32>
      %add3A_2102 = arith.addi %add3A_2099, %add3A_2101 : vector<16xi32>
      %gather3A_2103 = arith.constant 0 : i32
      %gather3A_2104 = arith.constant 0 : i32
      %gather3A_2105 = arith.constant 0 : i32
      %gather3A_2106 = tpu.memref_slice %arg9[%gather3A_2103, %gather3A_2104, %gather3A_2105] : memref<3x128x128xf32, #tpu.memory_space<vmem>> -> memref<1x128x128xf32, #tpu.memory_space<vmem>>
      %gather3A_2107 = tpu.memref_squeeze %gather3A_2106 : memref<1x128x128xf32, #tpu.memory_space<vmem>> -> memref<128x128xf32, #tpu.memory_space<vmem>>
      %gather3A_2108 = tpu.vector_load_idx %gather3A_2107[%add3A_2102, %and3A_1976] : memref<128x128xf32, #tpu.memory_space<vmem>>[vector<16xi32>, vector<16xi32>], vector<16xf32>,
      %gather3A_2109 = arith.constant 0 : i32
      %gather3A_2110 = arith.constant 0 : i32
      %gather3A_2111 = arith.constant 0 : i32
      %gather3A_2112 = tpu.memref_slice %arg10[%gather3A_2109, %gather3A_2110, %gather3A_2111] : memref<3x128x128xf32, #tpu.memory_space<vmem>> -> memref<1x128x128xf32, #tpu.memory_space<vmem>>
      %gather3A_2113 = tpu.memref_squeeze %gather3A_2112 : memref<1x128x128xf32, #tpu.memory_space<vmem>> -> memref<128x128xf32, #tpu.memory_space<vmem>>
      %gather3A_2114 = tpu.vector_load_idx %gather3A_2113[%add3A_2102, %and3A_1980] : memref<128x128xf32, #tpu.memory_space<vmem>>[vector<16xi32>, vector<16xi32>], vector<16xf32>,
      %add3A_2115 = arith.constant 10 : i32
      %add3A_2116 = vector.broadcast %add3A_2115 : i32 to vector<16xi32>
      %add3A_2117 = arith.addi %shift_right_arithmetic3A_6, %add3A_2116 : vector<16xi32>
      %mul3A_2118 = arith.mulf %gather3A_2108, %gather3A_2114 : vector<16xf32>
      tpu.vector_store_idx %arg11[%add3A_2117, %add3A_1972], %mul3A_2118 : memref<16x512xf32, #tpu.memory_space<vmem>>[vector<16xi32>, vector<16xi32>], vector<16xf32>,
      %mul3A_2119 = arith.constant 16 : i32
      %mul3A_2120 = vector.broadcast %mul3A_2119 : i32 to vector<16xi32>
      %mul3A_2121 = arith.muli %and3A_4, %mul3A_2120 : vector<16xi32>
      %add3A_2122 = arith.addi %mul3A_2121, %shift_right_arithmetic3A_6 : vector<16xi32>
      %add3A_2123 = arith.constant 12 : i32
      %add3A_2124 = vector.broadcast %add3A_2123 : i32 to vector<16xi32>
      %add3A_2125 = arith.addi %add3A_2122, %add3A_2124 : vector<16xi32>
      %gather3A_2126 = arith.constant 0 : i32
      %gather3A_2127 = arith.constant 0 : i32
      %gather3A_2128 = arith.constant 0 : i32
      %gather3A_2129 = tpu.memref_slice %arg9[%gather3A_2126, %gather3A_2127, %gather3A_2128] : memref<3x128x128xf32, #tpu.memory_space<vmem>> -> memref<1x128x128xf32, #tpu.memory_space<vmem>>
      %gather3A_2130 = tpu.memref_squeeze %gather3A_2129 : memref<1x128x128xf32, #tpu.memory_space<vmem>> -> memref<128x128xf32, #tpu.memory_space<vmem>>
      %gather3A_2131 = tpu.vector_load_idx %gather3A_2130[%add3A_2125, %and3A_1976] : memref<128x128xf32, #tpu.memory_space<vmem>>[vector<16xi32>, vector<16xi32>], vector<16xf32>,
      %gather3A_2132 = arith.constant 0 : i32
      %gather3A_2133 = arith.constant 0 : i32
      %gather3A_2134 = arith.constant 0 : i32
      %gather3A_2135 = tpu.memref_slice %arg10[%gather3A_2132, %gather3A_2133, %gather3A_2134] : memref<3x128x128xf32, #tpu.memory_space<vmem>> -> memref<1x128x128xf32, #tpu.memory_space<vmem>>
      %gather3A_2136 = tpu.memref_squeeze %gather3A_2135 : memref<1x128x128xf32, #tpu.memory_space<vmem>> -> memref<128x128xf32, #tpu.memory_space<vmem>>
      %gather3A_2137 = tpu.vector_load_idx %gather3A_2136[%add3A_2125, %and3A_1980] : memref<128x128xf32, #tpu.memory_space<vmem>>[vector<16xi32>, vector<16xi32>], vector<16xf32>,
      %add3A_2138 = arith.constant 12 : i32
      %add3A_2139 = vector.broadcast %add3A_2138 : i32 to vector<16xi32>
      %add3A_2140 = arith.addi %shift_right_arithmetic3A_6, %add3A_2139 : vector<16xi32>
      %mul3A_2141 = arith.mulf %gather3A_2131, %gather3A_2137 : vector<16xf32>
      tpu.vector_store_idx %arg11[%add3A_2140, %add3A_1972], %mul3A_2141 : memref<16x512xf32, #tpu.memory_space<vmem>>[vector<16xi32>, vector<16xi32>], vector<16xf32>,
      %mul3A_2142 = arith.constant 16 : i32
      %mul3A_2143 = vector.broadcast %mul3A_2142 : i32 to vector<16xi32>
      %mul3A_2144 = arith.muli %and3A_4, %mul3A_2143 : vector<16xi32>
      %add3A_2145 = arith.addi %mul3A_2144, %shift_right_arithmetic3A_6 : vector<16xi32>
      %add3A_2146 = arith.constant 14 : i32
      %add3A_2147 = vector.broadcast %add3A_2146 : i32 to vector<16xi32>
      %add3A_2148 = arith.addi %add3A_2145, %add3A_2147 : vector<16xi32>
      %gather3A_2149 = arith.constant 0 : i32
      %gather3A_2150 = arith.constant 0 : i32
      %gather3A_2151 = arith.constant 0 : i32
      %gather3A_2152 = tpu.memref_slice %arg9[%gather3A_2149, %gather3A_2150, %gather3A_2151] : memref<3x128x128xf32, #tpu.memory_space<vmem>> -> memref<1x128x128xf32, #tpu.memory_space<vmem>>
      %gather3A_2153 = tpu.memref_squeeze %gather3A_2152 : memref<1x128x128xf32, #tpu.memory_space<vmem>> -> memref<128x128xf32, #tpu.memory_space<vmem>>
      %gather3A_2154 = tpu.vector_load_idx %gather3A_2153[%add3A_2148, %and3A_1976] : memref<128x128xf32, #tpu.memory_space<vmem>>[vector<16xi32>, vector<16xi32>], vector<16xf32>,
      %gather3A_2155 = arith.constant 0 : i32
      %gather3A_2156 = arith.constant 0 : i32
      %gather3A_2157 = arith.constant 0 : i32
      %gather3A_2158 = tpu.memref_slice %arg10[%gather3A_2155, %gather3A_2156, %gather3A_2157] : memref<3x128x128xf32, #tpu.memory_space<vmem>> -> memref<1x128x128xf32, #tpu.memory_space<vmem>>
      %gather3A_2159 = tpu.memref_squeeze %gather3A_2158 : memref<1x128x128xf32, #tpu.memory_space<vmem>> -> memref<128x128xf32, #tpu.memory_space<vmem>>
      %gather3A_2160 = tpu.vector_load_idx %gather3A_2159[%add3A_2148, %and3A_1980] : memref<128x128xf32, #tpu.memory_space<vmem>>[vector<16xi32>, vector<16xi32>], vector<16xf32>,
      %add3A_2161 = arith.constant 14 : i32
      %add3A_2162 = vector.broadcast %add3A_2161 : i32 to vector<16xi32>
      %add3A_2163 = arith.addi %shift_right_arithmetic3A_6, %add3A_2162 : vector<16xi32>
      %mul3A_2164 = arith.mulf %gather3A_2154, %gather3A_2160 : vector<16xf32>
      tpu.vector_store_idx %arg11[%add3A_2163, %add3A_1972], %mul3A_2164 : memref<16x512xf32, #tpu.memory_space<vmem>>[vector<16xi32>, vector<16xi32>], vector<16xf32>,
      %add3A_2165 = arith.constant 3 : i32
      %add3A_2166 = arith.addi %mul3A_1264, %add3A_2165 : i32
      %lt3A = arith.constant 64 : i32
      %lt3A_2167 = arith.cmpi slt, %add3A_2166, %lt3A : i32
      %convert_element_type3A = arith.extui %lt3A_2167 : i1 to i32
      %cond3A = arith.constant 0 : i32
      %cond3A_2168 = arith.cmpi ne, %convert_element_type3A, %cond3A : i32
      scf.if %cond3A_2168 {
        %mul3A_3244 = arith.constant 8 : i32
        %mul3A_3245 = arith.muli %add3A_2166, %mul3A_3244 : i32
        %get3A_3246 = arith.index_cast %mul3A_3245 : i32 to index
        %get3A_3247 = tpu.vector_load %arg7[%get3A_3246] {strides = array<i32>} : memref<528xi32, #tpu.memory_space<vmem>>, vector<16xi32>,
        %and3A_3248 = arith.constant -128 : i32
        %and3A_3249 = vector.broadcast %and3A_3248 : i32 to vector<16xi32>
        %and3A_3250 = arith.andi %get3A_3247, %and3A_3249 : vector<16xi32>
        %mul3A_3251 = arith.constant 8 : i32
        %mul3A_3252 = arith.muli %add3A_2166, %mul3A_3251 : i32
        %get3A_3253 = arith.index_cast %mul3A_3252 : i32 to index
        %get3A_3254 = tpu.vector_load %arg8[%get3A_3253] {strides = array<i32>} : memref<528xi32, #tpu.memory_space<vmem>>, vector<16xi32>,
        %and3A_3255 = arith.constant -128 : i32
        %and3A_3256 = vector.broadcast %and3A_3255 : i32 to vector<16xi32>
        %and3A_3257 = arith.andi %get3A_3254, %and3A_3256 : vector<16xi32>
        %slice3A_3258 = vector.extract_strided_slice %and3A_3250 {offsets = [0], sizes = [1], strides = [1]} : vector<16xi32> to vector<1xi32>
        %squeeze3A_3259 = vector.extract %slice3A_3258[0] : i32 from vector<1xi32>
        %multiple_of3A_3260 = tpu.assume_multiple %squeeze3A_3259, 128 : i32
        %slice3A_3261 = vector.extract_strided_slice %and3A_3257 {offsets = [0], sizes = [1], strides = [1]} : vector<16xi32> to vector<1xi32>
        %squeeze3A_3262 = vector.extract %slice3A_3261[0] : i32 from vector<1xi32>
        %multiple_of3A_3263 = tpu.assume_multiple %squeeze3A_3262, 128 : i32
        %dma_start3A_3264 = arith.constant 0 : i32
        %dma_start3A_3265 = arith.constant 0 : i32
        %dma_start3A_3266 = arith.constant 0 : i32
        %dma_start3A_3267 = tpu.memref_slice %arg9[%dma_start3A_3264, %dma_start3A_3265, %dma_start3A_3266] : memref<3x128x128xf32, #tpu.memory_space<vmem>> -> memref<1x128x128xf32, #tpu.memory_space<vmem>>
        %dma_start3A_3268 = tpu.memref_squeeze %dma_start3A_3267 : memref<1x128x128xf32, #tpu.memory_space<vmem>> -> memref<128x128xf32, #tpu.memory_space<vmem>>
        %dma_start3A_3269 = arith.constant 0 : i32
        %dma_start3A_3270 = arith.constant 0 : i32
        %dma_start3A_3271 = tpu.memref_slice %dma_start3A_3268[%dma_start3A_3269, %dma_start3A_3270] : memref<128x128xf32, #tpu.memory_space<vmem>> -> memref<16x128xf32, #tpu.memory_space<vmem>>
        %dma_start3A_3272 = arith.constant 0 : i32
        %dma_start3A_3273 = tpu.memref_slice %arg4[%dma_start3A_3272, %multiple_of3A_3260] : memref<16x1000000xf32, #tpu.memory_space<hbm>> -> memref<16x128xf32, #tpu.memory_space<hbm>>
        %dma_start3A_3274 = arith.constant 0 : i32
        %dma_start3A_3275 = arith.constant 0 : i32
        %dma_start3A_3276 = tpu.memref_slice %arg9[%dma_start3A_3264, %dma_start3A_3274, %dma_start3A_3275] : memref<3x128x128xf32, #tpu.memory_space<vmem>> -> memref<1x128x128xf32, #tpu.memory_space<vmem>>
        %dma_start3A_3277 = tpu.memref_squeeze %dma_start3A_3276 : memref<1x128x128xf32, #tpu.memory_space<vmem>> -> memref<128x128xf32, #tpu.memory_space<vmem>>
        %dma_start3A_3278 = arith.constant 0 : i32
        %dma_start3A_3279 = arith.constant 0 : i32
        %dma_start3A_3280 = tpu.memref_slice %dma_start3A_3277[%dma_start3A_3278, %dma_start3A_3279] : memref<128x128xf32, #tpu.memory_space<vmem>> -> memref<16x128xf32, #tpu.memory_space<vmem>>
        %dma_start3A_3281 = arith.constant 0 : i32
        %dma_start3A_3282 = tpu.memref_slice %arg4[%dma_start3A_3281, %multiple_of3A_3260] : memref<16x1000000xf32, #tpu.memory_space<hbm>> -> memref<16x128xf32, #tpu.memory_space<hbm>>
        tpu.enqueue_dma source(%dma_start3A_3282 : memref<16x128xf32, #tpu.memory_space<hbm>>) target(%dma_start3A_3280 : memref<16x128xf32, #tpu.memory_space<vmem>>) target_semaphore(%arg12 : memref<!tpu.dma_semaphore, #tpu.memory_space<semaphore_mem>>)
        %dma_start3A_3283 = arith.constant 0 : i32
        %dma_start3A_3284 = arith.constant 0 : i32
        %dma_start3A_3285 = arith.constant 0 : i32
        %dma_start3A_3286 = tpu.memref_slice %arg10[%dma_start3A_3283, %dma_start3A_3284, %dma_start3A_3285] : memref<3x128x128xf32, #tpu.memory_space<vmem>> -> memref<1x128x128xf32, #tpu.memory_space<vmem>>
        %dma_start3A_3287 = tpu.memref_squeeze %dma_start3A_3286 : memref<1x128x128xf32, #tpu.memory_space<vmem>> -> memref<128x128xf32, #tpu.memory_space<vmem>>
        %dma_start3A_3288 = arith.constant 0 : i32
        %dma_start3A_3289 = arith.constant 0 : i32
        %dma_start3A_3290 = tpu.memref_slice %dma_start3A_3287[%dma_start3A_3288, %dma_start3A_3289] : memref<128x128xf32, #tpu.memory_space<vmem>> -> memref<16x128xf32, #tpu.memory_space<vmem>>
        %dma_start3A_3291 = arith.constant 0 : i32
        %dma_start3A_3292 = tpu.memref_slice %arg5[%dma_start3A_3291, %multiple_of3A_3263] : memref<16x1000000xf32, #tpu.memory_space<hbm>> -> memref<16x128xf32, #tpu.memory_space<hbm>>
        %dma_start3A_3293 = arith.constant 0 : i32
        %dma_start3A_3294 = arith.constant 0 : i32
        %dma_start3A_3295 = tpu.memref_slice %arg10[%dma_start3A_3283, %dma_start3A_3293, %dma_start3A_3294] : memref<3x128x128xf32, #tpu.memory_space<vmem>> -> memref<1x128x128xf32, #tpu.memory_space<vmem>>
        %dma_start3A_3296 = tpu.memref_squeeze %dma_start3A_3295 : memref<1x128x128xf32, #tpu.memory_space<vmem>> -> memref<128x128xf32, #tpu.memory_space<vmem>>
        %dma_start3A_3297 = arith.constant 0 : i32
        %dma_start3A_3298 = arith.constant 0 : i32
        %dma_start3A_3299 = tpu.memref_slice %dma_start3A_3296[%dma_start3A_3297, %dma_start3A_3298] : memref<128x128xf32, #tpu.memory_space<vmem>> -> memref<16x128xf32, #tpu.memory_space<vmem>>
        %dma_start3A_3300 = arith.constant 0 : i32
        %dma_start3A_3301 = tpu.memref_slice %arg5[%dma_start3A_3300, %multiple_of3A_3263] : memref<16x1000000xf32, #tpu.memory_space<hbm>> -> memref<16x128xf32, #tpu.memory_space<hbm>>
        tpu.enqueue_dma source(%dma_start3A_3301 : memref<16x128xf32, #tpu.memory_space<hbm>>) target(%dma_start3A_3299 : memref<16x128xf32, #tpu.memory_space<vmem>>) target_semaphore(%arg13 : memref<!tpu.dma_semaphore, #tpu.memory_space<semaphore_mem>>)
        %slice3A_3302 = vector.extract_strided_slice %and3A_3250 {offsets = [1], sizes = [1], strides = [1]} : vector<16xi32> to vector<1xi32>
        %squeeze3A_3303 = vector.extract %slice3A_3302[0] : i32 from vector<1xi32>
        %multiple_of3A_3304 = tpu.assume_multiple %squeeze3A_3303, 128 : i32
        %slice3A_3305 = vector.extract_strided_slice %and3A_3257 {offsets = [1], sizes = [1], strides = [1]} : vector<16xi32> to vector<1xi32>
        %squeeze3A_3306 = vector.extract %slice3A_3305[0] : i32 from vector<1xi32>
        %multiple_of3A_3307 = tpu.assume_multiple %squeeze3A_3306, 128 : i32
        %dma_start3A_3308 = arith.constant 0 : i32
        %dma_start3A_3309 = arith.constant 0 : i32
        %dma_start3A_3310 = arith.constant 0 : i32
        %dma_start3A_3311 = tpu.memref_slice %arg9[%dma_start3A_3308, %dma_start3A_3309, %dma_start3A_3310] : memref<3x128x128xf32, #tpu.memory_space<vmem>> -> memref<1x128x128xf32, #tpu.memory_space<vmem>>
        %dma_start3A_3312 = tpu.memref_squeeze %dma_start3A_3311 : memref<1x128x128xf32, #tpu.memory_space<vmem>> -> memref<128x128xf32, #tpu.memory_space<vmem>>
        %dma_start3A_3313 = arith.constant 16 : i32
        %dma_start3A_3314 = arith.constant 0 : i32
        %dma_start3A_3315 = tpu.memref_slice %dma_start3A_3312[%dma_start3A_3313, %dma_start3A_3314] : memref<128x128xf32, #tpu.memory_space<vmem>> -> memref<16x128xf32, #tpu.memory_space<vmem>>
        %dma_start3A_3316 = arith.constant 0 : i32
        %dma_start3A_3317 = tpu.memref_slice %arg4[%dma_start3A_3316, %multiple_of3A_3304] : memref<16x1000000xf32, #tpu.memory_space<hbm>> -> memref<16x128xf32, #tpu.memory_space<hbm>>
        %dma_start3A_3318 = arith.constant 0 : i32
        %dma_start3A_3319 = arith.constant 0 : i32
        %dma_start3A_3320 = tpu.memref_slice %arg9[%dma_start3A_3308, %dma_start3A_3318, %dma_start3A_3319] : memref<3x128x128xf32, #tpu.memory_space<vmem>> -> memref<1x128x128xf32, #tpu.memory_space<vmem>>
        %dma_start3A_3321 = tpu.memref_squeeze %dma_start3A_3320 : memref<1x128x128xf32, #tpu.memory_space<vmem>> -> memref<128x128xf32, #tpu.memory_space<vmem>>
        %dma_start3A_3322 = arith.constant 16 : i32
        %dma_start3A_3323 = arith.constant 0 : i32
        %dma_start3A_3324 = tpu.memref_slice %dma_start3A_3321[%dma_start3A_3322, %dma_start3A_3323] : memref<128x128xf32, #tpu.memory_space<vmem>> -> memref<16x128xf32, #tpu.memory_space<vmem>>
        %dma_start3A_3325 = arith.constant 0 : i32
        %dma_start3A_3326 = tpu.memref_slice %arg4[%dma_start3A_3325, %multiple_of3A_3304] : memref<16x1000000xf32, #tpu.memory_space<hbm>> -> memref<16x128xf32, #tpu.memory_space<hbm>>
        tpu.enqueue_dma source(%dma_start3A_3326 : memref<16x128xf32, #tpu.memory_space<hbm>>) target(%dma_start3A_3324 : memref<16x128xf32, #tpu.memory_space<vmem>>) target_semaphore(%arg12 : memref<!tpu.dma_semaphore, #tpu.memory_space<semaphore_mem>>)
        %dma_start3A_3327 = arith.constant 0 : i32
        %dma_start3A_3328 = arith.constant 0 : i32
        %dma_start3A_3329 = arith.constant 0 : i32
        %dma_start3A_3330 = tpu.memref_slice %arg10[%dma_start3A_3327, %dma_start3A_3328, %dma_start3A_3329] : memref<3x128x128xf32, #tpu.memory_space<vmem>> -> memref<1x128x128xf32, #tpu.memory_space<vmem>>
        %dma_start3A_3331 = tpu.memref_squeeze %dma_start3A_3330 : memref<1x128x128xf32, #tpu.memory_space<vmem>> -> memref<128x128xf32, #tpu.memory_space<vmem>>
        %dma_start3A_3332 = arith.constant 16 : i32
        %dma_start3A_3333 = arith.constant 0 : i32
        %dma_start3A_3334 = tpu.memref_slice %dma_start3A_3331[%dma_start3A_3332, %dma_start3A_3333] : memref<128x128xf32, #tpu.memory_space<vmem>> -> memref<16x128xf32, #tpu.memory_space<vmem>>
        %dma_start3A_3335 = arith.constant 0 : i32
        %dma_start3A_3336 = tpu.memref_slice %arg5[%dma_start3A_3335, %multiple_of3A_3307] : memref<16x1000000xf32, #tpu.memory_space<hbm>> -> memref<16x128xf32, #tpu.memory_space<hbm>>
        %dma_start3A_3337 = arith.constant 0 : i32
        %dma_start3A_3338 = arith.constant 0 : i32
        %dma_start3A_3339 = tpu.memref_slice %arg10[%dma_start3A_3327, %dma_start3A_3337, %dma_start3A_3338] : memref<3x128x128xf32, #tpu.memory_space<vmem>> -> memref<1x128x128xf32, #tpu.memory_space<vmem>>
        %dma_start3A_3340 = tpu.memref_squeeze %dma_start3A_3339 : memref<1x128x128xf32, #tpu.memory_space<vmem>> -> memref<128x128xf32, #tpu.memory_space<vmem>>
        %dma_start3A_3341 = arith.constant 16 : i32
        %dma_start3A_3342 = arith.constant 0 : i32
        %dma_start3A_3343 = tpu.memref_slice %dma_start3A_3340[%dma_start3A_3341, %dma_start3A_3342] : memref<128x128xf32, #tpu.memory_space<vmem>> -> memref<16x128xf32, #tpu.memory_space<vmem>>
        %dma_start3A_3344 = arith.constant 0 : i32
        %dma_start3A_3345 = tpu.memref_slice %arg5[%dma_start3A_3344, %multiple_of3A_3307] : memref<16x1000000xf32, #tpu.memory_space<hbm>> -> memref<16x128xf32, #tpu.memory_space<hbm>>
        tpu.enqueue_dma source(%dma_start3A_3345 : memref<16x128xf32, #tpu.memory_space<hbm>>) target(%dma_start3A_3343 : memref<16x128xf32, #tpu.memory_space<vmem>>) target_semaphore(%arg13 : memref<!tpu.dma_semaphore, #tpu.memory_space<semaphore_mem>>)
        %slice3A_3346 = vector.extract_strided_slice %and3A_3250 {offsets = [2], sizes = [1], strides = [1]} : vector<16xi32> to vector<1xi32>
        %squeeze3A_3347 = vector.extract %slice3A_3346[0] : i32 from vector<1xi32>
        %multiple_of3A_3348 = tpu.assume_multiple %squeeze3A_3347, 128 : i32
        %slice3A_3349 = vector.extract_strided_slice %and3A_3257 {offsets = [2], sizes = [1], strides = [1]} : vector<16xi32> to vector<1xi32>
        %squeeze3A_3350 = vector.extract %slice3A_3349[0] : i32 from vector<1xi32>
        %multiple_of3A_3351 = tpu.assume_multiple %squeeze3A_3350, 128 : i32
        %dma_start3A_3352 = arith.constant 0 : i32
        %dma_start3A_3353 = arith.constant 0 : i32
        %dma_start3A_3354 = arith.constant 0 : i32
        %dma_start3A_3355 = tpu.memref_slice %arg9[%dma_start3A_3352, %dma_start3A_3353, %dma_start3A_3354] : memref<3x128x128xf32, #tpu.memory_space<vmem>> -> memref<1x128x128xf32, #tpu.memory_space<vmem>>
        %dma_start3A_3356 = tpu.memref_squeeze %dma_start3A_3355 : memref<1x128x128xf32, #tpu.memory_space<vmem>> -> memref<128x128xf32, #tpu.memory_space<vmem>>
        %dma_start3A_3357 = arith.constant 32 : i32
        %dma_start3A_3358 = arith.constant 0 : i32
        %dma_start3A_3359 = tpu.memref_slice %dma_start3A_3356[%dma_start3A_3357, %dma_start3A_3358] : memref<128x128xf32, #tpu.memory_space<vmem>> -> memref<16x128xf32, #tpu.memory_space<vmem>>
        %dma_start3A_3360 = arith.constant 0 : i32
        %dma_start3A_3361 = tpu.memref_slice %arg4[%dma_start3A_3360, %multiple_of3A_3348] : memref<16x1000000xf32, #tpu.memory_space<hbm>> -> memref<16x128xf32, #tpu.memory_space<hbm>>
        %dma_start3A_3362 = arith.constant 0 : i32
        %dma_start3A_3363 = arith.constant 0 : i32
        %dma_start3A_3364 = tpu.memref_slice %arg9[%dma_start3A_3352, %dma_start3A_3362, %dma_start3A_3363] : memref<3x128x128xf32, #tpu.memory_space<vmem>> -> memref<1x128x128xf32, #tpu.memory_space<vmem>>
        %dma_start3A_3365 = tpu.memref_squeeze %dma_start3A_3364 : memref<1x128x128xf32, #tpu.memory_space<vmem>> -> memref<128x128xf32, #tpu.memory_space<vmem>>
        %dma_start3A_3366 = arith.constant 32 : i32
        %dma_start3A_3367 = arith.constant 0 : i32
        %dma_start3A_3368 = tpu.memref_slice %dma_start3A_3365[%dma_start3A_3366, %dma_start3A_3367] : memref<128x128xf32, #tpu.memory_space<vmem>> -> memref<16x128xf32, #tpu.memory_space<vmem>>
        %dma_start3A_3369 = arith.constant 0 : i32
        %dma_start3A_3370 = tpu.memref_slice %arg4[%dma_start3A_3369, %multiple_of3A_3348] : memref<16x1000000xf32, #tpu.memory_space<hbm>> -> memref<16x128xf32, #tpu.memory_space<hbm>>
        tpu.enqueue_dma source(%dma_start3A_3370 : memref<16x128xf32, #tpu.memory_space<hbm>>) target(%dma_start3A_3368 : memref<16x128xf32, #tpu.memory_space<vmem>>) target_semaphore(%arg12 : memref<!tpu.dma_semaphore, #tpu.memory_space<semaphore_mem>>)
        %dma_start3A_3371 = arith.constant 0 : i32
        %dma_start3A_3372 = arith.constant 0 : i32
        %dma_start3A_3373 = arith.constant 0 : i32
        %dma_start3A_3374 = tpu.memref_slice %arg10[%dma_start3A_3371, %dma_start3A_3372, %dma_start3A_3373] : memref<3x128x128xf32, #tpu.memory_space<vmem>> -> memref<1x128x128xf32, #tpu.memory_space<vmem>>
        %dma_start3A_3375 = tpu.memref_squeeze %dma_start3A_3374 : memref<1x128x128xf32, #tpu.memory_space<vmem>> -> memref<128x128xf32, #tpu.memory_space<vmem>>
        %dma_start3A_3376 = arith.constant 32 : i32
        %dma_start3A_3377 = arith.constant 0 : i32
        %dma_start3A_3378 = tpu.memref_slice %dma_start3A_3375[%dma_start3A_3376, %dma_start3A_3377] : memref<128x128xf32, #tpu.memory_space<vmem>> -> memref<16x128xf32, #tpu.memory_space<vmem>>
        %dma_start3A_3379 = arith.constant 0 : i32
        %dma_start3A_3380 = tpu.memref_slice %arg5[%dma_start3A_3379, %multiple_of3A_3351] : memref<16x1000000xf32, #tpu.memory_space<hbm>> -> memref<16x128xf32, #tpu.memory_space<hbm>>
        %dma_start3A_3381 = arith.constant 0 : i32
        %dma_start3A_3382 = arith.constant 0 : i32
        %dma_start3A_3383 = tpu.memref_slice %arg10[%dma_start3A_3371, %dma_start3A_3381, %dma_start3A_3382] : memref<3x128x128xf32, #tpu.memory_space<vmem>> -> memref<1x128x128xf32, #tpu.memory_space<vmem>>
        %dma_start3A_3384 = tpu.memref_squeeze %dma_start3A_3383 : memref<1x128x128xf32, #tpu.memory_space<vmem>> -> memref<128x128xf32, #tpu.memory_space<vmem>>
        %dma_start3A_3385 = arith.constant 32 : i32
        %dma_start3A_3386 = arith.constant 0 : i32
        %dma_start3A_3387 = tpu.memref_slice %dma_start3A_3384[%dma_start3A_3385, %dma_start3A_3386] : memref<128x128xf32, #tpu.memory_space<vmem>> -> memref<16x128xf32, #tpu.memory_space<vmem>>
        %dma_start3A_3388 = arith.constant 0 : i32
        %dma_start3A_3389 = tpu.memref_slice %arg5[%dma_start3A_3388, %multiple_of3A_3351] : memref<16x1000000xf32, #tpu.memory_space<hbm>> -> memref<16x128xf32, #tpu.memory_space<hbm>>
        tpu.enqueue_dma source(%dma_start3A_3389 : memref<16x128xf32, #tpu.memory_space<hbm>>) target(%dma_start3A_3387 : memref<16x128xf32, #tpu.memory_space<vmem>>) target_semaphore(%arg13 : memref<!tpu.dma_semaphore, #tpu.memory_space<semaphore_mem>>)
        %slice3A_3390 = vector.extract_strided_slice %and3A_3250 {offsets = [3], sizes = [1], strides = [1]} : vector<16xi32> to vector<1xi32>
        %squeeze3A_3391 = vector.extract %slice3A_3390[0] : i32 from vector<1xi32>
        %multiple_of3A_3392 = tpu.assume_multiple %squeeze3A_3391, 128 : i32
        %slice3A_3393 = vector.extract_strided_slice %and3A_3257 {offsets = [3], sizes = [1], strides = [1]} : vector<16xi32> to vector<1xi32>
        %squeeze3A_3394 = vector.extract %slice3A_3393[0] : i32 from vector<1xi32>
        %multiple_of3A_3395 = tpu.assume_multiple %squeeze3A_3394, 128 : i32
        %dma_start3A_3396 = arith.constant 0 : i32
        %dma_start3A_3397 = arith.constant 0 : i32
        %dma_start3A_3398 = arith.constant 0 : i32
        %dma_start3A_3399 = tpu.memref_slice %arg9[%dma_start3A_3396, %dma_start3A_3397, %dma_start3A_3398] : memref<3x128x128xf32, #tpu.memory_space<vmem>> -> memref<1x128x128xf32, #tpu.memory_space<vmem>>
        %dma_start3A_3400 = tpu.memref_squeeze %dma_start3A_3399 : memref<1x128x128xf32, #tpu.memory_space<vmem>> -> memref<128x128xf32, #tpu.memory_space<vmem>>
        %dma_start3A_3401 = arith.constant 48 : i32
        %dma_start3A_3402 = arith.constant 0 : i32
        %dma_start3A_3403 = tpu.memref_slice %dma_start3A_3400[%dma_start3A_3401, %dma_start3A_3402] : memref<128x128xf32, #tpu.memory_space<vmem>> -> memref<16x128xf32, #tpu.memory_space<vmem>>
        %dma_start3A_3404 = arith.constant 0 : i32
        %dma_start3A_3405 = tpu.memref_slice %arg4[%dma_start3A_3404, %multiple_of3A_3392] : memref<16x1000000xf32, #tpu.memory_space<hbm>> -> memref<16x128xf32, #tpu.memory_space<hbm>>
        %dma_start3A_3406 = arith.constant 0 : i32
        %dma_start3A_3407 = arith.constant 0 : i32
        %dma_start3A_3408 = tpu.memref_slice %arg9[%dma_start3A_3396, %dma_start3A_3406, %dma_start3A_3407] : memref<3x128x128xf32, #tpu.memory_space<vmem>> -> memref<1x128x128xf32, #tpu.memory_space<vmem>>
        %dma_start3A_3409 = tpu.memref_squeeze %dma_start3A_3408 : memref<1x128x128xf32, #tpu.memory_space<vmem>> -> memref<128x128xf32, #tpu.memory_space<vmem>>
        %dma_start3A_3410 = arith.constant 48 : i32
        %dma_start3A_3411 = arith.constant 0 : i32
        %dma_start3A_3412 = tpu.memref_slice %dma_start3A_3409[%dma_start3A_3410, %dma_start3A_3411] : memref<128x128xf32, #tpu.memory_space<vmem>> -> memref<16x128xf32, #tpu.memory_space<vmem>>
        %dma_start3A_3413 = arith.constant 0 : i32
        %dma_start3A_3414 = tpu.memref_slice %arg4[%dma_start3A_3413, %multiple_of3A_3392] : memref<16x1000000xf32, #tpu.memory_space<hbm>> -> memref<16x128xf32, #tpu.memory_space<hbm>>
        tpu.enqueue_dma source(%dma_start3A_3414 : memref<16x128xf32, #tpu.memory_space<hbm>>) target(%dma_start3A_3412 : memref<16x128xf32, #tpu.memory_space<vmem>>) target_semaphore(%arg12 : memref<!tpu.dma_semaphore, #tpu.memory_space<semaphore_mem>>)
        %dma_start3A_3415 = arith.constant 0 : i32
        %dma_start3A_3416 = arith.constant 0 : i32
        %dma_start3A_3417 = arith.constant 0 : i32
        %dma_start3A_3418 = tpu.memref_slice %arg10[%dma_start3A_3415, %dma_start3A_3416, %dma_start3A_3417] : memref<3x128x128xf32, #tpu.memory_space<vmem>> -> memref<1x128x128xf32, #tpu.memory_space<vmem>>
        %dma_start3A_3419 = tpu.memref_squeeze %dma_start3A_3418 : memref<1x128x128xf32, #tpu.memory_space<vmem>> -> memref<128x128xf32, #tpu.memory_space<vmem>>
        %dma_start3A_3420 = arith.constant 48 : i32
        %dma_start3A_3421 = arith.constant 0 : i32
        %dma_start3A_3422 = tpu.memref_slice %dma_start3A_3419[%dma_start3A_3420, %dma_start3A_3421] : memref<128x128xf32, #tpu.memory_space<vmem>> -> memref<16x128xf32, #tpu.memory_space<vmem>>
        %dma_start3A_3423 = arith.constant 0 : i32
        %dma_start3A_3424 = tpu.memref_slice %arg5[%dma_start3A_3423, %multiple_of3A_3395] : memref<16x1000000xf32, #tpu.memory_space<hbm>> -> memref<16x128xf32, #tpu.memory_space<hbm>>
        %dma_start3A_3425 = arith.constant 0 : i32
        %dma_start3A_3426 = arith.constant 0 : i32
        %dma_start3A_3427 = tpu.memref_slice %arg10[%dma_start3A_3415, %dma_start3A_3425, %dma_start3A_3426] : memref<3x128x128xf32, #tpu.memory_space<vmem>> -> memref<1x128x128xf32, #tpu.memory_space<vmem>>
        %dma_start3A_3428 = tpu.memref_squeeze %dma_start3A_3427 : memref<1x128x128xf32, #tpu.memory_space<vmem>> -> memref<128x128xf32, #tpu.memory_space<vmem>>
        %dma_start3A_3429 = arith.constant 48 : i32
        %dma_start3A_3430 = arith.constant 0 : i32
        %dma_start3A_3431 = tpu.memref_slice %dma_start3A_3428[%dma_start3A_3429, %dma_start3A_3430] : memref<128x128xf32, #tpu.memory_space<vmem>> -> memref<16x128xf32, #tpu.memory_space<vmem>>
        %dma_start3A_3432 = arith.constant 0 : i32
        %dma_start3A_3433 = tpu.memref_slice %arg5[%dma_start3A_3432, %multiple_of3A_3395] : memref<16x1000000xf32, #tpu.memory_space<hbm>> -> memref<16x128xf32, #tpu.memory_space<hbm>>
        tpu.enqueue_dma source(%dma_start3A_3433 : memref<16x128xf32, #tpu.memory_space<hbm>>) target(%dma_start3A_3431 : memref<16x128xf32, #tpu.memory_space<vmem>>) target_semaphore(%arg13 : memref<!tpu.dma_semaphore, #tpu.memory_space<semaphore_mem>>)
        %slice3A_3434 = vector.extract_strided_slice %and3A_3250 {offsets = [4], sizes = [1], strides = [1]} : vector<16xi32> to vector<1xi32>
        %squeeze3A_3435 = vector.extract %slice3A_3434[0] : i32 from vector<1xi32>
        %multiple_of3A_3436 = tpu.assume_multiple %squeeze3A_3435, 128 : i32
        %slice3A_3437 = vector.extract_strided_slice %and3A_3257 {offsets = [4], sizes = [1], strides = [1]} : vector<16xi32> to vector<1xi32>
        %squeeze3A_3438 = vector.extract %slice3A_3437[0] : i32 from vector<1xi32>
        %multiple_of3A_3439 = tpu.assume_multiple %squeeze3A_3438, 128 : i32
        %dma_start3A_3440 = arith.constant 0 : i32
        %dma_start3A_3441 = arith.constant 0 : i32
        %dma_start3A_3442 = arith.constant 0 : i32
        %dma_start3A_3443 = tpu.memref_slice %arg9[%dma_start3A_3440, %dma_start3A_3441, %dma_start3A_3442] : memref<3x128x128xf32, #tpu.memory_space<vmem>> -> memref<1x128x128xf32, #tpu.memory_space<vmem>>
        %dma_start3A_3444 = tpu.memref_squeeze %dma_start3A_3443 : memref<1x128x128xf32, #tpu.memory_space<vmem>> -> memref<128x128xf32, #tpu.memory_space<vmem>>
        %dma_start3A_3445 = arith.constant 64 : i32
        %dma_start3A_3446 = arith.constant 0 : i32
        %dma_start3A_3447 = tpu.memref_slice %dma_start3A_3444[%dma_start3A_3445, %dma_start3A_3446] : memref<128x128xf32, #tpu.memory_space<vmem>> -> memref<16x128xf32, #tpu.memory_space<vmem>>
        %dma_start3A_3448 = arith.constant 0 : i32
        %dma_start3A_3449 = tpu.memref_slice %arg4[%dma_start3A_3448, %multiple_of3A_3436] : memref<16x1000000xf32, #tpu.memory_space<hbm>> -> memref<16x128xf32, #tpu.memory_space<hbm>>
        %dma_start3A_3450 = arith.constant 0 : i32
        %dma_start3A_3451 = arith.constant 0 : i32
        %dma_start3A_3452 = tpu.memref_slice %arg9[%dma_start3A_3440, %dma_start3A_3450, %dma_start3A_3451] : memref<3x128x128xf32, #tpu.memory_space<vmem>> -> memref<1x128x128xf32, #tpu.memory_space<vmem>>
        %dma_start3A_3453 = tpu.memref_squeeze %dma_start3A_3452 : memref<1x128x128xf32, #tpu.memory_space<vmem>> -> memref<128x128xf32, #tpu.memory_space<vmem>>
        %dma_start3A_3454 = arith.constant 64 : i32
        %dma_start3A_3455 = arith.constant 0 : i32
        %dma_start3A_3456 = tpu.memref_slice %dma_start3A_3453[%dma_start3A_3454, %dma_start3A_3455] : memref<128x128xf32, #tpu.memory_space<vmem>> -> memref<16x128xf32, #tpu.memory_space<vmem>>
        %dma_start3A_3457 = arith.constant 0 : i32
        %dma_start3A_3458 = tpu.memref_slice %arg4[%dma_start3A_3457, %multiple_of3A_3436] : memref<16x1000000xf32, #tpu.memory_space<hbm>> -> memref<16x128xf32, #tpu.memory_space<hbm>>
        tpu.enqueue_dma source(%dma_start3A_3458 : memref<16x128xf32, #tpu.memory_space<hbm>>) target(%dma_start3A_3456 : memref<16x128xf32, #tpu.memory_space<vmem>>) target_semaphore(%arg12 : memref<!tpu.dma_semaphore, #tpu.memory_space<semaphore_mem>>)
        %dma_start3A_3459 = arith.constant 0 : i32
        %dma_start3A_3460 = arith.constant 0 : i32
        %dma_start3A_3461 = arith.constant 0 : i32
        %dma_start3A_3462 = tpu.memref_slice %arg10[%dma_start3A_3459, %dma_start3A_3460, %dma_start3A_3461] : memref<3x128x128xf32, #tpu.memory_space<vmem>> -> memref<1x128x128xf32, #tpu.memory_space<vmem>>
        %dma_start3A_3463 = tpu.memref_squeeze %dma_start3A_3462 : memref<1x128x128xf32, #tpu.memory_space<vmem>> -> memref<128x128xf32, #tpu.memory_space<vmem>>
        %dma_start3A_3464 = arith.constant 64 : i32
        %dma_start3A_3465 = arith.constant 0 : i32
        %dma_start3A_3466 = tpu.memref_slice %dma_start3A_3463[%dma_start3A_3464, %dma_start3A_3465] : memref<128x128xf32, #tpu.memory_space<vmem>> -> memref<16x128xf32, #tpu.memory_space<vmem>>
        %dma_start3A_3467 = arith.constant 0 : i32
        %dma_start3A_3468 = tpu.memref_slice %arg5[%dma_start3A_3467, %multiple_of3A_3439] : memref<16x1000000xf32, #tpu.memory_space<hbm>> -> memref<16x128xf32, #tpu.memory_space<hbm>>
        %dma_start3A_3469 = arith.constant 0 : i32
        %dma_start3A_3470 = arith.constant 0 : i32
        %dma_start3A_3471 = tpu.memref_slice %arg10[%dma_start3A_3459, %dma_start3A_3469, %dma_start3A_3470] : memref<3x128x128xf32, #tpu.memory_space<vmem>> -> memref<1x128x128xf32, #tpu.memory_space<vmem>>
        %dma_start3A_3472 = tpu.memref_squeeze %dma_start3A_3471 : memref<1x128x128xf32, #tpu.memory_space<vmem>> -> memref<128x128xf32, #tpu.memory_space<vmem>>
        %dma_start3A_3473 = arith.constant 64 : i32
        %dma_start3A_3474 = arith.constant 0 : i32
        %dma_start3A_3475 = tpu.memref_slice %dma_start3A_3472[%dma_start3A_3473, %dma_start3A_3474] : memref<128x128xf32, #tpu.memory_space<vmem>> -> memref<16x128xf32, #tpu.memory_space<vmem>>
        %dma_start3A_3476 = arith.constant 0 : i32
        %dma_start3A_3477 = tpu.memref_slice %arg5[%dma_start3A_3476, %multiple_of3A_3439] : memref<16x1000000xf32, #tpu.memory_space<hbm>> -> memref<16x128xf32, #tpu.memory_space<hbm>>
        tpu.enqueue_dma source(%dma_start3A_3477 : memref<16x128xf32, #tpu.memory_space<hbm>>) target(%dma_start3A_3475 : memref<16x128xf32, #tpu.memory_space<vmem>>) target_semaphore(%arg13 : memref<!tpu.dma_semaphore, #tpu.memory_space<semaphore_mem>>)
        %slice3A_3478 = vector.extract_strided_slice %and3A_3250 {offsets = [5], sizes = [1], strides = [1]} : vector<16xi32> to vector<1xi32>
        %squeeze3A_3479 = vector.extract %slice3A_3478[0] : i32 from vector<1xi32>
        %multiple_of3A_3480 = tpu.assume_multiple %squeeze3A_3479, 128 : i32
        %slice3A_3481 = vector.extract_strided_slice %and3A_3257 {offsets = [5], sizes = [1], strides = [1]} : vector<16xi32> to vector<1xi32>
        %squeeze3A_3482 = vector.extract %slice3A_3481[0] : i32 from vector<1xi32>
        %multiple_of3A_3483 = tpu.assume_multiple %squeeze3A_3482, 128 : i32
        %dma_start3A_3484 = arith.constant 0 : i32
        %dma_start3A_3485 = arith.constant 0 : i32
        %dma_start3A_3486 = arith.constant 0 : i32
        %dma_start3A_3487 = tpu.memref_slice %arg9[%dma_start3A_3484, %dma_start3A_3485, %dma_start3A_3486] : memref<3x128x128xf32, #tpu.memory_space<vmem>> -> memref<1x128x128xf32, #tpu.memory_space<vmem>>
        %dma_start3A_3488 = tpu.memref_squeeze %dma_start3A_3487 : memref<1x128x128xf32, #tpu.memory_space<vmem>> -> memref<128x128xf32, #tpu.memory_space<vmem>>
        %dma_start3A_3489 = arith.constant 80 : i32
        %dma_start3A_3490 = arith.constant 0 : i32
        %dma_start3A_3491 = tpu.memref_slice %dma_start3A_3488[%dma_start3A_3489, %dma_start3A_3490] : memref<128x128xf32, #tpu.memory_space<vmem>> -> memref<16x128xf32, #tpu.memory_space<vmem>>
        %dma_start3A_3492 = arith.constant 0 : i32
        %dma_start3A_3493 = tpu.memref_slice %arg4[%dma_start3A_3492, %multiple_of3A_3480] : memref<16x1000000xf32, #tpu.memory_space<hbm>> -> memref<16x128xf32, #tpu.memory_space<hbm>>
        %dma_start3A_3494 = arith.constant 0 : i32
        %dma_start3A_3495 = arith.constant 0 : i32
        %dma_start3A_3496 = tpu.memref_slice %arg9[%dma_start3A_3484, %dma_start3A_3494, %dma_start3A_3495] : memref<3x128x128xf32, #tpu.memory_space<vmem>> -> memref<1x128x128xf32, #tpu.memory_space<vmem>>
        %dma_start3A_3497 = tpu.memref_squeeze %dma_start3A_3496 : memref<1x128x128xf32, #tpu.memory_space<vmem>> -> memref<128x128xf32, #tpu.memory_space<vmem>>
        %dma_start3A_3498 = arith.constant 80 : i32
        %dma_start3A_3499 = arith.constant 0 : i32
        %dma_start3A_3500 = tpu.memref_slice %dma_start3A_3497[%dma_start3A_3498, %dma_start3A_3499] : memref<128x128xf32, #tpu.memory_space<vmem>> -> memref<16x128xf32, #tpu.memory_space<vmem>>
        %dma_start3A_3501 = arith.constant 0 : i32
        %dma_start3A_3502 = tpu.memref_slice %arg4[%dma_start3A_3501, %multiple_of3A_3480] : memref<16x1000000xf32, #tpu.memory_space<hbm>> -> memref<16x128xf32, #tpu.memory_space<hbm>>
        tpu.enqueue_dma source(%dma_start3A_3502 : memref<16x128xf32, #tpu.memory_space<hbm>>) target(%dma_start3A_3500 : memref<16x128xf32, #tpu.memory_space<vmem>>) target_semaphore(%arg12 : memref<!tpu.dma_semaphore, #tpu.memory_space<semaphore_mem>>)
        %dma_start3A_3503 = arith.constant 0 : i32
        %dma_start3A_3504 = arith.constant 0 : i32
        %dma_start3A_3505 = arith.constant 0 : i32
        %dma_start3A_3506 = tpu.memref_slice %arg10[%dma_start3A_3503, %dma_start3A_3504, %dma_start3A_3505] : memref<3x128x128xf32, #tpu.memory_space<vmem>> -> memref<1x128x128xf32, #tpu.memory_space<vmem>>
        %dma_start3A_3507 = tpu.memref_squeeze %dma_start3A_3506 : memref<1x128x128xf32, #tpu.memory_space<vmem>> -> memref<128x128xf32, #tpu.memory_space<vmem>>
        %dma_start3A_3508 = arith.constant 80 : i32
        %dma_start3A_3509 = arith.constant 0 : i32
        %dma_start3A_3510 = tpu.memref_slice %dma_start3A_3507[%dma_start3A_3508, %dma_start3A_3509] : memref<128x128xf32, #tpu.memory_space<vmem>> -> memref<16x128xf32, #tpu.memory_space<vmem>>
        %dma_start3A_3511 = arith.constant 0 : i32
        %dma_start3A_3512 = tpu.memref_slice %arg5[%dma_start3A_3511, %multiple_of3A_3483] : memref<16x1000000xf32, #tpu.memory_space<hbm>> -> memref<16x128xf32, #tpu.memory_space<hbm>>
        %dma_start3A_3513 = arith.constant 0 : i32
        %dma_start3A_3514 = arith.constant 0 : i32
        %dma_start3A_3515 = tpu.memref_slice %arg10[%dma_start3A_3503, %dma_start3A_3513, %dma_start3A_3514] : memref<3x128x128xf32, #tpu.memory_space<vmem>> -> memref<1x128x128xf32, #tpu.memory_space<vmem>>
        %dma_start3A_3516 = tpu.memref_squeeze %dma_start3A_3515 : memref<1x128x128xf32, #tpu.memory_space<vmem>> -> memref<128x128xf32, #tpu.memory_space<vmem>>
        %dma_start3A_3517 = arith.constant 80 : i32
        %dma_start3A_3518 = arith.constant 0 : i32
        %dma_start3A_3519 = tpu.memref_slice %dma_start3A_3516[%dma_start3A_3517, %dma_start3A_3518] : memref<128x128xf32, #tpu.memory_space<vmem>> -> memref<16x128xf32, #tpu.memory_space<vmem>>
        %dma_start3A_3520 = arith.constant 0 : i32
        %dma_start3A_3521 = tpu.memref_slice %arg5[%dma_start3A_3520, %multiple_of3A_3483] : memref<16x1000000xf32, #tpu.memory_space<hbm>> -> memref<16x128xf32, #tpu.memory_space<hbm>>
        tpu.enqueue_dma source(%dma_start3A_3521 : memref<16x128xf32, #tpu.memory_space<hbm>>) target(%dma_start3A_3519 : memref<16x128xf32, #tpu.memory_space<vmem>>) target_semaphore(%arg13 : memref<!tpu.dma_semaphore, #tpu.memory_space<semaphore_mem>>)
        %slice3A_3522 = vector.extract_strided_slice %and3A_3250 {offsets = [6], sizes = [1], strides = [1]} : vector<16xi32> to vector<1xi32>
        %squeeze3A_3523 = vector.extract %slice3A_3522[0] : i32 from vector<1xi32>
        %multiple_of3A_3524 = tpu.assume_multiple %squeeze3A_3523, 128 : i32
        %slice3A_3525 = vector.extract_strided_slice %and3A_3257 {offsets = [6], sizes = [1], strides = [1]} : vector<16xi32> to vector<1xi32>
        %squeeze3A_3526 = vector.extract %slice3A_3525[0] : i32 from vector<1xi32>
        %multiple_of3A_3527 = tpu.assume_multiple %squeeze3A_3526, 128 : i32
        %dma_start3A_3528 = arith.constant 0 : i32
        %dma_start3A_3529 = arith.constant 0 : i32
        %dma_start3A_3530 = arith.constant 0 : i32
        %dma_start3A_3531 = tpu.memref_slice %arg9[%dma_start3A_3528, %dma_start3A_3529, %dma_start3A_3530] : memref<3x128x128xf32, #tpu.memory_space<vmem>> -> memref<1x128x128xf32, #tpu.memory_space<vmem>>
        %dma_start3A_3532 = tpu.memref_squeeze %dma_start3A_3531 : memref<1x128x128xf32, #tpu.memory_space<vmem>> -> memref<128x128xf32, #tpu.memory_space<vmem>>
        %dma_start3A_3533 = arith.constant 96 : i32
        %dma_start3A_3534 = arith.constant 0 : i32
        %dma_start3A_3535 = tpu.memref_slice %dma_start3A_3532[%dma_start3A_3533, %dma_start3A_3534] : memref<128x128xf32, #tpu.memory_space<vmem>> -> memref<16x128xf32, #tpu.memory_space<vmem>>
        %dma_start3A_3536 = arith.constant 0 : i32
        %dma_start3A_3537 = tpu.memref_slice %arg4[%dma_start3A_3536, %multiple_of3A_3524] : memref<16x1000000xf32, #tpu.memory_space<hbm>> -> memref<16x128xf32, #tpu.memory_space<hbm>>
        %dma_start3A_3538 = arith.constant 0 : i32
        %dma_start3A_3539 = arith.constant 0 : i32
        %dma_start3A_3540 = tpu.memref_slice %arg9[%dma_start3A_3528, %dma_start3A_3538, %dma_start3A_3539] : memref<3x128x128xf32, #tpu.memory_space<vmem>> -> memref<1x128x128xf32, #tpu.memory_space<vmem>>
        %dma_start3A_3541 = tpu.memref_squeeze %dma_start3A_3540 : memref<1x128x128xf32, #tpu.memory_space<vmem>> -> memref<128x128xf32, #tpu.memory_space<vmem>>
        %dma_start3A_3542 = arith.constant 96 : i32
        %dma_start3A_3543 = arith.constant 0 : i32
        %dma_start3A_3544 = tpu.memref_slice %dma_start3A_3541[%dma_start3A_3542, %dma_start3A_3543] : memref<128x128xf32, #tpu.memory_space<vmem>> -> memref<16x128xf32, #tpu.memory_space<vmem>>
        %dma_start3A_3545 = arith.constant 0 : i32
        %dma_start3A_3546 = tpu.memref_slice %arg4[%dma_start3A_3545, %multiple_of3A_3524] : memref<16x1000000xf32, #tpu.memory_space<hbm>> -> memref<16x128xf32, #tpu.memory_space<hbm>>
        tpu.enqueue_dma source(%dma_start3A_3546 : memref<16x128xf32, #tpu.memory_space<hbm>>) target(%dma_start3A_3544 : memref<16x128xf32, #tpu.memory_space<vmem>>) target_semaphore(%arg12 : memref<!tpu.dma_semaphore, #tpu.memory_space<semaphore_mem>>)
        %dma_start3A_3547 = arith.constant 0 : i32
        %dma_start3A_3548 = arith.constant 0 : i32
        %dma_start3A_3549 = arith.constant 0 : i32
        %dma_start3A_3550 = tpu.memref_slice %arg10[%dma_start3A_3547, %dma_start3A_3548, %dma_start3A_3549] : memref<3x128x128xf32, #tpu.memory_space<vmem>> -> memref<1x128x128xf32, #tpu.memory_space<vmem>>
        %dma_start3A_3551 = tpu.memref_squeeze %dma_start3A_3550 : memref<1x128x128xf32, #tpu.memory_space<vmem>> -> memref<128x128xf32, #tpu.memory_space<vmem>>
        %dma_start3A_3552 = arith.constant 96 : i32
        %dma_start3A_3553 = arith.constant 0 : i32
        %dma_start3A_3554 = tpu.memref_slice %dma_start3A_3551[%dma_start3A_3552, %dma_start3A_3553] : memref<128x128xf32, #tpu.memory_space<vmem>> -> memref<16x128xf32, #tpu.memory_space<vmem>>
        %dma_start3A_3555 = arith.constant 0 : i32
        %dma_start3A_3556 = tpu.memref_slice %arg5[%dma_start3A_3555, %multiple_of3A_3527] : memref<16x1000000xf32, #tpu.memory_space<hbm>> -> memref<16x128xf32, #tpu.memory_space<hbm>>
        %dma_start3A_3557 = arith.constant 0 : i32
        %dma_start3A_3558 = arith.constant 0 : i32
        %dma_start3A_3559 = tpu.memref_slice %arg10[%dma_start3A_3547, %dma_start3A_3557, %dma_start3A_3558] : memref<3x128x128xf32, #tpu.memory_space<vmem>> -> memref<1x128x128xf32, #tpu.memory_space<vmem>>
        %dma_start3A_3560 = tpu.memref_squeeze %dma_start3A_3559 : memref<1x128x128xf32, #tpu.memory_space<vmem>> -> memref<128x128xf32, #tpu.memory_space<vmem>>
        %dma_start3A_3561 = arith.constant 96 : i32
        %dma_start3A_3562 = arith.constant 0 : i32
        %dma_start3A_3563 = tpu.memref_slice %dma_start3A_3560[%dma_start3A_3561, %dma_start3A_3562] : memref<128x128xf32, #tpu.memory_space<vmem>> -> memref<16x128xf32, #tpu.memory_space<vmem>>
        %dma_start3A_3564 = arith.constant 0 : i32
        %dma_start3A_3565 = tpu.memref_slice %arg5[%dma_start3A_3564, %multiple_of3A_3527] : memref<16x1000000xf32, #tpu.memory_space<hbm>> -> memref<16x128xf32, #tpu.memory_space<hbm>>
        tpu.enqueue_dma source(%dma_start3A_3565 : memref<16x128xf32, #tpu.memory_space<hbm>>) target(%dma_start3A_3563 : memref<16x128xf32, #tpu.memory_space<vmem>>) target_semaphore(%arg13 : memref<!tpu.dma_semaphore, #tpu.memory_space<semaphore_mem>>)
        %slice3A_3566 = vector.extract_strided_slice %and3A_3250 {offsets = [7], sizes = [1], strides = [1]} : vector<16xi32> to vector<1xi32>
        %squeeze3A_3567 = vector.extract %slice3A_3566[0] : i32 from vector<1xi32>
        %multiple_of3A_3568 = tpu.assume_multiple %squeeze3A_3567, 128 : i32
        %slice3A_3569 = vector.extract_strided_slice %and3A_3257 {offsets = [7], sizes = [1], strides = [1]} : vector<16xi32> to vector<1xi32>
        %squeeze3A_3570 = vector.extract %slice3A_3569[0] : i32 from vector<1xi32>
        %multiple_of3A_3571 = tpu.assume_multiple %squeeze3A_3570, 128 : i32
        %dma_start3A_3572 = arith.constant 0 : i32
        %dma_start3A_3573 = arith.constant 0 : i32
        %dma_start3A_3574 = arith.constant 0 : i32
        %dma_start3A_3575 = tpu.memref_slice %arg9[%dma_start3A_3572, %dma_start3A_3573, %dma_start3A_3574] : memref<3x128x128xf32, #tpu.memory_space<vmem>> -> memref<1x128x128xf32, #tpu.memory_space<vmem>>
        %dma_start3A_3576 = tpu.memref_squeeze %dma_start3A_3575 : memref<1x128x128xf32, #tpu.memory_space<vmem>> -> memref<128x128xf32, #tpu.memory_space<vmem>>
        %dma_start3A_3577 = arith.constant 112 : i32
        %dma_start3A_3578 = arith.constant 0 : i32
        %dma_start3A_3579 = tpu.memref_slice %dma_start3A_3576[%dma_start3A_3577, %dma_start3A_3578] : memref<128x128xf32, #tpu.memory_space<vmem>> -> memref<16x128xf32, #tpu.memory_space<vmem>>
        %dma_start3A_3580 = arith.constant 0 : i32
        %dma_start3A_3581 = tpu.memref_slice %arg4[%dma_start3A_3580, %multiple_of3A_3568] : memref<16x1000000xf32, #tpu.memory_space<hbm>> -> memref<16x128xf32, #tpu.memory_space<hbm>>
        %dma_start3A_3582 = arith.constant 0 : i32
        %dma_start3A_3583 = arith.constant 0 : i32
        %dma_start3A_3584 = tpu.memref_slice %arg9[%dma_start3A_3572, %dma_start3A_3582, %dma_start3A_3583] : memref<3x128x128xf32, #tpu.memory_space<vmem>> -> memref<1x128x128xf32, #tpu.memory_space<vmem>>
        %dma_start3A_3585 = tpu.memref_squeeze %dma_start3A_3584 : memref<1x128x128xf32, #tpu.memory_space<vmem>> -> memref<128x128xf32, #tpu.memory_space<vmem>>
        %dma_start3A_3586 = arith.constant 112 : i32
        %dma_start3A_3587 = arith.constant 0 : i32
        %dma_start3A_3588 = tpu.memref_slice %dma_start3A_3585[%dma_start3A_3586, %dma_start3A_3587] : memref<128x128xf32, #tpu.memory_space<vmem>> -> memref<16x128xf32, #tpu.memory_space<vmem>>
        %dma_start3A_3589 = arith.constant 0 : i32
        %dma_start3A_3590 = tpu.memref_slice %arg4[%dma_start3A_3589, %multiple_of3A_3568] : memref<16x1000000xf32, #tpu.memory_space<hbm>> -> memref<16x128xf32, #tpu.memory_space<hbm>>
        tpu.enqueue_dma source(%dma_start3A_3590 : memref<16x128xf32, #tpu.memory_space<hbm>>) target(%dma_start3A_3588 : memref<16x128xf32, #tpu.memory_space<vmem>>) target_semaphore(%arg12 : memref<!tpu.dma_semaphore, #tpu.memory_space<semaphore_mem>>)
        %dma_start3A_3591 = arith.constant 0 : i32
        %dma_start3A_3592 = arith.constant 0 : i32
        %dma_start3A_3593 = arith.constant 0 : i32
        %dma_start3A_3594 = tpu.memref_slice %arg10[%dma_start3A_3591, %dma_start3A_3592, %dma_start3A_3593] : memref<3x128x128xf32, #tpu.memory_space<vmem>> -> memref<1x128x128xf32, #tpu.memory_space<vmem>>
        %dma_start3A_3595 = tpu.memref_squeeze %dma_start3A_3594 : memref<1x128x128xf32, #tpu.memory_space<vmem>> -> memref<128x128xf32, #tpu.memory_space<vmem>>
        %dma_start3A_3596 = arith.constant 112 : i32
        %dma_start3A_3597 = arith.constant 0 : i32
        %dma_start3A_3598 = tpu.memref_slice %dma_start3A_3595[%dma_start3A_3596, %dma_start3A_3597] : memref<128x128xf32, #tpu.memory_space<vmem>> -> memref<16x128xf32, #tpu.memory_space<vmem>>
        %dma_start3A_3599 = arith.constant 0 : i32
        %dma_start3A_3600 = tpu.memref_slice %arg5[%dma_start3A_3599, %multiple_of3A_3571] : memref<16x1000000xf32, #tpu.memory_space<hbm>> -> memref<16x128xf32, #tpu.memory_space<hbm>>
        %dma_start3A_3601 = arith.constant 0 : i32
        %dma_start3A_3602 = arith.constant 0 : i32
        %dma_start3A_3603 = tpu.memref_slice %arg10[%dma_start3A_3591, %dma_start3A_3601, %dma_start3A_3602] : memref<3x128x128xf32, #tpu.memory_space<vmem>> -> memref<1x128x128xf32, #tpu.memory_space<vmem>>
        %dma_start3A_3604 = tpu.memref_squeeze %dma_start3A_3603 : memref<1x128x128xf32, #tpu.memory_space<vmem>> -> memref<128x128xf32, #tpu.memory_space<vmem>>
        %dma_start3A_3605 = arith.constant 112 : i32
        %dma_start3A_3606 = arith.constant 0 : i32
        %dma_start3A_3607 = tpu.memref_slice %dma_start3A_3604[%dma_start3A_3605, %dma_start3A_3606] : memref<128x128xf32, #tpu.memory_space<vmem>> -> memref<16x128xf32, #tpu.memory_space<vmem>>
        %dma_start3A_3608 = arith.constant 0 : i32
        %dma_start3A_3609 = tpu.memref_slice %arg5[%dma_start3A_3608, %multiple_of3A_3571] : memref<16x1000000xf32, #tpu.memory_space<hbm>> -> memref<16x128xf32, #tpu.memory_space<hbm>>
        tpu.enqueue_dma source(%dma_start3A_3609 : memref<16x128xf32, #tpu.memory_space<hbm>>) target(%dma_start3A_3607 : memref<16x128xf32, #tpu.memory_space<vmem>>) target_semaphore(%arg13 : memref<!tpu.dma_semaphore, #tpu.memory_space<semaphore_mem>>)
      } else {
      }
      %dma_wait3A_2169 = arith.constant 1 : i32
      %dma_wait3A_2170 = arith.constant 0 : i32
      %dma_wait3A_2171 = arith.constant 0 : i32
      %dma_wait3A_2172 = tpu.memref_slice %arg9[%dma_wait3A_2169, %dma_wait3A_2170, %dma_wait3A_2171] : memref<3x128x128xf32, #tpu.memory_space<vmem>> -> memref<1x128x128xf32, #tpu.memory_space<vmem>>
      %dma_wait3A_2173 = tpu.memref_squeeze %dma_wait3A_2172 : memref<1x128x128xf32, #tpu.memory_space<vmem>> -> memref<128x128xf32, #tpu.memory_space<vmem>>
      %dma_wait3A_2174 = arith.constant 0 : i32
      %dma_wait3A_2175 = arith.constant 0 : i32
      %dma_wait3A_2176 = tpu.memref_slice %dma_wait3A_2173[%dma_wait3A_2174, %dma_wait3A_2175] : memref<128x128xf32, #tpu.memory_space<vmem>> -> memref<16x128xf32, #tpu.memory_space<vmem>>
      %dma_wait3A_2177 = arith.constant 0 : i32
      %dma_wait3A_2178 = arith.constant 0 : i32
      %dma_wait3A_2179 = tpu.memref_slice %arg4[%dma_wait3A_2177, %dma_wait3A_2178] : memref<16x1000000xf32, #tpu.memory_space<hbm>> -> memref<16x128xf32, #tpu.memory_space<hbm>>
      %dma_wait3A_2180 = arith.constant 0 : i32
      %dma_wait3A_2181 = arith.constant 0 : i32
      %dma_wait3A_2182 = tpu.memref_slice %arg9[%dma_wait3A_2169, %dma_wait3A_2180, %dma_wait3A_2181] : memref<3x128x128xf32, #tpu.memory_space<vmem>> -> memref<1x128x128xf32, #tpu.memory_space<vmem>>
      %dma_wait3A_2183 = tpu.memref_squeeze %dma_wait3A_2182 : memref<1x128x128xf32, #tpu.memory_space<vmem>> -> memref<128x128xf32, #tpu.memory_space<vmem>>
      %dma_wait3A_2184 = arith.constant 0 : i32
      %dma_wait3A_2185 = arith.constant 0 : i32
      %dma_wait3A_2186 = tpu.memref_slice %dma_wait3A_2183[%dma_wait3A_2184, %dma_wait3A_2185] : memref<128x128xf32, #tpu.memory_space<vmem>> -> memref<16x128xf32, #tpu.memory_space<vmem>>
      %dma_wait3A_2187 = arith.constant 0 : i32
      %dma_wait3A_2188 = arith.constant 0 : i32
      %dma_wait3A_2189 = tpu.memref_slice %arg4[%dma_wait3A_2187, %dma_wait3A_2188] : memref<16x1000000xf32, #tpu.memory_space<hbm>> -> memref<16x128xf32, #tpu.memory_space<hbm>>
      tpu.wait_dma2 semaphore(%arg12 : memref<!tpu.dma_semaphore, #tpu.memory_space<semaphore_mem>>) src(%dma_wait3A_2189 : memref<16x128xf32, #tpu.memory_space<hbm>>) dst(%dma_wait3A_2186 : memref<16x128xf32, #tpu.memory_space<vmem>>)
      %dma_wait3A_2190 = arith.constant 1 : i32
      %dma_wait3A_2191 = arith.constant 0 : i32
      %dma_wait3A_2192 = arith.constant 0 : i32
      %dma_wait3A_2193 = tpu.memref_slice %arg10[%dma_wait3A_2190, %dma_wait3A_2191, %dma_wait3A_2192] : memref<3x128x128xf32, #tpu.memory_space<vmem>> -> memref<1x128x128xf32, #tpu.memory_space<vmem>>
      %dma_wait3A_2194 = tpu.memref_squeeze %dma_wait3A_2193 : memref<1x128x128xf32, #tpu.memory_space<vmem>> -> memref<128x128xf32, #tpu.memory_space<vmem>>
      %dma_wait3A_2195 = arith.constant 0 : i32
      %dma_wait3A_2196 = arith.constant 0 : i32
      %dma_wait3A_2197 = tpu.memref_slice %dma_wait3A_2194[%dma_wait3A_2195, %dma_wait3A_2196] : memref<128x128xf32, #tpu.memory_space<vmem>> -> memref<16x128xf32, #tpu.memory_space<vmem>>
      %dma_wait3A_2198 = arith.constant 0 : i32
      %dma_wait3A_2199 = arith.constant 0 : i32
      %dma_wait3A_2200 = tpu.memref_slice %arg4[%dma_wait3A_2198, %dma_wait3A_2199] : memref<16x1000000xf32, #tpu.memory_space<hbm>> -> memref<16x128xf32, #tpu.memory_space<hbm>>
      %dma_wait3A_2201 = arith.constant 0 : i32
      %dma_wait3A_2202 = arith.constant 0 : i32
      %dma_wait3A_2203 = tpu.memref_slice %arg10[%dma_wait3A_2190, %dma_wait3A_2201, %dma_wait3A_2202] : memref<3x128x128xf32, #tpu.memory_space<vmem>> -> memref<1x128x128xf32, #tpu.memory_space<vmem>>
      %dma_wait3A_2204 = tpu.memref_squeeze %dma_wait3A_2203 : memref<1x128x128xf32, #tpu.memory_space<vmem>> -> memref<128x128xf32, #tpu.memory_space<vmem>>
      %dma_wait3A_2205 = arith.constant 0 : i32
      %dma_wait3A_2206 = arith.constant 0 : i32
      %dma_wait3A_2207 = tpu.memref_slice %dma_wait3A_2204[%dma_wait3A_2205, %dma_wait3A_2206] : memref<128x128xf32, #tpu.memory_space<vmem>> -> memref<16x128xf32, #tpu.memory_space<vmem>>
      %dma_wait3A_2208 = arith.constant 0 : i32
      %dma_wait3A_2209 = arith.constant 0 : i32
      %dma_wait3A_2210 = tpu.memref_slice %arg4[%dma_wait3A_2208, %dma_wait3A_2209] : memref<16x1000000xf32, #tpu.memory_space<hbm>> -> memref<16x128xf32, #tpu.memory_space<hbm>>
      tpu.wait_dma2 semaphore(%arg13 : memref<!tpu.dma_semaphore, #tpu.memory_space<semaphore_mem>>) src(%dma_wait3A_2210 : memref<16x128xf32, #tpu.memory_space<hbm>>) dst(%dma_wait3A_2207 : memref<16x128xf32, #tpu.memory_space<vmem>>)
      %dma_wait3A_2211 = arith.constant 1 : i32
      %dma_wait3A_2212 = arith.constant 0 : i32
      %dma_wait3A_2213 = arith.constant 0 : i32
      %dma_wait3A_2214 = tpu.memref_slice %arg9[%dma_wait3A_2211, %dma_wait3A_2212, %dma_wait3A_2213] : memref<3x128x128xf32, #tpu.memory_space<vmem>> -> memref<1x128x128xf32, #tpu.memory_space<vmem>>
      %dma_wait3A_2215 = tpu.memref_squeeze %dma_wait3A_2214 : memref<1x128x128xf32, #tpu.memory_space<vmem>> -> memref<128x128xf32, #tpu.memory_space<vmem>>
      %dma_wait3A_2216 = arith.constant 16 : i32
      %dma_wait3A_2217 = arith.constant 0 : i32
      %dma_wait3A_2218 = tpu.memref_slice %dma_wait3A_2215[%dma_wait3A_2216, %dma_wait3A_2217] : memref<128x128xf32, #tpu.memory_space<vmem>> -> memref<16x128xf32, #tpu.memory_space<vmem>>
      %dma_wait3A_2219 = arith.constant 0 : i32
      %dma_wait3A_2220 = arith.constant 0 : i32
      %dma_wait3A_2221 = tpu.memref_slice %arg4[%dma_wait3A_2219, %dma_wait3A_2220] : memref<16x1000000xf32, #tpu.memory_space<hbm>> -> memref<16x128xf32, #tpu.memory_space<hbm>>
      %dma_wait3A_2222 = arith.constant 0 : i32
      %dma_wait3A_2223 = arith.constant 0 : i32
      %dma_wait3A_2224 = tpu.memref_slice %arg9[%dma_wait3A_2211, %dma_wait3A_2222, %dma_wait3A_2223] : memref<3x128x128xf32, #tpu.memory_space<vmem>> -> memref<1x128x128xf32, #tpu.memory_space<vmem>>
      %dma_wait3A_2225 = tpu.memref_squeeze %dma_wait3A_2224 : memref<1x128x128xf32, #tpu.memory_space<vmem>> -> memref<128x128xf32, #tpu.memory_space<vmem>>
      %dma_wait3A_2226 = arith.constant 16 : i32
      %dma_wait3A_2227 = arith.constant 0 : i32
      %dma_wait3A_2228 = tpu.memref_slice %dma_wait3A_2225[%dma_wait3A_2226, %dma_wait3A_2227] : memref<128x128xf32, #tpu.memory_space<vmem>> -> memref<16x128xf32, #tpu.memory_space<vmem>>
      %dma_wait3A_2229 = arith.constant 0 : i32
      %dma_wait3A_2230 = arith.constant 0 : i32
      %dma_wait3A_2231 = tpu.memref_slice %arg4[%dma_wait3A_2229, %dma_wait3A_2230] : memref<16x1000000xf32, #tpu.memory_space<hbm>> -> memref<16x128xf32, #tpu.memory_space<hbm>>
      tpu.wait_dma2 semaphore(%arg12 : memref<!tpu.dma_semaphore, #tpu.memory_space<semaphore_mem>>) src(%dma_wait3A_2231 : memref<16x128xf32, #tpu.memory_space<hbm>>) dst(%dma_wait3A_2228 : memref<16x128xf32, #tpu.memory_space<vmem>>)
      %dma_wait3A_2232 = arith.constant 1 : i32
      %dma_wait3A_2233 = arith.constant 0 : i32
      %dma_wait3A_2234 = arith.constant 0 : i32
      %dma_wait3A_2235 = tpu.memref_slice %arg10[%dma_wait3A_2232, %dma_wait3A_2233, %dma_wait3A_2234] : memref<3x128x128xf32, #tpu.memory_space<vmem>> -> memref<1x128x128xf32, #tpu.memory_space<vmem>>
      %dma_wait3A_2236 = tpu.memref_squeeze %dma_wait3A_2235 : memref<1x128x128xf32, #tpu.memory_space<vmem>> -> memref<128x128xf32, #tpu.memory_space<vmem>>
      %dma_wait3A_2237 = arith.constant 16 : i32
      %dma_wait3A_2238 = arith.constant 0 : i32
      %dma_wait3A_2239 = tpu.memref_slice %dma_wait3A_2236[%dma_wait3A_2237, %dma_wait3A_2238] : memref<128x128xf32, #tpu.memory_space<vmem>> -> memref<16x128xf32, #tpu.memory_space<vmem>>
      %dma_wait3A_2240 = arith.constant 0 : i32
      %dma_wait3A_2241 = arith.constant 0 : i32
      %dma_wait3A_2242 = tpu.memref_slice %arg4[%dma_wait3A_2240, %dma_wait3A_2241] : memref<16x1000000xf32, #tpu.memory_space<hbm>> -> memref<16x128xf32, #tpu.memory_space<hbm>>
      %dma_wait3A_2243 = arith.constant 0 : i32
      %dma_wait3A_2244 = arith.constant 0 : i32
      %dma_wait3A_2245 = tpu.memref_slice %arg10[%dma_wait3A_2232, %dma_wait3A_2243, %dma_wait3A_2244] : memref<3x128x128xf32, #tpu.memory_space<vmem>> -> memref<1x128x128xf32, #tpu.memory_space<vmem>>
      %dma_wait3A_2246 = tpu.memref_squeeze %dma_wait3A_2245 : memref<1x128x128xf32, #tpu.memory_space<vmem>> -> memref<128x128xf32, #tpu.memory_space<vmem>>
      %dma_wait3A_2247 = arith.constant 16 : i32
      %dma_wait3A_2248 = arith.constant 0 : i32
      %dma_wait3A_2249 = tpu.memref_slice %dma_wait3A_2246[%dma_wait3A_2247, %dma_wait3A_2248] : memref<128x128xf32, #tpu.memory_space<vmem>> -> memref<16x128xf32, #tpu.memory_space<vmem>>
      %dma_wait3A_2250 = arith.constant 0 : i32
      %dma_wait3A_2251 = arith.constant 0 : i32
      %dma_wait3A_2252 = tpu.memref_slice %arg4[%dma_wait3A_2250, %dma_wait3A_2251] : memref<16x1000000xf32, #tpu.memory_space<hbm>> -> memref<16x128xf32, #tpu.memory_space<hbm>>
      tpu.wait_dma2 semaphore(%arg13 : memref<!tpu.dma_semaphore, #tpu.memory_space<semaphore_mem>>) src(%dma_wait3A_2252 : memref<16x128xf32, #tpu.memory_space<hbm>>) dst(%dma_wait3A_2249 : memref<16x128xf32, #tpu.memory_space<vmem>>)
      %dma_wait3A_2253 = arith.constant 1 : i32
      %dma_wait3A_2254 = arith.constant 0 : i32
      %dma_wait3A_2255 = arith.constant 0 : i32
      %dma_wait3A_2256 = tpu.memref_slice %arg9[%dma_wait3A_2253, %dma_wait3A_2254, %dma_wait3A_2255] : memref<3x128x128xf32, #tpu.memory_space<vmem>> -> memref<1x128x128xf32, #tpu.memory_space<vmem>>
      %dma_wait3A_2257 = tpu.memref_squeeze %dma_wait3A_2256 : memref<1x128x128xf32, #tpu.memory_space<vmem>> -> memref<128x128xf32, #tpu.memory_space<vmem>>
      %dma_wait3A_2258 = arith.constant 32 : i32
      %dma_wait3A_2259 = arith.constant 0 : i32
      %dma_wait3A_2260 = tpu.memref_slice %dma_wait3A_2257[%dma_wait3A_2258, %dma_wait3A_2259] : memref<128x128xf32, #tpu.memory_space<vmem>> -> memref<16x128xf32, #tpu.memory_space<vmem>>
      %dma_wait3A_2261 = arith.constant 0 : i32
      %dma_wait3A_2262 = arith.constant 0 : i32
      %dma_wait3A_2263 = tpu.memref_slice %arg4[%dma_wait3A_2261, %dma_wait3A_2262] : memref<16x1000000xf32, #tpu.memory_space<hbm>> -> memref<16x128xf32, #tpu.memory_space<hbm>>
      %dma_wait3A_2264 = arith.constant 0 : i32
      %dma_wait3A_2265 = arith.constant 0 : i32
      %dma_wait3A_2266 = tpu.memref_slice %arg9[%dma_wait3A_2253, %dma_wait3A_2264, %dma_wait3A_2265] : memref<3x128x128xf32, #tpu.memory_space<vmem>> -> memref<1x128x128xf32, #tpu.memory_space<vmem>>
      %dma_wait3A_2267 = tpu.memref_squeeze %dma_wait3A_2266 : memref<1x128x128xf32, #tpu.memory_space<vmem>> -> memref<128x128xf32, #tpu.memory_space<vmem>>
      %dma_wait3A_2268 = arith.constant 32 : i32
      %dma_wait3A_2269 = arith.constant 0 : i32
      %dma_wait3A_2270 = tpu.memref_slice %dma_wait3A_2267[%dma_wait3A_2268, %dma_wait3A_2269] : memref<128x128xf32, #tpu.memory_space<vmem>> -> memref<16x128xf32, #tpu.memory_space<vmem>>
      %dma_wait3A_2271 = arith.constant 0 : i32
      %dma_wait3A_2272 = arith.constant 0 : i32
      %dma_wait3A_2273 = tpu.memref_slice %arg4[%dma_wait3A_2271, %dma_wait3A_2272] : memref<16x1000000xf32, #tpu.memory_space<hbm>> -> memref<16x128xf32, #tpu.memory_space<hbm>>
      tpu.wait_dma2 semaphore(%arg12 : memref<!tpu.dma_semaphore, #tpu.memory_space<semaphore_mem>>) src(%dma_wait3A_2273 : memref<16x128xf32, #tpu.memory_space<hbm>>) dst(%dma_wait3A_2270 : memref<16x128xf32, #tpu.memory_space<vmem>>)
      %dma_wait3A_2274 = arith.constant 1 : i32
      %dma_wait3A_2275 = arith.constant 0 : i32
      %dma_wait3A_2276 = arith.constant 0 : i32
      %dma_wait3A_2277 = tpu.memref_slice %arg10[%dma_wait3A_2274, %dma_wait3A_2275, %dma_wait3A_2276] : memref<3x128x128xf32, #tpu.memory_space<vmem>> -> memref<1x128x128xf32, #tpu.memory_space<vmem>>
      %dma_wait3A_2278 = tpu.memref_squeeze %dma_wait3A_2277 : memref<1x128x128xf32, #tpu.memory_space<vmem>> -> memref<128x128xf32, #tpu.memory_space<vmem>>
      %dma_wait3A_2279 = arith.constant 32 : i32
      %dma_wait3A_2280 = arith.constant 0 : i32
      %dma_wait3A_2281 = tpu.memref_slice %dma_wait3A_2278[%dma_wait3A_2279, %dma_wait3A_2280] : memref<128x128xf32, #tpu.memory_space<vmem>> -> memref<16x128xf32, #tpu.memory_space<vmem>>
      %dma_wait3A_2282 = arith.constant 0 : i32
      %dma_wait3A_2283 = arith.constant 0 : i32
      %dma_wait3A_2284 = tpu.memref_slice %arg4[%dma_wait3A_2282, %dma_wait3A_2283] : memref<16x1000000xf32, #tpu.memory_space<hbm>> -> memref<16x128xf32, #tpu.memory_space<hbm>>
      %dma_wait3A_2285 = arith.constant 0 : i32
      %dma_wait3A_2286 = arith.constant 0 : i32
      %dma_wait3A_2287 = tpu.memref_slice %arg10[%dma_wait3A_2274, %dma_wait3A_2285, %dma_wait3A_2286] : memref<3x128x128xf32, #tpu.memory_space<vmem>> -> memref<1x128x128xf32, #tpu.memory_space<vmem>>
      %dma_wait3A_2288 = tpu.memref_squeeze %dma_wait3A_2287 : memref<1x128x128xf32, #tpu.memory_space<vmem>> -> memref<128x128xf32, #tpu.memory_space<vmem>>
      %dma_wait3A_2289 = arith.constant 32 : i32
      %dma_wait3A_2290 = arith.constant 0 : i32
      %dma_wait3A_2291 = tpu.memref_slice %dma_wait3A_2288[%dma_wait3A_2289, %dma_wait3A_2290] : memref<128x128xf32, #tpu.memory_space<vmem>> -> memref<16x128xf32, #tpu.memory_space<vmem>>
      %dma_wait3A_2292 = arith.constant 0 : i32
      %dma_wait3A_2293 = arith.constant 0 : i32
      %dma_wait3A_2294 = tpu.memref_slice %arg4[%dma_wait3A_2292, %dma_wait3A_2293] : memref<16x1000000xf32, #tpu.memory_space<hbm>> -> memref<16x128xf32, #tpu.memory_space<hbm>>
      tpu.wait_dma2 semaphore(%arg13 : memref<!tpu.dma_semaphore, #tpu.memory_space<semaphore_mem>>) src(%dma_wait3A_2294 : memref<16x128xf32, #tpu.memory_space<hbm>>) dst(%dma_wait3A_2291 : memref<16x128xf32, #tpu.memory_space<vmem>>)
      %dma_wait3A_2295 = arith.constant 1 : i32
      %dma_wait3A_2296 = arith.constant 0 : i32
      %dma_wait3A_2297 = arith.constant 0 : i32
      %dma_wait3A_2298 = tpu.memref_slice %arg9[%dma_wait3A_2295, %dma_wait3A_2296, %dma_wait3A_2297] : memref<3x128x128xf32, #tpu.memory_space<vmem>> -> memref<1x128x128xf32, #tpu.memory_space<vmem>>
      %dma_wait3A_2299 = tpu.memref_squeeze %dma_wait3A_2298 : memref<1x128x128xf32, #tpu.memory_space<vmem>> -> memref<128x128xf32, #tpu.memory_space<vmem>>
      %dma_wait3A_2300 = arith.constant 48 : i32
      %dma_wait3A_2301 = arith.constant 0 : i32
      %dma_wait3A_2302 = tpu.memref_slice %dma_wait3A_2299[%dma_wait3A_2300, %dma_wait3A_2301] : memref<128x128xf32, #tpu.memory_space<vmem>> -> memref<16x128xf32, #tpu.memory_space<vmem>>
      %dma_wait3A_2303 = arith.constant 0 : i32
      %dma_wait3A_2304 = arith.constant 0 : i32
      %dma_wait3A_2305 = tpu.memref_slice %arg4[%dma_wait3A_2303, %dma_wait3A_2304] : memref<16x1000000xf32, #tpu.memory_space<hbm>> -> memref<16x128xf32, #tpu.memory_space<hbm>>
      %dma_wait3A_2306 = arith.constant 0 : i32
      %dma_wait3A_2307 = arith.constant 0 : i32
      %dma_wait3A_2308 = tpu.memref_slice %arg9[%dma_wait3A_2295, %dma_wait3A_2306, %dma_wait3A_2307] : memref<3x128x128xf32, #tpu.memory_space<vmem>> -> memref<1x128x128xf32, #tpu.memory_space<vmem>>
      %dma_wait3A_2309 = tpu.memref_squeeze %dma_wait3A_2308 : memref<1x128x128xf32, #tpu.memory_space<vmem>> -> memref<128x128xf32, #tpu.memory_space<vmem>>
      %dma_wait3A_2310 = arith.constant 48 : i32
      %dma_wait3A_2311 = arith.constant 0 : i32
      %dma_wait3A_2312 = tpu.memref_slice %dma_wait3A_2309[%dma_wait3A_2310, %dma_wait3A_2311] : memref<128x128xf32, #tpu.memory_space<vmem>> -> memref<16x128xf32, #tpu.memory_space<vmem>>
      %dma_wait3A_2313 = arith.constant 0 : i32
      %dma_wait3A_2314 = arith.constant 0 : i32
      %dma_wait3A_2315 = tpu.memref_slice %arg4[%dma_wait3A_2313, %dma_wait3A_2314] : memref<16x1000000xf32, #tpu.memory_space<hbm>> -> memref<16x128xf32, #tpu.memory_space<hbm>>
      tpu.wait_dma2 semaphore(%arg12 : memref<!tpu.dma_semaphore, #tpu.memory_space<semaphore_mem>>) src(%dma_wait3A_2315 : memref<16x128xf32, #tpu.memory_space<hbm>>) dst(%dma_wait3A_2312 : memref<16x128xf32, #tpu.memory_space<vmem>>)
      %dma_wait3A_2316 = arith.constant 1 : i32
      %dma_wait3A_2317 = arith.constant 0 : i32
      %dma_wait3A_2318 = arith.constant 0 : i32
      %dma_wait3A_2319 = tpu.memref_slice %arg10[%dma_wait3A_2316, %dma_wait3A_2317, %dma_wait3A_2318] : memref<3x128x128xf32, #tpu.memory_space<vmem>> -> memref<1x128x128xf32, #tpu.memory_space<vmem>>
      %dma_wait3A_2320 = tpu.memref_squeeze %dma_wait3A_2319 : memref<1x128x128xf32, #tpu.memory_space<vmem>> -> memref<128x128xf32, #tpu.memory_space<vmem>>
      %dma_wait3A_2321 = arith.constant 48 : i32
      %dma_wait3A_2322 = arith.constant 0 : i32
      %dma_wait3A_2323 = tpu.memref_slice %dma_wait3A_2320[%dma_wait3A_2321, %dma_wait3A_2322] : memref<128x128xf32, #tpu.memory_space<vmem>> -> memref<16x128xf32, #tpu.memory_space<vmem>>
      %dma_wait3A_2324 = arith.constant 0 : i32
      %dma_wait3A_2325 = arith.constant 0 : i32
      %dma_wait3A_2326 = tpu.memref_slice %arg4[%dma_wait3A_2324, %dma_wait3A_2325] : memref<16x1000000xf32, #tpu.memory_space<hbm>> -> memref<16x128xf32, #tpu.memory_space<hbm>>
      %dma_wait3A_2327 = arith.constant 0 : i32
      %dma_wait3A_2328 = arith.constant 0 : i32
      %dma_wait3A_2329 = tpu.memref_slice %arg10[%dma_wait3A_2316, %dma_wait3A_2327, %dma_wait3A_2328] : memref<3x128x128xf32, #tpu.memory_space<vmem>> -> memref<1x128x128xf32, #tpu.memory_space<vmem>>
      %dma_wait3A_2330 = tpu.memref_squeeze %dma_wait3A_2329 : memref<1x128x128xf32, #tpu.memory_space<vmem>> -> memref<128x128xf32, #tpu.memory_space<vmem>>
      %dma_wait3A_2331 = arith.constant 48 : i32
      %dma_wait3A_2332 = arith.constant 0 : i32
      %dma_wait3A_2333 = tpu.memref_slice %dma_wait3A_2330[%dma_wait3A_2331, %dma_wait3A_2332] : memref<128x128xf32, #tpu.memory_space<vmem>> -> memref<16x128xf32, #tpu.memory_space<vmem>>
      %dma_wait3A_2334 = arith.constant 0 : i32
      %dma_wait3A_2335 = arith.constant 0 : i32
      %dma_wait3A_2336 = tpu.memref_slice %arg4[%dma_wait3A_2334, %dma_wait3A_2335] : memref<16x1000000xf32, #tpu.memory_space<hbm>> -> memref<16x128xf32, #tpu.memory_space<hbm>>
      tpu.wait_dma2 semaphore(%arg13 : memref<!tpu.dma_semaphore, #tpu.memory_space<semaphore_mem>>) src(%dma_wait3A_2336 : memref<16x128xf32, #tpu.memory_space<hbm>>) dst(%dma_wait3A_2333 : memref<16x128xf32, #tpu.memory_space<vmem>>)
      %dma_wait3A_2337 = arith.constant 1 : i32
      %dma_wait3A_2338 = arith.constant 0 : i32
      %dma_wait3A_2339 = arith.constant 0 : i32
      %dma_wait3A_2340 = tpu.memref_slice %arg9[%dma_wait3A_2337, %dma_wait3A_2338, %dma_wait3A_2339] : memref<3x128x128xf32, #tpu.memory_space<vmem>> -> memref<1x128x128xf32, #tpu.memory_space<vmem>>
      %dma_wait3A_2341 = tpu.memref_squeeze %dma_wait3A_2340 : memref<1x128x128xf32, #tpu.memory_space<vmem>> -> memref<128x128xf32, #tpu.memory_space<vmem>>
      %dma_wait3A_2342 = arith.constant 64 : i32
      %dma_wait3A_2343 = arith.constant 0 : i32
      %dma_wait3A_2344 = tpu.memref_slice %dma_wait3A_2341[%dma_wait3A_2342, %dma_wait3A_2343] : memref<128x128xf32, #tpu.memory_space<vmem>> -> memref<16x128xf32, #tpu.memory_space<vmem>>
      %dma_wait3A_2345 = arith.constant 0 : i32
      %dma_wait3A_2346 = arith.constant 0 : i32
      %dma_wait3A_2347 = tpu.memref_slice %arg4[%dma_wait3A_2345, %dma_wait3A_2346] : memref<16x1000000xf32, #tpu.memory_space<hbm>> -> memref<16x128xf32, #tpu.memory_space<hbm>>
      %dma_wait3A_2348 = arith.constant 0 : i32
      %dma_wait3A_2349 = arith.constant 0 : i32
      %dma_wait3A_2350 = tpu.memref_slice %arg9[%dma_wait3A_2337, %dma_wait3A_2348, %dma_wait3A_2349] : memref<3x128x128xf32, #tpu.memory_space<vmem>> -> memref<1x128x128xf32, #tpu.memory_space<vmem>>
      %dma_wait3A_2351 = tpu.memref_squeeze %dma_wait3A_2350 : memref<1x128x128xf32, #tpu.memory_space<vmem>> -> memref<128x128xf32, #tpu.memory_space<vmem>>
      %dma_wait3A_2352 = arith.constant 64 : i32
      %dma_wait3A_2353 = arith.constant 0 : i32
      %dma_wait3A_2354 = tpu.memref_slice %dma_wait3A_2351[%dma_wait3A_2352, %dma_wait3A_2353] : memref<128x128xf32, #tpu.memory_space<vmem>> -> memref<16x128xf32, #tpu.memory_space<vmem>>
      %dma_wait3A_2355 = arith.constant 0 : i32
      %dma_wait3A_2356 = arith.constant 0 : i32
      %dma_wait3A_2357 = tpu.memref_slice %arg4[%dma_wait3A_2355, %dma_wait3A_2356] : memref<16x1000000xf32, #tpu.memory_space<hbm>> -> memref<16x128xf32, #tpu.memory_space<hbm>>
      tpu.wait_dma2 semaphore(%arg12 : memref<!tpu.dma_semaphore, #tpu.memory_space<semaphore_mem>>) src(%dma_wait3A_2357 : memref<16x128xf32, #tpu.memory_space<hbm>>) dst(%dma_wait3A_2354 : memref<16x128xf32, #tpu.memory_space<vmem>>)
      %dma_wait3A_2358 = arith.constant 1 : i32
      %dma_wait3A_2359 = arith.constant 0 : i32
      %dma_wait3A_2360 = arith.constant 0 : i32
      %dma_wait3A_2361 = tpu.memref_slice %arg10[%dma_wait3A_2358, %dma_wait3A_2359, %dma_wait3A_2360] : memref<3x128x128xf32, #tpu.memory_space<vmem>> -> memref<1x128x128xf32, #tpu.memory_space<vmem>>
      %dma_wait3A_2362 = tpu.memref_squeeze %dma_wait3A_2361 : memref<1x128x128xf32, #tpu.memory_space<vmem>> -> memref<128x128xf32, #tpu.memory_space<vmem>>
      %dma_wait3A_2363 = arith.constant 64 : i32
      %dma_wait3A_2364 = arith.constant 0 : i32
      %dma_wait3A_2365 = tpu.memref_slice %dma_wait3A_2362[%dma_wait3A_2363, %dma_wait3A_2364] : memref<128x128xf32, #tpu.memory_space<vmem>> -> memref<16x128xf32, #tpu.memory_space<vmem>>
      %dma_wait3A_2366 = arith.constant 0 : i32
      %dma_wait3A_2367 = arith.constant 0 : i32
      %dma_wait3A_2368 = tpu.memref_slice %arg4[%dma_wait3A_2366, %dma_wait3A_2367] : memref<16x1000000xf32, #tpu.memory_space<hbm>> -> memref<16x128xf32, #tpu.memory_space<hbm>>
      %dma_wait3A_2369 = arith.constant 0 : i32
      %dma_wait3A_2370 = arith.constant 0 : i32
      %dma_wait3A_2371 = tpu.memref_slice %arg10[%dma_wait3A_2358, %dma_wait3A_2369, %dma_wait3A_2370] : memref<3x128x128xf32, #tpu.memory_space<vmem>> -> memref<1x128x128xf32, #tpu.memory_space<vmem>>
      %dma_wait3A_2372 = tpu.memref_squeeze %dma_wait3A_2371 : memref<1x128x128xf32, #tpu.memory_space<vmem>> -> memref<128x128xf32, #tpu.memory_space<vmem>>
      %dma_wait3A_2373 = arith.constant 64 : i32
      %dma_wait3A_2374 = arith.constant 0 : i32
      %dma_wait3A_2375 = tpu.memref_slice %dma_wait3A_2372[%dma_wait3A_2373, %dma_wait3A_2374] : memref<128x128xf32, #tpu.memory_space<vmem>> -> memref<16x128xf32, #tpu.memory_space<vmem>>
      %dma_wait3A_2376 = arith.constant 0 : i32
      %dma_wait3A_2377 = arith.constant 0 : i32
      %dma_wait3A_2378 = tpu.memref_slice %arg4[%dma_wait3A_2376, %dma_wait3A_2377] : memref<16x1000000xf32, #tpu.memory_space<hbm>> -> memref<16x128xf32, #tpu.memory_space<hbm>>
      tpu.wait_dma2 semaphore(%arg13 : memref<!tpu.dma_semaphore, #tpu.memory_space<semaphore_mem>>) src(%dma_wait3A_2378 : memref<16x128xf32, #tpu.memory_space<hbm>>) dst(%dma_wait3A_2375 : memref<16x128xf32, #tpu.memory_space<vmem>>)
      %dma_wait3A_2379 = arith.constant 1 : i32
      %dma_wait3A_2380 = arith.constant 0 : i32
      %dma_wait3A_2381 = arith.constant 0 : i32
      %dma_wait3A_2382 = tpu.memref_slice %arg9[%dma_wait3A_2379, %dma_wait3A_2380, %dma_wait3A_2381] : memref<3x128x128xf32, #tpu.memory_space<vmem>> -> memref<1x128x128xf32, #tpu.memory_space<vmem>>
      %dma_wait3A_2383 = tpu.memref_squeeze %dma_wait3A_2382 : memref<1x128x128xf32, #tpu.memory_space<vmem>> -> memref<128x128xf32, #tpu.memory_space<vmem>>
      %dma_wait3A_2384 = arith.constant 80 : i32
      %dma_wait3A_2385 = arith.constant 0 : i32
      %dma_wait3A_2386 = tpu.memref_slice %dma_wait3A_2383[%dma_wait3A_2384, %dma_wait3A_2385] : memref<128x128xf32, #tpu.memory_space<vmem>> -> memref<16x128xf32, #tpu.memory_space<vmem>>
      %dma_wait3A_2387 = arith.constant 0 : i32
      %dma_wait3A_2388 = arith.constant 0 : i32
      %dma_wait3A_2389 = tpu.memref_slice %arg4[%dma_wait3A_2387, %dma_wait3A_2388] : memref<16x1000000xf32, #tpu.memory_space<hbm>> -> memref<16x128xf32, #tpu.memory_space<hbm>>
      %dma_wait3A_2390 = arith.constant 0 : i32
      %dma_wait3A_2391 = arith.constant 0 : i32
      %dma_wait3A_2392 = tpu.memref_slice %arg9[%dma_wait3A_2379, %dma_wait3A_2390, %dma_wait3A_2391] : memref<3x128x128xf32, #tpu.memory_space<vmem>> -> memref<1x128x128xf32, #tpu.memory_space<vmem>>
      %dma_wait3A_2393 = tpu.memref_squeeze %dma_wait3A_2392 : memref<1x128x128xf32, #tpu.memory_space<vmem>> -> memref<128x128xf32, #tpu.memory_space<vmem>>
      %dma_wait3A_2394 = arith.constant 80 : i32
      %dma_wait3A_2395 = arith.constant 0 : i32
      %dma_wait3A_2396 = tpu.memref_slice %dma_wait3A_2393[%dma_wait3A_2394, %dma_wait3A_2395] : memref<128x128xf32, #tpu.memory_space<vmem>> -> memref<16x128xf32, #tpu.memory_space<vmem>>
      %dma_wait3A_2397 = arith.constant 0 : i32
      %dma_wait3A_2398 = arith.constant 0 : i32
      %dma_wait3A_2399 = tpu.memref_slice %arg4[%dma_wait3A_2397, %dma_wait3A_2398] : memref<16x1000000xf32, #tpu.memory_space<hbm>> -> memref<16x128xf32, #tpu.memory_space<hbm>>
      tpu.wait_dma2 semaphore(%arg12 : memref<!tpu.dma_semaphore, #tpu.memory_space<semaphore_mem>>) src(%dma_wait3A_2399 : memref<16x128xf32, #tpu.memory_space<hbm>>) dst(%dma_wait3A_2396 : memref<16x128xf32, #tpu.memory_space<vmem>>)
      %dma_wait3A_2400 = arith.constant 1 : i32
      %dma_wait3A_2401 = arith.constant 0 : i32
      %dma_wait3A_2402 = arith.constant 0 : i32
      %dma_wait3A_2403 = tpu.memref_slice %arg10[%dma_wait3A_2400, %dma_wait3A_2401, %dma_wait3A_2402] : memref<3x128x128xf32, #tpu.memory_space<vmem>> -> memref<1x128x128xf32, #tpu.memory_space<vmem>>
      %dma_wait3A_2404 = tpu.memref_squeeze %dma_wait3A_2403 : memref<1x128x128xf32, #tpu.memory_space<vmem>> -> memref<128x128xf32, #tpu.memory_space<vmem>>
      %dma_wait3A_2405 = arith.constant 80 : i32
      %dma_wait3A_2406 = arith.constant 0 : i32
      %dma_wait3A_2407 = tpu.memref_slice %dma_wait3A_2404[%dma_wait3A_2405, %dma_wait3A_2406] : memref<128x128xf32, #tpu.memory_space<vmem>> -> memref<16x128xf32, #tpu.memory_space<vmem>>
      %dma_wait3A_2408 = arith.constant 0 : i32
      %dma_wait3A_2409 = arith.constant 0 : i32
      %dma_wait3A_2410 = tpu.memref_slice %arg4[%dma_wait3A_2408, %dma_wait3A_2409] : memref<16x1000000xf32, #tpu.memory_space<hbm>> -> memref<16x128xf32, #tpu.memory_space<hbm>>
      %dma_wait3A_2411 = arith.constant 0 : i32
      %dma_wait3A_2412 = arith.constant 0 : i32
      %dma_wait3A_2413 = tpu.memref_slice %arg10[%dma_wait3A_2400, %dma_wait3A_2411, %dma_wait3A_2412] : memref<3x128x128xf32, #tpu.memory_space<vmem>> -> memref<1x128x128xf32, #tpu.memory_space<vmem>>
      %dma_wait3A_2414 = tpu.memref_squeeze %dma_wait3A_2413 : memref<1x128x128xf32, #tpu.memory_space<vmem>> -> memref<128x128xf32, #tpu.memory_space<vmem>>
      %dma_wait3A_2415 = arith.constant 80 : i32
      %dma_wait3A_2416 = arith.constant 0 : i32
      %dma_wait3A_2417 = tpu.memref_slice %dma_wait3A_2414[%dma_wait3A_2415, %dma_wait3A_2416] : memref<128x128xf32, #tpu.memory_space<vmem>> -> memref<16x128xf32, #tpu.memory_space<vmem>>
      %dma_wait3A_2418 = arith.constant 0 : i32
      %dma_wait3A_2419 = arith.constant 0 : i32
      %dma_wait3A_2420 = tpu.memref_slice %arg4[%dma_wait3A_2418, %dma_wait3A_2419] : memref<16x1000000xf32, #tpu.memory_space<hbm>> -> memref<16x128xf32, #tpu.memory_space<hbm>>
      tpu.wait_dma2 semaphore(%arg13 : memref<!tpu.dma_semaphore, #tpu.memory_space<semaphore_mem>>) src(%dma_wait3A_2420 : memref<16x128xf32, #tpu.memory_space<hbm>>) dst(%dma_wait3A_2417 : memref<16x128xf32, #tpu.memory_space<vmem>>)
      %dma_wait3A_2421 = arith.constant 1 : i32
      %dma_wait3A_2422 = arith.constant 0 : i32
      %dma_wait3A_2423 = arith.constant 0 : i32
      %dma_wait3A_2424 = tpu.memref_slice %arg9[%dma_wait3A_2421, %dma_wait3A_2422, %dma_wait3A_2423] : memref<3x128x128xf32, #tpu.memory_space<vmem>> -> memref<1x128x128xf32, #tpu.memory_space<vmem>>
      %dma_wait3A_2425 = tpu.memref_squeeze %dma_wait3A_2424 : memref<1x128x128xf32, #tpu.memory_space<vmem>> -> memref<128x128xf32, #tpu.memory_space<vmem>>
      %dma_wait3A_2426 = arith.constant 96 : i32
      %dma_wait3A_2427 = arith.constant 0 : i32
      %dma_wait3A_2428 = tpu.memref_slice %dma_wait3A_2425[%dma_wait3A_2426, %dma_wait3A_2427] : memref<128x128xf32, #tpu.memory_space<vmem>> -> memref<16x128xf32, #tpu.memory_space<vmem>>
      %dma_wait3A_2429 = arith.constant 0 : i32
      %dma_wait3A_2430 = arith.constant 0 : i32
      %dma_wait3A_2431 = tpu.memref_slice %arg4[%dma_wait3A_2429, %dma_wait3A_2430] : memref<16x1000000xf32, #tpu.memory_space<hbm>> -> memref<16x128xf32, #tpu.memory_space<hbm>>
      %dma_wait3A_2432 = arith.constant 0 : i32
      %dma_wait3A_2433 = arith.constant 0 : i32
      %dma_wait3A_2434 = tpu.memref_slice %arg9[%dma_wait3A_2421, %dma_wait3A_2432, %dma_wait3A_2433] : memref<3x128x128xf32, #tpu.memory_space<vmem>> -> memref<1x128x128xf32, #tpu.memory_space<vmem>>
      %dma_wait3A_2435 = tpu.memref_squeeze %dma_wait3A_2434 : memref<1x128x128xf32, #tpu.memory_space<vmem>> -> memref<128x128xf32, #tpu.memory_space<vmem>>
      %dma_wait3A_2436 = arith.constant 96 : i32
      %dma_wait3A_2437 = arith.constant 0 : i32
      %dma_wait3A_2438 = tpu.memref_slice %dma_wait3A_2435[%dma_wait3A_2436, %dma_wait3A_2437] : memref<128x128xf32, #tpu.memory_space<vmem>> -> memref<16x128xf32, #tpu.memory_space<vmem>>
      %dma_wait3A_2439 = arith.constant 0 : i32
      %dma_wait3A_2440 = arith.constant 0 : i32
      %dma_wait3A_2441 = tpu.memref_slice %arg4[%dma_wait3A_2439, %dma_wait3A_2440] : memref<16x1000000xf32, #tpu.memory_space<hbm>> -> memref<16x128xf32, #tpu.memory_space<hbm>>
      tpu.wait_dma2 semaphore(%arg12 : memref<!tpu.dma_semaphore, #tpu.memory_space<semaphore_mem>>) src(%dma_wait3A_2441 : memref<16x128xf32, #tpu.memory_space<hbm>>) dst(%dma_wait3A_2438 : memref<16x128xf32, #tpu.memory_space<vmem>>)
      %dma_wait3A_2442 = arith.constant 1 : i32
      %dma_wait3A_2443 = arith.constant 0 : i32
      %dma_wait3A_2444 = arith.constant 0 : i32
      %dma_wait3A_2445 = tpu.memref_slice %arg10[%dma_wait3A_2442, %dma_wait3A_2443, %dma_wait3A_2444] : memref<3x128x128xf32, #tpu.memory_space<vmem>> -> memref<1x128x128xf32, #tpu.memory_space<vmem>>
      %dma_wait3A_2446 = tpu.memref_squeeze %dma_wait3A_2445 : memref<1x128x128xf32, #tpu.memory_space<vmem>> -> memref<128x128xf32, #tpu.memory_space<vmem>>
      %dma_wait3A_2447 = arith.constant 96 : i32
      %dma_wait3A_2448 = arith.constant 0 : i32
      %dma_wait3A_2449 = tpu.memref_slice %dma_wait3A_2446[%dma_wait3A_2447, %dma_wait3A_2448] : memref<128x128xf32, #tpu.memory_space<vmem>> -> memref<16x128xf32, #tpu.memory_space<vmem>>
      %dma_wait3A_2450 = arith.constant 0 : i32
      %dma_wait3A_2451 = arith.constant 0 : i32
      %dma_wait3A_2452 = tpu.memref_slice %arg4[%dma_wait3A_2450, %dma_wait3A_2451] : memref<16x1000000xf32, #tpu.memory_space<hbm>> -> memref<16x128xf32, #tpu.memory_space<hbm>>
      %dma_wait3A_2453 = arith.constant 0 : i32
      %dma_wait3A_2454 = arith.constant 0 : i32
      %dma_wait3A_2455 = tpu.memref_slice %arg10[%dma_wait3A_2442, %dma_wait3A_2453, %dma_wait3A_2454] : memref<3x128x128xf32, #tpu.memory_space<vmem>> -> memref<1x128x128xf32, #tpu.memory_space<vmem>>
      %dma_wait3A_2456 = tpu.memref_squeeze %dma_wait3A_2455 : memref<1x128x128xf32, #tpu.memory_space<vmem>> -> memref<128x128xf32, #tpu.memory_space<vmem>>
      %dma_wait3A_2457 = arith.constant 96 : i32
      %dma_wait3A_2458 = arith.constant 0 : i32
      %dma_wait3A_2459 = tpu.memref_slice %dma_wait3A_2456[%dma_wait3A_2457, %dma_wait3A_2458] : memref<128x128xf32, #tpu.memory_space<vmem>> -> memref<16x128xf32, #tpu.memory_space<vmem>>
      %dma_wait3A_2460 = arith.constant 0 : i32
      %dma_wait3A_2461 = arith.constant 0 : i32
      %dma_wait3A_2462 = tpu.memref_slice %arg4[%dma_wait3A_2460, %dma_wait3A_2461] : memref<16x1000000xf32, #tpu.memory_space<hbm>> -> memref<16x128xf32, #tpu.memory_space<hbm>>
      tpu.wait_dma2 semaphore(%arg13 : memref<!tpu.dma_semaphore, #tpu.memory_space<semaphore_mem>>) src(%dma_wait3A_2462 : memref<16x128xf32, #tpu.memory_space<hbm>>) dst(%dma_wait3A_2459 : memref<16x128xf32, #tpu.memory_space<vmem>>)
      %dma_wait3A_2463 = arith.constant 1 : i32
      %dma_wait3A_2464 = arith.constant 0 : i32
      %dma_wait3A_2465 = arith.constant 0 : i32
      %dma_wait3A_2466 = tpu.memref_slice %arg9[%dma_wait3A_2463, %dma_wait3A_2464, %dma_wait3A_2465] : memref<3x128x128xf32, #tpu.memory_space<vmem>> -> memref<1x128x128xf32, #tpu.memory_space<vmem>>
      %dma_wait3A_2467 = tpu.memref_squeeze %dma_wait3A_2466 : memref<1x128x128xf32, #tpu.memory_space<vmem>> -> memref<128x128xf32, #tpu.memory_space<vmem>>
      %dma_wait3A_2468 = arith.constant 112 : i32
      %dma_wait3A_2469 = arith.constant 0 : i32
      %dma_wait3A_2470 = tpu.memref_slice %dma_wait3A_2467[%dma_wait3A_2468, %dma_wait3A_2469] : memref<128x128xf32, #tpu.memory_space<vmem>> -> memref<16x128xf32, #tpu.memory_space<vmem>>
      %dma_wait3A_2471 = arith.constant 0 : i32
      %dma_wait3A_2472 = arith.constant 0 : i32
      %dma_wait3A_2473 = tpu.memref_slice %arg4[%dma_wait3A_2471, %dma_wait3A_2472] : memref<16x1000000xf32, #tpu.memory_space<hbm>> -> memref<16x128xf32, #tpu.memory_space<hbm>>
      %dma_wait3A_2474 = arith.constant 0 : i32
      %dma_wait3A_2475 = arith.constant 0 : i32
      %dma_wait3A_2476 = tpu.memref_slice %arg9[%dma_wait3A_2463, %dma_wait3A_2474, %dma_wait3A_2475] : memref<3x128x128xf32, #tpu.memory_space<vmem>> -> memref<1x128x128xf32, #tpu.memory_space<vmem>>
      %dma_wait3A_2477 = tpu.memref_squeeze %dma_wait3A_2476 : memref<1x128x128xf32, #tpu.memory_space<vmem>> -> memref<128x128xf32, #tpu.memory_space<vmem>>
      %dma_wait3A_2478 = arith.constant 112 : i32
      %dma_wait3A_2479 = arith.constant 0 : i32
      %dma_wait3A_2480 = tpu.memref_slice %dma_wait3A_2477[%dma_wait3A_2478, %dma_wait3A_2479] : memref<128x128xf32, #tpu.memory_space<vmem>> -> memref<16x128xf32, #tpu.memory_space<vmem>>
      %dma_wait3A_2481 = arith.constant 0 : i32
      %dma_wait3A_2482 = arith.constant 0 : i32
      %dma_wait3A_2483 = tpu.memref_slice %arg4[%dma_wait3A_2481, %dma_wait3A_2482] : memref<16x1000000xf32, #tpu.memory_space<hbm>> -> memref<16x128xf32, #tpu.memory_space<hbm>>
      tpu.wait_dma2 semaphore(%arg12 : memref<!tpu.dma_semaphore, #tpu.memory_space<semaphore_mem>>) src(%dma_wait3A_2483 : memref<16x128xf32, #tpu.memory_space<hbm>>) dst(%dma_wait3A_2480 : memref<16x128xf32, #tpu.memory_space<vmem>>)
      %dma_wait3A_2484 = arith.constant 1 : i32
      %dma_wait3A_2485 = arith.constant 0 : i32
      %dma_wait3A_2486 = arith.constant 0 : i32
      %dma_wait3A_2487 = tpu.memref_slice %arg10[%dma_wait3A_2484, %dma_wait3A_2485, %dma_wait3A_2486] : memref<3x128x128xf32, #tpu.memory_space<vmem>> -> memref<1x128x128xf32, #tpu.memory_space<vmem>>
      %dma_wait3A_2488 = tpu.memref_squeeze %dma_wait3A_2487 : memref<1x128x128xf32, #tpu.memory_space<vmem>> -> memref<128x128xf32, #tpu.memory_space<vmem>>
      %dma_wait3A_2489 = arith.constant 112 : i32
      %dma_wait3A_2490 = arith.constant 0 : i32
      %dma_wait3A_2491 = tpu.memref_slice %dma_wait3A_2488[%dma_wait3A_2489, %dma_wait3A_2490] : memref<128x128xf32, #tpu.memory_space<vmem>> -> memref<16x128xf32, #tpu.memory_space<vmem>>
      %dma_wait3A_2492 = arith.constant 0 : i32
      %dma_wait3A_2493 = arith.constant 0 : i32
      %dma_wait3A_2494 = tpu.memref_slice %arg4[%dma_wait3A_2492, %dma_wait3A_2493] : memref<16x1000000xf32, #tpu.memory_space<hbm>> -> memref<16x128xf32, #tpu.memory_space<hbm>>
      %dma_wait3A_2495 = arith.constant 0 : i32
      %dma_wait3A_2496 = arith.constant 0 : i32
      %dma_wait3A_2497 = tpu.memref_slice %arg10[%dma_wait3A_2484, %dma_wait3A_2495, %dma_wait3A_2496] : memref<3x128x128xf32, #tpu.memory_space<vmem>> -> memref<1x128x128xf32, #tpu.memory_space<vmem>>
      %dma_wait3A_2498 = tpu.memref_squeeze %dma_wait3A_2497 : memref<1x128x128xf32, #tpu.memory_space<vmem>> -> memref<128x128xf32, #tpu.memory_space<vmem>>
      %dma_wait3A_2499 = arith.constant 112 : i32
      %dma_wait3A_2500 = arith.constant 0 : i32
      %dma_wait3A_2501 = tpu.memref_slice %dma_wait3A_2498[%dma_wait3A_2499, %dma_wait3A_2500] : memref<128x128xf32, #tpu.memory_space<vmem>> -> memref<16x128xf32, #tpu.memory_space<vmem>>
      %dma_wait3A_2502 = arith.constant 0 : i32
      %dma_wait3A_2503 = arith.constant 0 : i32
      %dma_wait3A_2504 = tpu.memref_slice %arg4[%dma_wait3A_2502, %dma_wait3A_2503] : memref<16x1000000xf32, #tpu.memory_space<hbm>> -> memref<16x128xf32, #tpu.memory_space<hbm>>
      tpu.wait_dma2 semaphore(%arg13 : memref<!tpu.dma_semaphore, #tpu.memory_space<semaphore_mem>>) src(%dma_wait3A_2504 : memref<16x128xf32, #tpu.memory_space<hbm>>) dst(%dma_wait3A_2501 : memref<16x128xf32, #tpu.memory_space<vmem>>)
      %add3A_2505 = arith.constant 1 : i32
      %add3A_2506 = arith.addi %mul3A_1264, %add3A_2505 : i32
      %mul3A_2507 = arith.constant 8 : i32
      %mul3A_2508 = arith.muli %add3A_2506, %mul3A_2507 : i32
      %broadcast_in_dim3A_2509 = vector.broadcast %mul3A_2508 : i32 to vector<16xi32>
      %add3A_2510 = arith.addi %broadcast_in_dim3A_2509, %and3A_4 : vector<16xi32>
      %gather3A_2511 = tpu.vector_load_idx %arg7[%add3A_2510] : memref<528xi32, #tpu.memory_space<vmem>>[vector<16xi32>], vector<16xi32>,
      %and3A_2512 = arith.constant 127 : i32
      %and3A_2513 = vector.broadcast %and3A_2512 : i32 to vector<16xi32>
      %and3A_2514 = arith.andi %gather3A_2511, %and3A_2513 : vector<16xi32>
      %gather3A_2515 = tpu.vector_load_idx %arg8[%add3A_2510] : memref<528xi32, #tpu.memory_space<vmem>>[vector<16xi32>], vector<16xi32>,
      %and3A_2516 = arith.constant 127 : i32
      %and3A_2517 = vector.broadcast %and3A_2516 : i32 to vector<16xi32>
      %and3A_2518 = arith.andi %gather3A_2515, %and3A_2517 : vector<16xi32>
      %mul3A_2519 = arith.constant 16 : i32
      %mul3A_2520 = vector.broadcast %mul3A_2519 : i32 to vector<16xi32>
      %mul3A_2521 = arith.muli %and3A_4, %mul3A_2520 : vector<16xi32>
      %add3A_2522 = arith.addi %mul3A_2521, %shift_right_arithmetic3A_6 : vector<16xi32>
      %add3A_2523 = arith.constant 0 : i32
      %add3A_2524 = vector.broadcast %add3A_2523 : i32 to vector<16xi32>
      %add3A_2525 = arith.addi %add3A_2522, %add3A_2524 : vector<16xi32>
      %gather3A_2526 = arith.constant 1 : i32
      %gather3A_2527 = arith.constant 0 : i32
      %gather3A_2528 = arith.constant 0 : i32
      %gather3A_2529 = tpu.memref_slice %arg9[%gather3A_2526, %gather3A_2527, %gather3A_2528] : memref<3x128x128xf32, #tpu.memory_space<vmem>> -> memref<1x128x128xf32, #tpu.memory_space<vmem>>
      %gather3A_2530 = tpu.memref_squeeze %gather3A_2529 : memref<1x128x128xf32, #tpu.memory_space<vmem>> -> memref<128x128xf32, #tpu.memory_space<vmem>>
      %gather3A_2531 = tpu.vector_load_idx %gather3A_2530[%add3A_2525, %and3A_2514] : memref<128x128xf32, #tpu.memory_space<vmem>>[vector<16xi32>, vector<16xi32>], vector<16xf32>,
      %gather3A_2532 = arith.constant 1 : i32
      %gather3A_2533 = arith.constant 0 : i32
      %gather3A_2534 = arith.constant 0 : i32
      %gather3A_2535 = tpu.memref_slice %arg10[%gather3A_2532, %gather3A_2533, %gather3A_2534] : memref<3x128x128xf32, #tpu.memory_space<vmem>> -> memref<1x128x128xf32, #tpu.memory_space<vmem>>
      %gather3A_2536 = tpu.memref_squeeze %gather3A_2535 : memref<1x128x128xf32, #tpu.memory_space<vmem>> -> memref<128x128xf32, #tpu.memory_space<vmem>>
      %gather3A_2537 = tpu.vector_load_idx %gather3A_2536[%add3A_2525, %and3A_2518] : memref<128x128xf32, #tpu.memory_space<vmem>>[vector<16xi32>, vector<16xi32>], vector<16xf32>,
      %add3A_2538 = arith.constant 0 : i32
      %add3A_2539 = vector.broadcast %add3A_2538 : i32 to vector<16xi32>
      %add3A_2540 = arith.addi %shift_right_arithmetic3A_6, %add3A_2539 : vector<16xi32>
      %mul3A_2541 = arith.mulf %gather3A_2531, %gather3A_2537 : vector<16xf32>
      tpu.vector_store_idx %arg11[%add3A_2540, %add3A_2510], %mul3A_2541 : memref<16x512xf32, #tpu.memory_space<vmem>>[vector<16xi32>, vector<16xi32>], vector<16xf32>,
      %mul3A_2542 = arith.constant 16 : i32
      %mul3A_2543 = vector.broadcast %mul3A_2542 : i32 to vector<16xi32>
      %mul3A_2544 = arith.muli %and3A_4, %mul3A_2543 : vector<16xi32>
      %add3A_2545 = arith.addi %mul3A_2544, %shift_right_arithmetic3A_6 : vector<16xi32>
      %add3A_2546 = arith.constant 2 : i32
      %add3A_2547 = vector.broadcast %add3A_2546 : i32 to vector<16xi32>
      %add3A_2548 = arith.addi %add3A_2545, %add3A_2547 : vector<16xi32>
      %gather3A_2549 = arith.constant 1 : i32
      %gather3A_2550 = arith.constant 0 : i32
      %gather3A_2551 = arith.constant 0 : i32
      %gather3A_2552 = tpu.memref_slice %arg9[%gather3A_2549, %gather3A_2550, %gather3A_2551] : memref<3x128x128xf32, #tpu.memory_space<vmem>> -> memref<1x128x128xf32, #tpu.memory_space<vmem>>
      %gather3A_2553 = tpu.memref_squeeze %gather3A_2552 : memref<1x128x128xf32, #tpu.memory_space<vmem>> -> memref<128x128xf32, #tpu.memory_space<vmem>>
      %gather3A_2554 = tpu.vector_load_idx %gather3A_2553[%add3A_2548, %and3A_2514] : memref<128x128xf32, #tpu.memory_space<vmem>>[vector<16xi32>, vector<16xi32>], vector<16xf32>,
      %gather3A_2555 = arith.constant 1 : i32
      %gather3A_2556 = arith.constant 0 : i32
      %gather3A_2557 = arith.constant 0 : i32
      %gather3A_2558 = tpu.memref_slice %arg10[%gather3A_2555, %gather3A_2556, %gather3A_2557] : memref<3x128x128xf32, #tpu.memory_space<vmem>> -> memref<1x128x128xf32, #tpu.memory_space<vmem>>
      %gather3A_2559 = tpu.memref_squeeze %gather3A_2558 : memref<1x128x128xf32, #tpu.memory_space<vmem>> -> memref<128x128xf32, #tpu.memory_space<vmem>>
      %gather3A_2560 = tpu.vector_load_idx %gather3A_2559[%add3A_2548, %and3A_2518] : memref<128x128xf32, #tpu.memory_space<vmem>>[vector<16xi32>, vector<16xi32>], vector<16xf32>,
      %add3A_2561 = arith.constant 2 : i32
      %add3A_2562 = vector.broadcast %add3A_2561 : i32 to vector<16xi32>
      %add3A_2563 = arith.addi %shift_right_arithmetic3A_6, %add3A_2562 : vector<16xi32>
      %mul3A_2564 = arith.mulf %gather3A_2554, %gather3A_2560 : vector<16xf32>
      tpu.vector_store_idx %arg11[%add3A_2563, %add3A_2510], %mul3A_2564 : memref<16x512xf32, #tpu.memory_space<vmem>>[vector<16xi32>, vector<16xi32>], vector<16xf32>,
      %mul3A_2565 = arith.constant 16 : i32
      %mul3A_2566 = vector.broadcast %mul3A_2565 : i32 to vector<16xi32>
      %mul3A_2567 = arith.muli %and3A_4, %mul3A_2566 : vector<16xi32>
      %add3A_2568 = arith.addi %mul3A_2567, %shift_right_arithmetic3A_6 : vector<16xi32>
      %add3A_2569 = arith.constant 4 : i32
      %add3A_2570 = vector.broadcast %add3A_2569 : i32 to vector<16xi32>
      %add3A_2571 = arith.addi %add3A_2568, %add3A_2570 : vector<16xi32>
      %gather3A_2572 = arith.constant 1 : i32
      %gather3A_2573 = arith.constant 0 : i32
      %gather3A_2574 = arith.constant 0 : i32
      %gather3A_2575 = tpu.memref_slice %arg9[%gather3A_2572, %gather3A_2573, %gather3A_2574] : memref<3x128x128xf32, #tpu.memory_space<vmem>> -> memref<1x128x128xf32, #tpu.memory_space<vmem>>
      %gather3A_2576 = tpu.memref_squeeze %gather3A_2575 : memref<1x128x128xf32, #tpu.memory_space<vmem>> -> memref<128x128xf32, #tpu.memory_space<vmem>>
      %gather3A_2577 = tpu.vector_load_idx %gather3A_2576[%add3A_2571, %and3A_2514] : memref<128x128xf32, #tpu.memory_space<vmem>>[vector<16xi32>, vector<16xi32>], vector<16xf32>,
      %gather3A_2578 = arith.constant 1 : i32
      %gather3A_2579 = arith.constant 0 : i32
      %gather3A_2580 = arith.constant 0 : i32
      %gather3A_2581 = tpu.memref_slice %arg10[%gather3A_2578, %gather3A_2579, %gather3A_2580] : memref<3x128x128xf32, #tpu.memory_space<vmem>> -> memref<1x128x128xf32, #tpu.memory_space<vmem>>
      %gather3A_2582 = tpu.memref_squeeze %gather3A_2581 : memref<1x128x128xf32, #tpu.memory_space<vmem>> -> memref<128x128xf32, #tpu.memory_space<vmem>>
      %gather3A_2583 = tpu.vector_load_idx %gather3A_2582[%add3A_2571, %and3A_2518] : memref<128x128xf32, #tpu.memory_space<vmem>>[vector<16xi32>, vector<16xi32>], vector<16xf32>,
      %add3A_2584 = arith.constant 4 : i32
      %add3A_2585 = vector.broadcast %add3A_2584 : i32 to vector<16xi32>
      %add3A_2586 = arith.addi %shift_right_arithmetic3A_6, %add3A_2585 : vector<16xi32>
      %mul3A_2587 = arith.mulf %gather3A_2577, %gather3A_2583 : vector<16xf32>
      tpu.vector_store_idx %arg11[%add3A_2586, %add3A_2510], %mul3A_2587 : memref<16x512xf32, #tpu.memory_space<vmem>>[vector<16xi32>, vector<16xi32>], vector<16xf32>,
      %mul3A_2588 = arith.constant 16 : i32
      %mul3A_2589 = vector.broadcast %mul3A_2588 : i32 to vector<16xi32>
      %mul3A_2590 = arith.muli %and3A_4, %mul3A_2589 : vector<16xi32>
      %add3A_2591 = arith.addi %mul3A_2590, %shift_right_arithmetic3A_6 : vector<16xi32>
      %add3A_2592 = arith.constant 6 : i32
      %add3A_2593 = vector.broadcast %add3A_2592 : i32 to vector<16xi32>
      %add3A_2594 = arith.addi %add3A_2591, %add3A_2593 : vector<16xi32>
      %gather3A_2595 = arith.constant 1 : i32
      %gather3A_2596 = arith.constant 0 : i32
      %gather3A_2597 = arith.constant 0 : i32
      %gather3A_2598 = tpu.memref_slice %arg9[%gather3A_2595, %gather3A_2596, %gather3A_2597] : memref<3x128x128xf32, #tpu.memory_space<vmem>> -> memref<1x128x128xf32, #tpu.memory_space<vmem>>
      %gather3A_2599 = tpu.memref_squeeze %gather3A_2598 : memref<1x128x128xf32, #tpu.memory_space<vmem>> -> memref<128x128xf32, #tpu.memory_space<vmem>>
      %gather3A_2600 = tpu.vector_load_idx %gather3A_2599[%add3A_2594, %and3A_2514] : memref<128x128xf32, #tpu.memory_space<vmem>>[vector<16xi32>, vector<16xi32>], vector<16xf32>,
      %gather3A_2601 = arith.constant 1 : i32
      %gather3A_2602 = arith.constant 0 : i32
      %gather3A_2603 = arith.constant 0 : i32
      %gather3A_2604 = tpu.memref_slice %arg10[%gather3A_2601, %gather3A_2602, %gather3A_2603] : memref<3x128x128xf32, #tpu.memory_space<vmem>> -> memref<1x128x128xf32, #tpu.memory_space<vmem>>
      %gather3A_2605 = tpu.memref_squeeze %gather3A_2604 : memref<1x128x128xf32, #tpu.memory_space<vmem>> -> memref<128x128xf32, #tpu.memory_space<vmem>>
      %gather3A_2606 = tpu.vector_load_idx %gather3A_2605[%add3A_2594, %and3A_2518] : memref<128x128xf32, #tpu.memory_space<vmem>>[vector<16xi32>, vector<16xi32>], vector<16xf32>,
      %add3A_2607 = arith.constant 6 : i32
      %add3A_2608 = vector.broadcast %add3A_2607 : i32 to vector<16xi32>
      %add3A_2609 = arith.addi %shift_right_arithmetic3A_6, %add3A_2608 : vector<16xi32>
      %mul3A_2610 = arith.mulf %gather3A_2600, %gather3A_2606 : vector<16xf32>
      tpu.vector_store_idx %arg11[%add3A_2609, %add3A_2510], %mul3A_2610 : memref<16x512xf32, #tpu.memory_space<vmem>>[vector<16xi32>, vector<16xi32>], vector<16xf32>,
      %mul3A_2611 = arith.constant 16 : i32
      %mul3A_2612 = vector.broadcast %mul3A_2611 : i32 to vector<16xi32>
      %mul3A_2613 = arith.muli %and3A_4, %mul3A_2612 : vector<16xi32>
      %add3A_2614 = arith.addi %mul3A_2613, %shift_right_arithmetic3A_6 : vector<16xi32>
      %add3A_2615 = arith.constant 8 : i32
      %add3A_2616 = vector.broadcast %add3A_2615 : i32 to vector<16xi32>
      %add3A_2617 = arith.addi %add3A_2614, %add3A_2616 : vector<16xi32>
      %gather3A_2618 = arith.constant 1 : i32
      %gather3A_2619 = arith.constant 0 : i32
      %gather3A_2620 = arith.constant 0 : i32
      %gather3A_2621 = tpu.memref_slice %arg9[%gather3A_2618, %gather3A_2619, %gather3A_2620] : memref<3x128x128xf32, #tpu.memory_space<vmem>> -> memref<1x128x128xf32, #tpu.memory_space<vmem>>
      %gather3A_2622 = tpu.memref_squeeze %gather3A_2621 : memref<1x128x128xf32, #tpu.memory_space<vmem>> -> memref<128x128xf32, #tpu.memory_space<vmem>>
      %gather3A_2623 = tpu.vector_load_idx %gather3A_2622[%add3A_2617, %and3A_2514] : memref<128x128xf32, #tpu.memory_space<vmem>>[vector<16xi32>, vector<16xi32>], vector<16xf32>,
      %gather3A_2624 = arith.constant 1 : i32
      %gather3A_2625 = arith.constant 0 : i32
      %gather3A_2626 = arith.constant 0 : i32
      %gather3A_2627 = tpu.memref_slice %arg10[%gather3A_2624, %gather3A_2625, %gather3A_2626] : memref<3x128x128xf32, #tpu.memory_space<vmem>> -> memref<1x128x128xf32, #tpu.memory_space<vmem>>
      %gather3A_2628 = tpu.memref_squeeze %gather3A_2627 : memref<1x128x128xf32, #tpu.memory_space<vmem>> -> memref<128x128xf32, #tpu.memory_space<vmem>>
      %gather3A_2629 = tpu.vector_load_idx %gather3A_2628[%add3A_2617, %and3A_2518] : memref<128x128xf32, #tpu.memory_space<vmem>>[vector<16xi32>, vector<16xi32>], vector<16xf32>,
      %add3A_2630 = arith.constant 8 : i32
      %add3A_2631 = vector.broadcast %add3A_2630 : i32 to vector<16xi32>
      %add3A_2632 = arith.addi %shift_right_arithmetic3A_6, %add3A_2631 : vector<16xi32>
      %mul3A_2633 = arith.mulf %gather3A_2623, %gather3A_2629 : vector<16xf32>
      tpu.vector_store_idx %arg11[%add3A_2632, %add3A_2510], %mul3A_2633 : memref<16x512xf32, #tpu.memory_space<vmem>>[vector<16xi32>, vector<16xi32>], vector<16xf32>,
      %mul3A_2634 = arith.constant 16 : i32
      %mul3A_2635 = vector.broadcast %mul3A_2634 : i32 to vector<16xi32>
      %mul3A_2636 = arith.muli %and3A_4, %mul3A_2635 : vector<16xi32>
      %add3A_2637 = arith.addi %mul3A_2636, %shift_right_arithmetic3A_6 : vector<16xi32>
      %add3A_2638 = arith.constant 10 : i32
      %add3A_2639 = vector.broadcast %add3A_2638 : i32 to vector<16xi32>
      %add3A_2640 = arith.addi %add3A_2637, %add3A_2639 : vector<16xi32>
      %gather3A_2641 = arith.constant 1 : i32
      %gather3A_2642 = arith.constant 0 : i32
      %gather3A_2643 = arith.constant 0 : i32
      %gather3A_2644 = tpu.memref_slice %arg9[%gather3A_2641, %gather3A_2642, %gather3A_2643] : memref<3x128x128xf32, #tpu.memory_space<vmem>> -> memref<1x128x128xf32, #tpu.memory_space<vmem>>
      %gather3A_2645 = tpu.memref_squeeze %gather3A_2644 : memref<1x128x128xf32, #tpu.memory_space<vmem>> -> memref<128x128xf32, #tpu.memory_space<vmem>>
      %gather3A_2646 = tpu.vector_load_idx %gather3A_2645[%add3A_2640, %and3A_2514] : memref<128x128xf32, #tpu.memory_space<vmem>>[vector<16xi32>, vector<16xi32>], vector<16xf32>,
      %gather3A_2647 = arith.constant 1 : i32
      %gather3A_2648 = arith.constant 0 : i32
      %gather3A_2649 = arith.constant 0 : i32
      %gather3A_2650 = tpu.memref_slice %arg10[%gather3A_2647, %gather3A_2648, %gather3A_2649] : memref<3x128x128xf32, #tpu.memory_space<vmem>> -> memref<1x128x128xf32, #tpu.memory_space<vmem>>
      %gather3A_2651 = tpu.memref_squeeze %gather3A_2650 : memref<1x128x128xf32, #tpu.memory_space<vmem>> -> memref<128x128xf32, #tpu.memory_space<vmem>>
      %gather3A_2652 = tpu.vector_load_idx %gather3A_2651[%add3A_2640, %and3A_2518] : memref<128x128xf32, #tpu.memory_space<vmem>>[vector<16xi32>, vector<16xi32>], vector<16xf32>,
      %add3A_2653 = arith.constant 10 : i32
      %add3A_2654 = vector.broadcast %add3A_2653 : i32 to vector<16xi32>
      %add3A_2655 = arith.addi %shift_right_arithmetic3A_6, %add3A_2654 : vector<16xi32>
      %mul3A_2656 = arith.mulf %gather3A_2646, %gather3A_2652 : vector<16xf32>
      tpu.vector_store_idx %arg11[%add3A_2655, %add3A_2510], %mul3A_2656 : memref<16x512xf32, #tpu.memory_space<vmem>>[vector<16xi32>, vector<16xi32>], vector<16xf32>,
      %mul3A_2657 = arith.constant 16 : i32
      %mul3A_2658 = vector.broadcast %mul3A_2657 : i32 to vector<16xi32>
      %mul3A_2659 = arith.muli %and3A_4, %mul3A_2658 : vector<16xi32>
      %add3A_2660 = arith.addi %mul3A_2659, %shift_right_arithmetic3A_6 : vector<16xi32>
      %add3A_2661 = arith.constant 12 : i32
      %add3A_2662 = vector.broadcast %add3A_2661 : i32 to vector<16xi32>
      %add3A_2663 = arith.addi %add3A_2660, %add3A_2662 : vector<16xi32>
      %gather3A_2664 = arith.constant 1 : i32
      %gather3A_2665 = arith.constant 0 : i32
      %gather3A_2666 = arith.constant 0 : i32
      %gather3A_2667 = tpu.memref_slice %arg9[%gather3A_2664, %gather3A_2665, %gather3A_2666] : memref<3x128x128xf32, #tpu.memory_space<vmem>> -> memref<1x128x128xf32, #tpu.memory_space<vmem>>
      %gather3A_2668 = tpu.memref_squeeze %gather3A_2667 : memref<1x128x128xf32, #tpu.memory_space<vmem>> -> memref<128x128xf32, #tpu.memory_space<vmem>>
      %gather3A_2669 = tpu.vector_load_idx %gather3A_2668[%add3A_2663, %and3A_2514] : memref<128x128xf32, #tpu.memory_space<vmem>>[vector<16xi32>, vector<16xi32>], vector<16xf32>,
      %gather3A_2670 = arith.constant 1 : i32
      %gather3A_2671 = arith.constant 0 : i32
      %gather3A_2672 = arith.constant 0 : i32
      %gather3A_2673 = tpu.memref_slice %arg10[%gather3A_2670, %gather3A_2671, %gather3A_2672] : memref<3x128x128xf32, #tpu.memory_space<vmem>> -> memref<1x128x128xf32, #tpu.memory_space<vmem>>
      %gather3A_2674 = tpu.memref_squeeze %gather3A_2673 : memref<1x128x128xf32, #tpu.memory_space<vmem>> -> memref<128x128xf32, #tpu.memory_space<vmem>>
      %gather3A_2675 = tpu.vector_load_idx %gather3A_2674[%add3A_2663, %and3A_2518] : memref<128x128xf32, #tpu.memory_space<vmem>>[vector<16xi32>, vector<16xi32>], vector<16xf32>,
      %add3A_2676 = arith.constant 12 : i32
      %add3A_2677 = vector.broadcast %add3A_2676 : i32 to vector<16xi32>
      %add3A_2678 = arith.addi %shift_right_arithmetic3A_6, %add3A_2677 : vector<16xi32>
      %mul3A_2679 = arith.mulf %gather3A_2669, %gather3A_2675 : vector<16xf32>
      tpu.vector_store_idx %arg11[%add3A_2678, %add3A_2510], %mul3A_2679 : memref<16x512xf32, #tpu.memory_space<vmem>>[vector<16xi32>, vector<16xi32>], vector<16xf32>,
      %mul3A_2680 = arith.constant 16 : i32
      %mul3A_2681 = vector.broadcast %mul3A_2680 : i32 to vector<16xi32>
      %mul3A_2682 = arith.muli %and3A_4, %mul3A_2681 : vector<16xi32>
      %add3A_2683 = arith.addi %mul3A_2682, %shift_right_arithmetic3A_6 : vector<16xi32>
      %add3A_2684 = arith.constant 14 : i32
      %add3A_2685 = vector.broadcast %add3A_2684 : i32 to vector<16xi32>
      %add3A_2686 = arith.addi %add3A_2683, %add3A_2685 : vector<16xi32>
      %gather3A_2687 = arith.constant 1 : i32
      %gather3A_2688 = arith.constant 0 : i32
      %gather3A_2689 = arith.constant 0 : i32
      %gather3A_2690 = tpu.memref_slice %arg9[%gather3A_2687, %gather3A_2688, %gather3A_2689] : memref<3x128x128xf32, #tpu.memory_space<vmem>> -> memref<1x128x128xf32, #tpu.memory_space<vmem>>
      %gather3A_2691 = tpu.memref_squeeze %gather3A_2690 : memref<1x128x128xf32, #tpu.memory_space<vmem>> -> memref<128x128xf32, #tpu.memory_space<vmem>>
      %gather3A_2692 = tpu.vector_load_idx %gather3A_2691[%add3A_2686, %and3A_2514] : memref<128x128xf32, #tpu.memory_space<vmem>>[vector<16xi32>, vector<16xi32>], vector<16xf32>,
      %gather3A_2693 = arith.constant 1 : i32
      %gather3A_2694 = arith.constant 0 : i32
      %gather3A_2695 = arith.constant 0 : i32
      %gather3A_2696 = tpu.memref_slice %arg10[%gather3A_2693, %gather3A_2694, %gather3A_2695] : memref<3x128x128xf32, #tpu.memory_space<vmem>> -> memref<1x128x128xf32, #tpu.memory_space<vmem>>
      %gather3A_2697 = tpu.memref_squeeze %gather3A_2696 : memref<1x128x128xf32, #tpu.memory_space<vmem>> -> memref<128x128xf32, #tpu.memory_space<vmem>>
      %gather3A_2698 = tpu.vector_load_idx %gather3A_2697[%add3A_2686, %and3A_2518] : memref<128x128xf32, #tpu.memory_space<vmem>>[vector<16xi32>, vector<16xi32>], vector<16xf32>,
      %add3A_2699 = arith.constant 14 : i32
      %add3A_2700 = vector.broadcast %add3A_2699 : i32 to vector<16xi32>
      %add3A_2701 = arith.addi %shift_right_arithmetic3A_6, %add3A_2700 : vector<16xi32>
      %mul3A_2702 = arith.mulf %gather3A_2692, %gather3A_2698 : vector<16xf32>
      tpu.vector_store_idx %arg11[%add3A_2701, %add3A_2510], %mul3A_2702 : memref<16x512xf32, #tpu.memory_space<vmem>>[vector<16xi32>, vector<16xi32>], vector<16xf32>,
      %add3A_2703 = arith.constant 4 : i32
      %add3A_2704 = arith.addi %mul3A_1264, %add3A_2703 : i32
      %lt3A_2705 = arith.constant 64 : i32
      %lt3A_2706 = arith.cmpi slt, %add3A_2704, %lt3A_2705 : i32
      %convert_element_type3A_2707 = arith.extui %lt3A_2706 : i1 to i32
      %cond3A_2708 = arith.constant 0 : i32
      %cond3A_2709 = arith.cmpi ne, %convert_element_type3A_2707, %cond3A_2708 : i32
      scf.if %cond3A_2709 {
        %mul3A_3244 = arith.constant 8 : i32
        %mul3A_3245 = arith.muli %add3A_2704, %mul3A_3244 : i32
        %get3A_3246 = arith.index_cast %mul3A_3245 : i32 to index
        %get3A_3247 = tpu.vector_load %arg7[%get3A_3246] {strides = array<i32>} : memref<528xi32, #tpu.memory_space<vmem>>, vector<16xi32>,
        %and3A_3248 = arith.constant -128 : i32
        %and3A_3249 = vector.broadcast %and3A_3248 : i32 to vector<16xi32>
        %and3A_3250 = arith.andi %get3A_3247, %and3A_3249 : vector<16xi32>
        %mul3A_3251 = arith.constant 8 : i32
        %mul3A_3252 = arith.muli %add3A_2704, %mul3A_3251 : i32
        %get3A_3253 = arith.index_cast %mul3A_3252 : i32 to index
        %get3A_3254 = tpu.vector_load %arg8[%get3A_3253] {strides = array<i32>} : memref<528xi32, #tpu.memory_space<vmem>>, vector<16xi32>,
        %and3A_3255 = arith.constant -128 : i32
        %and3A_3256 = vector.broadcast %and3A_3255 : i32 to vector<16xi32>
        %and3A_3257 = arith.andi %get3A_3254, %and3A_3256 : vector<16xi32>
        %slice3A_3258 = vector.extract_strided_slice %and3A_3250 {offsets = [0], sizes = [1], strides = [1]} : vector<16xi32> to vector<1xi32>
        %squeeze3A_3259 = vector.extract %slice3A_3258[0] : i32 from vector<1xi32>
        %multiple_of3A_3260 = tpu.assume_multiple %squeeze3A_3259, 128 : i32
        %slice3A_3261 = vector.extract_strided_slice %and3A_3257 {offsets = [0], sizes = [1], strides = [1]} : vector<16xi32> to vector<1xi32>
        %squeeze3A_3262 = vector.extract %slice3A_3261[0] : i32 from vector<1xi32>
        %multiple_of3A_3263 = tpu.assume_multiple %squeeze3A_3262, 128 : i32
        %dma_start3A_3264 = arith.constant 1 : i32
        %dma_start3A_3265 = arith.constant 0 : i32
        %dma_start3A_3266 = arith.constant 0 : i32
        %dma_start3A_3267 = tpu.memref_slice %arg9[%dma_start3A_3264, %dma_start3A_3265, %dma_start3A_3266] : memref<3x128x128xf32, #tpu.memory_space<vmem>> -> memref<1x128x128xf32, #tpu.memory_space<vmem>>
        %dma_start3A_3268 = tpu.memref_squeeze %dma_start3A_3267 : memref<1x128x128xf32, #tpu.memory_space<vmem>> -> memref<128x128xf32, #tpu.memory_space<vmem>>
        %dma_start3A_3269 = arith.constant 0 : i32
        %dma_start3A_3270 = arith.constant 0 : i32
        %dma_start3A_3271 = tpu.memref_slice %dma_start3A_3268[%dma_start3A_3269, %dma_start3A_3270] : memref<128x128xf32, #tpu.memory_space<vmem>> -> memref<16x128xf32, #tpu.memory_space<vmem>>
        %dma_start3A_3272 = arith.constant 0 : i32
        %dma_start3A_3273 = tpu.memref_slice %arg4[%dma_start3A_3272, %multiple_of3A_3260] : memref<16x1000000xf32, #tpu.memory_space<hbm>> -> memref<16x128xf32, #tpu.memory_space<hbm>>
        %dma_start3A_3274 = arith.constant 0 : i32
        %dma_start3A_3275 = arith.constant 0 : i32
        %dma_start3A_3276 = tpu.memref_slice %arg9[%dma_start3A_3264, %dma_start3A_3274, %dma_start3A_3275] : memref<3x128x128xf32, #tpu.memory_space<vmem>> -> memref<1x128x128xf32, #tpu.memory_space<vmem>>
        %dma_start3A_3277 = tpu.memref_squeeze %dma_start3A_3276 : memref<1x128x128xf32, #tpu.memory_space<vmem>> -> memref<128x128xf32, #tpu.memory_space<vmem>>
        %dma_start3A_3278 = arith.constant 0 : i32
        %dma_start3A_3279 = arith.constant 0 : i32
        %dma_start3A_3280 = tpu.memref_slice %dma_start3A_3277[%dma_start3A_3278, %dma_start3A_3279] : memref<128x128xf32, #tpu.memory_space<vmem>> -> memref<16x128xf32, #tpu.memory_space<vmem>>
        %dma_start3A_3281 = arith.constant 0 : i32
        %dma_start3A_3282 = tpu.memref_slice %arg4[%dma_start3A_3281, %multiple_of3A_3260] : memref<16x1000000xf32, #tpu.memory_space<hbm>> -> memref<16x128xf32, #tpu.memory_space<hbm>>
        tpu.enqueue_dma source(%dma_start3A_3282 : memref<16x128xf32, #tpu.memory_space<hbm>>) target(%dma_start3A_3280 : memref<16x128xf32, #tpu.memory_space<vmem>>) target_semaphore(%arg12 : memref<!tpu.dma_semaphore, #tpu.memory_space<semaphore_mem>>)
        %dma_start3A_3283 = arith.constant 1 : i32
        %dma_start3A_3284 = arith.constant 0 : i32
        %dma_start3A_3285 = arith.constant 0 : i32
        %dma_start3A_3286 = tpu.memref_slice %arg10[%dma_start3A_3283, %dma_start3A_3284, %dma_start3A_3285] : memref<3x128x128xf32, #tpu.memory_space<vmem>> -> memref<1x128x128xf32, #tpu.memory_space<vmem>>
        %dma_start3A_3287 = tpu.memref_squeeze %dma_start3A_3286 : memref<1x128x128xf32, #tpu.memory_space<vmem>> -> memref<128x128xf32, #tpu.memory_space<vmem>>
        %dma_start3A_3288 = arith.constant 0 : i32
        %dma_start3A_3289 = arith.constant 0 : i32
        %dma_start3A_3290 = tpu.memref_slice %dma_start3A_3287[%dma_start3A_3288, %dma_start3A_3289] : memref<128x128xf32, #tpu.memory_space<vmem>> -> memref<16x128xf32, #tpu.memory_space<vmem>>
        %dma_start3A_3291 = arith.constant 0 : i32
        %dma_start3A_3292 = tpu.memref_slice %arg5[%dma_start3A_3291, %multiple_of3A_3263] : memref<16x1000000xf32, #tpu.memory_space<hbm>> -> memref<16x128xf32, #tpu.memory_space<hbm>>
        %dma_start3A_3293 = arith.constant 0 : i32
        %dma_start3A_3294 = arith.constant 0 : i32
        %dma_start3A_3295 = tpu.memref_slice %arg10[%dma_start3A_3283, %dma_start3A_3293, %dma_start3A_3294] : memref<3x128x128xf32, #tpu.memory_space<vmem>> -> memref<1x128x128xf32, #tpu.memory_space<vmem>>
        %dma_start3A_3296 = tpu.memref_squeeze %dma_start3A_3295 : memref<1x128x128xf32, #tpu.memory_space<vmem>> -> memref<128x128xf32, #tpu.memory_space<vmem>>
        %dma_start3A_3297 = arith.constant 0 : i32
        %dma_start3A_3298 = arith.constant 0 : i32
        %dma_start3A_3299 = tpu.memref_slice %dma_start3A_3296[%dma_start3A_3297, %dma_start3A_3298] : memref<128x128xf32, #tpu.memory_space<vmem>> -> memref<16x128xf32, #tpu.memory_space<vmem>>
        %dma_start3A_3300 = arith.constant 0 : i32
        %dma_start3A_3301 = tpu.memref_slice %arg5[%dma_start3A_3300, %multiple_of3A_3263] : memref<16x1000000xf32, #tpu.memory_space<hbm>> -> memref<16x128xf32, #tpu.memory_space<hbm>>
        tpu.enqueue_dma source(%dma_start3A_3301 : memref<16x128xf32, #tpu.memory_space<hbm>>) target(%dma_start3A_3299 : memref<16x128xf32, #tpu.memory_space<vmem>>) target_semaphore(%arg13 : memref<!tpu.dma_semaphore, #tpu.memory_space<semaphore_mem>>)
        %slice3A_3302 = vector.extract_strided_slice %and3A_3250 {offsets = [1], sizes = [1], strides = [1]} : vector<16xi32> to vector<1xi32>
        %squeeze3A_3303 = vector.extract %slice3A_3302[0] : i32 from vector<1xi32>
        %multiple_of3A_3304 = tpu.assume_multiple %squeeze3A_3303, 128 : i32
        %slice3A_3305 = vector.extract_strided_slice %and3A_3257 {offsets = [1], sizes = [1], strides = [1]} : vector<16xi32> to vector<1xi32>
        %squeeze3A_3306 = vector.extract %slice3A_3305[0] : i32 from vector<1xi32>
        %multiple_of3A_3307 = tpu.assume_multiple %squeeze3A_3306, 128 : i32
        %dma_start3A_3308 = arith.constant 1 : i32
        %dma_start3A_3309 = arith.constant 0 : i32
        %dma_start3A_3310 = arith.constant 0 : i32
        %dma_start3A_3311 = tpu.memref_slice %arg9[%dma_start3A_3308, %dma_start3A_3309, %dma_start3A_3310] : memref<3x128x128xf32, #tpu.memory_space<vmem>> -> memref<1x128x128xf32, #tpu.memory_space<vmem>>
        %dma_start3A_3312 = tpu.memref_squeeze %dma_start3A_3311 : memref<1x128x128xf32, #tpu.memory_space<vmem>> -> memref<128x128xf32, #tpu.memory_space<vmem>>
        %dma_start3A_3313 = arith.constant 16 : i32
        %dma_start3A_3314 = arith.constant 0 : i32
        %dma_start3A_3315 = tpu.memref_slice %dma_start3A_3312[%dma_start3A_3313, %dma_start3A_3314] : memref<128x128xf32, #tpu.memory_space<vmem>> -> memref<16x128xf32, #tpu.memory_space<vmem>>
        %dma_start3A_3316 = arith.constant 0 : i32
        %dma_start3A_3317 = tpu.memref_slice %arg4[%dma_start3A_3316, %multiple_of3A_3304] : memref<16x1000000xf32, #tpu.memory_space<hbm>> -> memref<16x128xf32, #tpu.memory_space<hbm>>
        %dma_start3A_3318 = arith.constant 0 : i32
        %dma_start3A_3319 = arith.constant 0 : i32
        %dma_start3A_3320 = tpu.memref_slice %arg9[%dma_start3A_3308, %dma_start3A_3318, %dma_start3A_3319] : memref<3x128x128xf32, #tpu.memory_space<vmem>> -> memref<1x128x128xf32, #tpu.memory_space<vmem>>
        %dma_start3A_3321 = tpu.memref_squeeze %dma_start3A_3320 : memref<1x128x128xf32, #tpu.memory_space<vmem>> -> memref<128x128xf32, #tpu.memory_space<vmem>>
        %dma_start3A_3322 = arith.constant 16 : i32
        %dma_start3A_3323 = arith.constant 0 : i32
        %dma_start3A_3324 = tpu.memref_slice %dma_start3A_3321[%dma_start3A_3322, %dma_start3A_3323] : memref<128x128xf32, #tpu.memory_space<vmem>> -> memref<16x128xf32, #tpu.memory_space<vmem>>
        %dma_start3A_3325 = arith.constant 0 : i32
        %dma_start3A_3326 = tpu.memref_slice %arg4[%dma_start3A_3325, %multiple_of3A_3304] : memref<16x1000000xf32, #tpu.memory_space<hbm>> -> memref<16x128xf32, #tpu.memory_space<hbm>>
        tpu.enqueue_dma source(%dma_start3A_3326 : memref<16x128xf32, #tpu.memory_space<hbm>>) target(%dma_start3A_3324 : memref<16x128xf32, #tpu.memory_space<vmem>>) target_semaphore(%arg12 : memref<!tpu.dma_semaphore, #tpu.memory_space<semaphore_mem>>)
        %dma_start3A_3327 = arith.constant 1 : i32
        %dma_start3A_3328 = arith.constant 0 : i32
        %dma_start3A_3329 = arith.constant 0 : i32
        %dma_start3A_3330 = tpu.memref_slice %arg10[%dma_start3A_3327, %dma_start3A_3328, %dma_start3A_3329] : memref<3x128x128xf32, #tpu.memory_space<vmem>> -> memref<1x128x128xf32, #tpu.memory_space<vmem>>
        %dma_start3A_3331 = tpu.memref_squeeze %dma_start3A_3330 : memref<1x128x128xf32, #tpu.memory_space<vmem>> -> memref<128x128xf32, #tpu.memory_space<vmem>>
        %dma_start3A_3332 = arith.constant 16 : i32
        %dma_start3A_3333 = arith.constant 0 : i32
        %dma_start3A_3334 = tpu.memref_slice %dma_start3A_3331[%dma_start3A_3332, %dma_start3A_3333] : memref<128x128xf32, #tpu.memory_space<vmem>> -> memref<16x128xf32, #tpu.memory_space<vmem>>
        %dma_start3A_3335 = arith.constant 0 : i32
        %dma_start3A_3336 = tpu.memref_slice %arg5[%dma_start3A_3335, %multiple_of3A_3307] : memref<16x1000000xf32, #tpu.memory_space<hbm>> -> memref<16x128xf32, #tpu.memory_space<hbm>>
        %dma_start3A_3337 = arith.constant 0 : i32
        %dma_start3A_3338 = arith.constant 0 : i32
        %dma_start3A_3339 = tpu.memref_slice %arg10[%dma_start3A_3327, %dma_start3A_3337, %dma_start3A_3338] : memref<3x128x128xf32, #tpu.memory_space<vmem>> -> memref<1x128x128xf32, #tpu.memory_space<vmem>>
        %dma_start3A_3340 = tpu.memref_squeeze %dma_start3A_3339 : memref<1x128x128xf32, #tpu.memory_space<vmem>> -> memref<128x128xf32, #tpu.memory_space<vmem>>
        %dma_start3A_3341 = arith.constant 16 : i32
        %dma_start3A_3342 = arith.constant 0 : i32
        %dma_start3A_3343 = tpu.memref_slice %dma_start3A_3340[%dma_start3A_3341, %dma_start3A_3342] : memref<128x128xf32, #tpu.memory_space<vmem>> -> memref<16x128xf32, #tpu.memory_space<vmem>>
        %dma_start3A_3344 = arith.constant 0 : i32
        %dma_start3A_3345 = tpu.memref_slice %arg5[%dma_start3A_3344, %multiple_of3A_3307] : memref<16x1000000xf32, #tpu.memory_space<hbm>> -> memref<16x128xf32, #tpu.memory_space<hbm>>
        tpu.enqueue_dma source(%dma_start3A_3345 : memref<16x128xf32, #tpu.memory_space<hbm>>) target(%dma_start3A_3343 : memref<16x128xf32, #tpu.memory_space<vmem>>) target_semaphore(%arg13 : memref<!tpu.dma_semaphore, #tpu.memory_space<semaphore_mem>>)
        %slice3A_3346 = vector.extract_strided_slice %and3A_3250 {offsets = [2], sizes = [1], strides = [1]} : vector<16xi32> to vector<1xi32>
        %squeeze3A_3347 = vector.extract %slice3A_3346[0] : i32 from vector<1xi32>
        %multiple_of3A_3348 = tpu.assume_multiple %squeeze3A_3347, 128 : i32
        %slice3A_3349 = vector.extract_strided_slice %and3A_3257 {offsets = [2], sizes = [1], strides = [1]} : vector<16xi32> to vector<1xi32>
        %squeeze3A_3350 = vector.extract %slice3A_3349[0] : i32 from vector<1xi32>
        %multiple_of3A_3351 = tpu.assume_multiple %squeeze3A_3350, 128 : i32
        %dma_start3A_3352 = arith.constant 1 : i32
        %dma_start3A_3353 = arith.constant 0 : i32
        %dma_start3A_3354 = arith.constant 0 : i32
        %dma_start3A_3355 = tpu.memref_slice %arg9[%dma_start3A_3352, %dma_start3A_3353, %dma_start3A_3354] : memref<3x128x128xf32, #tpu.memory_space<vmem>> -> memref<1x128x128xf32, #tpu.memory_space<vmem>>
        %dma_start3A_3356 = tpu.memref_squeeze %dma_start3A_3355 : memref<1x128x128xf32, #tpu.memory_space<vmem>> -> memref<128x128xf32, #tpu.memory_space<vmem>>
        %dma_start3A_3357 = arith.constant 32 : i32
        %dma_start3A_3358 = arith.constant 0 : i32
        %dma_start3A_3359 = tpu.memref_slice %dma_start3A_3356[%dma_start3A_3357, %dma_start3A_3358] : memref<128x128xf32, #tpu.memory_space<vmem>> -> memref<16x128xf32, #tpu.memory_space<vmem>>
        %dma_start3A_3360 = arith.constant 0 : i32
        %dma_start3A_3361 = tpu.memref_slice %arg4[%dma_start3A_3360, %multiple_of3A_3348] : memref<16x1000000xf32, #tpu.memory_space<hbm>> -> memref<16x128xf32, #tpu.memory_space<hbm>>
        %dma_start3A_3362 = arith.constant 0 : i32
        %dma_start3A_3363 = arith.constant 0 : i32
        %dma_start3A_3364 = tpu.memref_slice %arg9[%dma_start3A_3352, %dma_start3A_3362, %dma_start3A_3363] : memref<3x128x128xf32, #tpu.memory_space<vmem>> -> memref<1x128x128xf32, #tpu.memory_space<vmem>>
        %dma_start3A_3365 = tpu.memref_squeeze %dma_start3A_3364 : memref<1x128x128xf32, #tpu.memory_space<vmem>> -> memref<128x128xf32, #tpu.memory_space<vmem>>
        %dma_start3A_3366 = arith.constant 32 : i32
        %dma_start3A_3367 = arith.constant 0 : i32
        %dma_start3A_3368 = tpu.memref_slice %dma_start3A_3365[%dma_start3A_3366, %dma_start3A_3367] : memref<128x128xf32, #tpu.memory_space<vmem>> -> memref<16x128xf32, #tpu.memory_space<vmem>>
        %dma_start3A_3369 = arith.constant 0 : i32
        %dma_start3A_3370 = tpu.memref_slice %arg4[%dma_start3A_3369, %multiple_of3A_3348] : memref<16x1000000xf32, #tpu.memory_space<hbm>> -> memref<16x128xf32, #tpu.memory_space<hbm>>
        tpu.enqueue_dma source(%dma_start3A_3370 : memref<16x128xf32, #tpu.memory_space<hbm>>) target(%dma_start3A_3368 : memref<16x128xf32, #tpu.memory_space<vmem>>) target_semaphore(%arg12 : memref<!tpu.dma_semaphore, #tpu.memory_space<semaphore_mem>>)
        %dma_start3A_3371 = arith.constant 1 : i32
        %dma_start3A_3372 = arith.constant 0 : i32
        %dma_start3A_3373 = arith.constant 0 : i32
        %dma_start3A_3374 = tpu.memref_slice %arg10[%dma_start3A_3371, %dma_start3A_3372, %dma_start3A_3373] : memref<3x128x128xf32, #tpu.memory_space<vmem>> -> memref<1x128x128xf32, #tpu.memory_space<vmem>>
        %dma_start3A_3375 = tpu.memref_squeeze %dma_start3A_3374 : memref<1x128x128xf32, #tpu.memory_space<vmem>> -> memref<128x128xf32, #tpu.memory_space<vmem>>
        %dma_start3A_3376 = arith.constant 32 : i32
        %dma_start3A_3377 = arith.constant 0 : i32
        %dma_start3A_3378 = tpu.memref_slice %dma_start3A_3375[%dma_start3A_3376, %dma_start3A_3377] : memref<128x128xf32, #tpu.memory_space<vmem>> -> memref<16x128xf32, #tpu.memory_space<vmem>>
        %dma_start3A_3379 = arith.constant 0 : i32
        %dma_start3A_3380 = tpu.memref_slice %arg5[%dma_start3A_3379, %multiple_of3A_3351] : memref<16x1000000xf32, #tpu.memory_space<hbm>> -> memref<16x128xf32, #tpu.memory_space<hbm>>
        %dma_start3A_3381 = arith.constant 0 : i32
        %dma_start3A_3382 = arith.constant 0 : i32
        %dma_start3A_3383 = tpu.memref_slice %arg10[%dma_start3A_3371, %dma_start3A_3381, %dma_start3A_3382] : memref<3x128x128xf32, #tpu.memory_space<vmem>> -> memref<1x128x128xf32, #tpu.memory_space<vmem>>
        %dma_start3A_3384 = tpu.memref_squeeze %dma_start3A_3383 : memref<1x128x128xf32, #tpu.memory_space<vmem>> -> memref<128x128xf32, #tpu.memory_space<vmem>>
        %dma_start3A_3385 = arith.constant 32 : i32
        %dma_start3A_3386 = arith.constant 0 : i32
        %dma_start3A_3387 = tpu.memref_slice %dma_start3A_3384[%dma_start3A_3385, %dma_start3A_3386] : memref<128x128xf32, #tpu.memory_space<vmem>> -> memref<16x128xf32, #tpu.memory_space<vmem>>
        %dma_start3A_3388 = arith.constant 0 : i32
        %dma_start3A_3389 = tpu.memref_slice %arg5[%dma_start3A_3388, %multiple_of3A_3351] : memref<16x1000000xf32, #tpu.memory_space<hbm>> -> memref<16x128xf32, #tpu.memory_space<hbm>>
        tpu.enqueue_dma source(%dma_start3A_3389 : memref<16x128xf32, #tpu.memory_space<hbm>>) target(%dma_start3A_3387 : memref<16x128xf32, #tpu.memory_space<vmem>>) target_semaphore(%arg13 : memref<!tpu.dma_semaphore, #tpu.memory_space<semaphore_mem>>)
        %slice3A_3390 = vector.extract_strided_slice %and3A_3250 {offsets = [3], sizes = [1], strides = [1]} : vector<16xi32> to vector<1xi32>
        %squeeze3A_3391 = vector.extract %slice3A_3390[0] : i32 from vector<1xi32>
        %multiple_of3A_3392 = tpu.assume_multiple %squeeze3A_3391, 128 : i32
        %slice3A_3393 = vector.extract_strided_slice %and3A_3257 {offsets = [3], sizes = [1], strides = [1]} : vector<16xi32> to vector<1xi32>
        %squeeze3A_3394 = vector.extract %slice3A_3393[0] : i32 from vector<1xi32>
        %multiple_of3A_3395 = tpu.assume_multiple %squeeze3A_3394, 128 : i32
        %dma_start3A_3396 = arith.constant 1 : i32
        %dma_start3A_3397 = arith.constant 0 : i32
        %dma_start3A_3398 = arith.constant 0 : i32
        %dma_start3A_3399 = tpu.memref_slice %arg9[%dma_start3A_3396, %dma_start3A_3397, %dma_start3A_3398] : memref<3x128x128xf32, #tpu.memory_space<vmem>> -> memref<1x128x128xf32, #tpu.memory_space<vmem>>
        %dma_start3A_3400 = tpu.memref_squeeze %dma_start3A_3399 : memref<1x128x128xf32, #tpu.memory_space<vmem>> -> memref<128x128xf32, #tpu.memory_space<vmem>>
        %dma_start3A_3401 = arith.constant 48 : i32
        %dma_start3A_3402 = arith.constant 0 : i32
        %dma_start3A_3403 = tpu.memref_slice %dma_start3A_3400[%dma_start3A_3401, %dma_start3A_3402] : memref<128x128xf32, #tpu.memory_space<vmem>> -> memref<16x128xf32, #tpu.memory_space<vmem>>
        %dma_start3A_3404 = arith.constant 0 : i32
        %dma_start3A_3405 = tpu.memref_slice %arg4[%dma_start3A_3404, %multiple_of3A_3392] : memref<16x1000000xf32, #tpu.memory_space<hbm>> -> memref<16x128xf32, #tpu.memory_space<hbm>>
        %dma_start3A_3406 = arith.constant 0 : i32
        %dma_start3A_3407 = arith.constant 0 : i32
        %dma_start3A_3408 = tpu.memref_slice %arg9[%dma_start3A_3396, %dma_start3A_3406, %dma_start3A_3407] : memref<3x128x128xf32, #tpu.memory_space<vmem>> -> memref<1x128x128xf32, #tpu.memory_space<vmem>>
        %dma_start3A_3409 = tpu.memref_squeeze %dma_start3A_3408 : memref<1x128x128xf32, #tpu.memory_space<vmem>> -> memref<128x128xf32, #tpu.memory_space<vmem>>
        %dma_start3A_3410 = arith.constant 48 : i32
        %dma_start3A_3411 = arith.constant 0 : i32
        %dma_start3A_3412 = tpu.memref_slice %dma_start3A_3409[%dma_start3A_3410, %dma_start3A_3411] : memref<128x128xf32, #tpu.memory_space<vmem>> -> memref<16x128xf32, #tpu.memory_space<vmem>>
        %dma_start3A_3413 = arith.constant 0 : i32
        %dma_start3A_3414 = tpu.memref_slice %arg4[%dma_start3A_3413, %multiple_of3A_3392] : memref<16x1000000xf32, #tpu.memory_space<hbm>> -> memref<16x128xf32, #tpu.memory_space<hbm>>
        tpu.enqueue_dma source(%dma_start3A_3414 : memref<16x128xf32, #tpu.memory_space<hbm>>) target(%dma_start3A_3412 : memref<16x128xf32, #tpu.memory_space<vmem>>) target_semaphore(%arg12 : memref<!tpu.dma_semaphore, #tpu.memory_space<semaphore_mem>>)
        %dma_start3A_3415 = arith.constant 1 : i32
        %dma_start3A_3416 = arith.constant 0 : i32
        %dma_start3A_3417 = arith.constant 0 : i32
        %dma_start3A_3418 = tpu.memref_slice %arg10[%dma_start3A_3415, %dma_start3A_3416, %dma_start3A_3417] : memref<3x128x128xf32, #tpu.memory_space<vmem>> -> memref<1x128x128xf32, #tpu.memory_space<vmem>>
        %dma_start3A_3419 = tpu.memref_squeeze %dma_start3A_3418 : memref<1x128x128xf32, #tpu.memory_space<vmem>> -> memref<128x128xf32, #tpu.memory_space<vmem>>
        %dma_start3A_3420 = arith.constant 48 : i32
        %dma_start3A_3421 = arith.constant 0 : i32
        %dma_start3A_3422 = tpu.memref_slice %dma_start3A_3419[%dma_start3A_3420, %dma_start3A_3421] : memref<128x128xf32, #tpu.memory_space<vmem>> -> memref<16x128xf32, #tpu.memory_space<vmem>>
        %dma_start3A_3423 = arith.constant 0 : i32
        %dma_start3A_3424 = tpu.memref_slice %arg5[%dma_start3A_3423, %multiple_of3A_3395] : memref<16x1000000xf32, #tpu.memory_space<hbm>> -> memref<16x128xf32, #tpu.memory_space<hbm>>
        %dma_start3A_3425 = arith.constant 0 : i32
        %dma_start3A_3426 = arith.constant 0 : i32
        %dma_start3A_3427 = tpu.memref_slice %arg10[%dma_start3A_3415, %dma_start3A_3425, %dma_start3A_3426] : memref<3x128x128xf32, #tpu.memory_space<vmem>> -> memref<1x128x128xf32, #tpu.memory_space<vmem>>
        %dma_start3A_3428 = tpu.memref_squeeze %dma_start3A_3427 : memref<1x128x128xf32, #tpu.memory_space<vmem>> -> memref<128x128xf32, #tpu.memory_space<vmem>>
        %dma_start3A_3429 = arith.constant 48 : i32
        %dma_start3A_3430 = arith.constant 0 : i32
        %dma_start3A_3431 = tpu.memref_slice %dma_start3A_3428[%dma_start3A_3429, %dma_start3A_3430] : memref<128x128xf32, #tpu.memory_space<vmem>> -> memref<16x128xf32, #tpu.memory_space<vmem>>
        %dma_start3A_3432 = arith.constant 0 : i32
        %dma_start3A_3433 = tpu.memref_slice %arg5[%dma_start3A_3432, %multiple_of3A_3395] : memref<16x1000000xf32, #tpu.memory_space<hbm>> -> memref<16x128xf32, #tpu.memory_space<hbm>>
        tpu.enqueue_dma source(%dma_start3A_3433 : memref<16x128xf32, #tpu.memory_space<hbm>>) target(%dma_start3A_3431 : memref<16x128xf32, #tpu.memory_space<vmem>>) target_semaphore(%arg13 : memref<!tpu.dma_semaphore, #tpu.memory_space<semaphore_mem>>)
        %slice3A_3434 = vector.extract_strided_slice %and3A_3250 {offsets = [4], sizes = [1], strides = [1]} : vector<16xi32> to vector<1xi32>
        %squeeze3A_3435 = vector.extract %slice3A_3434[0] : i32 from vector<1xi32>
        %multiple_of3A_3436 = tpu.assume_multiple %squeeze3A_3435, 128 : i32
        %slice3A_3437 = vector.extract_strided_slice %and3A_3257 {offsets = [4], sizes = [1], strides = [1]} : vector<16xi32> to vector<1xi32>
        %squeeze3A_3438 = vector.extract %slice3A_3437[0] : i32 from vector<1xi32>
        %multiple_of3A_3439 = tpu.assume_multiple %squeeze3A_3438, 128 : i32
        %dma_start3A_3440 = arith.constant 1 : i32
        %dma_start3A_3441 = arith.constant 0 : i32
        %dma_start3A_3442 = arith.constant 0 : i32
        %dma_start3A_3443 = tpu.memref_slice %arg9[%dma_start3A_3440, %dma_start3A_3441, %dma_start3A_3442] : memref<3x128x128xf32, #tpu.memory_space<vmem>> -> memref<1x128x128xf32, #tpu.memory_space<vmem>>
        %dma_start3A_3444 = tpu.memref_squeeze %dma_start3A_3443 : memref<1x128x128xf32, #tpu.memory_space<vmem>> -> memref<128x128xf32, #tpu.memory_space<vmem>>
        %dma_start3A_3445 = arith.constant 64 : i32
        %dma_start3A_3446 = arith.constant 0 : i32
        %dma_start3A_3447 = tpu.memref_slice %dma_start3A_3444[%dma_start3A_3445, %dma_start3A_3446] : memref<128x128xf32, #tpu.memory_space<vmem>> -> memref<16x128xf32, #tpu.memory_space<vmem>>
        %dma_start3A_3448 = arith.constant 0 : i32
        %dma_start3A_3449 = tpu.memref_slice %arg4[%dma_start3A_3448, %multiple_of3A_3436] : memref<16x1000000xf32, #tpu.memory_space<hbm>> -> memref<16x128xf32, #tpu.memory_space<hbm>>
        %dma_start3A_3450 = arith.constant 0 : i32
        %dma_start3A_3451 = arith.constant 0 : i32
        %dma_start3A_3452 = tpu.memref_slice %arg9[%dma_start3A_3440, %dma_start3A_3450, %dma_start3A_3451] : memref<3x128x128xf32, #tpu.memory_space<vmem>> -> memref<1x128x128xf32, #tpu.memory_space<vmem>>
        %dma_start3A_3453 = tpu.memref_squeeze %dma_start3A_3452 : memref<1x128x128xf32, #tpu.memory_space<vmem>> -> memref<128x128xf32, #tpu.memory_space<vmem>>
        %dma_start3A_3454 = arith.constant 64 : i32
        %dma_start3A_3455 = arith.constant 0 : i32
        %dma_start3A_3456 = tpu.memref_slice %dma_start3A_3453[%dma_start3A_3454, %dma_start3A_3455] : memref<128x128xf32, #tpu.memory_space<vmem>> -> memref<16x128xf32, #tpu.memory_space<vmem>>
        %dma_start3A_3457 = arith.constant 0 : i32
        %dma_start3A_3458 = tpu.memref_slice %arg4[%dma_start3A_3457, %multiple_of3A_3436] : memref<16x1000000xf32, #tpu.memory_space<hbm>> -> memref<16x128xf32, #tpu.memory_space<hbm>>
        tpu.enqueue_dma source(%dma_start3A_3458 : memref<16x128xf32, #tpu.memory_space<hbm>>) target(%dma_start3A_3456 : memref<16x128xf32, #tpu.memory_space<vmem>>) target_semaphore(%arg12 : memref<!tpu.dma_semaphore, #tpu.memory_space<semaphore_mem>>)
        %dma_start3A_3459 = arith.constant 1 : i32
        %dma_start3A_3460 = arith.constant 0 : i32
        %dma_start3A_3461 = arith.constant 0 : i32
        %dma_start3A_3462 = tpu.memref_slice %arg10[%dma_start3A_3459, %dma_start3A_3460, %dma_start3A_3461] : memref<3x128x128xf32, #tpu.memory_space<vmem>> -> memref<1x128x128xf32, #tpu.memory_space<vmem>>
        %dma_start3A_3463 = tpu.memref_squeeze %dma_start3A_3462 : memref<1x128x128xf32, #tpu.memory_space<vmem>> -> memref<128x128xf32, #tpu.memory_space<vmem>>
        %dma_start3A_3464 = arith.constant 64 : i32
        %dma_start3A_3465 = arith.constant 0 : i32
        %dma_start3A_3466 = tpu.memref_slice %dma_start3A_3463[%dma_start3A_3464, %dma_start3A_3465] : memref<128x128xf32, #tpu.memory_space<vmem>> -> memref<16x128xf32, #tpu.memory_space<vmem>>
        %dma_start3A_3467 = arith.constant 0 : i32
        %dma_start3A_3468 = tpu.memref_slice %arg5[%dma_start3A_3467, %multiple_of3A_3439] : memref<16x1000000xf32, #tpu.memory_space<hbm>> -> memref<16x128xf32, #tpu.memory_space<hbm>>
        %dma_start3A_3469 = arith.constant 0 : i32
        %dma_start3A_3470 = arith.constant 0 : i32
        %dma_start3A_3471 = tpu.memref_slice %arg10[%dma_start3A_3459, %dma_start3A_3469, %dma_start3A_3470] : memref<3x128x128xf32, #tpu.memory_space<vmem>> -> memref<1x128x128xf32, #tpu.memory_space<vmem>>
        %dma_start3A_3472 = tpu.memref_squeeze %dma_start3A_3471 : memref<1x128x128xf32, #tpu.memory_space<vmem>> -> memref<128x128xf32, #tpu.memory_space<vmem>>
        %dma_start3A_3473 = arith.constant 64 : i32
        %dma_start3A_3474 = arith.constant 0 : i32
        %dma_start3A_3475 = tpu.memref_slice %dma_start3A_3472[%dma_start3A_3473, %dma_start3A_3474] : memref<128x128xf32, #tpu.memory_space<vmem>> -> memref<16x128xf32, #tpu.memory_space<vmem>>
        %dma_start3A_3476 = arith.constant 0 : i32
        %dma_start3A_3477 = tpu.memref_slice %arg5[%dma_start3A_3476, %multiple_of3A_3439] : memref<16x1000000xf32, #tpu.memory_space<hbm>> -> memref<16x128xf32, #tpu.memory_space<hbm>>
        tpu.enqueue_dma source(%dma_start3A_3477 : memref<16x128xf32, #tpu.memory_space<hbm>>) target(%dma_start3A_3475 : memref<16x128xf32, #tpu.memory_space<vmem>>) target_semaphore(%arg13 : memref<!tpu.dma_semaphore, #tpu.memory_space<semaphore_mem>>)
        %slice3A_3478 = vector.extract_strided_slice %and3A_3250 {offsets = [5], sizes = [1], strides = [1]} : vector<16xi32> to vector<1xi32>
        %squeeze3A_3479 = vector.extract %slice3A_3478[0] : i32 from vector<1xi32>
        %multiple_of3A_3480 = tpu.assume_multiple %squeeze3A_3479, 128 : i32
        %slice3A_3481 = vector.extract_strided_slice %and3A_3257 {offsets = [5], sizes = [1], strides = [1]} : vector<16xi32> to vector<1xi32>
        %squeeze3A_3482 = vector.extract %slice3A_3481[0] : i32 from vector<1xi32>
        %multiple_of3A_3483 = tpu.assume_multiple %squeeze3A_3482, 128 : i32
        %dma_start3A_3484 = arith.constant 1 : i32
        %dma_start3A_3485 = arith.constant 0 : i32
        %dma_start3A_3486 = arith.constant 0 : i32
        %dma_start3A_3487 = tpu.memref_slice %arg9[%dma_start3A_3484, %dma_start3A_3485, %dma_start3A_3486] : memref<3x128x128xf32, #tpu.memory_space<vmem>> -> memref<1x128x128xf32, #tpu.memory_space<vmem>>
        %dma_start3A_3488 = tpu.memref_squeeze %dma_start3A_3487 : memref<1x128x128xf32, #tpu.memory_space<vmem>> -> memref<128x128xf32, #tpu.memory_space<vmem>>
        %dma_start3A_3489 = arith.constant 80 : i32
        %dma_start3A_3490 = arith.constant 0 : i32
        %dma_start3A_3491 = tpu.memref_slice %dma_start3A_3488[%dma_start3A_3489, %dma_start3A_3490] : memref<128x128xf32, #tpu.memory_space<vmem>> -> memref<16x128xf32, #tpu.memory_space<vmem>>
        %dma_start3A_3492 = arith.constant 0 : i32
        %dma_start3A_3493 = tpu.memref_slice %arg4[%dma_start3A_3492, %multiple_of3A_3480] : memref<16x1000000xf32, #tpu.memory_space<hbm>> -> memref<16x128xf32, #tpu.memory_space<hbm>>
        %dma_start3A_3494 = arith.constant 0 : i32
        %dma_start3A_3495 = arith.constant 0 : i32
        %dma_start3A_3496 = tpu.memref_slice %arg9[%dma_start3A_3484, %dma_start3A_3494, %dma_start3A_3495] : memref<3x128x128xf32, #tpu.memory_space<vmem>> -> memref<1x128x128xf32, #tpu.memory_space<vmem>>
        %dma_start3A_3497 = tpu.memref_squeeze %dma_start3A_3496 : memref<1x128x128xf32, #tpu.memory_space<vmem>> -> memref<128x128xf32, #tpu.memory_space<vmem>>
        %dma_start3A_3498 = arith.constant 80 : i32
        %dma_start3A_3499 = arith.constant 0 : i32
        %dma_start3A_3500 = tpu.memref_slice %dma_start3A_3497[%dma_start3A_3498, %dma_start3A_3499] : memref<128x128xf32, #tpu.memory_space<vmem>> -> memref<16x128xf32, #tpu.memory_space<vmem>>
        %dma_start3A_3501 = arith.constant 0 : i32
        %dma_start3A_3502 = tpu.memref_slice %arg4[%dma_start3A_3501, %multiple_of3A_3480] : memref<16x1000000xf32, #tpu.memory_space<hbm>> -> memref<16x128xf32, #tpu.memory_space<hbm>>
        tpu.enqueue_dma source(%dma_start3A_3502 : memref<16x128xf32, #tpu.memory_space<hbm>>) target(%dma_start3A_3500 : memref<16x128xf32, #tpu.memory_space<vmem>>) target_semaphore(%arg12 : memref<!tpu.dma_semaphore, #tpu.memory_space<semaphore_mem>>)
        %dma_start3A_3503 = arith.constant 1 : i32
        %dma_start3A_3504 = arith.constant 0 : i32
        %dma_start3A_3505 = arith.constant 0 : i32
        %dma_start3A_3506 = tpu.memref_slice %arg10[%dma_start3A_3503, %dma_start3A_3504, %dma_start3A_3505] : memref<3x128x128xf32, #tpu.memory_space<vmem>> -> memref<1x128x128xf32, #tpu.memory_space<vmem>>
        %dma_start3A_3507 = tpu.memref_squeeze %dma_start3A_3506 : memref<1x128x128xf32, #tpu.memory_space<vmem>> -> memref<128x128xf32, #tpu.memory_space<vmem>>
        %dma_start3A_3508 = arith.constant 80 : i32
        %dma_start3A_3509 = arith.constant 0 : i32
        %dma_start3A_3510 = tpu.memref_slice %dma_start3A_3507[%dma_start3A_3508, %dma_start3A_3509] : memref<128x128xf32, #tpu.memory_space<vmem>> -> memref<16x128xf32, #tpu.memory_space<vmem>>
        %dma_start3A_3511 = arith.constant 0 : i32
        %dma_start3A_3512 = tpu.memref_slice %arg5[%dma_start3A_3511, %multiple_of3A_3483] : memref<16x1000000xf32, #tpu.memory_space<hbm>> -> memref<16x128xf32, #tpu.memory_space<hbm>>
        %dma_start3A_3513 = arith.constant 0 : i32
        %dma_start3A_3514 = arith.constant 0 : i32
        %dma_start3A_3515 = tpu.memref_slice %arg10[%dma_start3A_3503, %dma_start3A_3513, %dma_start3A_3514] : memref<3x128x128xf32, #tpu.memory_space<vmem>> -> memref<1x128x128xf32, #tpu.memory_space<vmem>>
        %dma_start3A_3516 = tpu.memref_squeeze %dma_start3A_3515 : memref<1x128x128xf32, #tpu.memory_space<vmem>> -> memref<128x128xf32, #tpu.memory_space<vmem>>
        %dma_start3A_3517 = arith.constant 80 : i32
        %dma_start3A_3518 = arith.constant 0 : i32
        %dma_start3A_3519 = tpu.memref_slice %dma_start3A_3516[%dma_start3A_3517, %dma_start3A_3518] : memref<128x128xf32, #tpu.memory_space<vmem>> -> memref<16x128xf32, #tpu.memory_space<vmem>>
        %dma_start3A_3520 = arith.constant 0 : i32
        %dma_start3A_3521 = tpu.memref_slice %arg5[%dma_start3A_3520, %multiple_of3A_3483] : memref<16x1000000xf32, #tpu.memory_space<hbm>> -> memref<16x128xf32, #tpu.memory_space<hbm>>
        tpu.enqueue_dma source(%dma_start3A_3521 : memref<16x128xf32, #tpu.memory_space<hbm>>) target(%dma_start3A_3519 : memref<16x128xf32, #tpu.memory_space<vmem>>) target_semaphore(%arg13 : memref<!tpu.dma_semaphore, #tpu.memory_space<semaphore_mem>>)
        %slice3A_3522 = vector.extract_strided_slice %and3A_3250 {offsets = [6], sizes = [1], strides = [1]} : vector<16xi32> to vector<1xi32>
        %squeeze3A_3523 = vector.extract %slice3A_3522[0] : i32 from vector<1xi32>
        %multiple_of3A_3524 = tpu.assume_multiple %squeeze3A_3523, 128 : i32
        %slice3A_3525 = vector.extract_strided_slice %and3A_3257 {offsets = [6], sizes = [1], strides = [1]} : vector<16xi32> to vector<1xi32>
        %squeeze3A_3526 = vector.extract %slice3A_3525[0] : i32 from vector<1xi32>
        %multiple_of3A_3527 = tpu.assume_multiple %squeeze3A_3526, 128 : i32
        %dma_start3A_3528 = arith.constant 1 : i32
        %dma_start3A_3529 = arith.constant 0 : i32
        %dma_start3A_3530 = arith.constant 0 : i32
        %dma_start3A_3531 = tpu.memref_slice %arg9[%dma_start3A_3528, %dma_start3A_3529, %dma_start3A_3530] : memref<3x128x128xf32, #tpu.memory_space<vmem>> -> memref<1x128x128xf32, #tpu.memory_space<vmem>>
        %dma_start3A_3532 = tpu.memref_squeeze %dma_start3A_3531 : memref<1x128x128xf32, #tpu.memory_space<vmem>> -> memref<128x128xf32, #tpu.memory_space<vmem>>
        %dma_start3A_3533 = arith.constant 96 : i32
        %dma_start3A_3534 = arith.constant 0 : i32
        %dma_start3A_3535 = tpu.memref_slice %dma_start3A_3532[%dma_start3A_3533, %dma_start3A_3534] : memref<128x128xf32, #tpu.memory_space<vmem>> -> memref<16x128xf32, #tpu.memory_space<vmem>>
        %dma_start3A_3536 = arith.constant 0 : i32
        %dma_start3A_3537 = tpu.memref_slice %arg4[%dma_start3A_3536, %multiple_of3A_3524] : memref<16x1000000xf32, #tpu.memory_space<hbm>> -> memref<16x128xf32, #tpu.memory_space<hbm>>
        %dma_start3A_3538 = arith.constant 0 : i32
        %dma_start3A_3539 = arith.constant 0 : i32
        %dma_start3A_3540 = tpu.memref_slice %arg9[%dma_start3A_3528, %dma_start3A_3538, %dma_start3A_3539] : memref<3x128x128xf32, #tpu.memory_space<vmem>> -> memref<1x128x128xf32, #tpu.memory_space<vmem>>
        %dma_start3A_3541 = tpu.memref_squeeze %dma_start3A_3540 : memref<1x128x128xf32, #tpu.memory_space<vmem>> -> memref<128x128xf32, #tpu.memory_space<vmem>>
        %dma_start3A_3542 = arith.constant 96 : i32
        %dma_start3A_3543 = arith.constant 0 : i32
        %dma_start3A_3544 = tpu.memref_slice %dma_start3A_3541[%dma_start3A_3542, %dma_start3A_3543] : memref<128x128xf32, #tpu.memory_space<vmem>> -> memref<16x128xf32, #tpu.memory_space<vmem>>
        %dma_start3A_3545 = arith.constant 0 : i32
        %dma_start3A_3546 = tpu.memref_slice %arg4[%dma_start3A_3545, %multiple_of3A_3524] : memref<16x1000000xf32, #tpu.memory_space<hbm>> -> memref<16x128xf32, #tpu.memory_space<hbm>>
        tpu.enqueue_dma source(%dma_start3A_3546 : memref<16x128xf32, #tpu.memory_space<hbm>>) target(%dma_start3A_3544 : memref<16x128xf32, #tpu.memory_space<vmem>>) target_semaphore(%arg12 : memref<!tpu.dma_semaphore, #tpu.memory_space<semaphore_mem>>)
        %dma_start3A_3547 = arith.constant 1 : i32
        %dma_start3A_3548 = arith.constant 0 : i32
        %dma_start3A_3549 = arith.constant 0 : i32
        %dma_start3A_3550 = tpu.memref_slice %arg10[%dma_start3A_3547, %dma_start3A_3548, %dma_start3A_3549] : memref<3x128x128xf32, #tpu.memory_space<vmem>> -> memref<1x128x128xf32, #tpu.memory_space<vmem>>
        %dma_start3A_3551 = tpu.memref_squeeze %dma_start3A_3550 : memref<1x128x128xf32, #tpu.memory_space<vmem>> -> memref<128x128xf32, #tpu.memory_space<vmem>>
        %dma_start3A_3552 = arith.constant 96 : i32
        %dma_start3A_3553 = arith.constant 0 : i32
        %dma_start3A_3554 = tpu.memref_slice %dma_start3A_3551[%dma_start3A_3552, %dma_start3A_3553] : memref<128x128xf32, #tpu.memory_space<vmem>> -> memref<16x128xf32, #tpu.memory_space<vmem>>
        %dma_start3A_3555 = arith.constant 0 : i32
        %dma_start3A_3556 = tpu.memref_slice %arg5[%dma_start3A_3555, %multiple_of3A_3527] : memref<16x1000000xf32, #tpu.memory_space<hbm>> -> memref<16x128xf32, #tpu.memory_space<hbm>>
        %dma_start3A_3557 = arith.constant 0 : i32
        %dma_start3A_3558 = arith.constant 0 : i32
        %dma_start3A_3559 = tpu.memref_slice %arg10[%dma_start3A_3547, %dma_start3A_3557, %dma_start3A_3558] : memref<3x128x128xf32, #tpu.memory_space<vmem>> -> memref<1x128x128xf32, #tpu.memory_space<vmem>>
        %dma_start3A_3560 = tpu.memref_squeeze %dma_start3A_3559 : memref<1x128x128xf32, #tpu.memory_space<vmem>> -> memref<128x128xf32, #tpu.memory_space<vmem>>
        %dma_start3A_3561 = arith.constant 96 : i32
        %dma_start3A_3562 = arith.constant 0 : i32
        %dma_start3A_3563 = tpu.memref_slice %dma_start3A_3560[%dma_start3A_3561, %dma_start3A_3562] : memref<128x128xf32, #tpu.memory_space<vmem>> -> memref<16x128xf32, #tpu.memory_space<vmem>>
        %dma_start3A_3564 = arith.constant 0 : i32
        %dma_start3A_3565 = tpu.memref_slice %arg5[%dma_start3A_3564, %multiple_of3A_3527] : memref<16x1000000xf32, #tpu.memory_space<hbm>> -> memref<16x128xf32, #tpu.memory_space<hbm>>
        tpu.enqueue_dma source(%dma_start3A_3565 : memref<16x128xf32, #tpu.memory_space<hbm>>) target(%dma_start3A_3563 : memref<16x128xf32, #tpu.memory_space<vmem>>) target_semaphore(%arg13 : memref<!tpu.dma_semaphore, #tpu.memory_space<semaphore_mem>>)
        %slice3A_3566 = vector.extract_strided_slice %and3A_3250 {offsets = [7], sizes = [1], strides = [1]} : vector<16xi32> to vector<1xi32>
        %squeeze3A_3567 = vector.extract %slice3A_3566[0] : i32 from vector<1xi32>
        %multiple_of3A_3568 = tpu.assume_multiple %squeeze3A_3567, 128 : i32
        %slice3A_3569 = vector.extract_strided_slice %and3A_3257 {offsets = [7], sizes = [1], strides = [1]} : vector<16xi32> to vector<1xi32>
        %squeeze3A_3570 = vector.extract %slice3A_3569[0] : i32 from vector<1xi32>
        %multiple_of3A_3571 = tpu.assume_multiple %squeeze3A_3570, 128 : i32
        %dma_start3A_3572 = arith.constant 1 : i32
        %dma_start3A_3573 = arith.constant 0 : i32
        %dma_start3A_3574 = arith.constant 0 : i32
        %dma_start3A_3575 = tpu.memref_slice %arg9[%dma_start3A_3572, %dma_start3A_3573, %dma_start3A_3574] : memref<3x128x128xf32, #tpu.memory_space<vmem>> -> memref<1x128x128xf32, #tpu.memory_space<vmem>>
        %dma_start3A_3576 = tpu.memref_squeeze %dma_start3A_3575 : memref<1x128x128xf32, #tpu.memory_space<vmem>> -> memref<128x128xf32, #tpu.memory_space<vmem>>
        %dma_start3A_3577 = arith.constant 112 : i32
        %dma_start3A_3578 = arith.constant 0 : i32
        %dma_start3A_3579 = tpu.memref_slice %dma_start3A_3576[%dma_start3A_3577, %dma_start3A_3578] : memref<128x128xf32, #tpu.memory_space<vmem>> -> memref<16x128xf32, #tpu.memory_space<vmem>>
        %dma_start3A_3580 = arith.constant 0 : i32
        %dma_start3A_3581 = tpu.memref_slice %arg4[%dma_start3A_3580, %multiple_of3A_3568] : memref<16x1000000xf32, #tpu.memory_space<hbm>> -> memref<16x128xf32, #tpu.memory_space<hbm>>
        %dma_start3A_3582 = arith.constant 0 : i32
        %dma_start3A_3583 = arith.constant 0 : i32
        %dma_start3A_3584 = tpu.memref_slice %arg9[%dma_start3A_3572, %dma_start3A_3582, %dma_start3A_3583] : memref<3x128x128xf32, #tpu.memory_space<vmem>> -> memref<1x128x128xf32, #tpu.memory_space<vmem>>
        %dma_start3A_3585 = tpu.memref_squeeze %dma_start3A_3584 : memref<1x128x128xf32, #tpu.memory_space<vmem>> -> memref<128x128xf32, #tpu.memory_space<vmem>>
        %dma_start3A_3586 = arith.constant 112 : i32
        %dma_start3A_3587 = arith.constant 0 : i32
        %dma_start3A_3588 = tpu.memref_slice %dma_start3A_3585[%dma_start3A_3586, %dma_start3A_3587] : memref<128x128xf32, #tpu.memory_space<vmem>> -> memref<16x128xf32, #tpu.memory_space<vmem>>
        %dma_start3A_3589 = arith.constant 0 : i32
        %dma_start3A_3590 = tpu.memref_slice %arg4[%dma_start3A_3589, %multiple_of3A_3568] : memref<16x1000000xf32, #tpu.memory_space<hbm>> -> memref<16x128xf32, #tpu.memory_space<hbm>>
        tpu.enqueue_dma source(%dma_start3A_3590 : memref<16x128xf32, #tpu.memory_space<hbm>>) target(%dma_start3A_3588 : memref<16x128xf32, #tpu.memory_space<vmem>>) target_semaphore(%arg12 : memref<!tpu.dma_semaphore, #tpu.memory_space<semaphore_mem>>)
        %dma_start3A_3591 = arith.constant 1 : i32
        %dma_start3A_3592 = arith.constant 0 : i32
        %dma_start3A_3593 = arith.constant 0 : i32
        %dma_start3A_3594 = tpu.memref_slice %arg10[%dma_start3A_3591, %dma_start3A_3592, %dma_start3A_3593] : memref<3x128x128xf32, #tpu.memory_space<vmem>> -> memref<1x128x128xf32, #tpu.memory_space<vmem>>
        %dma_start3A_3595 = tpu.memref_squeeze %dma_start3A_3594 : memref<1x128x128xf32, #tpu.memory_space<vmem>> -> memref<128x128xf32, #tpu.memory_space<vmem>>
        %dma_start3A_3596 = arith.constant 112 : i32
        %dma_start3A_3597 = arith.constant 0 : i32
        %dma_start3A_3598 = tpu.memref_slice %dma_start3A_3595[%dma_start3A_3596, %dma_start3A_3597] : memref<128x128xf32, #tpu.memory_space<vmem>> -> memref<16x128xf32, #tpu.memory_space<vmem>>
        %dma_start3A_3599 = arith.constant 0 : i32
        %dma_start3A_3600 = tpu.memref_slice %arg5[%dma_start3A_3599, %multiple_of3A_3571] : memref<16x1000000xf32, #tpu.memory_space<hbm>> -> memref<16x128xf32, #tpu.memory_space<hbm>>
        %dma_start3A_3601 = arith.constant 0 : i32
        %dma_start3A_3602 = arith.constant 0 : i32
        %dma_start3A_3603 = tpu.memref_slice %arg10[%dma_start3A_3591, %dma_start3A_3601, %dma_start3A_3602] : memref<3x128x128xf32, #tpu.memory_space<vmem>> -> memref<1x128x128xf32, #tpu.memory_space<vmem>>
        %dma_start3A_3604 = tpu.memref_squeeze %dma_start3A_3603 : memref<1x128x128xf32, #tpu.memory_space<vmem>> -> memref<128x128xf32, #tpu.memory_space<vmem>>
        %dma_start3A_3605 = arith.constant 112 : i32
        %dma_start3A_3606 = arith.constant 0 : i32
        %dma_start3A_3607 = tpu.memref_slice %dma_start3A_3604[%dma_start3A_3605, %dma_start3A_3606] : memref<128x128xf32, #tpu.memory_space<vmem>> -> memref<16x128xf32, #tpu.memory_space<vmem>>
        %dma_start3A_3608 = arith.constant 0 : i32
        %dma_start3A_3609 = tpu.memref_slice %arg5[%dma_start3A_3608, %multiple_of3A_3571] : memref<16x1000000xf32, #tpu.memory_space<hbm>> -> memref<16x128xf32, #tpu.memory_space<hbm>>
        tpu.enqueue_dma source(%dma_start3A_3609 : memref<16x128xf32, #tpu.memory_space<hbm>>) target(%dma_start3A_3607 : memref<16x128xf32, #tpu.memory_space<vmem>>) target_semaphore(%arg13 : memref<!tpu.dma_semaphore, #tpu.memory_space<semaphore_mem>>)
      } else {
      }
      %dma_wait3A_2710 = arith.constant 2 : i32
      %dma_wait3A_2711 = arith.constant 0 : i32
      %dma_wait3A_2712 = arith.constant 0 : i32
      %dma_wait3A_2713 = tpu.memref_slice %arg9[%dma_wait3A_2710, %dma_wait3A_2711, %dma_wait3A_2712] : memref<3x128x128xf32, #tpu.memory_space<vmem>> -> memref<1x128x128xf32, #tpu.memory_space<vmem>>
      %dma_wait3A_2714 = tpu.memref_squeeze %dma_wait3A_2713 : memref<1x128x128xf32, #tpu.memory_space<vmem>> -> memref<128x128xf32, #tpu.memory_space<vmem>>
      %dma_wait3A_2715 = arith.constant 0 : i32
      %dma_wait3A_2716 = arith.constant 0 : i32
      %dma_wait3A_2717 = tpu.memref_slice %dma_wait3A_2714[%dma_wait3A_2715, %dma_wait3A_2716] : memref<128x128xf32, #tpu.memory_space<vmem>> -> memref<16x128xf32, #tpu.memory_space<vmem>>
      %dma_wait3A_2718 = arith.constant 0 : i32
      %dma_wait3A_2719 = arith.constant 0 : i32
      %dma_wait3A_2720 = tpu.memref_slice %arg4[%dma_wait3A_2718, %dma_wait3A_2719] : memref<16x1000000xf32, #tpu.memory_space<hbm>> -> memref<16x128xf32, #tpu.memory_space<hbm>>
      %dma_wait3A_2721 = arith.constant 0 : i32
      %dma_wait3A_2722 = arith.constant 0 : i32
      %dma_wait3A_2723 = tpu.memref_slice %arg9[%dma_wait3A_2710, %dma_wait3A_2721, %dma_wait3A_2722] : memref<3x128x128xf32, #tpu.memory_space<vmem>> -> memref<1x128x128xf32, #tpu.memory_space<vmem>>
      %dma_wait3A_2724 = tpu.memref_squeeze %dma_wait3A_2723 : memref<1x128x128xf32, #tpu.memory_space<vmem>> -> memref<128x128xf32, #tpu.memory_space<vmem>>
      %dma_wait3A_2725 = arith.constant 0 : i32
      %dma_wait3A_2726 = arith.constant 0 : i32
      %dma_wait3A_2727 = tpu.memref_slice %dma_wait3A_2724[%dma_wait3A_2725, %dma_wait3A_2726] : memref<128x128xf32, #tpu.memory_space<vmem>> -> memref<16x128xf32, #tpu.memory_space<vmem>>
      %dma_wait3A_2728 = arith.constant 0 : i32
      %dma_wait3A_2729 = arith.constant 0 : i32
      %dma_wait3A_2730 = tpu.memref_slice %arg4[%dma_wait3A_2728, %dma_wait3A_2729] : memref<16x1000000xf32, #tpu.memory_space<hbm>> -> memref<16x128xf32, #tpu.memory_space<hbm>>
      tpu.wait_dma2 semaphore(%arg12 : memref<!tpu.dma_semaphore, #tpu.memory_space<semaphore_mem>>) src(%dma_wait3A_2730 : memref<16x128xf32, #tpu.memory_space<hbm>>) dst(%dma_wait3A_2727 : memref<16x128xf32, #tpu.memory_space<vmem>>)
      %dma_wait3A_2731 = arith.constant 2 : i32
      %dma_wait3A_2732 = arith.constant 0 : i32
      %dma_wait3A_2733 = arith.constant 0 : i32
      %dma_wait3A_2734 = tpu.memref_slice %arg10[%dma_wait3A_2731, %dma_wait3A_2732, %dma_wait3A_2733] : memref<3x128x128xf32, #tpu.memory_space<vmem>> -> memref<1x128x128xf32, #tpu.memory_space<vmem>>
      %dma_wait3A_2735 = tpu.memref_squeeze %dma_wait3A_2734 : memref<1x128x128xf32, #tpu.memory_space<vmem>> -> memref<128x128xf32, #tpu.memory_space<vmem>>
      %dma_wait3A_2736 = arith.constant 0 : i32
      %dma_wait3A_2737 = arith.constant 0 : i32
      %dma_wait3A_2738 = tpu.memref_slice %dma_wait3A_2735[%dma_wait3A_2736, %dma_wait3A_2737] : memref<128x128xf32, #tpu.memory_space<vmem>> -> memref<16x128xf32, #tpu.memory_space<vmem>>
      %dma_wait3A_2739 = arith.constant 0 : i32
      %dma_wait3A_2740 = arith.constant 0 : i32
      %dma_wait3A_2741 = tpu.memref_slice %arg4[%dma_wait3A_2739, %dma_wait3A_2740] : memref<16x1000000xf32, #tpu.memory_space<hbm>> -> memref<16x128xf32, #tpu.memory_space<hbm>>
      %dma_wait3A_2742 = arith.constant 0 : i32
      %dma_wait3A_2743 = arith.constant 0 : i32
      %dma_wait3A_2744 = tpu.memref_slice %arg10[%dma_wait3A_2731, %dma_wait3A_2742, %dma_wait3A_2743] : memref<3x128x128xf32, #tpu.memory_space<vmem>> -> memref<1x128x128xf32, #tpu.memory_space<vmem>>
      %dma_wait3A_2745 = tpu.memref_squeeze %dma_wait3A_2744 : memref<1x128x128xf32, #tpu.memory_space<vmem>> -> memref<128x128xf32, #tpu.memory_space<vmem>>
      %dma_wait3A_2746 = arith.constant 0 : i32
      %dma_wait3A_2747 = arith.constant 0 : i32
      %dma_wait3A_2748 = tpu.memref_slice %dma_wait3A_2745[%dma_wait3A_2746, %dma_wait3A_2747] : memref<128x128xf32, #tpu.memory_space<vmem>> -> memref<16x128xf32, #tpu.memory_space<vmem>>
      %dma_wait3A_2749 = arith.constant 0 : i32
      %dma_wait3A_2750 = arith.constant 0 : i32
      %dma_wait3A_2751 = tpu.memref_slice %arg4[%dma_wait3A_2749, %dma_wait3A_2750] : memref<16x1000000xf32, #tpu.memory_space<hbm>> -> memref<16x128xf32, #tpu.memory_space<hbm>>
      tpu.wait_dma2 semaphore(%arg13 : memref<!tpu.dma_semaphore, #tpu.memory_space<semaphore_mem>>) src(%dma_wait3A_2751 : memref<16x128xf32, #tpu.memory_space<hbm>>) dst(%dma_wait3A_2748 : memref<16x128xf32, #tpu.memory_space<vmem>>)
      %dma_wait3A_2752 = arith.constant 2 : i32
      %dma_wait3A_2753 = arith.constant 0 : i32
      %dma_wait3A_2754 = arith.constant 0 : i32
      %dma_wait3A_2755 = tpu.memref_slice %arg9[%dma_wait3A_2752, %dma_wait3A_2753, %dma_wait3A_2754] : memref<3x128x128xf32, #tpu.memory_space<vmem>> -> memref<1x128x128xf32, #tpu.memory_space<vmem>>
      %dma_wait3A_2756 = tpu.memref_squeeze %dma_wait3A_2755 : memref<1x128x128xf32, #tpu.memory_space<vmem>> -> memref<128x128xf32, #tpu.memory_space<vmem>>
      %dma_wait3A_2757 = arith.constant 16 : i32
      %dma_wait3A_2758 = arith.constant 0 : i32
      %dma_wait3A_2759 = tpu.memref_slice %dma_wait3A_2756[%dma_wait3A_2757, %dma_wait3A_2758] : memref<128x128xf32, #tpu.memory_space<vmem>> -> memref<16x128xf32, #tpu.memory_space<vmem>>
      %dma_wait3A_2760 = arith.constant 0 : i32
      %dma_wait3A_2761 = arith.constant 0 : i32
      %dma_wait3A_2762 = tpu.memref_slice %arg4[%dma_wait3A_2760, %dma_wait3A_2761] : memref<16x1000000xf32, #tpu.memory_space<hbm>> -> memref<16x128xf32, #tpu.memory_space<hbm>>
      %dma_wait3A_2763 = arith.constant 0 : i32
      %dma_wait3A_2764 = arith.constant 0 : i32
      %dma_wait3A_2765 = tpu.memref_slice %arg9[%dma_wait3A_2752, %dma_wait3A_2763, %dma_wait3A_2764] : memref<3x128x128xf32, #tpu.memory_space<vmem>> -> memref<1x128x128xf32, #tpu.memory_space<vmem>>
      %dma_wait3A_2766 = tpu.memref_squeeze %dma_wait3A_2765 : memref<1x128x128xf32, #tpu.memory_space<vmem>> -> memref<128x128xf32, #tpu.memory_space<vmem>>
      %dma_wait3A_2767 = arith.constant 16 : i32
      %dma_wait3A_2768 = arith.constant 0 : i32
      %dma_wait3A_2769 = tpu.memref_slice %dma_wait3A_2766[%dma_wait3A_2767, %dma_wait3A_2768] : memref<128x128xf32, #tpu.memory_space<vmem>> -> memref<16x128xf32, #tpu.memory_space<vmem>>
      %dma_wait3A_2770 = arith.constant 0 : i32
      %dma_wait3A_2771 = arith.constant 0 : i32
      %dma_wait3A_2772 = tpu.memref_slice %arg4[%dma_wait3A_2770, %dma_wait3A_2771] : memref<16x1000000xf32, #tpu.memory_space<hbm>> -> memref<16x128xf32, #tpu.memory_space<hbm>>
      tpu.wait_dma2 semaphore(%arg12 : memref<!tpu.dma_semaphore, #tpu.memory_space<semaphore_mem>>) src(%dma_wait3A_2772 : memref<16x128xf32, #tpu.memory_space<hbm>>) dst(%dma_wait3A_2769 : memref<16x128xf32, #tpu.memory_space<vmem>>)
      %dma_wait3A_2773 = arith.constant 2 : i32
      %dma_wait3A_2774 = arith.constant 0 : i32
      %dma_wait3A_2775 = arith.constant 0 : i32
      %dma_wait3A_2776 = tpu.memref_slice %arg10[%dma_wait3A_2773, %dma_wait3A_2774, %dma_wait3A_2775] : memref<3x128x128xf32, #tpu.memory_space<vmem>> -> memref<1x128x128xf32, #tpu.memory_space<vmem>>
      %dma_wait3A_2777 = tpu.memref_squeeze %dma_wait3A_2776 : memref<1x128x128xf32, #tpu.memory_space<vmem>> -> memref<128x128xf32, #tpu.memory_space<vmem>>
      %dma_wait3A_2778 = arith.constant 16 : i32
      %dma_wait3A_2779 = arith.constant 0 : i32
      %dma_wait3A_2780 = tpu.memref_slice %dma_wait3A_2777[%dma_wait3A_2778, %dma_wait3A_2779] : memref<128x128xf32, #tpu.memory_space<vmem>> -> memref<16x128xf32, #tpu.memory_space<vmem>>
      %dma_wait3A_2781 = arith.constant 0 : i32
      %dma_wait3A_2782 = arith.constant 0 : i32
      %dma_wait3A_2783 = tpu.memref_slice %arg4[%dma_wait3A_2781, %dma_wait3A_2782] : memref<16x1000000xf32, #tpu.memory_space<hbm>> -> memref<16x128xf32, #tpu.memory_space<hbm>>
      %dma_wait3A_2784 = arith.constant 0 : i32
      %dma_wait3A_2785 = arith.constant 0 : i32
      %dma_wait3A_2786 = tpu.memref_slice %arg10[%dma_wait3A_2773, %dma_wait3A_2784, %dma_wait3A_2785] : memref<3x128x128xf32, #tpu.memory_space<vmem>> -> memref<1x128x128xf32, #tpu.memory_space<vmem>>
      %dma_wait3A_2787 = tpu.memref_squeeze %dma_wait3A_2786 : memref<1x128x128xf32, #tpu.memory_space<vmem>> -> memref<128x128xf32, #tpu.memory_space<vmem>>
      %dma_wait3A_2788 = arith.constant 16 : i32
      %dma_wait3A_2789 = arith.constant 0 : i32
      %dma_wait3A_2790 = tpu.memref_slice %dma_wait3A_2787[%dma_wait3A_2788, %dma_wait3A_2789] : memref<128x128xf32, #tpu.memory_space<vmem>> -> memref<16x128xf32, #tpu.memory_space<vmem>>
      %dma_wait3A_2791 = arith.constant 0 : i32
      %dma_wait3A_2792 = arith.constant 0 : i32
      %dma_wait3A_2793 = tpu.memref_slice %arg4[%dma_wait3A_2791, %dma_wait3A_2792] : memref<16x1000000xf32, #tpu.memory_space<hbm>> -> memref<16x128xf32, #tpu.memory_space<hbm>>
      tpu.wait_dma2 semaphore(%arg13 : memref<!tpu.dma_semaphore, #tpu.memory_space<semaphore_mem>>) src(%dma_wait3A_2793 : memref<16x128xf32, #tpu.memory_space<hbm>>) dst(%dma_wait3A_2790 : memref<16x128xf32, #tpu.memory_space<vmem>>)
      %dma_wait3A_2794 = arith.constant 2 : i32
      %dma_wait3A_2795 = arith.constant 0 : i32
      %dma_wait3A_2796 = arith.constant 0 : i32
      %dma_wait3A_2797 = tpu.memref_slice %arg9[%dma_wait3A_2794, %dma_wait3A_2795, %dma_wait3A_2796] : memref<3x128x128xf32, #tpu.memory_space<vmem>> -> memref<1x128x128xf32, #tpu.memory_space<vmem>>
      %dma_wait3A_2798 = tpu.memref_squeeze %dma_wait3A_2797 : memref<1x128x128xf32, #tpu.memory_space<vmem>> -> memref<128x128xf32, #tpu.memory_space<vmem>>
      %dma_wait3A_2799 = arith.constant 32 : i32
      %dma_wait3A_2800 = arith.constant 0 : i32
      %dma_wait3A_2801 = tpu.memref_slice %dma_wait3A_2798[%dma_wait3A_2799, %dma_wait3A_2800] : memref<128x128xf32, #tpu.memory_space<vmem>> -> memref<16x128xf32, #tpu.memory_space<vmem>>
      %dma_wait3A_2802 = arith.constant 0 : i32
      %dma_wait3A_2803 = arith.constant 0 : i32
      %dma_wait3A_2804 = tpu.memref_slice %arg4[%dma_wait3A_2802, %dma_wait3A_2803] : memref<16x1000000xf32, #tpu.memory_space<hbm>> -> memref<16x128xf32, #tpu.memory_space<hbm>>
      %dma_wait3A_2805 = arith.constant 0 : i32
      %dma_wait3A_2806 = arith.constant 0 : i32
      %dma_wait3A_2807 = tpu.memref_slice %arg9[%dma_wait3A_2794, %dma_wait3A_2805, %dma_wait3A_2806] : memref<3x128x128xf32, #tpu.memory_space<vmem>> -> memref<1x128x128xf32, #tpu.memory_space<vmem>>
      %dma_wait3A_2808 = tpu.memref_squeeze %dma_wait3A_2807 : memref<1x128x128xf32, #tpu.memory_space<vmem>> -> memref<128x128xf32, #tpu.memory_space<vmem>>
      %dma_wait3A_2809 = arith.constant 32 : i32
      %dma_wait3A_2810 = arith.constant 0 : i32
      %dma_wait3A_2811 = tpu.memref_slice %dma_wait3A_2808[%dma_wait3A_2809, %dma_wait3A_2810] : memref<128x128xf32, #tpu.memory_space<vmem>> -> memref<16x128xf32, #tpu.memory_space<vmem>>
      %dma_wait3A_2812 = arith.constant 0 : i32
      %dma_wait3A_2813 = arith.constant 0 : i32
      %dma_wait3A_2814 = tpu.memref_slice %arg4[%dma_wait3A_2812, %dma_wait3A_2813] : memref<16x1000000xf32, #tpu.memory_space<hbm>> -> memref<16x128xf32, #tpu.memory_space<hbm>>
      tpu.wait_dma2 semaphore(%arg12 : memref<!tpu.dma_semaphore, #tpu.memory_space<semaphore_mem>>) src(%dma_wait3A_2814 : memref<16x128xf32, #tpu.memory_space<hbm>>) dst(%dma_wait3A_2811 : memref<16x128xf32, #tpu.memory_space<vmem>>)
      %dma_wait3A_2815 = arith.constant 2 : i32
      %dma_wait3A_2816 = arith.constant 0 : i32
      %dma_wait3A_2817 = arith.constant 0 : i32
      %dma_wait3A_2818 = tpu.memref_slice %arg10[%dma_wait3A_2815, %dma_wait3A_2816, %dma_wait3A_2817] : memref<3x128x128xf32, #tpu.memory_space<vmem>> -> memref<1x128x128xf32, #tpu.memory_space<vmem>>
      %dma_wait3A_2819 = tpu.memref_squeeze %dma_wait3A_2818 : memref<1x128x128xf32, #tpu.memory_space<vmem>> -> memref<128x128xf32, #tpu.memory_space<vmem>>
      %dma_wait3A_2820 = arith.constant 32 : i32
      %dma_wait3A_2821 = arith.constant 0 : i32
      %dma_wait3A_2822 = tpu.memref_slice %dma_wait3A_2819[%dma_wait3A_2820, %dma_wait3A_2821] : memref<128x128xf32, #tpu.memory_space<vmem>> -> memref<16x128xf32, #tpu.memory_space<vmem>>
      %dma_wait3A_2823 = arith.constant 0 : i32
      %dma_wait3A_2824 = arith.constant 0 : i32
      %dma_wait3A_2825 = tpu.memref_slice %arg4[%dma_wait3A_2823, %dma_wait3A_2824] : memref<16x1000000xf32, #tpu.memory_space<hbm>> -> memref<16x128xf32, #tpu.memory_space<hbm>>
      %dma_wait3A_2826 = arith.constant 0 : i32
      %dma_wait3A_2827 = arith.constant 0 : i32
      %dma_wait3A_2828 = tpu.memref_slice %arg10[%dma_wait3A_2815, %dma_wait3A_2826, %dma_wait3A_2827] : memref<3x128x128xf32, #tpu.memory_space<vmem>> -> memref<1x128x128xf32, #tpu.memory_space<vmem>>
      %dma_wait3A_2829 = tpu.memref_squeeze %dma_wait3A_2828 : memref<1x128x128xf32, #tpu.memory_space<vmem>> -> memref<128x128xf32, #tpu.memory_space<vmem>>
      %dma_wait3A_2830 = arith.constant 32 : i32
      %dma_wait3A_2831 = arith.constant 0 : i32
      %dma_wait3A_2832 = tpu.memref_slice %dma_wait3A_2829[%dma_wait3A_2830, %dma_wait3A_2831] : memref<128x128xf32, #tpu.memory_space<vmem>> -> memref<16x128xf32, #tpu.memory_space<vmem>>
      %dma_wait3A_2833 = arith.constant 0 : i32
      %dma_wait3A_2834 = arith.constant 0 : i32
      %dma_wait3A_2835 = tpu.memref_slice %arg4[%dma_wait3A_2833, %dma_wait3A_2834] : memref<16x1000000xf32, #tpu.memory_space<hbm>> -> memref<16x128xf32, #tpu.memory_space<hbm>>
      tpu.wait_dma2 semaphore(%arg13 : memref<!tpu.dma_semaphore, #tpu.memory_space<semaphore_mem>>) src(%dma_wait3A_2835 : memref<16x128xf32, #tpu.memory_space<hbm>>) dst(%dma_wait3A_2832 : memref<16x128xf32, #tpu.memory_space<vmem>>)
      %dma_wait3A_2836 = arith.constant 2 : i32
      %dma_wait3A_2837 = arith.constant 0 : i32
      %dma_wait3A_2838 = arith.constant 0 : i32
      %dma_wait3A_2839 = tpu.memref_slice %arg9[%dma_wait3A_2836, %dma_wait3A_2837, %dma_wait3A_2838] : memref<3x128x128xf32, #tpu.memory_space<vmem>> -> memref<1x128x128xf32, #tpu.memory_space<vmem>>
      %dma_wait3A_2840 = tpu.memref_squeeze %dma_wait3A_2839 : memref<1x128x128xf32, #tpu.memory_space<vmem>> -> memref<128x128xf32, #tpu.memory_space<vmem>>
      %dma_wait3A_2841 = arith.constant 48 : i32
      %dma_wait3A_2842 = arith.constant 0 : i32
      %dma_wait3A_2843 = tpu.memref_slice %dma_wait3A_2840[%dma_wait3A_2841, %dma_wait3A_2842] : memref<128x128xf32, #tpu.memory_space<vmem>> -> memref<16x128xf32, #tpu.memory_space<vmem>>
      %dma_wait3A_2844 = arith.constant 0 : i32
      %dma_wait3A_2845 = arith.constant 0 : i32
      %dma_wait3A_2846 = tpu.memref_slice %arg4[%dma_wait3A_2844, %dma_wait3A_2845] : memref<16x1000000xf32, #tpu.memory_space<hbm>> -> memref<16x128xf32, #tpu.memory_space<hbm>>
      %dma_wait3A_2847 = arith.constant 0 : i32
      %dma_wait3A_2848 = arith.constant 0 : i32
      %dma_wait3A_2849 = tpu.memref_slice %arg9[%dma_wait3A_2836, %dma_wait3A_2847, %dma_wait3A_2848] : memref<3x128x128xf32, #tpu.memory_space<vmem>> -> memref<1x128x128xf32, #tpu.memory_space<vmem>>
      %dma_wait3A_2850 = tpu.memref_squeeze %dma_wait3A_2849 : memref<1x128x128xf32, #tpu.memory_space<vmem>> -> memref<128x128xf32, #tpu.memory_space<vmem>>
      %dma_wait3A_2851 = arith.constant 48 : i32
      %dma_wait3A_2852 = arith.constant 0 : i32
      %dma_wait3A_2853 = tpu.memref_slice %dma_wait3A_2850[%dma_wait3A_2851, %dma_wait3A_2852] : memref<128x128xf32, #tpu.memory_space<vmem>> -> memref<16x128xf32, #tpu.memory_space<vmem>>
      %dma_wait3A_2854 = arith.constant 0 : i32
      %dma_wait3A_2855 = arith.constant 0 : i32
      %dma_wait3A_2856 = tpu.memref_slice %arg4[%dma_wait3A_2854, %dma_wait3A_2855] : memref<16x1000000xf32, #tpu.memory_space<hbm>> -> memref<16x128xf32, #tpu.memory_space<hbm>>
      tpu.wait_dma2 semaphore(%arg12 : memref<!tpu.dma_semaphore, #tpu.memory_space<semaphore_mem>>) src(%dma_wait3A_2856 : memref<16x128xf32, #tpu.memory_space<hbm>>) dst(%dma_wait3A_2853 : memref<16x128xf32, #tpu.memory_space<vmem>>)
      %dma_wait3A_2857 = arith.constant 2 : i32
      %dma_wait3A_2858 = arith.constant 0 : i32
      %dma_wait3A_2859 = arith.constant 0 : i32
      %dma_wait3A_2860 = tpu.memref_slice %arg10[%dma_wait3A_2857, %dma_wait3A_2858, %dma_wait3A_2859] : memref<3x128x128xf32, #tpu.memory_space<vmem>> -> memref<1x128x128xf32, #tpu.memory_space<vmem>>
      %dma_wait3A_2861 = tpu.memref_squeeze %dma_wait3A_2860 : memref<1x128x128xf32, #tpu.memory_space<vmem>> -> memref<128x128xf32, #tpu.memory_space<vmem>>
      %dma_wait3A_2862 = arith.constant 48 : i32
      %dma_wait3A_2863 = arith.constant 0 : i32
      %dma_wait3A_2864 = tpu.memref_slice %dma_wait3A_2861[%dma_wait3A_2862, %dma_wait3A_2863] : memref<128x128xf32, #tpu.memory_space<vmem>> -> memref<16x128xf32, #tpu.memory_space<vmem>>
      %dma_wait3A_2865 = arith.constant 0 : i32
      %dma_wait3A_2866 = arith.constant 0 : i32
      %dma_wait3A_2867 = tpu.memref_slice %arg4[%dma_wait3A_2865, %dma_wait3A_2866] : memref<16x1000000xf32, #tpu.memory_space<hbm>> -> memref<16x128xf32, #tpu.memory_space<hbm>>
      %dma_wait3A_2868 = arith.constant 0 : i32
      %dma_wait3A_2869 = arith.constant 0 : i32
      %dma_wait3A_2870 = tpu.memref_slice %arg10[%dma_wait3A_2857, %dma_wait3A_2868, %dma_wait3A_2869] : memref<3x128x128xf32, #tpu.memory_space<vmem>> -> memref<1x128x128xf32, #tpu.memory_space<vmem>>
      %dma_wait3A_2871 = tpu.memref_squeeze %dma_wait3A_2870 : memref<1x128x128xf32, #tpu.memory_space<vmem>> -> memref<128x128xf32, #tpu.memory_space<vmem>>
      %dma_wait3A_2872 = arith.constant 48 : i32
      %dma_wait3A_2873 = arith.constant 0 : i32
      %dma_wait3A_2874 = tpu.memref_slice %dma_wait3A_2871[%dma_wait3A_2872, %dma_wait3A_2873] : memref<128x128xf32, #tpu.memory_space<vmem>> -> memref<16x128xf32, #tpu.memory_space<vmem>>
      %dma_wait3A_2875 = arith.constant 0 : i32
      %dma_wait3A_2876 = arith.constant 0 : i32
      %dma_wait3A_2877 = tpu.memref_slice %arg4[%dma_wait3A_2875, %dma_wait3A_2876] : memref<16x1000000xf32, #tpu.memory_space<hbm>> -> memref<16x128xf32, #tpu.memory_space<hbm>>
      tpu.wait_dma2 semaphore(%arg13 : memref<!tpu.dma_semaphore, #tpu.memory_space<semaphore_mem>>) src(%dma_wait3A_2877 : memref<16x128xf32, #tpu.memory_space<hbm>>) dst(%dma_wait3A_2874 : memref<16x128xf32, #tpu.memory_space<vmem>>)
      %dma_wait3A_2878 = arith.constant 2 : i32
      %dma_wait3A_2879 = arith.constant 0 : i32
      %dma_wait3A_2880 = arith.constant 0 : i32
      %dma_wait3A_2881 = tpu.memref_slice %arg9[%dma_wait3A_2878, %dma_wait3A_2879, %dma_wait3A_2880] : memref<3x128x128xf32, #tpu.memory_space<vmem>> -> memref<1x128x128xf32, #tpu.memory_space<vmem>>
      %dma_wait3A_2882 = tpu.memref_squeeze %dma_wait3A_2881 : memref<1x128x128xf32, #tpu.memory_space<vmem>> -> memref<128x128xf32, #tpu.memory_space<vmem>>
      %dma_wait3A_2883 = arith.constant 64 : i32
      %dma_wait3A_2884 = arith.constant 0 : i32
      %dma_wait3A_2885 = tpu.memref_slice %dma_wait3A_2882[%dma_wait3A_2883, %dma_wait3A_2884] : memref<128x128xf32, #tpu.memory_space<vmem>> -> memref<16x128xf32, #tpu.memory_space<vmem>>
      %dma_wait3A_2886 = arith.constant 0 : i32
      %dma_wait3A_2887 = arith.constant 0 : i32
      %dma_wait3A_2888 = tpu.memref_slice %arg4[%dma_wait3A_2886, %dma_wait3A_2887] : memref<16x1000000xf32, #tpu.memory_space<hbm>> -> memref<16x128xf32, #tpu.memory_space<hbm>>
      %dma_wait3A_2889 = arith.constant 0 : i32
      %dma_wait3A_2890 = arith.constant 0 : i32
      %dma_wait3A_2891 = tpu.memref_slice %arg9[%dma_wait3A_2878, %dma_wait3A_2889, %dma_wait3A_2890] : memref<3x128x128xf32, #tpu.memory_space<vmem>> -> memref<1x128x128xf32, #tpu.memory_space<vmem>>
      %dma_wait3A_2892 = tpu.memref_squeeze %dma_wait3A_2891 : memref<1x128x128xf32, #tpu.memory_space<vmem>> -> memref<128x128xf32, #tpu.memory_space<vmem>>
      %dma_wait3A_2893 = arith.constant 64 : i32
      %dma_wait3A_2894 = arith.constant 0 : i32
      %dma_wait3A_2895 = tpu.memref_slice %dma_wait3A_2892[%dma_wait3A_2893, %dma_wait3A_2894] : memref<128x128xf32, #tpu.memory_space<vmem>> -> memref<16x128xf32, #tpu.memory_space<vmem>>
      %dma_wait3A_2896 = arith.constant 0 : i32
      %dma_wait3A_2897 = arith.constant 0 : i32
      %dma_wait3A_2898 = tpu.memref_slice %arg4[%dma_wait3A_2896, %dma_wait3A_2897] : memref<16x1000000xf32, #tpu.memory_space<hbm>> -> memref<16x128xf32, #tpu.memory_space<hbm>>
      tpu.wait_dma2 semaphore(%arg12 : memref<!tpu.dma_semaphore, #tpu.memory_space<semaphore_mem>>) src(%dma_wait3A_2898 : memref<16x128xf32, #tpu.memory_space<hbm>>) dst(%dma_wait3A_2895 : memref<16x128xf32, #tpu.memory_space<vmem>>)
      %dma_wait3A_2899 = arith.constant 2 : i32
      %dma_wait3A_2900 = arith.constant 0 : i32
      %dma_wait3A_2901 = arith.constant 0 : i32
      %dma_wait3A_2902 = tpu.memref_slice %arg10[%dma_wait3A_2899, %dma_wait3A_2900, %dma_wait3A_2901] : memref<3x128x128xf32, #tpu.memory_space<vmem>> -> memref<1x128x128xf32, #tpu.memory_space<vmem>>
      %dma_wait3A_2903 = tpu.memref_squeeze %dma_wait3A_2902 : memref<1x128x128xf32, #tpu.memory_space<vmem>> -> memref<128x128xf32, #tpu.memory_space<vmem>>
      %dma_wait3A_2904 = arith.constant 64 : i32
      %dma_wait3A_2905 = arith.constant 0 : i32
      %dma_wait3A_2906 = tpu.memref_slice %dma_wait3A_2903[%dma_wait3A_2904, %dma_wait3A_2905] : memref<128x128xf32, #tpu.memory_space<vmem>> -> memref<16x128xf32, #tpu.memory_space<vmem>>
      %dma_wait3A_2907 = arith.constant 0 : i32
      %dma_wait3A_2908 = arith.constant 0 : i32
      %dma_wait3A_2909 = tpu.memref_slice %arg4[%dma_wait3A_2907, %dma_wait3A_2908] : memref<16x1000000xf32, #tpu.memory_space<hbm>> -> memref<16x128xf32, #tpu.memory_space<hbm>>
      %dma_wait3A_2910 = arith.constant 0 : i32
      %dma_wait3A_2911 = arith.constant 0 : i32
      %dma_wait3A_2912 = tpu.memref_slice %arg10[%dma_wait3A_2899, %dma_wait3A_2910, %dma_wait3A_2911] : memref<3x128x128xf32, #tpu.memory_space<vmem>> -> memref<1x128x128xf32, #tpu.memory_space<vmem>>
      %dma_wait3A_2913 = tpu.memref_squeeze %dma_wait3A_2912 : memref<1x128x128xf32, #tpu.memory_space<vmem>> -> memref<128x128xf32, #tpu.memory_space<vmem>>
      %dma_wait3A_2914 = arith.constant 64 : i32
      %dma_wait3A_2915 = arith.constant 0 : i32
      %dma_wait3A_2916 = tpu.memref_slice %dma_wait3A_2913[%dma_wait3A_2914, %dma_wait3A_2915] : memref<128x128xf32, #tpu.memory_space<vmem>> -> memref<16x128xf32, #tpu.memory_space<vmem>>
      %dma_wait3A_2917 = arith.constant 0 : i32
      %dma_wait3A_2918 = arith.constant 0 : i32
      %dma_wait3A_2919 = tpu.memref_slice %arg4[%dma_wait3A_2917, %dma_wait3A_2918] : memref<16x1000000xf32, #tpu.memory_space<hbm>> -> memref<16x128xf32, #tpu.memory_space<hbm>>
      tpu.wait_dma2 semaphore(%arg13 : memref<!tpu.dma_semaphore, #tpu.memory_space<semaphore_mem>>) src(%dma_wait3A_2919 : memref<16x128xf32, #tpu.memory_space<hbm>>) dst(%dma_wait3A_2916 : memref<16x128xf32, #tpu.memory_space<vmem>>)
      %dma_wait3A_2920 = arith.constant 2 : i32
      %dma_wait3A_2921 = arith.constant 0 : i32
      %dma_wait3A_2922 = arith.constant 0 : i32
      %dma_wait3A_2923 = tpu.memref_slice %arg9[%dma_wait3A_2920, %dma_wait3A_2921, %dma_wait3A_2922] : memref<3x128x128xf32, #tpu.memory_space<vmem>> -> memref<1x128x128xf32, #tpu.memory_space<vmem>>
      %dma_wait3A_2924 = tpu.memref_squeeze %dma_wait3A_2923 : memref<1x128x128xf32, #tpu.memory_space<vmem>> -> memref<128x128xf32, #tpu.memory_space<vmem>>
      %dma_wait3A_2925 = arith.constant 80 : i32
      %dma_wait3A_2926 = arith.constant 0 : i32
      %dma_wait3A_2927 = tpu.memref_slice %dma_wait3A_2924[%dma_wait3A_2925, %dma_wait3A_2926] : memref<128x128xf32, #tpu.memory_space<vmem>> -> memref<16x128xf32, #tpu.memory_space<vmem>>
      %dma_wait3A_2928 = arith.constant 0 : i32
      %dma_wait3A_2929 = arith.constant 0 : i32
      %dma_wait3A_2930 = tpu.memref_slice %arg4[%dma_wait3A_2928, %dma_wait3A_2929] : memref<16x1000000xf32, #tpu.memory_space<hbm>> -> memref<16x128xf32, #tpu.memory_space<hbm>>
      %dma_wait3A_2931 = arith.constant 0 : i32
      %dma_wait3A_2932 = arith.constant 0 : i32
      %dma_wait3A_2933 = tpu.memref_slice %arg9[%dma_wait3A_2920, %dma_wait3A_2931, %dma_wait3A_2932] : memref<3x128x128xf32, #tpu.memory_space<vmem>> -> memref<1x128x128xf32, #tpu.memory_space<vmem>>
      %dma_wait3A_2934 = tpu.memref_squeeze %dma_wait3A_2933 : memref<1x128x128xf32, #tpu.memory_space<vmem>> -> memref<128x128xf32, #tpu.memory_space<vmem>>
      %dma_wait3A_2935 = arith.constant 80 : i32
      %dma_wait3A_2936 = arith.constant 0 : i32
      %dma_wait3A_2937 = tpu.memref_slice %dma_wait3A_2934[%dma_wait3A_2935, %dma_wait3A_2936] : memref<128x128xf32, #tpu.memory_space<vmem>> -> memref<16x128xf32, #tpu.memory_space<vmem>>
      %dma_wait3A_2938 = arith.constant 0 : i32
      %dma_wait3A_2939 = arith.constant 0 : i32
      %dma_wait3A_2940 = tpu.memref_slice %arg4[%dma_wait3A_2938, %dma_wait3A_2939] : memref<16x1000000xf32, #tpu.memory_space<hbm>> -> memref<16x128xf32, #tpu.memory_space<hbm>>
      tpu.wait_dma2 semaphore(%arg12 : memref<!tpu.dma_semaphore, #tpu.memory_space<semaphore_mem>>) src(%dma_wait3A_2940 : memref<16x128xf32, #tpu.memory_space<hbm>>) dst(%dma_wait3A_2937 : memref<16x128xf32, #tpu.memory_space<vmem>>)
      %dma_wait3A_2941 = arith.constant 2 : i32
      %dma_wait3A_2942 = arith.constant 0 : i32
      %dma_wait3A_2943 = arith.constant 0 : i32
      %dma_wait3A_2944 = tpu.memref_slice %arg10[%dma_wait3A_2941, %dma_wait3A_2942, %dma_wait3A_2943] : memref<3x128x128xf32, #tpu.memory_space<vmem>> -> memref<1x128x128xf32, #tpu.memory_space<vmem>>
      %dma_wait3A_2945 = tpu.memref_squeeze %dma_wait3A_2944 : memref<1x128x128xf32, #tpu.memory_space<vmem>> -> memref<128x128xf32, #tpu.memory_space<vmem>>
      %dma_wait3A_2946 = arith.constant 80 : i32
      %dma_wait3A_2947 = arith.constant 0 : i32
      %dma_wait3A_2948 = tpu.memref_slice %dma_wait3A_2945[%dma_wait3A_2946, %dma_wait3A_2947] : memref<128x128xf32, #tpu.memory_space<vmem>> -> memref<16x128xf32, #tpu.memory_space<vmem>>
      %dma_wait3A_2949 = arith.constant 0 : i32
      %dma_wait3A_2950 = arith.constant 0 : i32
      %dma_wait3A_2951 = tpu.memref_slice %arg4[%dma_wait3A_2949, %dma_wait3A_2950] : memref<16x1000000xf32, #tpu.memory_space<hbm>> -> memref<16x128xf32, #tpu.memory_space<hbm>>
      %dma_wait3A_2952 = arith.constant 0 : i32
      %dma_wait3A_2953 = arith.constant 0 : i32
      %dma_wait3A_2954 = tpu.memref_slice %arg10[%dma_wait3A_2941, %dma_wait3A_2952, %dma_wait3A_2953] : memref<3x128x128xf32, #tpu.memory_space<vmem>> -> memref<1x128x128xf32, #tpu.memory_space<vmem>>
      %dma_wait3A_2955 = tpu.memref_squeeze %dma_wait3A_2954 : memref<1x128x128xf32, #tpu.memory_space<vmem>> -> memref<128x128xf32, #tpu.memory_space<vmem>>
      %dma_wait3A_2956 = arith.constant 80 : i32
      %dma_wait3A_2957 = arith.constant 0 : i32
      %dma_wait3A_2958 = tpu.memref_slice %dma_wait3A_2955[%dma_wait3A_2956, %dma_wait3A_2957] : memref<128x128xf32, #tpu.memory_space<vmem>> -> memref<16x128xf32, #tpu.memory_space<vmem>>
      %dma_wait3A_2959 = arith.constant 0 : i32
      %dma_wait3A_2960 = arith.constant 0 : i32
      %dma_wait3A_2961 = tpu.memref_slice %arg4[%dma_wait3A_2959, %dma_wait3A_2960] : memref<16x1000000xf32, #tpu.memory_space<hbm>> -> memref<16x128xf32, #tpu.memory_space<hbm>>
      tpu.wait_dma2 semaphore(%arg13 : memref<!tpu.dma_semaphore, #tpu.memory_space<semaphore_mem>>) src(%dma_wait3A_2961 : memref<16x128xf32, #tpu.memory_space<hbm>>) dst(%dma_wait3A_2958 : memref<16x128xf32, #tpu.memory_space<vmem>>)
      %dma_wait3A_2962 = arith.constant 2 : i32
      %dma_wait3A_2963 = arith.constant 0 : i32
      %dma_wait3A_2964 = arith.constant 0 : i32
      %dma_wait3A_2965 = tpu.memref_slice %arg9[%dma_wait3A_2962, %dma_wait3A_2963, %dma_wait3A_2964] : memref<3x128x128xf32, #tpu.memory_space<vmem>> -> memref<1x128x128xf32, #tpu.memory_space<vmem>>
      %dma_wait3A_2966 = tpu.memref_squeeze %dma_wait3A_2965 : memref<1x128x128xf32, #tpu.memory_space<vmem>> -> memref<128x128xf32, #tpu.memory_space<vmem>>
      %dma_wait3A_2967 = arith.constant 96 : i32
      %dma_wait3A_2968 = arith.constant 0 : i32
      %dma_wait3A_2969 = tpu.memref_slice %dma_wait3A_2966[%dma_wait3A_2967, %dma_wait3A_2968] : memref<128x128xf32, #tpu.memory_space<vmem>> -> memref<16x128xf32, #tpu.memory_space<vmem>>
      %dma_wait3A_2970 = arith.constant 0 : i32
      %dma_wait3A_2971 = arith.constant 0 : i32
      %dma_wait3A_2972 = tpu.memref_slice %arg4[%dma_wait3A_2970, %dma_wait3A_2971] : memref<16x1000000xf32, #tpu.memory_space<hbm>> -> memref<16x128xf32, #tpu.memory_space<hbm>>
      %dma_wait3A_2973 = arith.constant 0 : i32
      %dma_wait3A_2974 = arith.constant 0 : i32
      %dma_wait3A_2975 = tpu.memref_slice %arg9[%dma_wait3A_2962, %dma_wait3A_2973, %dma_wait3A_2974] : memref<3x128x128xf32, #tpu.memory_space<vmem>> -> memref<1x128x128xf32, #tpu.memory_space<vmem>>
      %dma_wait3A_2976 = tpu.memref_squeeze %dma_wait3A_2975 : memref<1x128x128xf32, #tpu.memory_space<vmem>> -> memref<128x128xf32, #tpu.memory_space<vmem>>
      %dma_wait3A_2977 = arith.constant 96 : i32
      %dma_wait3A_2978 = arith.constant 0 : i32
      %dma_wait3A_2979 = tpu.memref_slice %dma_wait3A_2976[%dma_wait3A_2977, %dma_wait3A_2978] : memref<128x128xf32, #tpu.memory_space<vmem>> -> memref<16x128xf32, #tpu.memory_space<vmem>>
      %dma_wait3A_2980 = arith.constant 0 : i32
      %dma_wait3A_2981 = arith.constant 0 : i32
      %dma_wait3A_2982 = tpu.memref_slice %arg4[%dma_wait3A_2980, %dma_wait3A_2981] : memref<16x1000000xf32, #tpu.memory_space<hbm>> -> memref<16x128xf32, #tpu.memory_space<hbm>>
      tpu.wait_dma2 semaphore(%arg12 : memref<!tpu.dma_semaphore, #tpu.memory_space<semaphore_mem>>) src(%dma_wait3A_2982 : memref<16x128xf32, #tpu.memory_space<hbm>>) dst(%dma_wait3A_2979 : memref<16x128xf32, #tpu.memory_space<vmem>>)
      %dma_wait3A_2983 = arith.constant 2 : i32
      %dma_wait3A_2984 = arith.constant 0 : i32
      %dma_wait3A_2985 = arith.constant 0 : i32
      %dma_wait3A_2986 = tpu.memref_slice %arg10[%dma_wait3A_2983, %dma_wait3A_2984, %dma_wait3A_2985] : memref<3x128x128xf32, #tpu.memory_space<vmem>> -> memref<1x128x128xf32, #tpu.memory_space<vmem>>
      %dma_wait3A_2987 = tpu.memref_squeeze %dma_wait3A_2986 : memref<1x128x128xf32, #tpu.memory_space<vmem>> -> memref<128x128xf32, #tpu.memory_space<vmem>>
      %dma_wait3A_2988 = arith.constant 96 : i32
      %dma_wait3A_2989 = arith.constant 0 : i32
      %dma_wait3A_2990 = tpu.memref_slice %dma_wait3A_2987[%dma_wait3A_2988, %dma_wait3A_2989] : memref<128x128xf32, #tpu.memory_space<vmem>> -> memref<16x128xf32, #tpu.memory_space<vmem>>
      %dma_wait3A_2991 = arith.constant 0 : i32
      %dma_wait3A_2992 = arith.constant 0 : i32
      %dma_wait3A_2993 = tpu.memref_slice %arg4[%dma_wait3A_2991, %dma_wait3A_2992] : memref<16x1000000xf32, #tpu.memory_space<hbm>> -> memref<16x128xf32, #tpu.memory_space<hbm>>
      %dma_wait3A_2994 = arith.constant 0 : i32
      %dma_wait3A_2995 = arith.constant 0 : i32
      %dma_wait3A_2996 = tpu.memref_slice %arg10[%dma_wait3A_2983, %dma_wait3A_2994, %dma_wait3A_2995] : memref<3x128x128xf32, #tpu.memory_space<vmem>> -> memref<1x128x128xf32, #tpu.memory_space<vmem>>
      %dma_wait3A_2997 = tpu.memref_squeeze %dma_wait3A_2996 : memref<1x128x128xf32, #tpu.memory_space<vmem>> -> memref<128x128xf32, #tpu.memory_space<vmem>>
      %dma_wait3A_2998 = arith.constant 96 : i32
      %dma_wait3A_2999 = arith.constant 0 : i32
      %dma_wait3A_3000 = tpu.memref_slice %dma_wait3A_2997[%dma_wait3A_2998, %dma_wait3A_2999] : memref<128x128xf32, #tpu.memory_space<vmem>> -> memref<16x128xf32, #tpu.memory_space<vmem>>
      %dma_wait3A_3001 = arith.constant 0 : i32
      %dma_wait3A_3002 = arith.constant 0 : i32
      %dma_wait3A_3003 = tpu.memref_slice %arg4[%dma_wait3A_3001, %dma_wait3A_3002] : memref<16x1000000xf32, #tpu.memory_space<hbm>> -> memref<16x128xf32, #tpu.memory_space<hbm>>
      tpu.wait_dma2 semaphore(%arg13 : memref<!tpu.dma_semaphore, #tpu.memory_space<semaphore_mem>>) src(%dma_wait3A_3003 : memref<16x128xf32, #tpu.memory_space<hbm>>) dst(%dma_wait3A_3000 : memref<16x128xf32, #tpu.memory_space<vmem>>)
      %dma_wait3A_3004 = arith.constant 2 : i32
      %dma_wait3A_3005 = arith.constant 0 : i32
      %dma_wait3A_3006 = arith.constant 0 : i32
      %dma_wait3A_3007 = tpu.memref_slice %arg9[%dma_wait3A_3004, %dma_wait3A_3005, %dma_wait3A_3006] : memref<3x128x128xf32, #tpu.memory_space<vmem>> -> memref<1x128x128xf32, #tpu.memory_space<vmem>>
      %dma_wait3A_3008 = tpu.memref_squeeze %dma_wait3A_3007 : memref<1x128x128xf32, #tpu.memory_space<vmem>> -> memref<128x128xf32, #tpu.memory_space<vmem>>
      %dma_wait3A_3009 = arith.constant 112 : i32
      %dma_wait3A_3010 = arith.constant 0 : i32
      %dma_wait3A_3011 = tpu.memref_slice %dma_wait3A_3008[%dma_wait3A_3009, %dma_wait3A_3010] : memref<128x128xf32, #tpu.memory_space<vmem>> -> memref<16x128xf32, #tpu.memory_space<vmem>>
      %dma_wait3A_3012 = arith.constant 0 : i32
      %dma_wait3A_3013 = arith.constant 0 : i32
      %dma_wait3A_3014 = tpu.memref_slice %arg4[%dma_wait3A_3012, %dma_wait3A_3013] : memref<16x1000000xf32, #tpu.memory_space<hbm>> -> memref<16x128xf32, #tpu.memory_space<hbm>>
      %dma_wait3A_3015 = arith.constant 0 : i32
      %dma_wait3A_3016 = arith.constant 0 : i32
      %dma_wait3A_3017 = tpu.memref_slice %arg9[%dma_wait3A_3004, %dma_wait3A_3015, %dma_wait3A_3016] : memref<3x128x128xf32, #tpu.memory_space<vmem>> -> memref<1x128x128xf32, #tpu.memory_space<vmem>>
      %dma_wait3A_3018 = tpu.memref_squeeze %dma_wait3A_3017 : memref<1x128x128xf32, #tpu.memory_space<vmem>> -> memref<128x128xf32, #tpu.memory_space<vmem>>
      %dma_wait3A_3019 = arith.constant 112 : i32
      %dma_wait3A_3020 = arith.constant 0 : i32
      %dma_wait3A_3021 = tpu.memref_slice %dma_wait3A_3018[%dma_wait3A_3019, %dma_wait3A_3020] : memref<128x128xf32, #tpu.memory_space<vmem>> -> memref<16x128xf32, #tpu.memory_space<vmem>>
      %dma_wait3A_3022 = arith.constant 0 : i32
      %dma_wait3A_3023 = arith.constant 0 : i32
      %dma_wait3A_3024 = tpu.memref_slice %arg4[%dma_wait3A_3022, %dma_wait3A_3023] : memref<16x1000000xf32, #tpu.memory_space<hbm>> -> memref<16x128xf32, #tpu.memory_space<hbm>>
      tpu.wait_dma2 semaphore(%arg12 : memref<!tpu.dma_semaphore, #tpu.memory_space<semaphore_mem>>) src(%dma_wait3A_3024 : memref<16x128xf32, #tpu.memory_space<hbm>>) dst(%dma_wait3A_3021 : memref<16x128xf32, #tpu.memory_space<vmem>>)
      %dma_wait3A_3025 = arith.constant 2 : i32
      %dma_wait3A_3026 = arith.constant 0 : i32
      %dma_wait3A_3027 = arith.constant 0 : i32
      %dma_wait3A_3028 = tpu.memref_slice %arg10[%dma_wait3A_3025, %dma_wait3A_3026, %dma_wait3A_3027] : memref<3x128x128xf32, #tpu.memory_space<vmem>> -> memref<1x128x128xf32, #tpu.memory_space<vmem>>
      %dma_wait3A_3029 = tpu.memref_squeeze %dma_wait3A_3028 : memref<1x128x128xf32, #tpu.memory_space<vmem>> -> memref<128x128xf32, #tpu.memory_space<vmem>>
      %dma_wait3A_3030 = arith.constant 112 : i32
      %dma_wait3A_3031 = arith.constant 0 : i32
      %dma_wait3A_3032 = tpu.memref_slice %dma_wait3A_3029[%dma_wait3A_3030, %dma_wait3A_3031] : memref<128x128xf32, #tpu.memory_space<vmem>> -> memref<16x128xf32, #tpu.memory_space<vmem>>
      %dma_wait3A_3033 = arith.constant 0 : i32
      %dma_wait3A_3034 = arith.constant 0 : i32
      %dma_wait3A_3035 = tpu.memref_slice %arg4[%dma_wait3A_3033, %dma_wait3A_3034] : memref<16x1000000xf32, #tpu.memory_space<hbm>> -> memref<16x128xf32, #tpu.memory_space<hbm>>
      %dma_wait3A_3036 = arith.constant 0 : i32
      %dma_wait3A_3037 = arith.constant 0 : i32
      %dma_wait3A_3038 = tpu.memref_slice %arg10[%dma_wait3A_3025, %dma_wait3A_3036, %dma_wait3A_3037] : memref<3x128x128xf32, #tpu.memory_space<vmem>> -> memref<1x128x128xf32, #tpu.memory_space<vmem>>
      %dma_wait3A_3039 = tpu.memref_squeeze %dma_wait3A_3038 : memref<1x128x128xf32, #tpu.memory_space<vmem>> -> memref<128x128xf32, #tpu.memory_space<vmem>>
      %dma_wait3A_3040 = arith.constant 112 : i32
      %dma_wait3A_3041 = arith.constant 0 : i32
      %dma_wait3A_3042 = tpu.memref_slice %dma_wait3A_3039[%dma_wait3A_3040, %dma_wait3A_3041] : memref<128x128xf32, #tpu.memory_space<vmem>> -> memref<16x128xf32, #tpu.memory_space<vmem>>
      %dma_wait3A_3043 = arith.constant 0 : i32
      %dma_wait3A_3044 = arith.constant 0 : i32
      %dma_wait3A_3045 = tpu.memref_slice %arg4[%dma_wait3A_3043, %dma_wait3A_3044] : memref<16x1000000xf32, #tpu.memory_space<hbm>> -> memref<16x128xf32, #tpu.memory_space<hbm>>
      tpu.wait_dma2 semaphore(%arg13 : memref<!tpu.dma_semaphore, #tpu.memory_space<semaphore_mem>>) src(%dma_wait3A_3045 : memref<16x128xf32, #tpu.memory_space<hbm>>) dst(%dma_wait3A_3042 : memref<16x128xf32, #tpu.memory_space<vmem>>)
      %add3A_3046 = arith.constant 2 : i32
      %add3A_3047 = arith.addi %mul3A_1264, %add3A_3046 : i32
      %mul3A_3048 = arith.constant 8 : i32
      %mul3A_3049 = arith.muli %add3A_3047, %mul3A_3048 : i32
      %broadcast_in_dim3A_3050 = vector.broadcast %mul3A_3049 : i32 to vector<16xi32>
      %add3A_3051 = arith.addi %broadcast_in_dim3A_3050, %and3A_4 : vector<16xi32>
      %gather3A_3052 = tpu.vector_load_idx %arg7[%add3A_3051] : memref<528xi32, #tpu.memory_space<vmem>>[vector<16xi32>], vector<16xi32>,
      %and3A_3053 = arith.constant 127 : i32
      %and3A_3054 = vector.broadcast %and3A_3053 : i32 to vector<16xi32>
      %and3A_3055 = arith.andi %gather3A_3052, %and3A_3054 : vector<16xi32>
      %gather3A_3056 = tpu.vector_load_idx %arg8[%add3A_3051] : memref<528xi32, #tpu.memory_space<vmem>>[vector<16xi32>], vector<16xi32>,
      %and3A_3057 = arith.constant 127 : i32
      %and3A_3058 = vector.broadcast %and3A_3057 : i32 to vector<16xi32>
      %and3A_3059 = arith.andi %gather3A_3056, %and3A_3058 : vector<16xi32>
      %mul3A_3060 = arith.constant 16 : i32
      %mul3A_3061 = vector.broadcast %mul3A_3060 : i32 to vector<16xi32>
      %mul3A_3062 = arith.muli %and3A_4, %mul3A_3061 : vector<16xi32>
      %add3A_3063 = arith.addi %mul3A_3062, %shift_right_arithmetic3A_6 : vector<16xi32>
      %add3A_3064 = arith.constant 0 : i32
      %add3A_3065 = vector.broadcast %add3A_3064 : i32 to vector<16xi32>
      %add3A_3066 = arith.addi %add3A_3063, %add3A_3065 : vector<16xi32>
      %gather3A_3067 = arith.constant 2 : i32
      %gather3A_3068 = arith.constant 0 : i32
      %gather3A_3069 = arith.constant 0 : i32
      %gather3A_3070 = tpu.memref_slice %arg9[%gather3A_3067, %gather3A_3068, %gather3A_3069] : memref<3x128x128xf32, #tpu.memory_space<vmem>> -> memref<1x128x128xf32, #tpu.memory_space<vmem>>
      %gather3A_3071 = tpu.memref_squeeze %gather3A_3070 : memref<1x128x128xf32, #tpu.memory_space<vmem>> -> memref<128x128xf32, #tpu.memory_space<vmem>>
      %gather3A_3072 = tpu.vector_load_idx %gather3A_3071[%add3A_3066, %and3A_3055] : memref<128x128xf32, #tpu.memory_space<vmem>>[vector<16xi32>, vector<16xi32>], vector<16xf32>,
      %gather3A_3073 = arith.constant 2 : i32
      %gather3A_3074 = arith.constant 0 : i32
      %gather3A_3075 = arith.constant 0 : i32
      %gather3A_3076 = tpu.memref_slice %arg10[%gather3A_3073, %gather3A_3074, %gather3A_3075] : memref<3x128x128xf32, #tpu.memory_space<vmem>> -> memref<1x128x128xf32, #tpu.memory_space<vmem>>
      %gather3A_3077 = tpu.memref_squeeze %gather3A_3076 : memref<1x128x128xf32, #tpu.memory_space<vmem>> -> memref<128x128xf32, #tpu.memory_space<vmem>>
      %gather3A_3078 = tpu.vector_load_idx %gather3A_3077[%add3A_3066, %and3A_3059] : memref<128x128xf32, #tpu.memory_space<vmem>>[vector<16xi32>, vector<16xi32>], vector<16xf32>,
      %add3A_3079 = arith.constant 0 : i32
      %add3A_3080 = vector.broadcast %add3A_3079 : i32 to vector<16xi32>
      %add3A_3081 = arith.addi %shift_right_arithmetic3A_6, %add3A_3080 : vector<16xi32>
      %mul3A_3082 = arith.mulf %gather3A_3072, %gather3A_3078 : vector<16xf32>
      tpu.vector_store_idx %arg11[%add3A_3081, %add3A_3051], %mul3A_3082 : memref<16x512xf32, #tpu.memory_space<vmem>>[vector<16xi32>, vector<16xi32>], vector<16xf32>,
      %mul3A_3083 = arith.constant 16 : i32
      %mul3A_3084 = vector.broadcast %mul3A_3083 : i32 to vector<16xi32>
      %mul3A_3085 = arith.muli %and3A_4, %mul3A_3084 : vector<16xi32>
      %add3A_3086 = arith.addi %mul3A_3085, %shift_right_arithmetic3A_6 : vector<16xi32>
      %add3A_3087 = arith.constant 2 : i32
      %add3A_3088 = vector.broadcast %add3A_3087 : i32 to vector<16xi32>
      %add3A_3089 = arith.addi %add3A_3086, %add3A_3088 : vector<16xi32>
      %gather3A_3090 = arith.constant 2 : i32
      %gather3A_3091 = arith.constant 0 : i32
      %gather3A_3092 = arith.constant 0 : i32
      %gather3A_3093 = tpu.memref_slice %arg9[%gather3A_3090, %gather3A_3091, %gather3A_3092] : memref<3x128x128xf32, #tpu.memory_space<vmem>> -> memref<1x128x128xf32, #tpu.memory_space<vmem>>
      %gather3A_3094 = tpu.memref_squeeze %gather3A_3093 : memref<1x128x128xf32, #tpu.memory_space<vmem>> -> memref<128x128xf32, #tpu.memory_space<vmem>>
      %gather3A_3095 = tpu.vector_load_idx %gather3A_3094[%add3A_3089, %and3A_3055] : memref<128x128xf32, #tpu.memory_space<vmem>>[vector<16xi32>, vector<16xi32>], vector<16xf32>,
      %gather3A_3096 = arith.constant 2 : i32
      %gather3A_3097 = arith.constant 0 : i32
      %gather3A_3098 = arith.constant 0 : i32
      %gather3A_3099 = tpu.memref_slice %arg10[%gather3A_3096, %gather3A_3097, %gather3A_3098] : memref<3x128x128xf32, #tpu.memory_space<vmem>> -> memref<1x128x128xf32, #tpu.memory_space<vmem>>
      %gather3A_3100 = tpu.memref_squeeze %gather3A_3099 : memref<1x128x128xf32, #tpu.memory_space<vmem>> -> memref<128x128xf32, #tpu.memory_space<vmem>>
      %gather3A_3101 = tpu.vector_load_idx %gather3A_3100[%add3A_3089, %and3A_3059] : memref<128x128xf32, #tpu.memory_space<vmem>>[vector<16xi32>, vector<16xi32>], vector<16xf32>,
      %add3A_3102 = arith.constant 2 : i32
      %add3A_3103 = vector.broadcast %add3A_3102 : i32 to vector<16xi32>
      %add3A_3104 = arith.addi %shift_right_arithmetic3A_6, %add3A_3103 : vector<16xi32>
      %mul3A_3105 = arith.mulf %gather3A_3095, %gather3A_3101 : vector<16xf32>
      tpu.vector_store_idx %arg11[%add3A_3104, %add3A_3051], %mul3A_3105 : memref<16x512xf32, #tpu.memory_space<vmem>>[vector<16xi32>, vector<16xi32>], vector<16xf32>,
      %mul3A_3106 = arith.constant 16 : i32
      %mul3A_3107 = vector.broadcast %mul3A_3106 : i32 to vector<16xi32>
      %mul3A_3108 = arith.muli %and3A_4, %mul3A_3107 : vector<16xi32>
      %add3A_3109 = arith.addi %mul3A_3108, %shift_right_arithmetic3A_6 : vector<16xi32>
      %add3A_3110 = arith.constant 4 : i32
      %add3A_3111 = vector.broadcast %add3A_3110 : i32 to vector<16xi32>
      %add3A_3112 = arith.addi %add3A_3109, %add3A_3111 : vector<16xi32>
      %gather3A_3113 = arith.constant 2 : i32
      %gather3A_3114 = arith.constant 0 : i32
      %gather3A_3115 = arith.constant 0 : i32
      %gather3A_3116 = tpu.memref_slice %arg9[%gather3A_3113, %gather3A_3114, %gather3A_3115] : memref<3x128x128xf32, #tpu.memory_space<vmem>> -> memref<1x128x128xf32, #tpu.memory_space<vmem>>
      %gather3A_3117 = tpu.memref_squeeze %gather3A_3116 : memref<1x128x128xf32, #tpu.memory_space<vmem>> -> memref<128x128xf32, #tpu.memory_space<vmem>>
      %gather3A_3118 = tpu.vector_load_idx %gather3A_3117[%add3A_3112, %and3A_3055] : memref<128x128xf32, #tpu.memory_space<vmem>>[vector<16xi32>, vector<16xi32>], vector<16xf32>,
      %gather3A_3119 = arith.constant 2 : i32
      %gather3A_3120 = arith.constant 0 : i32
      %gather3A_3121 = arith.constant 0 : i32
      %gather3A_3122 = tpu.memref_slice %arg10[%gather3A_3119, %gather3A_3120, %gather3A_3121] : memref<3x128x128xf32, #tpu.memory_space<vmem>> -> memref<1x128x128xf32, #tpu.memory_space<vmem>>
      %gather3A_3123 = tpu.memref_squeeze %gather3A_3122 : memref<1x128x128xf32, #tpu.memory_space<vmem>> -> memref<128x128xf32, #tpu.memory_space<vmem>>
      %gather3A_3124 = tpu.vector_load_idx %gather3A_3123[%add3A_3112, %and3A_3059] : memref<128x128xf32, #tpu.memory_space<vmem>>[vector<16xi32>, vector<16xi32>], vector<16xf32>,
      %add3A_3125 = arith.constant 4 : i32
      %add3A_3126 = vector.broadcast %add3A_3125 : i32 to vector<16xi32>
      %add3A_3127 = arith.addi %shift_right_arithmetic3A_6, %add3A_3126 : vector<16xi32>
      %mul3A_3128 = arith.mulf %gather3A_3118, %gather3A_3124 : vector<16xf32>
      tpu.vector_store_idx %arg11[%add3A_3127, %add3A_3051], %mul3A_3128 : memref<16x512xf32, #tpu.memory_space<vmem>>[vector<16xi32>, vector<16xi32>], vector<16xf32>,
      %mul3A_3129 = arith.constant 16 : i32
      %mul3A_3130 = vector.broadcast %mul3A_3129 : i32 to vector<16xi32>
      %mul3A_3131 = arith.muli %and3A_4, %mul3A_3130 : vector<16xi32>
      %add3A_3132 = arith.addi %mul3A_3131, %shift_right_arithmetic3A_6 : vector<16xi32>
      %add3A_3133 = arith.constant 6 : i32
      %add3A_3134 = vector.broadcast %add3A_3133 : i32 to vector<16xi32>
      %add3A_3135 = arith.addi %add3A_3132, %add3A_3134 : vector<16xi32>
      %gather3A_3136 = arith.constant 2 : i32
      %gather3A_3137 = arith.constant 0 : i32
      %gather3A_3138 = arith.constant 0 : i32
      %gather3A_3139 = tpu.memref_slice %arg9[%gather3A_3136, %gather3A_3137, %gather3A_3138] : memref<3x128x128xf32, #tpu.memory_space<vmem>> -> memref<1x128x128xf32, #tpu.memory_space<vmem>>
      %gather3A_3140 = tpu.memref_squeeze %gather3A_3139 : memref<1x128x128xf32, #tpu.memory_space<vmem>> -> memref<128x128xf32, #tpu.memory_space<vmem>>
      %gather3A_3141 = tpu.vector_load_idx %gather3A_3140[%add3A_3135, %and3A_3055] : memref<128x128xf32, #tpu.memory_space<vmem>>[vector<16xi32>, vector<16xi32>], vector<16xf32>,
      %gather3A_3142 = arith.constant 2 : i32
      %gather3A_3143 = arith.constant 0 : i32
      %gather3A_3144 = arith.constant 0 : i32
      %gather3A_3145 = tpu.memref_slice %arg10[%gather3A_3142, %gather3A_3143, %gather3A_3144] : memref<3x128x128xf32, #tpu.memory_space<vmem>> -> memref<1x128x128xf32, #tpu.memory_space<vmem>>
      %gather3A_3146 = tpu.memref_squeeze %gather3A_3145 : memref<1x128x128xf32, #tpu.memory_space<vmem>> -> memref<128x128xf32, #tpu.memory_space<vmem>>
      %gather3A_3147 = tpu.vector_load_idx %gather3A_3146[%add3A_3135, %and3A_3059] : memref<128x128xf32, #tpu.memory_space<vmem>>[vector<16xi32>, vector<16xi32>], vector<16xf32>,
      %add3A_3148 = arith.constant 6 : i32
      %add3A_3149 = vector.broadcast %add3A_3148 : i32 to vector<16xi32>
      %add3A_3150 = arith.addi %shift_right_arithmetic3A_6, %add3A_3149 : vector<16xi32>
      %mul3A_3151 = arith.mulf %gather3A_3141, %gather3A_3147 : vector<16xf32>
      tpu.vector_store_idx %arg11[%add3A_3150, %add3A_3051], %mul3A_3151 : memref<16x512xf32, #tpu.memory_space<vmem>>[vector<16xi32>, vector<16xi32>], vector<16xf32>,
      %mul3A_3152 = arith.constant 16 : i32
      %mul3A_3153 = vector.broadcast %mul3A_3152 : i32 to vector<16xi32>
      %mul3A_3154 = arith.muli %and3A_4, %mul3A_3153 : vector<16xi32>
      %add3A_3155 = arith.addi %mul3A_3154, %shift_right_arithmetic3A_6 : vector<16xi32>
      %add3A_3156 = arith.constant 8 : i32
      %add3A_3157 = vector.broadcast %add3A_3156 : i32 to vector<16xi32>
      %add3A_3158 = arith.addi %add3A_3155, %add3A_3157 : vector<16xi32>
      %gather3A_3159 = arith.constant 2 : i32
      %gather3A_3160 = arith.constant 0 : i32
      %gather3A_3161 = arith.constant 0 : i32
      %gather3A_3162 = tpu.memref_slice %arg9[%gather3A_3159, %gather3A_3160, %gather3A_3161] : memref<3x128x128xf32, #tpu.memory_space<vmem>> -> memref<1x128x128xf32, #tpu.memory_space<vmem>>
      %gather3A_3163 = tpu.memref_squeeze %gather3A_3162 : memref<1x128x128xf32, #tpu.memory_space<vmem>> -> memref<128x128xf32, #tpu.memory_space<vmem>>
      %gather3A_3164 = tpu.vector_load_idx %gather3A_3163[%add3A_3158, %and3A_3055] : memref<128x128xf32, #tpu.memory_space<vmem>>[vector<16xi32>, vector<16xi32>], vector<16xf32>,
      %gather3A_3165 = arith.constant 2 : i32
      %gather3A_3166 = arith.constant 0 : i32
      %gather3A_3167 = arith.constant 0 : i32
      %gather3A_3168 = tpu.memref_slice %arg10[%gather3A_3165, %gather3A_3166, %gather3A_3167] : memref<3x128x128xf32, #tpu.memory_space<vmem>> -> memref<1x128x128xf32, #tpu.memory_space<vmem>>
      %gather3A_3169 = tpu.memref_squeeze %gather3A_3168 : memref<1x128x128xf32, #tpu.memory_space<vmem>> -> memref<128x128xf32, #tpu.memory_space<vmem>>
      %gather3A_3170 = tpu.vector_load_idx %gather3A_3169[%add3A_3158, %and3A_3059] : memref<128x128xf32, #tpu.memory_space<vmem>>[vector<16xi32>, vector<16xi32>], vector<16xf32>,
      %add3A_3171 = arith.constant 8 : i32
      %add3A_3172 = vector.broadcast %add3A_3171 : i32 to vector<16xi32>
      %add3A_3173 = arith.addi %shift_right_arithmetic3A_6, %add3A_3172 : vector<16xi32>
      %mul3A_3174 = arith.mulf %gather3A_3164, %gather3A_3170 : vector<16xf32>
      tpu.vector_store_idx %arg11[%add3A_3173, %add3A_3051], %mul3A_3174 : memref<16x512xf32, #tpu.memory_space<vmem>>[vector<16xi32>, vector<16xi32>], vector<16xf32>,
      %mul3A_3175 = arith.constant 16 : i32
      %mul3A_3176 = vector.broadcast %mul3A_3175 : i32 to vector<16xi32>
      %mul3A_3177 = arith.muli %and3A_4, %mul3A_3176 : vector<16xi32>
      %add3A_3178 = arith.addi %mul3A_3177, %shift_right_arithmetic3A_6 : vector<16xi32>
      %add3A_3179 = arith.constant 10 : i32
      %add3A_3180 = vector.broadcast %add3A_3179 : i32 to vector<16xi32>
      %add3A_3181 = arith.addi %add3A_3178, %add3A_3180 : vector<16xi32>
      %gather3A_3182 = arith.constant 2 : i32
      %gather3A_3183 = arith.constant 0 : i32
      %gather3A_3184 = arith.constant 0 : i32
      %gather3A_3185 = tpu.memref_slice %arg9[%gather3A_3182, %gather3A_3183, %gather3A_3184] : memref<3x128x128xf32, #tpu.memory_space<vmem>> -> memref<1x128x128xf32, #tpu.memory_space<vmem>>
      %gather3A_3186 = tpu.memref_squeeze %gather3A_3185 : memref<1x128x128xf32, #tpu.memory_space<vmem>> -> memref<128x128xf32, #tpu.memory_space<vmem>>
      %gather3A_3187 = tpu.vector_load_idx %gather3A_3186[%add3A_3181, %and3A_3055] : memref<128x128xf32, #tpu.memory_space<vmem>>[vector<16xi32>, vector<16xi32>], vector<16xf32>,
      %gather3A_3188 = arith.constant 2 : i32
      %gather3A_3189 = arith.constant 0 : i32
      %gather3A_3190 = arith.constant 0 : i32
      %gather3A_3191 = tpu.memref_slice %arg10[%gather3A_3188, %gather3A_3189, %gather3A_3190] : memref<3x128x128xf32, #tpu.memory_space<vmem>> -> memref<1x128x128xf32, #tpu.memory_space<vmem>>
      %gather3A_3192 = tpu.memref_squeeze %gather3A_3191 : memref<1x128x128xf32, #tpu.memory_space<vmem>> -> memref<128x128xf32, #tpu.memory_space<vmem>>
      %gather3A_3193 = tpu.vector_load_idx %gather3A_3192[%add3A_3181, %and3A_3059] : memref<128x128xf32, #tpu.memory_space<vmem>>[vector<16xi32>, vector<16xi32>], vector<16xf32>,
      %add3A_3194 = arith.constant 10 : i32
      %add3A_3195 = vector.broadcast %add3A_3194 : i32 to vector<16xi32>
      %add3A_3196 = arith.addi %shift_right_arithmetic3A_6, %add3A_3195 : vector<16xi32>
      %mul3A_3197 = arith.mulf %gather3A_3187, %gather3A_3193 : vector<16xf32>
      tpu.vector_store_idx %arg11[%add3A_3196, %add3A_3051], %mul3A_3197 : memref<16x512xf32, #tpu.memory_space<vmem>>[vector<16xi32>, vector<16xi32>], vector<16xf32>,
      %mul3A_3198 = arith.constant 16 : i32
      %mul3A_3199 = vector.broadcast %mul3A_3198 : i32 to vector<16xi32>
      %mul3A_3200 = arith.muli %and3A_4, %mul3A_3199 : vector<16xi32>
      %add3A_3201 = arith.addi %mul3A_3200, %shift_right_arithmetic3A_6 : vector<16xi32>
      %add3A_3202 = arith.constant 12 : i32
      %add3A_3203 = vector.broadcast %add3A_3202 : i32 to vector<16xi32>
      %add3A_3204 = arith.addi %add3A_3201, %add3A_3203 : vector<16xi32>
      %gather3A_3205 = arith.constant 2 : i32
      %gather3A_3206 = arith.constant 0 : i32
      %gather3A_3207 = arith.constant 0 : i32
      %gather3A_3208 = tpu.memref_slice %arg9[%gather3A_3205, %gather3A_3206, %gather3A_3207] : memref<3x128x128xf32, #tpu.memory_space<vmem>> -> memref<1x128x128xf32, #tpu.memory_space<vmem>>
      %gather3A_3209 = tpu.memref_squeeze %gather3A_3208 : memref<1x128x128xf32, #tpu.memory_space<vmem>> -> memref<128x128xf32, #tpu.memory_space<vmem>>
      %gather3A_3210 = tpu.vector_load_idx %gather3A_3209[%add3A_3204, %and3A_3055] : memref<128x128xf32, #tpu.memory_space<vmem>>[vector<16xi32>, vector<16xi32>], vector<16xf32>,
      %gather3A_3211 = arith.constant 2 : i32
      %gather3A_3212 = arith.constant 0 : i32
      %gather3A_3213 = arith.constant 0 : i32
      %gather3A_3214 = tpu.memref_slice %arg10[%gather3A_3211, %gather3A_3212, %gather3A_3213] : memref<3x128x128xf32, #tpu.memory_space<vmem>> -> memref<1x128x128xf32, #tpu.memory_space<vmem>>
      %gather3A_3215 = tpu.memref_squeeze %gather3A_3214 : memref<1x128x128xf32, #tpu.memory_space<vmem>> -> memref<128x128xf32, #tpu.memory_space<vmem>>
      %gather3A_3216 = tpu.vector_load_idx %gather3A_3215[%add3A_3204, %and3A_3059] : memref<128x128xf32, #tpu.memory_space<vmem>>[vector<16xi32>, vector<16xi32>], vector<16xf32>,
      %add3A_3217 = arith.constant 12 : i32
      %add3A_3218 = vector.broadcast %add3A_3217 : i32 to vector<16xi32>
      %add3A_3219 = arith.addi %shift_right_arithmetic3A_6, %add3A_3218 : vector<16xi32>
      %mul3A_3220 = arith.mulf %gather3A_3210, %gather3A_3216 : vector<16xf32>
      tpu.vector_store_idx %arg11[%add3A_3219, %add3A_3051], %mul3A_3220 : memref<16x512xf32, #tpu.memory_space<vmem>>[vector<16xi32>, vector<16xi32>], vector<16xf32>,
      %mul3A_3221 = arith.constant 16 : i32
      %mul3A_3222 = vector.broadcast %mul3A_3221 : i32 to vector<16xi32>
      %mul3A_3223 = arith.muli %and3A_4, %mul3A_3222 : vector<16xi32>
      %add3A_3224 = arith.addi %mul3A_3223, %shift_right_arithmetic3A_6 : vector<16xi32>
      %add3A_3225 = arith.constant 14 : i32
      %add3A_3226 = vector.broadcast %add3A_3225 : i32 to vector<16xi32>
      %add3A_3227 = arith.addi %add3A_3224, %add3A_3226 : vector<16xi32>
      %gather3A_3228 = arith.constant 2 : i32
      %gather3A_3229 = arith.constant 0 : i32
      %gather3A_3230 = arith.constant 0 : i32
      %gather3A_3231 = tpu.memref_slice %arg9[%gather3A_3228, %gather3A_3229, %gather3A_3230] : memref<3x128x128xf32, #tpu.memory_space<vmem>> -> memref<1x128x128xf32, #tpu.memory_space<vmem>>
      %gather3A_3232 = tpu.memref_squeeze %gather3A_3231 : memref<1x128x128xf32, #tpu.memory_space<vmem>> -> memref<128x128xf32, #tpu.memory_space<vmem>>
      %gather3A_3233 = tpu.vector_load_idx %gather3A_3232[%add3A_3227, %and3A_3055] : memref<128x128xf32, #tpu.memory_space<vmem>>[vector<16xi32>, vector<16xi32>], vector<16xf32>,
      %gather3A_3234 = arith.constant 2 : i32
      %gather3A_3235 = arith.constant 0 : i32
      %gather3A_3236 = arith.constant 0 : i32
      %gather3A_3237 = tpu.memref_slice %arg10[%gather3A_3234, %gather3A_3235, %gather3A_3236] : memref<3x128x128xf32, #tpu.memory_space<vmem>> -> memref<1x128x128xf32, #tpu.memory_space<vmem>>
      %gather3A_3238 = tpu.memref_squeeze %gather3A_3237 : memref<1x128x128xf32, #tpu.memory_space<vmem>> -> memref<128x128xf32, #tpu.memory_space<vmem>>
      %gather3A_3239 = tpu.vector_load_idx %gather3A_3238[%add3A_3227, %and3A_3059] : memref<128x128xf32, #tpu.memory_space<vmem>>[vector<16xi32>, vector<16xi32>], vector<16xf32>,
      %add3A_3240 = arith.constant 14 : i32
      %add3A_3241 = vector.broadcast %add3A_3240 : i32 to vector<16xi32>
      %add3A_3242 = arith.addi %shift_right_arithmetic3A_6, %add3A_3241 : vector<16xi32>
      %mul3A_3243 = arith.mulf %gather3A_3233, %gather3A_3239 : vector<16xf32>
      tpu.vector_store_idx %arg11[%add3A_3242, %add3A_3051], %mul3A_3243 : memref<16x512xf32, #tpu.memory_space<vmem>>[vector<16xi32>, vector<16xi32>], vector<16xf32>,
    }
    %scan3A_729 = arith.constant 21 : i32
    %dma_wait3A = arith.constant 0 : i32
    %dma_wait3A_730 = arith.constant 0 : i32
    %dma_wait3A_731 = arith.constant 0 : i32
    %dma_wait3A_732 = tpu.memref_slice %arg9[%dma_wait3A, %dma_wait3A_730, %dma_wait3A_731] : memref<3x128x128xf32, #tpu.memory_space<vmem>> -> memref<1x128x128xf32, #tpu.memory_space<vmem>>
    %dma_wait3A_733 = tpu.memref_squeeze %dma_wait3A_732 : memref<1x128x128xf32, #tpu.memory_space<vmem>> -> memref<128x128xf32, #tpu.memory_space<vmem>>
    %dma_wait3A_734 = arith.constant 0 : i32
    %dma_wait3A_735 = arith.constant 0 : i32
    %dma_wait3A_736 = tpu.memref_slice %dma_wait3A_733[%dma_wait3A_734, %dma_wait3A_735] : memref<128x128xf32, #tpu.memory_space<vmem>> -> memref<16x128xf32, #tpu.memory_space<vmem>>
    %dma_wait3A_737 = arith.constant 0 : i32
    %dma_wait3A_738 = arith.constant 0 : i32
    %dma_wait3A_739 = tpu.memref_slice %arg4[%dma_wait3A_737, %dma_wait3A_738] : memref<16x1000000xf32, #tpu.memory_space<hbm>> -> memref<16x128xf32, #tpu.memory_space<hbm>>
    %dma_wait3A_740 = arith.constant 0 : i32
    %dma_wait3A_741 = arith.constant 0 : i32
    %dma_wait3A_742 = tpu.memref_slice %arg9[%dma_wait3A, %dma_wait3A_740, %dma_wait3A_741] : memref<3x128x128xf32, #tpu.memory_space<vmem>> -> memref<1x128x128xf32, #tpu.memory_space<vmem>>
    %dma_wait3A_743 = tpu.memref_squeeze %dma_wait3A_742 : memref<1x128x128xf32, #tpu.memory_space<vmem>> -> memref<128x128xf32, #tpu.memory_space<vmem>>
    %dma_wait3A_744 = arith.constant 0 : i32
    %dma_wait3A_745 = arith.constant 0 : i32
    %dma_wait3A_746 = tpu.memref_slice %dma_wait3A_743[%dma_wait3A_744, %dma_wait3A_745] : memref<128x128xf32, #tpu.memory_space<vmem>> -> memref<16x128xf32, #tpu.memory_space<vmem>>
    %dma_wait3A_747 = arith.constant 0 : i32
    %dma_wait3A_748 = arith.constant 0 : i32
    %dma_wait3A_749 = tpu.memref_slice %arg4[%dma_wait3A_747, %dma_wait3A_748] : memref<16x1000000xf32, #tpu.memory_space<hbm>> -> memref<16x128xf32, #tpu.memory_space<hbm>>
    tpu.wait_dma2 semaphore(%arg12 : memref<!tpu.dma_semaphore, #tpu.memory_space<semaphore_mem>>) src(%dma_wait3A_749 : memref<16x128xf32, #tpu.memory_space<hbm>>) dst(%dma_wait3A_746 : memref<16x128xf32, #tpu.memory_space<vmem>>)
    %dma_wait3A_750 = arith.constant 0 : i32
    %dma_wait3A_751 = arith.constant 0 : i32
    %dma_wait3A_752 = arith.constant 0 : i32
    %dma_wait3A_753 = tpu.memref_slice %arg10[%dma_wait3A_750, %dma_wait3A_751, %dma_wait3A_752] : memref<3x128x128xf32, #tpu.memory_space<vmem>> -> memref<1x128x128xf32, #tpu.memory_space<vmem>>
    %dma_wait3A_754 = tpu.memref_squeeze %dma_wait3A_753 : memref<1x128x128xf32, #tpu.memory_space<vmem>> -> memref<128x128xf32, #tpu.memory_space<vmem>>
    %dma_wait3A_755 = arith.constant 0 : i32
    %dma_wait3A_756 = arith.constant 0 : i32
    %dma_wait3A_757 = tpu.memref_slice %dma_wait3A_754[%dma_wait3A_755, %dma_wait3A_756] : memref<128x128xf32, #tpu.memory_space<vmem>> -> memref<16x128xf32, #tpu.memory_space<vmem>>
    %dma_wait3A_758 = arith.constant 0 : i32
    %dma_wait3A_759 = arith.constant 0 : i32
    %dma_wait3A_760 = tpu.memref_slice %arg4[%dma_wait3A_758, %dma_wait3A_759] : memref<16x1000000xf32, #tpu.memory_space<hbm>> -> memref<16x128xf32, #tpu.memory_space<hbm>>
    %dma_wait3A_761 = arith.constant 0 : i32
    %dma_wait3A_762 = arith.constant 0 : i32
    %dma_wait3A_763 = tpu.memref_slice %arg10[%dma_wait3A_750, %dma_wait3A_761, %dma_wait3A_762] : memref<3x128x128xf32, #tpu.memory_space<vmem>> -> memref<1x128x128xf32, #tpu.memory_space<vmem>>
    %dma_wait3A_764 = tpu.memref_squeeze %dma_wait3A_763 : memref<1x128x128xf32, #tpu.memory_space<vmem>> -> memref<128x128xf32, #tpu.memory_space<vmem>>
    %dma_wait3A_765 = arith.constant 0 : i32
    %dma_wait3A_766 = arith.constant 0 : i32
    %dma_wait3A_767 = tpu.memref_slice %dma_wait3A_764[%dma_wait3A_765, %dma_wait3A_766] : memref<128x128xf32, #tpu.memory_space<vmem>> -> memref<16x128xf32, #tpu.memory_space<vmem>>
    %dma_wait3A_768 = arith.constant 0 : i32
    %dma_wait3A_769 = arith.constant 0 : i32
    %dma_wait3A_770 = tpu.memref_slice %arg4[%dma_wait3A_768, %dma_wait3A_769] : memref<16x1000000xf32, #tpu.memory_space<hbm>> -> memref<16x128xf32, #tpu.memory_space<hbm>>
    tpu.wait_dma2 semaphore(%arg13 : memref<!tpu.dma_semaphore, #tpu.memory_space<semaphore_mem>>) src(%dma_wait3A_770 : memref<16x128xf32, #tpu.memory_space<hbm>>) dst(%dma_wait3A_767 : memref<16x128xf32, #tpu.memory_space<vmem>>)
    %dma_wait3A_771 = arith.constant 0 : i32
    %dma_wait3A_772 = arith.constant 0 : i32
    %dma_wait3A_773 = arith.constant 0 : i32
    %dma_wait3A_774 = tpu.memref_slice %arg9[%dma_wait3A_771, %dma_wait3A_772, %dma_wait3A_773] : memref<3x128x128xf32, #tpu.memory_space<vmem>> -> memref<1x128x128xf32, #tpu.memory_space<vmem>>
    %dma_wait3A_775 = tpu.memref_squeeze %dma_wait3A_774 : memref<1x128x128xf32, #tpu.memory_space<vmem>> -> memref<128x128xf32, #tpu.memory_space<vmem>>
    %dma_wait3A_776 = arith.constant 16 : i32
    %dma_wait3A_777 = arith.constant 0 : i32
    %dma_wait3A_778 = tpu.memref_slice %dma_wait3A_775[%dma_wait3A_776, %dma_wait3A_777] : memref<128x128xf32, #tpu.memory_space<vmem>> -> memref<16x128xf32, #tpu.memory_space<vmem>>
    %dma_wait3A_779 = arith.constant 0 : i32
    %dma_wait3A_780 = arith.constant 0 : i32
    %dma_wait3A_781 = tpu.memref_slice %arg4[%dma_wait3A_779, %dma_wait3A_780] : memref<16x1000000xf32, #tpu.memory_space<hbm>> -> memref<16x128xf32, #tpu.memory_space<hbm>>
    %dma_wait3A_782 = arith.constant 0 : i32
    %dma_wait3A_783 = arith.constant 0 : i32
    %dma_wait3A_784 = tpu.memref_slice %arg9[%dma_wait3A_771, %dma_wait3A_782, %dma_wait3A_783] : memref<3x128x128xf32, #tpu.memory_space<vmem>> -> memref<1x128x128xf32, #tpu.memory_space<vmem>>
    %dma_wait3A_785 = tpu.memref_squeeze %dma_wait3A_784 : memref<1x128x128xf32, #tpu.memory_space<vmem>> -> memref<128x128xf32, #tpu.memory_space<vmem>>
    %dma_wait3A_786 = arith.constant 16 : i32
    %dma_wait3A_787 = arith.constant 0 : i32
    %dma_wait3A_788 = tpu.memref_slice %dma_wait3A_785[%dma_wait3A_786, %dma_wait3A_787] : memref<128x128xf32, #tpu.memory_space<vmem>> -> memref<16x128xf32, #tpu.memory_space<vmem>>
    %dma_wait3A_789 = arith.constant 0 : i32
    %dma_wait3A_790 = arith.constant 0 : i32
    %dma_wait3A_791 = tpu.memref_slice %arg4[%dma_wait3A_789, %dma_wait3A_790] : memref<16x1000000xf32, #tpu.memory_space<hbm>> -> memref<16x128xf32, #tpu.memory_space<hbm>>
    tpu.wait_dma2 semaphore(%arg12 : memref<!tpu.dma_semaphore, #tpu.memory_space<semaphore_mem>>) src(%dma_wait3A_791 : memref<16x128xf32, #tpu.memory_space<hbm>>) dst(%dma_wait3A_788 : memref<16x128xf32, #tpu.memory_space<vmem>>)
    %dma_wait3A_792 = arith.constant 0 : i32
    %dma_wait3A_793 = arith.constant 0 : i32
    %dma_wait3A_794 = arith.constant 0 : i32
    %dma_wait3A_795 = tpu.memref_slice %arg10[%dma_wait3A_792, %dma_wait3A_793, %dma_wait3A_794] : memref<3x128x128xf32, #tpu.memory_space<vmem>> -> memref<1x128x128xf32, #tpu.memory_space<vmem>>
    %dma_wait3A_796 = tpu.memref_squeeze %dma_wait3A_795 : memref<1x128x128xf32, #tpu.memory_space<vmem>> -> memref<128x128xf32, #tpu.memory_space<vmem>>
    %dma_wait3A_797 = arith.constant 16 : i32
    %dma_wait3A_798 = arith.constant 0 : i32
    %dma_wait3A_799 = tpu.memref_slice %dma_wait3A_796[%dma_wait3A_797, %dma_wait3A_798] : memref<128x128xf32, #tpu.memory_space<vmem>> -> memref<16x128xf32, #tpu.memory_space<vmem>>
    %dma_wait3A_800 = arith.constant 0 : i32
    %dma_wait3A_801 = arith.constant 0 : i32
    %dma_wait3A_802 = tpu.memref_slice %arg4[%dma_wait3A_800, %dma_wait3A_801] : memref<16x1000000xf32, #tpu.memory_space<hbm>> -> memref<16x128xf32, #tpu.memory_space<hbm>>
    %dma_wait3A_803 = arith.constant 0 : i32
    %dma_wait3A_804 = arith.constant 0 : i32
    %dma_wait3A_805 = tpu.memref_slice %arg10[%dma_wait3A_792, %dma_wait3A_803, %dma_wait3A_804] : memref<3x128x128xf32, #tpu.memory_space<vmem>> -> memref<1x128x128xf32, #tpu.memory_space<vmem>>
    %dma_wait3A_806 = tpu.memref_squeeze %dma_wait3A_805 : memref<1x128x128xf32, #tpu.memory_space<vmem>> -> memref<128x128xf32, #tpu.memory_space<vmem>>
    %dma_wait3A_807 = arith.constant 16 : i32
    %dma_wait3A_808 = arith.constant 0 : i32
    %dma_wait3A_809 = tpu.memref_slice %dma_wait3A_806[%dma_wait3A_807, %dma_wait3A_808] : memref<128x128xf32, #tpu.memory_space<vmem>> -> memref<16x128xf32, #tpu.memory_space<vmem>>
    %dma_wait3A_810 = arith.constant 0 : i32
    %dma_wait3A_811 = arith.constant 0 : i32
    %dma_wait3A_812 = tpu.memref_slice %arg4[%dma_wait3A_810, %dma_wait3A_811] : memref<16x1000000xf32, #tpu.memory_space<hbm>> -> memref<16x128xf32, #tpu.memory_space<hbm>>
    tpu.wait_dma2 semaphore(%arg13 : memref<!tpu.dma_semaphore, #tpu.memory_space<semaphore_mem>>) src(%dma_wait3A_812 : memref<16x128xf32, #tpu.memory_space<hbm>>) dst(%dma_wait3A_809 : memref<16x128xf32, #tpu.memory_space<vmem>>)
    %dma_wait3A_813 = arith.constant 0 : i32
    %dma_wait3A_814 = arith.constant 0 : i32
    %dma_wait3A_815 = arith.constant 0 : i32
    %dma_wait3A_816 = tpu.memref_slice %arg9[%dma_wait3A_813, %dma_wait3A_814, %dma_wait3A_815] : memref<3x128x128xf32, #tpu.memory_space<vmem>> -> memref<1x128x128xf32, #tpu.memory_space<vmem>>
    %dma_wait3A_817 = tpu.memref_squeeze %dma_wait3A_816 : memref<1x128x128xf32, #tpu.memory_space<vmem>> -> memref<128x128xf32, #tpu.memory_space<vmem>>
    %dma_wait3A_818 = arith.constant 32 : i32
    %dma_wait3A_819 = arith.constant 0 : i32
    %dma_wait3A_820 = tpu.memref_slice %dma_wait3A_817[%dma_wait3A_818, %dma_wait3A_819] : memref<128x128xf32, #tpu.memory_space<vmem>> -> memref<16x128xf32, #tpu.memory_space<vmem>>
    %dma_wait3A_821 = arith.constant 0 : i32
    %dma_wait3A_822 = arith.constant 0 : i32
    %dma_wait3A_823 = tpu.memref_slice %arg4[%dma_wait3A_821, %dma_wait3A_822] : memref<16x1000000xf32, #tpu.memory_space<hbm>> -> memref<16x128xf32, #tpu.memory_space<hbm>>
    %dma_wait3A_824 = arith.constant 0 : i32
    %dma_wait3A_825 = arith.constant 0 : i32
    %dma_wait3A_826 = tpu.memref_slice %arg9[%dma_wait3A_813, %dma_wait3A_824, %dma_wait3A_825] : memref<3x128x128xf32, #tpu.memory_space<vmem>> -> memref<1x128x128xf32, #tpu.memory_space<vmem>>
    %dma_wait3A_827 = tpu.memref_squeeze %dma_wait3A_826 : memref<1x128x128xf32, #tpu.memory_space<vmem>> -> memref<128x128xf32, #tpu.memory_space<vmem>>
    %dma_wait3A_828 = arith.constant 32 : i32
    %dma_wait3A_829 = arith.constant 0 : i32
    %dma_wait3A_830 = tpu.memref_slice %dma_wait3A_827[%dma_wait3A_828, %dma_wait3A_829] : memref<128x128xf32, #tpu.memory_space<vmem>> -> memref<16x128xf32, #tpu.memory_space<vmem>>
    %dma_wait3A_831 = arith.constant 0 : i32
    %dma_wait3A_832 = arith.constant 0 : i32
    %dma_wait3A_833 = tpu.memref_slice %arg4[%dma_wait3A_831, %dma_wait3A_832] : memref<16x1000000xf32, #tpu.memory_space<hbm>> -> memref<16x128xf32, #tpu.memory_space<hbm>>
    tpu.wait_dma2 semaphore(%arg12 : memref<!tpu.dma_semaphore, #tpu.memory_space<semaphore_mem>>) src(%dma_wait3A_833 : memref<16x128xf32, #tpu.memory_space<hbm>>) dst(%dma_wait3A_830 : memref<16x128xf32, #tpu.memory_space<vmem>>)
    %dma_wait3A_834 = arith.constant 0 : i32
    %dma_wait3A_835 = arith.constant 0 : i32
    %dma_wait3A_836 = arith.constant 0 : i32
    %dma_wait3A_837 = tpu.memref_slice %arg10[%dma_wait3A_834, %dma_wait3A_835, %dma_wait3A_836] : memref<3x128x128xf32, #tpu.memory_space<vmem>> -> memref<1x128x128xf32, #tpu.memory_space<vmem>>
    %dma_wait3A_838 = tpu.memref_squeeze %dma_wait3A_837 : memref<1x128x128xf32, #tpu.memory_space<vmem>> -> memref<128x128xf32, #tpu.memory_space<vmem>>
    %dma_wait3A_839 = arith.constant 32 : i32
    %dma_wait3A_840 = arith.constant 0 : i32
    %dma_wait3A_841 = tpu.memref_slice %dma_wait3A_838[%dma_wait3A_839, %dma_wait3A_840] : memref<128x128xf32, #tpu.memory_space<vmem>> -> memref<16x128xf32, #tpu.memory_space<vmem>>
    %dma_wait3A_842 = arith.constant 0 : i32
    %dma_wait3A_843 = arith.constant 0 : i32
    %dma_wait3A_844 = tpu.memref_slice %arg4[%dma_wait3A_842, %dma_wait3A_843] : memref<16x1000000xf32, #tpu.memory_space<hbm>> -> memref<16x128xf32, #tpu.memory_space<hbm>>
    %dma_wait3A_845 = arith.constant 0 : i32
    %dma_wait3A_846 = arith.constant 0 : i32
    %dma_wait3A_847 = tpu.memref_slice %arg10[%dma_wait3A_834, %dma_wait3A_845, %dma_wait3A_846] : memref<3x128x128xf32, #tpu.memory_space<vmem>> -> memref<1x128x128xf32, #tpu.memory_space<vmem>>
    %dma_wait3A_848 = tpu.memref_squeeze %dma_wait3A_847 : memref<1x128x128xf32, #tpu.memory_space<vmem>> -> memref<128x128xf32, #tpu.memory_space<vmem>>
    %dma_wait3A_849 = arith.constant 32 : i32
    %dma_wait3A_850 = arith.constant 0 : i32
    %dma_wait3A_851 = tpu.memref_slice %dma_wait3A_848[%dma_wait3A_849, %dma_wait3A_850] : memref<128x128xf32, #tpu.memory_space<vmem>> -> memref<16x128xf32, #tpu.memory_space<vmem>>
    %dma_wait3A_852 = arith.constant 0 : i32
    %dma_wait3A_853 = arith.constant 0 : i32
    %dma_wait3A_854 = tpu.memref_slice %arg4[%dma_wait3A_852, %dma_wait3A_853] : memref<16x1000000xf32, #tpu.memory_space<hbm>> -> memref<16x128xf32, #tpu.memory_space<hbm>>
    tpu.wait_dma2 semaphore(%arg13 : memref<!tpu.dma_semaphore, #tpu.memory_space<semaphore_mem>>) src(%dma_wait3A_854 : memref<16x128xf32, #tpu.memory_space<hbm>>) dst(%dma_wait3A_851 : memref<16x128xf32, #tpu.memory_space<vmem>>)
    %dma_wait3A_855 = arith.constant 0 : i32
    %dma_wait3A_856 = arith.constant 0 : i32
    %dma_wait3A_857 = arith.constant 0 : i32
    %dma_wait3A_858 = tpu.memref_slice %arg9[%dma_wait3A_855, %dma_wait3A_856, %dma_wait3A_857] : memref<3x128x128xf32, #tpu.memory_space<vmem>> -> memref<1x128x128xf32, #tpu.memory_space<vmem>>
    %dma_wait3A_859 = tpu.memref_squeeze %dma_wait3A_858 : memref<1x128x128xf32, #tpu.memory_space<vmem>> -> memref<128x128xf32, #tpu.memory_space<vmem>>
    %dma_wait3A_860 = arith.constant 48 : i32
    %dma_wait3A_861 = arith.constant 0 : i32
    %dma_wait3A_862 = tpu.memref_slice %dma_wait3A_859[%dma_wait3A_860, %dma_wait3A_861] : memref<128x128xf32, #tpu.memory_space<vmem>> -> memref<16x128xf32, #tpu.memory_space<vmem>>
    %dma_wait3A_863 = arith.constant 0 : i32
    %dma_wait3A_864 = arith.constant 0 : i32
    %dma_wait3A_865 = tpu.memref_slice %arg4[%dma_wait3A_863, %dma_wait3A_864] : memref<16x1000000xf32, #tpu.memory_space<hbm>> -> memref<16x128xf32, #tpu.memory_space<hbm>>
    %dma_wait3A_866 = arith.constant 0 : i32
    %dma_wait3A_867 = arith.constant 0 : i32
    %dma_wait3A_868 = tpu.memref_slice %arg9[%dma_wait3A_855, %dma_wait3A_866, %dma_wait3A_867] : memref<3x128x128xf32, #tpu.memory_space<vmem>> -> memref<1x128x128xf32, #tpu.memory_space<vmem>>
    %dma_wait3A_869 = tpu.memref_squeeze %dma_wait3A_868 : memref<1x128x128xf32, #tpu.memory_space<vmem>> -> memref<128x128xf32, #tpu.memory_space<vmem>>
    %dma_wait3A_870 = arith.constant 48 : i32
    %dma_wait3A_871 = arith.constant 0 : i32
    %dma_wait3A_872 = tpu.memref_slice %dma_wait3A_869[%dma_wait3A_870, %dma_wait3A_871] : memref<128x128xf32, #tpu.memory_space<vmem>> -> memref<16x128xf32, #tpu.memory_space<vmem>>
    %dma_wait3A_873 = arith.constant 0 : i32
    %dma_wait3A_874 = arith.constant 0 : i32
    %dma_wait3A_875 = tpu.memref_slice %arg4[%dma_wait3A_873, %dma_wait3A_874] : memref<16x1000000xf32, #tpu.memory_space<hbm>> -> memref<16x128xf32, #tpu.memory_space<hbm>>
    tpu.wait_dma2 semaphore(%arg12 : memref<!tpu.dma_semaphore, #tpu.memory_space<semaphore_mem>>) src(%dma_wait3A_875 : memref<16x128xf32, #tpu.memory_space<hbm>>) dst(%dma_wait3A_872 : memref<16x128xf32, #tpu.memory_space<vmem>>)
    %dma_wait3A_876 = arith.constant 0 : i32
    %dma_wait3A_877 = arith.constant 0 : i32
    %dma_wait3A_878 = arith.constant 0 : i32
    %dma_wait3A_879 = tpu.memref_slice %arg10[%dma_wait3A_876, %dma_wait3A_877, %dma_wait3A_878] : memref<3x128x128xf32, #tpu.memory_space<vmem>> -> memref<1x128x128xf32, #tpu.memory_space<vmem>>
    %dma_wait3A_880 = tpu.memref_squeeze %dma_wait3A_879 : memref<1x128x128xf32, #tpu.memory_space<vmem>> -> memref<128x128xf32, #tpu.memory_space<vmem>>
    %dma_wait3A_881 = arith.constant 48 : i32
    %dma_wait3A_882 = arith.constant 0 : i32
    %dma_wait3A_883 = tpu.memref_slice %dma_wait3A_880[%dma_wait3A_881, %dma_wait3A_882] : memref<128x128xf32, #tpu.memory_space<vmem>> -> memref<16x128xf32, #tpu.memory_space<vmem>>
    %dma_wait3A_884 = arith.constant 0 : i32
    %dma_wait3A_885 = arith.constant 0 : i32
    %dma_wait3A_886 = tpu.memref_slice %arg4[%dma_wait3A_884, %dma_wait3A_885] : memref<16x1000000xf32, #tpu.memory_space<hbm>> -> memref<16x128xf32, #tpu.memory_space<hbm>>
    %dma_wait3A_887 = arith.constant 0 : i32
    %dma_wait3A_888 = arith.constant 0 : i32
    %dma_wait3A_889 = tpu.memref_slice %arg10[%dma_wait3A_876, %dma_wait3A_887, %dma_wait3A_888] : memref<3x128x128xf32, #tpu.memory_space<vmem>> -> memref<1x128x128xf32, #tpu.memory_space<vmem>>
    %dma_wait3A_890 = tpu.memref_squeeze %dma_wait3A_889 : memref<1x128x128xf32, #tpu.memory_space<vmem>> -> memref<128x128xf32, #tpu.memory_space<vmem>>
    %dma_wait3A_891 = arith.constant 48 : i32
    %dma_wait3A_892 = arith.constant 0 : i32
    %dma_wait3A_893 = tpu.memref_slice %dma_wait3A_890[%dma_wait3A_891, %dma_wait3A_892] : memref<128x128xf32, #tpu.memory_space<vmem>> -> memref<16x128xf32, #tpu.memory_space<vmem>>
    %dma_wait3A_894 = arith.constant 0 : i32
    %dma_wait3A_895 = arith.constant 0 : i32
    %dma_wait3A_896 = tpu.memref_slice %arg4[%dma_wait3A_894, %dma_wait3A_895] : memref<16x1000000xf32, #tpu.memory_space<hbm>> -> memref<16x128xf32, #tpu.memory_space<hbm>>
    tpu.wait_dma2 semaphore(%arg13 : memref<!tpu.dma_semaphore, #tpu.memory_space<semaphore_mem>>) src(%dma_wait3A_896 : memref<16x128xf32, #tpu.memory_space<hbm>>) dst(%dma_wait3A_893 : memref<16x128xf32, #tpu.memory_space<vmem>>)
    %dma_wait3A_897 = arith.constant 0 : i32
    %dma_wait3A_898 = arith.constant 0 : i32
    %dma_wait3A_899 = arith.constant 0 : i32
    %dma_wait3A_900 = tpu.memref_slice %arg9[%dma_wait3A_897, %dma_wait3A_898, %dma_wait3A_899] : memref<3x128x128xf32, #tpu.memory_space<vmem>> -> memref<1x128x128xf32, #tpu.memory_space<vmem>>
    %dma_wait3A_901 = tpu.memref_squeeze %dma_wait3A_900 : memref<1x128x128xf32, #tpu.memory_space<vmem>> -> memref<128x128xf32, #tpu.memory_space<vmem>>
    %dma_wait3A_902 = arith.constant 64 : i32
    %dma_wait3A_903 = arith.constant 0 : i32
    %dma_wait3A_904 = tpu.memref_slice %dma_wait3A_901[%dma_wait3A_902, %dma_wait3A_903] : memref<128x128xf32, #tpu.memory_space<vmem>> -> memref<16x128xf32, #tpu.memory_space<vmem>>
    %dma_wait3A_905 = arith.constant 0 : i32
    %dma_wait3A_906 = arith.constant 0 : i32
    %dma_wait3A_907 = tpu.memref_slice %arg4[%dma_wait3A_905, %dma_wait3A_906] : memref<16x1000000xf32, #tpu.memory_space<hbm>> -> memref<16x128xf32, #tpu.memory_space<hbm>>
    %dma_wait3A_908 = arith.constant 0 : i32
    %dma_wait3A_909 = arith.constant 0 : i32
    %dma_wait3A_910 = tpu.memref_slice %arg9[%dma_wait3A_897, %dma_wait3A_908, %dma_wait3A_909] : memref<3x128x128xf32, #tpu.memory_space<vmem>> -> memref<1x128x128xf32, #tpu.memory_space<vmem>>
    %dma_wait3A_911 = tpu.memref_squeeze %dma_wait3A_910 : memref<1x128x128xf32, #tpu.memory_space<vmem>> -> memref<128x128xf32, #tpu.memory_space<vmem>>
    %dma_wait3A_912 = arith.constant 64 : i32
    %dma_wait3A_913 = arith.constant 0 : i32
    %dma_wait3A_914 = tpu.memref_slice %dma_wait3A_911[%dma_wait3A_912, %dma_wait3A_913] : memref<128x128xf32, #tpu.memory_space<vmem>> -> memref<16x128xf32, #tpu.memory_space<vmem>>
    %dma_wait3A_915 = arith.constant 0 : i32
    %dma_wait3A_916 = arith.constant 0 : i32
    %dma_wait3A_917 = tpu.memref_slice %arg4[%dma_wait3A_915, %dma_wait3A_916] : memref<16x1000000xf32, #tpu.memory_space<hbm>> -> memref<16x128xf32, #tpu.memory_space<hbm>>
    tpu.wait_dma2 semaphore(%arg12 : memref<!tpu.dma_semaphore, #tpu.memory_space<semaphore_mem>>) src(%dma_wait3A_917 : memref<16x128xf32, #tpu.memory_space<hbm>>) dst(%dma_wait3A_914 : memref<16x128xf32, #tpu.memory_space<vmem>>)
    %dma_wait3A_918 = arith.constant 0 : i32
    %dma_wait3A_919 = arith.constant 0 : i32
    %dma_wait3A_920 = arith.constant 0 : i32
    %dma_wait3A_921 = tpu.memref_slice %arg10[%dma_wait3A_918, %dma_wait3A_919, %dma_wait3A_920] : memref<3x128x128xf32, #tpu.memory_space<vmem>> -> memref<1x128x128xf32, #tpu.memory_space<vmem>>
    %dma_wait3A_922 = tpu.memref_squeeze %dma_wait3A_921 : memref<1x128x128xf32, #tpu.memory_space<vmem>> -> memref<128x128xf32, #tpu.memory_space<vmem>>
    %dma_wait3A_923 = arith.constant 64 : i32
    %dma_wait3A_924 = arith.constant 0 : i32
    %dma_wait3A_925 = tpu.memref_slice %dma_wait3A_922[%dma_wait3A_923, %dma_wait3A_924] : memref<128x128xf32, #tpu.memory_space<vmem>> -> memref<16x128xf32, #tpu.memory_space<vmem>>
    %dma_wait3A_926 = arith.constant 0 : i32
    %dma_wait3A_927 = arith.constant 0 : i32
    %dma_wait3A_928 = tpu.memref_slice %arg4[%dma_wait3A_926, %dma_wait3A_927] : memref<16x1000000xf32, #tpu.memory_space<hbm>> -> memref<16x128xf32, #tpu.memory_space<hbm>>
    %dma_wait3A_929 = arith.constant 0 : i32
    %dma_wait3A_930 = arith.constant 0 : i32
    %dma_wait3A_931 = tpu.memref_slice %arg10[%dma_wait3A_918, %dma_wait3A_929, %dma_wait3A_930] : memref<3x128x128xf32, #tpu.memory_space<vmem>> -> memref<1x128x128xf32, #tpu.memory_space<vmem>>
    %dma_wait3A_932 = tpu.memref_squeeze %dma_wait3A_931 : memref<1x128x128xf32, #tpu.memory_space<vmem>> -> memref<128x128xf32, #tpu.memory_space<vmem>>
    %dma_wait3A_933 = arith.constant 64 : i32
    %dma_wait3A_934 = arith.constant 0 : i32
    %dma_wait3A_935 = tpu.memref_slice %dma_wait3A_932[%dma_wait3A_933, %dma_wait3A_934] : memref<128x128xf32, #tpu.memory_space<vmem>> -> memref<16x128xf32, #tpu.memory_space<vmem>>
    %dma_wait3A_936 = arith.constant 0 : i32
    %dma_wait3A_937 = arith.constant 0 : i32
    %dma_wait3A_938 = tpu.memref_slice %arg4[%dma_wait3A_936, %dma_wait3A_937] : memref<16x1000000xf32, #tpu.memory_space<hbm>> -> memref<16x128xf32, #tpu.memory_space<hbm>>
    tpu.wait_dma2 semaphore(%arg13 : memref<!tpu.dma_semaphore, #tpu.memory_space<semaphore_mem>>) src(%dma_wait3A_938 : memref<16x128xf32, #tpu.memory_space<hbm>>) dst(%dma_wait3A_935 : memref<16x128xf32, #tpu.memory_space<vmem>>)
    %dma_wait3A_939 = arith.constant 0 : i32
    %dma_wait3A_940 = arith.constant 0 : i32
    %dma_wait3A_941 = arith.constant 0 : i32
    %dma_wait3A_942 = tpu.memref_slice %arg9[%dma_wait3A_939, %dma_wait3A_940, %dma_wait3A_941] : memref<3x128x128xf32, #tpu.memory_space<vmem>> -> memref<1x128x128xf32, #tpu.memory_space<vmem>>
    %dma_wait3A_943 = tpu.memref_squeeze %dma_wait3A_942 : memref<1x128x128xf32, #tpu.memory_space<vmem>> -> memref<128x128xf32, #tpu.memory_space<vmem>>
    %dma_wait3A_944 = arith.constant 80 : i32
    %dma_wait3A_945 = arith.constant 0 : i32
    %dma_wait3A_946 = tpu.memref_slice %dma_wait3A_943[%dma_wait3A_944, %dma_wait3A_945] : memref<128x128xf32, #tpu.memory_space<vmem>> -> memref<16x128xf32, #tpu.memory_space<vmem>>
    %dma_wait3A_947 = arith.constant 0 : i32
    %dma_wait3A_948 = arith.constant 0 : i32
    %dma_wait3A_949 = tpu.memref_slice %arg4[%dma_wait3A_947, %dma_wait3A_948] : memref<16x1000000xf32, #tpu.memory_space<hbm>> -> memref<16x128xf32, #tpu.memory_space<hbm>>
    %dma_wait3A_950 = arith.constant 0 : i32
    %dma_wait3A_951 = arith.constant 0 : i32
    %dma_wait3A_952 = tpu.memref_slice %arg9[%dma_wait3A_939, %dma_wait3A_950, %dma_wait3A_951] : memref<3x128x128xf32, #tpu.memory_space<vmem>> -> memref<1x128x128xf32, #tpu.memory_space<vmem>>
    %dma_wait3A_953 = tpu.memref_squeeze %dma_wait3A_952 : memref<1x128x128xf32, #tpu.memory_space<vmem>> -> memref<128x128xf32, #tpu.memory_space<vmem>>
    %dma_wait3A_954 = arith.constant 80 : i32
    %dma_wait3A_955 = arith.constant 0 : i32
    %dma_wait3A_956 = tpu.memref_slice %dma_wait3A_953[%dma_wait3A_954, %dma_wait3A_955] : memref<128x128xf32, #tpu.memory_space<vmem>> -> memref<16x128xf32, #tpu.memory_space<vmem>>
    %dma_wait3A_957 = arith.constant 0 : i32
    %dma_wait3A_958 = arith.constant 0 : i32
    %dma_wait3A_959 = tpu.memref_slice %arg4[%dma_wait3A_957, %dma_wait3A_958] : memref<16x1000000xf32, #tpu.memory_space<hbm>> -> memref<16x128xf32, #tpu.memory_space<hbm>>
    tpu.wait_dma2 semaphore(%arg12 : memref<!tpu.dma_semaphore, #tpu.memory_space<semaphore_mem>>) src(%dma_wait3A_959 : memref<16x128xf32, #tpu.memory_space<hbm>>) dst(%dma_wait3A_956 : memref<16x128xf32, #tpu.memory_space<vmem>>)
    %dma_wait3A_960 = arith.constant 0 : i32
    %dma_wait3A_961 = arith.constant 0 : i32
    %dma_wait3A_962 = arith.constant 0 : i32
    %dma_wait3A_963 = tpu.memref_slice %arg10[%dma_wait3A_960, %dma_wait3A_961, %dma_wait3A_962] : memref<3x128x128xf32, #tpu.memory_space<vmem>> -> memref<1x128x128xf32, #tpu.memory_space<vmem>>
    %dma_wait3A_964 = tpu.memref_squeeze %dma_wait3A_963 : memref<1x128x128xf32, #tpu.memory_space<vmem>> -> memref<128x128xf32, #tpu.memory_space<vmem>>
    %dma_wait3A_965 = arith.constant 80 : i32
    %dma_wait3A_966 = arith.constant 0 : i32
    %dma_wait3A_967 = tpu.memref_slice %dma_wait3A_964[%dma_wait3A_965, %dma_wait3A_966] : memref<128x128xf32, #tpu.memory_space<vmem>> -> memref<16x128xf32, #tpu.memory_space<vmem>>
    %dma_wait3A_968 = arith.constant 0 : i32
    %dma_wait3A_969 = arith.constant 0 : i32
    %dma_wait3A_970 = tpu.memref_slice %arg4[%dma_wait3A_968, %dma_wait3A_969] : memref<16x1000000xf32, #tpu.memory_space<hbm>> -> memref<16x128xf32, #tpu.memory_space<hbm>>
    %dma_wait3A_971 = arith.constant 0 : i32
    %dma_wait3A_972 = arith.constant 0 : i32
    %dma_wait3A_973 = tpu.memref_slice %arg10[%dma_wait3A_960, %dma_wait3A_971, %dma_wait3A_972] : memref<3x128x128xf32, #tpu.memory_space<vmem>> -> memref<1x128x128xf32, #tpu.memory_space<vmem>>
    %dma_wait3A_974 = tpu.memref_squeeze %dma_wait3A_973 : memref<1x128x128xf32, #tpu.memory_space<vmem>> -> memref<128x128xf32, #tpu.memory_space<vmem>>
    %dma_wait3A_975 = arith.constant 80 : i32
    %dma_wait3A_976 = arith.constant 0 : i32
    %dma_wait3A_977 = tpu.memref_slice %dma_wait3A_974[%dma_wait3A_975, %dma_wait3A_976] : memref<128x128xf32, #tpu.memory_space<vmem>> -> memref<16x128xf32, #tpu.memory_space<vmem>>
    %dma_wait3A_978 = arith.constant 0 : i32
    %dma_wait3A_979 = arith.constant 0 : i32
    %dma_wait3A_980 = tpu.memref_slice %arg4[%dma_wait3A_978, %dma_wait3A_979] : memref<16x1000000xf32, #tpu.memory_space<hbm>> -> memref<16x128xf32, #tpu.memory_space<hbm>>
    tpu.wait_dma2 semaphore(%arg13 : memref<!tpu.dma_semaphore, #tpu.memory_space<semaphore_mem>>) src(%dma_wait3A_980 : memref<16x128xf32, #tpu.memory_space<hbm>>) dst(%dma_wait3A_977 : memref<16x128xf32, #tpu.memory_space<vmem>>)
    %dma_wait3A_981 = arith.constant 0 : i32
    %dma_wait3A_982 = arith.constant 0 : i32
    %dma_wait3A_983 = arith.constant 0 : i32
    %dma_wait3A_984 = tpu.memref_slice %arg9[%dma_wait3A_981, %dma_wait3A_982, %dma_wait3A_983] : memref<3x128x128xf32, #tpu.memory_space<vmem>> -> memref<1x128x128xf32, #tpu.memory_space<vmem>>
    %dma_wait3A_985 = tpu.memref_squeeze %dma_wait3A_984 : memref<1x128x128xf32, #tpu.memory_space<vmem>> -> memref<128x128xf32, #tpu.memory_space<vmem>>
    %dma_wait3A_986 = arith.constant 96 : i32
    %dma_wait3A_987 = arith.constant 0 : i32
    %dma_wait3A_988 = tpu.memref_slice %dma_wait3A_985[%dma_wait3A_986, %dma_wait3A_987] : memref<128x128xf32, #tpu.memory_space<vmem>> -> memref<16x128xf32, #tpu.memory_space<vmem>>
    %dma_wait3A_989 = arith.constant 0 : i32
    %dma_wait3A_990 = arith.constant 0 : i32
    %dma_wait3A_991 = tpu.memref_slice %arg4[%dma_wait3A_989, %dma_wait3A_990] : memref<16x1000000xf32, #tpu.memory_space<hbm>> -> memref<16x128xf32, #tpu.memory_space<hbm>>
    %dma_wait3A_992 = arith.constant 0 : i32
    %dma_wait3A_993 = arith.constant 0 : i32
    %dma_wait3A_994 = tpu.memref_slice %arg9[%dma_wait3A_981, %dma_wait3A_992, %dma_wait3A_993] : memref<3x128x128xf32, #tpu.memory_space<vmem>> -> memref<1x128x128xf32, #tpu.memory_space<vmem>>
    %dma_wait3A_995 = tpu.memref_squeeze %dma_wait3A_994 : memref<1x128x128xf32, #tpu.memory_space<vmem>> -> memref<128x128xf32, #tpu.memory_space<vmem>>
    %dma_wait3A_996 = arith.constant 96 : i32
    %dma_wait3A_997 = arith.constant 0 : i32
    %dma_wait3A_998 = tpu.memref_slice %dma_wait3A_995[%dma_wait3A_996, %dma_wait3A_997] : memref<128x128xf32, #tpu.memory_space<vmem>> -> memref<16x128xf32, #tpu.memory_space<vmem>>
    %dma_wait3A_999 = arith.constant 0 : i32
    %dma_wait3A_1000 = arith.constant 0 : i32
    %dma_wait3A_1001 = tpu.memref_slice %arg4[%dma_wait3A_999, %dma_wait3A_1000] : memref<16x1000000xf32, #tpu.memory_space<hbm>> -> memref<16x128xf32, #tpu.memory_space<hbm>>
    tpu.wait_dma2 semaphore(%arg12 : memref<!tpu.dma_semaphore, #tpu.memory_space<semaphore_mem>>) src(%dma_wait3A_1001 : memref<16x128xf32, #tpu.memory_space<hbm>>) dst(%dma_wait3A_998 : memref<16x128xf32, #tpu.memory_space<vmem>>)
    %dma_wait3A_1002 = arith.constant 0 : i32
    %dma_wait3A_1003 = arith.constant 0 : i32
    %dma_wait3A_1004 = arith.constant 0 : i32
    %dma_wait3A_1005 = tpu.memref_slice %arg10[%dma_wait3A_1002, %dma_wait3A_1003, %dma_wait3A_1004] : memref<3x128x128xf32, #tpu.memory_space<vmem>> -> memref<1x128x128xf32, #tpu.memory_space<vmem>>
    %dma_wait3A_1006 = tpu.memref_squeeze %dma_wait3A_1005 : memref<1x128x128xf32, #tpu.memory_space<vmem>> -> memref<128x128xf32, #tpu.memory_space<vmem>>
    %dma_wait3A_1007 = arith.constant 96 : i32
    %dma_wait3A_1008 = arith.constant 0 : i32
    %dma_wait3A_1009 = tpu.memref_slice %dma_wait3A_1006[%dma_wait3A_1007, %dma_wait3A_1008] : memref<128x128xf32, #tpu.memory_space<vmem>> -> memref<16x128xf32, #tpu.memory_space<vmem>>
    %dma_wait3A_1010 = arith.constant 0 : i32
    %dma_wait3A_1011 = arith.constant 0 : i32
    %dma_wait3A_1012 = tpu.memref_slice %arg4[%dma_wait3A_1010, %dma_wait3A_1011] : memref<16x1000000xf32, #tpu.memory_space<hbm>> -> memref<16x128xf32, #tpu.memory_space<hbm>>
    %dma_wait3A_1013 = arith.constant 0 : i32
    %dma_wait3A_1014 = arith.constant 0 : i32
    %dma_wait3A_1015 = tpu.memref_slice %arg10[%dma_wait3A_1002, %dma_wait3A_1013, %dma_wait3A_1014] : memref<3x128x128xf32, #tpu.memory_space<vmem>> -> memref<1x128x128xf32, #tpu.memory_space<vmem>>
    %dma_wait3A_1016 = tpu.memref_squeeze %dma_wait3A_1015 : memref<1x128x128xf32, #tpu.memory_space<vmem>> -> memref<128x128xf32, #tpu.memory_space<vmem>>
    %dma_wait3A_1017 = arith.constant 96 : i32
    %dma_wait3A_1018 = arith.constant 0 : i32
    %dma_wait3A_1019 = tpu.memref_slice %dma_wait3A_1016[%dma_wait3A_1017, %dma_wait3A_1018] : memref<128x128xf32, #tpu.memory_space<vmem>> -> memref<16x128xf32, #tpu.memory_space<vmem>>
    %dma_wait3A_1020 = arith.constant 0 : i32
    %dma_wait3A_1021 = arith.constant 0 : i32
    %dma_wait3A_1022 = tpu.memref_slice %arg4[%dma_wait3A_1020, %dma_wait3A_1021] : memref<16x1000000xf32, #tpu.memory_space<hbm>> -> memref<16x128xf32, #tpu.memory_space<hbm>>
    tpu.wait_dma2 semaphore(%arg13 : memref<!tpu.dma_semaphore, #tpu.memory_space<semaphore_mem>>) src(%dma_wait3A_1022 : memref<16x128xf32, #tpu.memory_space<hbm>>) dst(%dma_wait3A_1019 : memref<16x128xf32, #tpu.memory_space<vmem>>)
    %dma_wait3A_1023 = arith.constant 0 : i32
    %dma_wait3A_1024 = arith.constant 0 : i32
    %dma_wait3A_1025 = arith.constant 0 : i32
    %dma_wait3A_1026 = tpu.memref_slice %arg9[%dma_wait3A_1023, %dma_wait3A_1024, %dma_wait3A_1025] : memref<3x128x128xf32, #tpu.memory_space<vmem>> -> memref<1x128x128xf32, #tpu.memory_space<vmem>>
    %dma_wait3A_1027 = tpu.memref_squeeze %dma_wait3A_1026 : memref<1x128x128xf32, #tpu.memory_space<vmem>> -> memref<128x128xf32, #tpu.memory_space<vmem>>
    %dma_wait3A_1028 = arith.constant 112 : i32
    %dma_wait3A_1029 = arith.constant 0 : i32
    %dma_wait3A_1030 = tpu.memref_slice %dma_wait3A_1027[%dma_wait3A_1028, %dma_wait3A_1029] : memref<128x128xf32, #tpu.memory_space<vmem>> -> memref<16x128xf32, #tpu.memory_space<vmem>>
    %dma_wait3A_1031 = arith.constant 0 : i32
    %dma_wait3A_1032 = arith.constant 0 : i32
    %dma_wait3A_1033 = tpu.memref_slice %arg4[%dma_wait3A_1031, %dma_wait3A_1032] : memref<16x1000000xf32, #tpu.memory_space<hbm>> -> memref<16x128xf32, #tpu.memory_space<hbm>>
    %dma_wait3A_1034 = arith.constant 0 : i32
    %dma_wait3A_1035 = arith.constant 0 : i32
    %dma_wait3A_1036 = tpu.memref_slice %arg9[%dma_wait3A_1023, %dma_wait3A_1034, %dma_wait3A_1035] : memref<3x128x128xf32, #tpu.memory_space<vmem>> -> memref<1x128x128xf32, #tpu.memory_space<vmem>>
    %dma_wait3A_1037 = tpu.memref_squeeze %dma_wait3A_1036 : memref<1x128x128xf32, #tpu.memory_space<vmem>> -> memref<128x128xf32, #tpu.memory_space<vmem>>
    %dma_wait3A_1038 = arith.constant 112 : i32
    %dma_wait3A_1039 = arith.constant 0 : i32
    %dma_wait3A_1040 = tpu.memref_slice %dma_wait3A_1037[%dma_wait3A_1038, %dma_wait3A_1039] : memref<128x128xf32, #tpu.memory_space<vmem>> -> memref<16x128xf32, #tpu.memory_space<vmem>>
    %dma_wait3A_1041 = arith.constant 0 : i32
    %dma_wait3A_1042 = arith.constant 0 : i32
    %dma_wait3A_1043 = tpu.memref_slice %arg4[%dma_wait3A_1041, %dma_wait3A_1042] : memref<16x1000000xf32, #tpu.memory_space<hbm>> -> memref<16x128xf32, #tpu.memory_space<hbm>>
    tpu.wait_dma2 semaphore(%arg12 : memref<!tpu.dma_semaphore, #tpu.memory_space<semaphore_mem>>) src(%dma_wait3A_1043 : memref<16x128xf32, #tpu.memory_space<hbm>>) dst(%dma_wait3A_1040 : memref<16x128xf32, #tpu.memory_space<vmem>>)
    %dma_wait3A_1044 = arith.constant 0 : i32
    %dma_wait3A_1045 = arith.constant 0 : i32
    %dma_wait3A_1046 = arith.constant 0 : i32
    %dma_wait3A_1047 = tpu.memref_slice %arg10[%dma_wait3A_1044, %dma_wait3A_1045, %dma_wait3A_1046] : memref<3x128x128xf32, #tpu.memory_space<vmem>> -> memref<1x128x128xf32, #tpu.memory_space<vmem>>
    %dma_wait3A_1048 = tpu.memref_squeeze %dma_wait3A_1047 : memref<1x128x128xf32, #tpu.memory_space<vmem>> -> memref<128x128xf32, #tpu.memory_space<vmem>>
    %dma_wait3A_1049 = arith.constant 112 : i32
    %dma_wait3A_1050 = arith.constant 0 : i32
    %dma_wait3A_1051 = tpu.memref_slice %dma_wait3A_1048[%dma_wait3A_1049, %dma_wait3A_1050] : memref<128x128xf32, #tpu.memory_space<vmem>> -> memref<16x128xf32, #tpu.memory_space<vmem>>
    %dma_wait3A_1052 = arith.constant 0 : i32
    %dma_wait3A_1053 = arith.constant 0 : i32
    %dma_wait3A_1054 = tpu.memref_slice %arg4[%dma_wait3A_1052, %dma_wait3A_1053] : memref<16x1000000xf32, #tpu.memory_space<hbm>> -> memref<16x128xf32, #tpu.memory_space<hbm>>
    %dma_wait3A_1055 = arith.constant 0 : i32
    %dma_wait3A_1056 = arith.constant 0 : i32
    %dma_wait3A_1057 = tpu.memref_slice %arg10[%dma_wait3A_1044, %dma_wait3A_1055, %dma_wait3A_1056] : memref<3x128x128xf32, #tpu.memory_space<vmem>> -> memref<1x128x128xf32, #tpu.memory_space<vmem>>
    %dma_wait3A_1058 = tpu.memref_squeeze %dma_wait3A_1057 : memref<1x128x128xf32, #tpu.memory_space<vmem>> -> memref<128x128xf32, #tpu.memory_space<vmem>>
    %dma_wait3A_1059 = arith.constant 112 : i32
    %dma_wait3A_1060 = arith.constant 0 : i32
    %dma_wait3A_1061 = tpu.memref_slice %dma_wait3A_1058[%dma_wait3A_1059, %dma_wait3A_1060] : memref<128x128xf32, #tpu.memory_space<vmem>> -> memref<16x128xf32, #tpu.memory_space<vmem>>
    %dma_wait3A_1062 = arith.constant 0 : i32
    %dma_wait3A_1063 = arith.constant 0 : i32
    %dma_wait3A_1064 = tpu.memref_slice %arg4[%dma_wait3A_1062, %dma_wait3A_1063] : memref<16x1000000xf32, #tpu.memory_space<hbm>> -> memref<16x128xf32, #tpu.memory_space<hbm>>
    tpu.wait_dma2 semaphore(%arg13 : memref<!tpu.dma_semaphore, #tpu.memory_space<semaphore_mem>>) src(%dma_wait3A_1064 : memref<16x128xf32, #tpu.memory_space<hbm>>) dst(%dma_wait3A_1061 : memref<16x128xf32, #tpu.memory_space<vmem>>)
    %broadcast_in_dim3A = arith.constant 504 : i32
    %broadcast_in_dim3A_1065 = vector.broadcast %broadcast_in_dim3A : i32 to vector<16xi32>
    %add3A_1066 = arith.addi %broadcast_in_dim3A_1065, %and3A_4 : vector<16xi32>
    %gather3A = tpu.vector_load_idx %arg7[%add3A_1066] : memref<528xi32, #tpu.memory_space<vmem>>[vector<16xi32>], vector<16xi32>,
    %and3A_1067 = arith.constant 127 : i32
    %and3A_1068 = vector.broadcast %and3A_1067 : i32 to vector<16xi32>
    %and3A_1069 = arith.andi %gather3A, %and3A_1068 : vector<16xi32>
    %gather3A_1070 = tpu.vector_load_idx %arg8[%add3A_1066] : memref<528xi32, #tpu.memory_space<vmem>>[vector<16xi32>], vector<16xi32>,
    %and3A_1071 = arith.constant 127 : i32
    %and3A_1072 = vector.broadcast %and3A_1071 : i32 to vector<16xi32>
    %and3A_1073 = arith.andi %gather3A_1070, %and3A_1072 : vector<16xi32>
    %mul3A_1074 = arith.constant 16 : i32
    %mul3A_1075 = vector.broadcast %mul3A_1074 : i32 to vector<16xi32>
    %mul3A_1076 = arith.muli %and3A_4, %mul3A_1075 : vector<16xi32>
    %add3A_1077 = arith.addi %mul3A_1076, %shift_right_arithmetic3A_6 : vector<16xi32>
    %add3A_1078 = arith.constant 0 : i32
    %add3A_1079 = vector.broadcast %add3A_1078 : i32 to vector<16xi32>
    %add3A_1080 = arith.addi %add3A_1077, %add3A_1079 : vector<16xi32>
    %gather3A_1081 = arith.constant 0 : i32
    %gather3A_1082 = arith.constant 0 : i32
    %gather3A_1083 = arith.constant 0 : i32
    %gather3A_1084 = tpu.memref_slice %arg9[%gather3A_1081, %gather3A_1082, %gather3A_1083] : memref<3x128x128xf32, #tpu.memory_space<vmem>> -> memref<1x128x128xf32, #tpu.memory_space<vmem>>
    %gather3A_1085 = tpu.memref_squeeze %gather3A_1084 : memref<1x128x128xf32, #tpu.memory_space<vmem>> -> memref<128x128xf32, #tpu.memory_space<vmem>>
    %gather3A_1086 = tpu.vector_load_idx %gather3A_1085[%add3A_1080, %and3A_1069] : memref<128x128xf32, #tpu.memory_space<vmem>>[vector<16xi32>, vector<16xi32>], vector<16xf32>,
    %gather3A_1087 = arith.constant 0 : i32
    %gather3A_1088 = arith.constant 0 : i32
    %gather3A_1089 = arith.constant 0 : i32
    %gather3A_1090 = tpu.memref_slice %arg10[%gather3A_1087, %gather3A_1088, %gather3A_1089] : memref<3x128x128xf32, #tpu.memory_space<vmem>> -> memref<1x128x128xf32, #tpu.memory_space<vmem>>
    %gather3A_1091 = tpu.memref_squeeze %gather3A_1090 : memref<1x128x128xf32, #tpu.memory_space<vmem>> -> memref<128x128xf32, #tpu.memory_space<vmem>>
    %gather3A_1092 = tpu.vector_load_idx %gather3A_1091[%add3A_1080, %and3A_1073] : memref<128x128xf32, #tpu.memory_space<vmem>>[vector<16xi32>, vector<16xi32>], vector<16xf32>,
    %add3A_1093 = arith.constant 0 : i32
    %add3A_1094 = vector.broadcast %add3A_1093 : i32 to vector<16xi32>
    %add3A_1095 = arith.addi %shift_right_arithmetic3A_6, %add3A_1094 : vector<16xi32>
    %mul3A_1096 = arith.mulf %gather3A_1086, %gather3A_1092 : vector<16xf32>
    tpu.vector_store_idx %arg11[%add3A_1095, %add3A_1066], %mul3A_1096 : memref<16x512xf32, #tpu.memory_space<vmem>>[vector<16xi32>, vector<16xi32>], vector<16xf32>,
    %mul3A_1097 = arith.constant 16 : i32
    %mul3A_1098 = vector.broadcast %mul3A_1097 : i32 to vector<16xi32>
    %mul3A_1099 = arith.muli %and3A_4, %mul3A_1098 : vector<16xi32>
    %add3A_1100 = arith.addi %mul3A_1099, %shift_right_arithmetic3A_6 : vector<16xi32>
    %add3A_1101 = arith.constant 2 : i32
    %add3A_1102 = vector.broadcast %add3A_1101 : i32 to vector<16xi32>
    %add3A_1103 = arith.addi %add3A_1100, %add3A_1102 : vector<16xi32>
    %gather3A_1104 = arith.constant 0 : i32
    %gather3A_1105 = arith.constant 0 : i32
    %gather3A_1106 = arith.constant 0 : i32
    %gather3A_1107 = tpu.memref_slice %arg9[%gather3A_1104, %gather3A_1105, %gather3A_1106] : memref<3x128x128xf32, #tpu.memory_space<vmem>> -> memref<1x128x128xf32, #tpu.memory_space<vmem>>
    %gather3A_1108 = tpu.memref_squeeze %gather3A_1107 : memref<1x128x128xf32, #tpu.memory_space<vmem>> -> memref<128x128xf32, #tpu.memory_space<vmem>>
    %gather3A_1109 = tpu.vector_load_idx %gather3A_1108[%add3A_1103, %and3A_1069] : memref<128x128xf32, #tpu.memory_space<vmem>>[vector<16xi32>, vector<16xi32>], vector<16xf32>,
    %gather3A_1110 = arith.constant 0 : i32
    %gather3A_1111 = arith.constant 0 : i32
    %gather3A_1112 = arith.constant 0 : i32
    %gather3A_1113 = tpu.memref_slice %arg10[%gather3A_1110, %gather3A_1111, %gather3A_1112] : memref<3x128x128xf32, #tpu.memory_space<vmem>> -> memref<1x128x128xf32, #tpu.memory_space<vmem>>
    %gather3A_1114 = tpu.memref_squeeze %gather3A_1113 : memref<1x128x128xf32, #tpu.memory_space<vmem>> -> memref<128x128xf32, #tpu.memory_space<vmem>>
    %gather3A_1115 = tpu.vector_load_idx %gather3A_1114[%add3A_1103, %and3A_1073] : memref<128x128xf32, #tpu.memory_space<vmem>>[vector<16xi32>, vector<16xi32>], vector<16xf32>,
    %add3A_1116 = arith.constant 2 : i32
    %add3A_1117 = vector.broadcast %add3A_1116 : i32 to vector<16xi32>
    %add3A_1118 = arith.addi %shift_right_arithmetic3A_6, %add3A_1117 : vector<16xi32>
    %mul3A_1119 = arith.mulf %gather3A_1109, %gather3A_1115 : vector<16xf32>
    tpu.vector_store_idx %arg11[%add3A_1118, %add3A_1066], %mul3A_1119 : memref<16x512xf32, #tpu.memory_space<vmem>>[vector<16xi32>, vector<16xi32>], vector<16xf32>,
    %mul3A_1120 = arith.constant 16 : i32
    %mul3A_1121 = vector.broadcast %mul3A_1120 : i32 to vector<16xi32>
    %mul3A_1122 = arith.muli %and3A_4, %mul3A_1121 : vector<16xi32>
    %add3A_1123 = arith.addi %mul3A_1122, %shift_right_arithmetic3A_6 : vector<16xi32>
    %add3A_1124 = arith.constant 4 : i32
    %add3A_1125 = vector.broadcast %add3A_1124 : i32 to vector<16xi32>
    %add3A_1126 = arith.addi %add3A_1123, %add3A_1125 : vector<16xi32>
    %gather3A_1127 = arith.constant 0 : i32
    %gather3A_1128 = arith.constant 0 : i32
    %gather3A_1129 = arith.constant 0 : i32
    %gather3A_1130 = tpu.memref_slice %arg9[%gather3A_1127, %gather3A_1128, %gather3A_1129] : memref<3x128x128xf32, #tpu.memory_space<vmem>> -> memref<1x128x128xf32, #tpu.memory_space<vmem>>
    %gather3A_1131 = tpu.memref_squeeze %gather3A_1130 : memref<1x128x128xf32, #tpu.memory_space<vmem>> -> memref<128x128xf32, #tpu.memory_space<vmem>>
    %gather3A_1132 = tpu.vector_load_idx %gather3A_1131[%add3A_1126, %and3A_1069] : memref<128x128xf32, #tpu.memory_space<vmem>>[vector<16xi32>, vector<16xi32>], vector<16xf32>,
    %gather3A_1133 = arith.constant 0 : i32
    %gather3A_1134 = arith.constant 0 : i32
    %gather3A_1135 = arith.constant 0 : i32
    %gather3A_1136 = tpu.memref_slice %arg10[%gather3A_1133, %gather3A_1134, %gather3A_1135] : memref<3x128x128xf32, #tpu.memory_space<vmem>> -> memref<1x128x128xf32, #tpu.memory_space<vmem>>
    %gather3A_1137 = tpu.memref_squeeze %gather3A_1136 : memref<1x128x128xf32, #tpu.memory_space<vmem>> -> memref<128x128xf32, #tpu.memory_space<vmem>>
    %gather3A_1138 = tpu.vector_load_idx %gather3A_1137[%add3A_1126, %and3A_1073] : memref<128x128xf32, #tpu.memory_space<vmem>>[vector<16xi32>, vector<16xi32>], vector<16xf32>,
    %add3A_1139 = arith.constant 4 : i32
    %add3A_1140 = vector.broadcast %add3A_1139 : i32 to vector<16xi32>
    %add3A_1141 = arith.addi %shift_right_arithmetic3A_6, %add3A_1140 : vector<16xi32>
    %mul3A_1142 = arith.mulf %gather3A_1132, %gather3A_1138 : vector<16xf32>
    tpu.vector_store_idx %arg11[%add3A_1141, %add3A_1066], %mul3A_1142 : memref<16x512xf32, #tpu.memory_space<vmem>>[vector<16xi32>, vector<16xi32>], vector<16xf32>,
    %mul3A_1143 = arith.constant 16 : i32
    %mul3A_1144 = vector.broadcast %mul3A_1143 : i32 to vector<16xi32>
    %mul3A_1145 = arith.muli %and3A_4, %mul3A_1144 : vector<16xi32>
    %add3A_1146 = arith.addi %mul3A_1145, %shift_right_arithmetic3A_6 : vector<16xi32>
    %add3A_1147 = arith.constant 6 : i32
    %add3A_1148 = vector.broadcast %add3A_1147 : i32 to vector<16xi32>
    %add3A_1149 = arith.addi %add3A_1146, %add3A_1148 : vector<16xi32>
    %gather3A_1150 = arith.constant 0 : i32
    %gather3A_1151 = arith.constant 0 : i32
    %gather3A_1152 = arith.constant 0 : i32
    %gather3A_1153 = tpu.memref_slice %arg9[%gather3A_1150, %gather3A_1151, %gather3A_1152] : memref<3x128x128xf32, #tpu.memory_space<vmem>> -> memref<1x128x128xf32, #tpu.memory_space<vmem>>
    %gather3A_1154 = tpu.memref_squeeze %gather3A_1153 : memref<1x128x128xf32, #tpu.memory_space<vmem>> -> memref<128x128xf32, #tpu.memory_space<vmem>>
    %gather3A_1155 = tpu.vector_load_idx %gather3A_1154[%add3A_1149, %and3A_1069] : memref<128x128xf32, #tpu.memory_space<vmem>>[vector<16xi32>, vector<16xi32>], vector<16xf32>,
    %gather3A_1156 = arith.constant 0 : i32
    %gather3A_1157 = arith.constant 0 : i32
    %gather3A_1158 = arith.constant 0 : i32
    %gather3A_1159 = tpu.memref_slice %arg10[%gather3A_1156, %gather3A_1157, %gather3A_1158] : memref<3x128x128xf32, #tpu.memory_space<vmem>> -> memref<1x128x128xf32, #tpu.memory_space<vmem>>
    %gather3A_1160 = tpu.memref_squeeze %gather3A_1159 : memref<1x128x128xf32, #tpu.memory_space<vmem>> -> memref<128x128xf32, #tpu.memory_space<vmem>>
    %gather3A_1161 = tpu.vector_load_idx %gather3A_1160[%add3A_1149, %and3A_1073] : memref<128x128xf32, #tpu.memory_space<vmem>>[vector<16xi32>, vector<16xi32>], vector<16xf32>,
    %add3A_1162 = arith.constant 6 : i32
    %add3A_1163 = vector.broadcast %add3A_1162 : i32 to vector<16xi32>
    %add3A_1164 = arith.addi %shift_right_arithmetic3A_6, %add3A_1163 : vector<16xi32>
    %mul3A_1165 = arith.mulf %gather3A_1155, %gather3A_1161 : vector<16xf32>
    tpu.vector_store_idx %arg11[%add3A_1164, %add3A_1066], %mul3A_1165 : memref<16x512xf32, #tpu.memory_space<vmem>>[vector<16xi32>, vector<16xi32>], vector<16xf32>,
    %mul3A_1166 = arith.constant 16 : i32
    %mul3A_1167 = vector.broadcast %mul3A_1166 : i32 to vector<16xi32>
    %mul3A_1168 = arith.muli %and3A_4, %mul3A_1167 : vector<16xi32>
    %add3A_1169 = arith.addi %mul3A_1168, %shift_right_arithmetic3A_6 : vector<16xi32>
    %add3A_1170 = arith.constant 8 : i32
    %add3A_1171 = vector.broadcast %add3A_1170 : i32 to vector<16xi32>
    %add3A_1172 = arith.addi %add3A_1169, %add3A_1171 : vector<16xi32>
    %gather3A_1173 = arith.constant 0 : i32
    %gather3A_1174 = arith.constant 0 : i32
    %gather3A_1175 = arith.constant 0 : i32
    %gather3A_1176 = tpu.memref_slice %arg9[%gather3A_1173, %gather3A_1174, %gather3A_1175] : memref<3x128x128xf32, #tpu.memory_space<vmem>> -> memref<1x128x128xf32, #tpu.memory_space<vmem>>
    %gather3A_1177 = tpu.memref_squeeze %gather3A_1176 : memref<1x128x128xf32, #tpu.memory_space<vmem>> -> memref<128x128xf32, #tpu.memory_space<vmem>>
    %gather3A_1178 = tpu.vector_load_idx %gather3A_1177[%add3A_1172, %and3A_1069] : memref<128x128xf32, #tpu.memory_space<vmem>>[vector<16xi32>, vector<16xi32>], vector<16xf32>,
    %gather3A_1179 = arith.constant 0 : i32
    %gather3A_1180 = arith.constant 0 : i32
    %gather3A_1181 = arith.constant 0 : i32
    %gather3A_1182 = tpu.memref_slice %arg10[%gather3A_1179, %gather3A_1180, %gather3A_1181] : memref<3x128x128xf32, #tpu.memory_space<vmem>> -> memref<1x128x128xf32, #tpu.memory_space<vmem>>
    %gather3A_1183 = tpu.memref_squeeze %gather3A_1182 : memref<1x128x128xf32, #tpu.memory_space<vmem>> -> memref<128x128xf32, #tpu.memory_space<vmem>>
    %gather3A_1184 = tpu.vector_load_idx %gather3A_1183[%add3A_1172, %and3A_1073] : memref<128x128xf32, #tpu.memory_space<vmem>>[vector<16xi32>, vector<16xi32>], vector<16xf32>,
    %add3A_1185 = arith.constant 8 : i32
    %add3A_1186 = vector.broadcast %add3A_1185 : i32 to vector<16xi32>
    %add3A_1187 = arith.addi %shift_right_arithmetic3A_6, %add3A_1186 : vector<16xi32>
    %mul3A_1188 = arith.mulf %gather3A_1178, %gather3A_1184 : vector<16xf32>
    tpu.vector_store_idx %arg11[%add3A_1187, %add3A_1066], %mul3A_1188 : memref<16x512xf32, #tpu.memory_space<vmem>>[vector<16xi32>, vector<16xi32>], vector<16xf32>,
    %mul3A_1189 = arith.constant 16 : i32
    %mul3A_1190 = vector.broadcast %mul3A_1189 : i32 to vector<16xi32>
    %mul3A_1191 = arith.muli %and3A_4, %mul3A_1190 : vector<16xi32>
    %add3A_1192 = arith.addi %mul3A_1191, %shift_right_arithmetic3A_6 : vector<16xi32>
    %add3A_1193 = arith.constant 10 : i32
    %add3A_1194 = vector.broadcast %add3A_1193 : i32 to vector<16xi32>
    %add3A_1195 = arith.addi %add3A_1192, %add3A_1194 : vector<16xi32>
    %gather3A_1196 = arith.constant 0 : i32
    %gather3A_1197 = arith.constant 0 : i32
    %gather3A_1198 = arith.constant 0 : i32
    %gather3A_1199 = tpu.memref_slice %arg9[%gather3A_1196, %gather3A_1197, %gather3A_1198] : memref<3x128x128xf32, #tpu.memory_space<vmem>> -> memref<1x128x128xf32, #tpu.memory_space<vmem>>
    %gather3A_1200 = tpu.memref_squeeze %gather3A_1199 : memref<1x128x128xf32, #tpu.memory_space<vmem>> -> memref<128x128xf32, #tpu.memory_space<vmem>>
    %gather3A_1201 = tpu.vector_load_idx %gather3A_1200[%add3A_1195, %and3A_1069] : memref<128x128xf32, #tpu.memory_space<vmem>>[vector<16xi32>, vector<16xi32>], vector<16xf32>,
    %gather3A_1202 = arith.constant 0 : i32
    %gather3A_1203 = arith.constant 0 : i32
    %gather3A_1204 = arith.constant 0 : i32
    %gather3A_1205 = tpu.memref_slice %arg10[%gather3A_1202, %gather3A_1203, %gather3A_1204] : memref<3x128x128xf32, #tpu.memory_space<vmem>> -> memref<1x128x128xf32, #tpu.memory_space<vmem>>
    %gather3A_1206 = tpu.memref_squeeze %gather3A_1205 : memref<1x128x128xf32, #tpu.memory_space<vmem>> -> memref<128x128xf32, #tpu.memory_space<vmem>>
    %gather3A_1207 = tpu.vector_load_idx %gather3A_1206[%add3A_1195, %and3A_1073] : memref<128x128xf32, #tpu.memory_space<vmem>>[vector<16xi32>, vector<16xi32>], vector<16xf32>,
    %add3A_1208 = arith.constant 10 : i32
    %add3A_1209 = vector.broadcast %add3A_1208 : i32 to vector<16xi32>
    %add3A_1210 = arith.addi %shift_right_arithmetic3A_6, %add3A_1209 : vector<16xi32>
    %mul3A_1211 = arith.mulf %gather3A_1201, %gather3A_1207 : vector<16xf32>
    tpu.vector_store_idx %arg11[%add3A_1210, %add3A_1066], %mul3A_1211 : memref<16x512xf32, #tpu.memory_space<vmem>>[vector<16xi32>, vector<16xi32>], vector<16xf32>,
    %mul3A_1212 = arith.constant 16 : i32
    %mul3A_1213 = vector.broadcast %mul3A_1212 : i32 to vector<16xi32>
    %mul3A_1214 = arith.muli %and3A_4, %mul3A_1213 : vector<16xi32>
    %add3A_1215 = arith.addi %mul3A_1214, %shift_right_arithmetic3A_6 : vector<16xi32>
    %add3A_1216 = arith.constant 12 : i32
    %add3A_1217 = vector.broadcast %add3A_1216 : i32 to vector<16xi32>
    %add3A_1218 = arith.addi %add3A_1215, %add3A_1217 : vector<16xi32>
    %gather3A_1219 = arith.constant 0 : i32
    %gather3A_1220 = arith.constant 0 : i32
    %gather3A_1221 = arith.constant 0 : i32
    %gather3A_1222 = tpu.memref_slice %arg9[%gather3A_1219, %gather3A_1220, %gather3A_1221] : memref<3x128x128xf32, #tpu.memory_space<vmem>> -> memref<1x128x128xf32, #tpu.memory_space<vmem>>
    %gather3A_1223 = tpu.memref_squeeze %gather3A_1222 : memref<1x128x128xf32, #tpu.memory_space<vmem>> -> memref<128x128xf32, #tpu.memory_space<vmem>>
    %gather3A_1224 = tpu.vector_load_idx %gather3A_1223[%add3A_1218, %and3A_1069] : memref<128x128xf32, #tpu.memory_space<vmem>>[vector<16xi32>, vector<16xi32>], vector<16xf32>,
    %gather3A_1225 = arith.constant 0 : i32
    %gather3A_1226 = arith.constant 0 : i32
    %gather3A_1227 = arith.constant 0 : i32
    %gather3A_1228 = tpu.memref_slice %arg10[%gather3A_1225, %gather3A_1226, %gather3A_1227] : memref<3x128x128xf32, #tpu.memory_space<vmem>> -> memref<1x128x128xf32, #tpu.memory_space<vmem>>
    %gather3A_1229 = tpu.memref_squeeze %gather3A_1228 : memref<1x128x128xf32, #tpu.memory_space<vmem>> -> memref<128x128xf32, #tpu.memory_space<vmem>>
    %gather3A_1230 = tpu.vector_load_idx %gather3A_1229[%add3A_1218, %and3A_1073] : memref<128x128xf32, #tpu.memory_space<vmem>>[vector<16xi32>, vector<16xi32>], vector<16xf32>,
    %add3A_1231 = arith.constant 12 : i32
    %add3A_1232 = vector.broadcast %add3A_1231 : i32 to vector<16xi32>
    %add3A_1233 = arith.addi %shift_right_arithmetic3A_6, %add3A_1232 : vector<16xi32>
    %mul3A_1234 = arith.mulf %gather3A_1224, %gather3A_1230 : vector<16xf32>
    tpu.vector_store_idx %arg11[%add3A_1233, %add3A_1066], %mul3A_1234 : memref<16x512xf32, #tpu.memory_space<vmem>>[vector<16xi32>, vector<16xi32>], vector<16xf32>,
    %mul3A_1235 = arith.constant 16 : i32
    %mul3A_1236 = vector.broadcast %mul3A_1235 : i32 to vector<16xi32>
    %mul3A_1237 = arith.muli %and3A_4, %mul3A_1236 : vector<16xi32>
    %add3A_1238 = arith.addi %mul3A_1237, %shift_right_arithmetic3A_6 : vector<16xi32>
    %add3A_1239 = arith.constant 14 : i32
    %add3A_1240 = vector.broadcast %add3A_1239 : i32 to vector<16xi32>
    %add3A_1241 = arith.addi %add3A_1238, %add3A_1240 : vector<16xi32>
    %gather3A_1242 = arith.constant 0 : i32
    %gather3A_1243 = arith.constant 0 : i32
    %gather3A_1244 = arith.constant 0 : i32
    %gather3A_1245 = tpu.memref_slice %arg9[%gather3A_1242, %gather3A_1243, %gather3A_1244] : memref<3x128x128xf32, #tpu.memory_space<vmem>> -> memref<1x128x128xf32, #tpu.memory_space<vmem>>
    %gather3A_1246 = tpu.memref_squeeze %gather3A_1245 : memref<1x128x128xf32, #tpu.memory_space<vmem>> -> memref<128x128xf32, #tpu.memory_space<vmem>>
    %gather3A_1247 = tpu.vector_load_idx %gather3A_1246[%add3A_1241, %and3A_1069] : memref<128x128xf32, #tpu.memory_space<vmem>>[vector<16xi32>, vector<16xi32>], vector<16xf32>,
    %gather3A_1248 = arith.constant 0 : i32
    %gather3A_1249 = arith.constant 0 : i32
    %gather3A_1250 = arith.constant 0 : i32
    %gather3A_1251 = tpu.memref_slice %arg10[%gather3A_1248, %gather3A_1249, %gather3A_1250] : memref<3x128x128xf32, #tpu.memory_space<vmem>> -> memref<1x128x128xf32, #tpu.memory_space<vmem>>
    %gather3A_1252 = tpu.memref_squeeze %gather3A_1251 : memref<1x128x128xf32, #tpu.memory_space<vmem>> -> memref<128x128xf32, #tpu.memory_space<vmem>>
    %gather3A_1253 = tpu.vector_load_idx %gather3A_1252[%add3A_1241, %and3A_1073] : memref<128x128xf32, #tpu.memory_space<vmem>>[vector<16xi32>, vector<16xi32>], vector<16xf32>,
    %add3A_1254 = arith.constant 14 : i32
    %add3A_1255 = vector.broadcast %add3A_1254 : i32 to vector<16xi32>
    %add3A_1256 = arith.addi %shift_right_arithmetic3A_6, %add3A_1255 : vector<16xi32>
    %mul3A_1257 = arith.mulf %gather3A_1247, %gather3A_1253 : vector<16xf32>
    tpu.vector_store_idx %arg11[%add3A_1256, %add3A_1066], %mul3A_1257 : memref<16x512xf32, #tpu.memory_space<vmem>>[vector<16xi32>, vector<16xi32>], vector<16xf32>,
    "tpu.region"() ({
      %run_scoped3A = tpu.sem_alloc : memref<!tpu.dma_semaphore, #tpu.memory_space<semaphore_mem>>
      %dma_start3A_1258 = arith.constant 0 : i32
      %dma_start3A_1259 = tpu.memref_slice %arg6[%dma_start3A_1258, %mul3A_2] : memref<16x16384xf32, #tpu.memory_space<hbm>> -> memref<16x512xf32, #tpu.memory_space<hbm>>
      %dma_start3A_1260 = arith.constant 0 : i32
      %dma_start3A_1261 = tpu.memref_slice %arg6[%dma_start3A_1260, %mul3A_2] : memref<16x16384xf32, #tpu.memory_space<hbm>> -> memref<16x512xf32, #tpu.memory_space<hbm>>
      tpu.enqueue_dma source(%arg11 : memref<16x512xf32, #tpu.memory_space<vmem>>) target(%dma_start3A_1261 : memref<16x512xf32, #tpu.memory_space<hbm>>) target_semaphore(%run_scoped3A : memref<!tpu.dma_semaphore, #tpu.memory_space<semaphore_mem>>)
      %dma_wait3A_1262 = arith.constant 0 : i32
      %dma_wait3A_1263 = tpu.memref_slice %arg6[%dma_wait3A_1262, %mul3A_2] : memref<16x16384xf32, #tpu.memory_space<hbm>> -> memref<16x512xf32, #tpu.memory_space<hbm>>
      %dma_wait3A_1264 = arith.constant 0 : i32
      %dma_wait3A_1265 = tpu.memref_slice %arg6[%dma_wait3A_1264, %mul3A_2] : memref<16x16384xf32, #tpu.memory_space<hbm>> -> memref<16x512xf32, #tpu.memory_space<hbm>>
      tpu.wait_dma2 semaphore(%run_scoped3A : memref<!tpu.dma_semaphore, #tpu.memory_space<semaphore_mem>>) src(%arg11 : memref<16x512xf32, #tpu.memory_space<vmem>>) dst(%dma_wait3A_1265 : memref<16x512xf32, #tpu.memory_space<hbm>>)
      tpu.yield
    }) : () -> ()
    return
  }
}

</mosaic_0001>

<sc_bundles>
// kernel: kernel.3.cloned.1.call-start
scs
__scs_entry_jumppad:
0x0: {  	(pc) =	sbr.rel $0x88, $3  }
0x1: {  	(tag) =	ssettag $0x0;
	lr =	simm.s32 $0x1  }
0x2: {  	[smem:$0x3F9D] =	sst lr;
	_ =	strace $0xD0000000  }
0x3: {  	_ = 	snop  }
0x4: {  	_ = 	snop  }
0x5: {  	_ = 	snop  }
0x6: {  	_ = 	snop  }
0x7: {  	_ = 	snop  }
__scs_overlays_trampoline_lowered:
0x8: {  	[smem:$0x3FAC] =	sst s0  }
0x9: {  	[smem:$0x3FAD] =	sst s1  }
0xa: {  	[smem:$0x3FAE] =	sst s2  }
0xb: {  	[smem:$0x3FAF] =	sst s3  }
0xc: {  	[smem:$0x3FB0] =	sst s4  }
0xd: {  	[smem:$0x3FB1] =	sst s5  }
0xe: {  	[smem:$0x3FB2] =	sst s6  }
0xf: {  	[smem:$0x3FB3] =	sst s7  }
0x10: {  	[smem:$0x3FB4] =	sst s8  }
0x11: {  	[smem:$0x3FB5] =	sst s9;
	s0 =	simm.s32 @!p0 $0x0  }
0x12: {  	s1 =	sld [smem:$0x3F9B];
	s0 =	simm.s32 @p0 $0x1  }
0x13: {  	[smem:$0x3FB6] =	sst s0;
	s0 =	simm.s32 @!p1 $0x0  }
0x14: {  	s2 =	sld [smem:$0x3F9A];
	s0 =	simm.s32 @p1 $0x1  }
0x15: {  	[smem:$0x3FB7] =	sst s0;
	s0 =	simm.s32 @!p2 $0x0  }
0x16: {  	s3 =	sld [smem:$0x3FDB];
	s0 =	simm.s32 @p2 $0x1  }
0x17: {  	s4 =	simm.s32 $0x1BF5;
	[smem:$0x3FB9] =	sst s0  }
0x18: {  	s0 =	sld [smem:$0x3F9C];
	_ =	swait.ge [sflag:s4], $0x0  }
0x19: {  	s7 =	sld [smem:$0x3F9D]  }
0x1a: {  	s8 =	sadd.s32 $0xFFFFE003, lr  }
0x1b: {  	s9 =	sadd.s32 $0xFFFFFEF7, lr;
	s5 =	simm.s32 $0xFFFFFFFF;
	p2 =	slt.u32 s8, $0xFFFFF086  }
0x1c: {  	p1 =	slt.u32 s9, $0xF7A;
	s5 =	simm.s32 @!p2 $0x0  }
0x1d: {  	s5 =	simm.s32 @p1 $0x1;
	p0 =	seq.s32 s7, s2  }
0x1e: {  	s7 =	smul.u32 @!p0 $0xF7A, s2;
	p2 =	seq.s32 @!p0 s5, $0x0  }
0x1f: {  	s9 =	smul.u32 $0xF7A, s1;
	s8 =	simm.s32 @!p0 $0x1BF5;
	p2 =	por !p2, p0  }
0x20: {  	[sflag:s8] =	ssyncset.s32 @!p0 $0xFFFFF086;
	s6 =	sadd.s32 @!p0 s3, s7;
	s7 =	simm.s32 @!p0 $0x108  }
0x21: {  	s3 =	sadd.s32 s3, s9;
	s6 =	sadd.s32 @!p0 $0x88, s6;
	s7 =	simm.s32 @p2 $0x1082  }
0x22: {  	[simem:s7], [sflag:s8] =	dma.local @!p0 [hbm:s6], $0xF7A  }
0x23: {  	s9 =	sor.u32 $0xD0000000, s2;
	s6 =	simm.s32 $0x108;
	_ =	swait.ge @!p0 [sflag:s8], $0x0  }
0x24: {  	s3 =	sadd.s32 $0x88, s3;
	s6 =	simm.s32 @!p1 $0x1082;
	[sflag:s4] =	ssyncset.s32 $0xFFFFF086  }
0x25: {  	[simem:s6], [sflag:s4] =	dma.local [hbm:s3], $0xF7A  }
0x26: {  	[smem:$0x3F9D] =	sst s1;
	(tag) =	ssettag s2;
	_ =	strace s9  }
0x27: {  	s1 =	sld [smem:$0x3FAD]  }
0x28: {  	s2 =	sld [smem:$0x3FAE]  }
0x29: {  	s4 =	sld [smem:$0x3FB0]  }
0x2a: {  	p0 =	seq.s32 s5, $0x0;
	s5 =	sld [smem:$0x3FB1]  }
0x2b: {  	s6 =	sld [smem:$0x3FB2]  }
0x2c: {  	s7 =	sld [smem:$0x3FB3]  }
0x2d: {  	s3 =	simm.s32 $0x108;
	s8 =	sld [smem:$0x3FB4]  }
0x2e: {  	s3 =	simm.s32 @!p0 $0x1082;
	s9 =	sld [smem:$0x3FB5]  }
0x2f: {  	lr =	sadd.s32 s0, s3;
	s0 =	sld [smem:$0x3FAC]  }
0x30: {  	s3 =	sld [smem:$0x3FAF]  }
0x31: {  	[smem:$0x3FB8] =	sst s10  }
0x32: {  	s10 =	sld [smem:$0x3FB6];
	_ =	sdelay $0x3  }
0x33: {  	p0 =	seq.s32 s10, $0x1;
	s10 =	sld [smem:$0x3FB8];
	_ =	sdelay $0x3  }
0x34: {  	[smem:$0x3FB8] =	sst s10  }
0x35: {  	s10 =	sld [smem:$0x3FB7];
	_ =	sdelay $0x3  }
0x36: {  	p1 =	seq.s32 s10, $0x1;
	s10 =	sld [smem:$0x3FB8];
	_ =	sdelay $0x3  }
0x37: {  	[smem:$0x3FB8] =	sst s10  }
0x38: {  	s10 =	sld [smem:$0x3FB9]  }
0x39: {  	_ = 	snop;
	(pc) =	sbr.ind lr, $3  }
0x3a: {  	_ = 	snop  }
0x3b: {  	_ = 	snop  }
0x3c: {  	p2 =	seq.s32 s10, $0x1;
	s10 =	sld [smem:$0x3FB8]  }
0x3d: {  	_ =	shalt  }
0x3e: {  	_ =	shalt  }
0x3f: {  	_ =	shalt  }
0x40: {  	_ =	shalt  }
0x41: {  	_ =	shalt  }
0x42: {  	_ =	shalt  }
0x43: {  	_ =	shalt  }
0x44: {  	_ =	shalt  }
0x45: {  	_ =	shalt  }
0x46: {  	_ =	shalt  }
0x47: {  	_ =	shalt  }
0x48: {  	_ =	shalt  }
0x49: {  	_ =	shalt  }
0x4a: {  	_ =	shalt  }
0x4b: {  	_ =	shalt  }
0x4c: {  	_ =	shalt  }
0x4d: {  	_ =	shalt  }
0x4e: {  	_ =	shalt  }
0x4f: {  	_ =	shalt  }
0x50: {  	_ =	shalt  }
0x51: {  	_ =	shalt  }
0x52: {  	_ =	shalt  }
0x53: {  	_ =	shalt  }
0x54: {  	_ =	shalt  }
0x55: {  	_ =	shalt  }
0x56: {  	_ =	shalt  }
0x57: {  	_ =	shalt  }
0x58: {  	_ =	shalt  }
0x59: {  	_ =	shalt  }
0x5a: {  	_ =	shalt  }
0x5b: {  	_ =	shalt  }
0x5c: {  	_ =	shalt  }
0x5d: {  	_ =	shalt  }
0x5e: {  	_ =	shalt  }
0x5f: {  	_ =	shalt  }
0x60: {  	_ =	shalt  }
0x61: {  	_ =	shalt  }
0x62: {  	_ =	shalt  }
0x63: {  	_ =	shalt  }
0x64: {  	_ =	shalt  }
0x65: {  	_ =	shalt  }
0x66: {  	_ =	shalt  }
0x67: {  	_ =	shalt  }
0x68: {  	_ =	shalt  }
0x69: {  	_ =	shalt  }
0x6a: {  	_ =	shalt  }
0x6b: {  	_ =	shalt  }
0x6c: {  	_ =	shalt  }
0x6d: {  	_ =	shalt  }
0x6e: {  	_ =	shalt  }
0x6f: {  	_ =	shalt  }
0x70: {  	_ =	shalt  }
0x71: {  	_ =	shalt  }
0x72: {  	_ =	shalt  }
0x73: {  	_ =	shalt  }
0x74: {  	_ =	shalt  }
0x75: {  	_ =	shalt  }
0x76: {  	_ =	shalt  }
0x77: {  	_ =	shalt  }
0x78: {  	_ =	shalt  }
0x79: {  	_ =	shalt  }
0x7a: {  	_ =	shalt  }
0x7b: {  	_ =	shalt  }
0x7c: {  	_ =	shalt  }
0x7d: {  	_ =	shalt  }
0x7e: {  	_ =	shalt  }
0x7f: {  	_ =	shalt  }
0x80: {  	_ =	shalt  }
0x81: {  	_ =	shalt  }
0x82: {  	_ =	shalt  }
0x83: {  	_ =	shalt  }
0x84: {  	_ =	shalt  }
0x85: {  	_ =	shalt  }
0x86: {  	_ =	shalt  }
0x87: {  	_ =	shalt  }
.Lfunc_end0:
.L_simem_size_0:
called_computation_lowered:
.L_overlay_start_0:
0x88: {  	s2 =	sld [smem:$0x3FD9]  }
0x89: {  	s3 =	sld [smem:$0x3FFE];
	_ =	sdelay $0x1  }
0x8a: {  	s1 =	srdreg.scid  }
0x8b: {  	s0 =	sand.u32 $0x1, s1  }
0x8c: {  	s18 =	sshll.u32 s0, $0xA;
	s2 =	sadd.s32 s3, s2  }
0x8d: {  	s2 =	sadd.s32 s2, s18  }
0x8e: {  	[smem:$0x3FC4] =	sst s2  }
0x8f: {  	_ = 	snop  }
0x90: {  	s2 =	sld [smem:$0x3FC9]  }
0x91: {  	s19 =	sld [smem:$0x3FC8]  }
0x92: {  	s4 =	sld [smem:$0x3FC7]  }
0x93: {  	s5 =	sld [smem:$0x3FC6]  }
0x94: {  	s6 =	sld [smem:$0x3FD0];
	(tm) =	ssettm $0x1  }
0x95: {  	s7 =	sld [smem:$0x3FFB];
	_ =	sdelay $0x3  }
0x96: {  	_ =	strace s7  }
0x97: {  	s7 =	sld [smem:$0x3FFC];
	_ =	sdelay $0x3  }
0x98: {  	_ =	strace s7  }
0x99: {  	s7 =	sld [smem:$0x3FFD];
	_ =	sdelay $0x3  }
0x9a: {  	_ =	strace s7  }
0x9b: {  	_ =	strace $0x8FFFFFFF  }
0x9c: {  	s20 =	sld [smem:$0x3FDB];
	_ =	sdelay $0x1  }
0x9d: {  	s8 =	simm.s32 $_scs_section_size  }
0x9e: {  	s9 =	simm.s32 $_size__tile_overlayer_lowered;
	s10 =	simm.s32 $_tile_overlayer_lowered  }
0x9f: {  	s23 =	simm.s32 $0x1BFF;
	s22 =	sshll.u32 s10, $0x1;
	s7 =	sadd.s32 s8, s20  }
0xa0: {  	s11 =	simm.s32 $0x0;
	s21 =	sshll.u32 s9, $0x1;
	s9 =	sadd.s32 s22, s7  }
0xa1: {  	[timem:s11], [sflag:s23] =	dma.local [hbm:s9], s21  }
0xa2: {  	_ =	swait.ge [sflag:s23], s21  }
0xa3: {  	s8 =	ssub.s32 $0x0, s21;
	[sflag:s23] =	ssyncset.done $0x0  }
0xa4: {  	[sflag:s23] =	ssyncadd.s32 s8;
	_ =	sdelay $0x1  }
0xa5: {  	s24 =	simm.s32 $0x1B8B  }
0xa6: {  	_ =	swait.ge [sflag:s24], $0x1  }
0xa7: {  	[sflag:s24] =	ssyncset.done $0x0  }
0xa8: {  	s25 =	simm.s32 $0x1B8E;
	[sflag:s24] =	ssyncadd.s32 $0xFFFFFFFF  }
0xa9: {  	s26 =	simm.s32 $execute0_lowered;
	[smem:$0x3FD2] =	sst s25  }
0xaa: {  	s8 =	sshll.u32 s26, $0x1;
	_ =	strace $0x80000046;
	[dreg:$0x1] =	wrdreg $0xFFFFFFFF  }
0xab: {  	s28 =	simm.s32 $_size_execute0_lowered;
	s7 =	sadd.s32 s7, s8;
	[dreg:$0x0] =	wrdreg $0x0  }
0xac: {  	s8 =	sshll.u32 s28, $0x1;
	[dreg:$0x2] =	wrdreg s7  }
0xad: {  	[dreg:$0x3] =	wrdreg s8  }
0xae: {  	[dreg:$0x4] =	wrdreg $0xC0  }
0xaf: {  	_ =	task [dreg:s11], $0x5FFFF  }
0xb0: {  	[dreg:$0x1] =	wrdreg $0xFFFFFFFF  }
0xb1: {  	[dreg:$0x0] =	wrdreg $0x60  }
0xb2: {  	[dreg:$0x2] =	wrdreg s2  }
0xb3: {  	[dreg:$0x3] =	wrdreg s19  }
0xb4: {  	[dreg:$0x4] =	wrdreg s4  }
0xb5: {  	[dreg:$0x5] =	wrdreg s5  }
0xb6: {  	[dreg:$0x6] =	wrdreg s6  }
0xb7: {  	[dreg:$0x7] =	wrdreg $0x9  }
0xb8: {  	_ =	task.clear_ibuf [dreg:s11], $0x8FFFF;
	_ =	strace $0x90000046  }
0xb9: {  	s29 =	simm.s32 $0x9;
	_ =	strace $0x80000048  }
0xba: {  	_ =	swait.ge [sflag:s29], $0x1  }
0xbb: {  	[sflag:s29] =	ssyncadd.s32 $0xFFFFFFFF  }
0xbc: {  	_ =	strace $0x90000048  }
0xbd: {  	_ =	sfence  }
0xbe: {  	s30 =	sld [smem:$0x0];
	_ =	sdelay $0x2  }
0xbf: {  	s31 =	sshll.u32 s1, $0xD;
	s1 =	sshrl.u32 s1, $0x2  }
0xc0: {  	s3 =	sand.u32 $0x4000, s31;
	s1 =	sadd.s32 s1, s30  }
0xc1: {  	s0 =	sor.u32 s3, s0;
	s1 =	sshll.u32 s1, $0x11  }
0xc2: {  	s0 =	sor.u32 s1, s0  }
0xc3: {  	s0 =	sadd.s32 $0x8F2B, s0  }
0xc4: {  	[sflag:s0] =	ssyncadd.remote.s32 $0x1  }
0xc5: {  	_ =	sfence.sel $0xFFFF  }
0xc6: {  	[dreg:$0x0] =	wrdreg $0xFFFFFFFF;
	(pc) =	sbr.abs _section_cstart, $3  }
0xc7: {  	[dreg:$0x1] =	wrdreg $0xFFFFFFFF  }
0xc8: {  	_ =	task.clear_ibuf [dreg:s11], $0x2FFFF;
	_ =	strace $0x9FFFFFFF  }
0xc9: {  	(tm) =	ssettm $0x7FFFFFFF  }
tec
execute0_lowered:
.L_overlay_start_1:
0x0: {  	(tag) =	ssettag $0x1  }
0x1: {  	v0 =	vimm.s32 $0x3880  }
0x2: {  	vm14 =	vcmask $0x300;
	vm13 =	vcmask $0x704;
	vm12 =	vcmask $0xB08  }
0x3: {  	vm11 =	vcmask $0xF0C;
	vm10 =	vcmask $0x1310;
	vm9 =	vcmask $0x1714  }
0x4: {  	vm8 =	vcmask $0x1B18;
	vm7 =	vcmask $0x1F1C;
	vm6 =	vcmask $0x2320  }
0x5: {  	vm5 =	vcmask $0x2724;
	vm4 =	vcmask $0x2B28;
	vm3 =	vcmask $0x2F2C  }
0x6: {  	vm2 =	vcmask $0x3330;
	vm1 =	vcmask $0x3734;
	v17 =	vlaneseq.u32  }
0x7: {  	vm0 =	vcmask $0x3B38;
	v2 =	vimm.s32 $0x3980;
	v5 =	vimm.s32 $0x3A80  }
0x8: {  	v8 =	vimm.s32 $0x3C80;
	v10 =	vimm.s32 $0x3D80;
	v11 =	vimm.s32 $0x3E80  }
0x9: {  	v15 =	vimm.s32 $0x3F80;
	v16 =	vimm.s32 $0xCFF;
	v18 =	vimm.s32 $0xDFF  }
0xa: {  	v21 =	vimm.s32 $0xFFF;
	v22 =	vimm.s32 $0x1CFF;
	v23 =	vimm.s32 $0x1DFF  }
0xb: {  	v24 =	vimm.s32 $0x1EFF;
	v25 =	vimm.s32 $0x1FFF;
	v0 =	vsel vm14, $0x0, v0  }
0xc: {  	v3 =	vshrl.u32 v17, $0x3;
	v4 =	vsel vm14, $0x100, v2;
	v9 =	vsel vm14, $0x400, v8  }
0xd: {  	v10 =	vsel vm14, $0x500, v10;
	v11 =	vsel vm14, $0x600, v11;
	v15 =	vsel vm14, $0x700, v15  }
0xe: {  	v16 =	vsel vm14, $0xC78, v16;
	v18 =	vsel vm14, $0xD78, v18;
	v21 =	vsel vm14, $0xF78, v21  }
0xf: {  	v22 =	vsel vm14, $0x1C78, v22;
	v23 =	vsel vm14, $0x1D78, v23;
	v24 =	vsel vm14, $0x1E78, v24  }
0x10: {  	v25 =	vsel vm14, $0x1F78, v25;
	v0 =	vsel vm13, $0x800, v0;
	v2 =	vmul.u32 $0x80, v3  }
0x11: {  	v3 =	vsel vm13, $0x900, v4;
	v4 =	vsel vm14, $0x200, v5;
	v5 =	vimm.s32 $0x3B80  }
0x12: {  	v9 =	vsel vm13, $0xC00, v9;
	v10 =	vsel vm13, $0xD00, v10;
	v11 =	vsel vm13, $0xE00, v11  }
0x13: {  	v15 =	vsel vm13, $0xF00, v15;
	v16 =	vsel vm13, $0xC79, v16;
	v18 =	vsel vm13, $0xD79, v18  }
0x14: {  	v21 =	vsel vm13, $0xF79, v21;
	v22 =	vsel vm13, $0x1C79, v22;
	v23 =	vsel vm13, $0x1D79, v23  }
0x15: {  	v24 =	vsel vm13, $0x1E79, v24;
	v25 =	vsel vm13, $0x1F79, v25;
	v0 =	vsel vm12, $0x1000, v0  }
0x16: {  	v3 =	vsel vm12, $0x1100, v3;
	v4 =	vsel vm13, $0xA00, v4;
	v5 =	vsel vm14, $0x300, v5  }
0x17: {  	v9 =	vsel vm12, $0x1400, v9;
	v10 =	vsel vm12, $0x1500, v10;
	v11 =	vsel vm12, $0x1600, v11  }
0x18: {  	v15 =	vsel vm12, $0x1700, v15;
	v16 =	vsel vm12, $0xC7A, v16;
	v18 =	vsel vm12, $0xD7A, v18  }
0x19: {  	v21 =	vsel vm12, $0xF7A, v21;
	v22 =	vsel vm12, $0x1C7A, v22;
	v23 =	vsel vm12, $0x1D7A, v23  }
0x1a: {  	v24 =	vsel vm12, $0x1E7A, v24;
	v25 =	vsel vm12, $0x1F7A, v25;
	v0 =	vsel vm11, $0x1800, v0  }
0x1b: {  	v3 =	vsel vm11, $0x1900, v3;
	v4 =	vsel vm12, $0x1200, v4;
	v5 =	vsel vm13, $0xB00, v5  }
0x1c: {  	v8 =	vor.u32 $0x300, v2;
	v9 =	vsel vm11, $0x1C00, v9;
	v10 =	vsel vm11, $0x1D00, v10  }
0x1d: {  	v11 =	vsel vm11, $0x1E00, v11;
	v14 =	vor.u32 $0x1200, v2;
	v15 =	vsel vm11, $0x1F00, v15  }
0x1e: {  	v16 =	vsel vm11, $0xC7B, v16;
	v18 =	vsel vm11, $0xD7B, v18;
	v21 =	vsel vm11, $0xF7B, v21  }
0x1f: {  	v22 =	vsel vm11, $0x1C7B, v22;
	v23 =	vsel vm11, $0x1D7B, v23;
	v24 =	vsel vm11, $0x1E7B, v24  }
0x20: {  	v25 =	vsel vm11, $0x1F7B, v25;
	v0 =	vsel vm10, $0x2000, v0;
	v3 =	vsel vm10, $0x2100, v3  }
0x21: {  	v4 =	vsel vm11, $0x1A00, v4;
	v5 =	vsel vm12, $0x1300, v5;
	v9 =	vsel vm10, $0x2400, v9  }
0x22: {  	v10 =	vsel vm10, $0x2500, v10;
	v11 =	vsel vm10, $0x2600, v11;
	v15 =	vsel vm10, $0x2700, v15  }
0x23: {  	v16 =	vsel vm10, $0xC7C, v16;
	v18 =	vsel vm10, $0xD7C, v18;
	v21 =	vsel vm10, $0xF7C, v21  }
0x24: {  	v22 =	vsel vm10, $0x1C7C, v22;
	v23 =	vsel vm10, $0x1D7C, v23;
	v24 =	vsel vm10, $0x1E7C, v24  }
0x25: {  	v25 =	vsel vm10, $0x1F7C, v25;
	v0 =	vsel vm9, $0x2800, v0;
	v3 =	vsel vm9, $0x2900, v3  }
0x26: {  	v4 =	vsel vm10, $0x2200, v4;
	v5 =	vsel vm11, $0x1B00, v5;
	v9 =	vsel vm9, $0x2C00, v9  }
0x27: {  	v10 =	vsel vm9, $0x2D00, v10;
	v11 =	vsel vm9, $0x2E00, v11;
	v15 =	vsel vm9, $0x2F00, v15  }
0x28: {  	v16 =	vsel vm9, $0xC7D, v16;
	v18 =	vsel vm9, $0xD7D, v18;
	v21 =	vsel vm9, $0xF7D, v21  }
0x29: {  	v22 =	vsel vm9, $0x1C7D, v22;
	v23 =	vsel vm9, $0x1D7D, v23;
	v24 =	vsel vm9, $0x1E7D, v24  }
0x2a: {  	v25 =	vsel vm9, $0x1F7D, v25;
	v0 =	vsel vm8, $0x3000, v0;
	v3 =	vsel vm8, $0x3100, v3  }
0x2b: {  	v4 =	vsel vm9, $0x2A00, v4;
	v5 =	vsel vm10, $0x2300, v5;
	v9 =	vsel vm8, $0x3400, v9  }
0x2c: {  	v10 =	vsel vm8, $0x3500, v10;
	v11 =	vsel vm8, $0x3600, v11;
	v15 =	vsel vm8, $0x3700, v15  }
0x2d: {  	v16 =	vsel vm8, $0xC7E, v16;
	v18 =	vsel vm8, $0xD7E, v18;
	v21 =	vsel vm8, $0xF7E, v21  }
0x2e: {  	v22 =	vsel vm8, $0x1C7E, v22;
	v23 =	vsel vm8, $0x1D7E, v23;
	v24 =	vsel vm8, $0x1E7E, v24  }
0x2f: {  	v25 =	vsel vm8, $0x1F7E, v25;
	v0 =	vsel vm7, $0x3800, v0;
	v3 =	vsel vm7, $0x3900, v3  }
0x30: {  	v4 =	vsel vm8, $0x3200, v4;
	v5 =	vsel vm9, $0x2B00, v5;
	v9 =	vsel vm7, $0x3C00, v9  }
0x31: {  	v10 =	vsel vm7, $0x3D00, v10;
	v11 =	vsel vm7, $0x3E00, v11;
	v15 =	vsel vm7, $0x3F00, v15  }
0x32: {  	v16 =	vsel vm7, $0xC7F, v16;
	v18 =	vsel vm7, $0xD7F, v18;
	v21 =	vsel vm7, $0xF7F, v21  }
0x33: {  	v22 =	vsel vm7, $0x1C7F, v22;
	v23 =	vsel vm7, $0x1D7F, v23;
	v24 =	vsel vm7, $0x1E7F, v24  }
0x34: {  	v25 =	vsel vm7, $0x1F7F, v25;
	v0 =	vsel vm6, $0x80, v0;
	v3 =	vsel vm6, $0x180, v3  }
0x35: {  	v4 =	vsel vm7, $0x3A00, v4;
	v5 =	vsel vm8, $0x3300, v5;
	v9 =	vsel vm6, $0x480, v9  }
0x36: {  	v10 =	vsel vm6, $0x580, v10;
	v11 =	vsel vm6, $0x680, v11;
	v15 =	vsel vm6, $0x780, v15  }
0x37: {  	v16 =	vsel vm6, $0xCF8, v16;
	v18 =	vsel vm6, $0xDF8, v18;
	v21 =	vsel vm6, $0xFF8, v21  }
0x38: {  	v22 =	vsel vm6, $0x1CF8, v22;
	v23 =	vsel vm6, $0x1DF8, v23;
	v24 =	vsel vm6, $0x1EF8, v24  }
0x39: {  	v25 =	vsel vm6, $0x1FF8, v25;
	v0 =	vsel vm5, $0x880, v0;
	v3 =	vsel vm5, $0x980, v3  }
0x3a: {  	v4 =	vsel vm6, $0x280, v4;
	v5 =	vsel vm7, $0x3B00, v5;
	v9 =	vsel vm5, $0xC80, v9  }
0x3b: {  	v10 =	vsel vm5, $0xD80, v10;
	v11 =	vsel vm5, $0xE80, v11;
	v15 =	vsel vm5, $0xF80, v15  }
0x3c: {  	v16 =	vsel vm5, $0xCF9, v16;
	v18 =	vsel vm5, $0xDF9, v18;
	v21 =	vsel vm5, $0xFF9, v21  }
0x3d: {  	v22 =	vsel vm5, $0x1CF9, v22;
	v23 =	vsel vm5, $0x1DF9, v23;
	v24 =	vsel vm5, $0x1EF9, v24  }
0x3e: {  	v25 =	vsel vm5, $0x1FF9, v25;
	v0 =	vsel vm4, $0x1080, v0;
	v3 =	vsel vm4, $0x1180, v3  }
0x3f: {  	v4 =	vsel vm5, $0xA80, v4;
	v5 =	vsel vm6, $0x380, v5;
	v9 =	vsel vm4, $0x1480, v9  }
0x40: {  	v10 =	vsel vm4, $0x1580, v10;
	v11 =	vsel vm4, $0x1680, v11;
	v15 =	vsel vm4, $0x1780, v15  }
0x41: {  	v16 =	vsel vm4, $0xCFA, v16;
	v18 =	vsel vm4, $0xDFA, v18;
	v21 =	vsel vm4, $0xFFA, v21  }
0x42: {  	v22 =	vsel vm4, $0x1CFA, v22;
	v23 =	vsel vm4, $0x1DFA, v23;
	v24 =	vsel vm4, $0x1EFA, v24  }
0x43: {  	v25 =	vsel vm4, $0x1FFA, v25;
	v0 =	vsel vm3, $0x1880, v0;
	v3 =	vsel vm3, $0x1980, v3  }
0x44: {  	v4 =	vsel vm4, $0x1280, v4;
	v5 =	vsel vm5, $0xB80, v5;
	v9 =	vsel vm3, $0x1C80, v9  }
0x45: {  	v10 =	vsel vm3, $0x1D80, v10;
	v13 =	vsel vm3, $0x1E80, v11;
	v15 =	vsel vm3, $0x1F80, v15  }
0x46: {  	v16 =	vsel vm3, $0xCFB, v16;
	v18 =	vsel vm3, $0xDFB, v18;
	v21 =	vsel vm3, $0xFFB, v21  }
0x47: {  	v22 =	vsel vm3, $0x1CFB, v22;
	v23 =	vsel vm3, $0x1DFB, v23;
	v24 =	vsel vm3, $0x1EFB, v24  }
0x48: {  	v25 =	vsel vm3, $0x1FFB, v25;
	v0 =	vsel vm2, $0x2080, v0;
	v3 =	vsel vm2, $0x2180, v3  }
0x49: {  	v4 =	vsel vm3, $0x1A80, v4;
	v5 =	vsel vm4, $0x1380, v5;
	v9 =	vsel vm2, $0x2480, v9  }
0x4a: {  	v10 =	vsel vm2, $0x2580, v10;
	v13 =	vsel vm2, $0x2680, v13;
	v15 =	vsel vm2, $0x2780, v15  }
0x4b: {  	v19 =	vsel vm2, $0xCFC, v16;
	v18 =	vsel vm2, $0xDFC, v18;
	v16 =	vor.u32 $0x1300, v2  }
0x4c: {  	s2 =	rddreg [dreg:$0x0];
	v21 =	vsel vm2, $0xFFC, v21;
	v22 =	vsel vm2, $0x1CFC, v22;
	v23 =	vsel vm2, $0x1DFC, v23  }
0x4d: {  	s3 =	rddreg [dreg:$0x1];
	v24 =	vsel vm2, $0x1EFC, v24;
	v25 =	vsel vm2, $0x1FFC, v25;
	v1 =	vsel vm1, $0x2880, v0  }
0x4e: {  	s0 =	rddreg [dreg:$0x2];
	v0 =	vand.u32 $0x7, v17;
	v3 =	vsel vm1, $0x2980, v3;
	v4 =	vsel vm2, $0x2280, v4  }
0x4f: {  	s1 =	rddreg [dreg:$0x3];
	v7 =	vsel vm3, $0x1B80, v5;
	v19 =	vsel vm1, $0xCFD, v19;
	v20 =	vsel vm1, $0xDFD, v18  }
0x50: {  	s5 =	rddreg [dreg:$0x4];
	s4 =	srdreg.scid;
	s11 =	simm.s32 $0x400;
	v18 =	vsel vm0, $0xCFE, v19;
	v19 =	vsel vm0, $0xDFE, v20;
	v20 =	vimm.s32 $0xEFF  }
0x51: {  	s7 =	stileid.u32;
	s12 =	simm.s32 $0x7A1400;
	s13 =	simm.s32 $0x500;
	v9 =	vsel vm1, $0x2C80, v9;
	v12 =	vsel vm1, $0x2D80, v10;
	v20 =	vsel vm14, $0xE78, v20  }
0x52: {  	s14 =	simm.s32 $0xC500;
	s30 =	simm.s32 $0x4500;
	s31 =	simm.s32 $0x10500;
	v10 =	vor.u32 $0x1000, v2;
	v13 =	vsel vm1, $0x2E80, v13;
	v20 =	vsel vm13, $0xE79, v20  }
0x53: {  	s10 =	simm.s32 $0x9D00;
	s15 =	simm.s32 $0x15D00;
	s16 =	simm.s32 $0xA500;
	v15 =	vsel vm1, $0x2F80, v15;
	v17 =	vor.u32 $0x1F8, v17;
	v20 =	vsel vm12, $0xE7A, v20  }
0x54: {  	s17 =	simm.s32 $0x16500;
	s18 =	simm.s32 $0xAD00;
	s19 =	simm.s32 $0x16D00;
	v21 =	vsel vm1, $0xFFD, v21;
	v22 =	vsel vm1, $0x1CFD, v22;
	v20 =	vsel vm11, $0xE7B, v20  }
0x55: {  	s20 =	simm.s32 $0xB500;
	s21 =	simm.s32 $0x17500;
	s22 =	simm.s32 $0xBD00;
	v23 =	vsel vm1, $0x1DFD, v23;
	v24 =	vsel vm1, $0x1EFD, v24;
	v20 =	vsel vm10, $0xE7C, v20  }
0x56: {  	s23 =	simm.s32 $0x17D00;
	s24 =	simm.s32 $0x1;
	s6 =	sand.u32 $0x1, s4;
	v25 =	vsel vm1, $0x1FFD, v25;
	v1 =	vsel vm0, $0x3080, v1;
	v20 =	vsel vm9, $0xE7D, v20  }
0x57: {  	s4 =	simm.s32 $0x0;
	s7 =	sshll.u32 s7, $0xA;
	s8 =	sshll.u32 s6, $0x9;
	v3 =	vsel vm0, $0x3180, v3;
	v6 =	vsel vm1, $0x2A80, v4;
	v20 =	vsel vm8, $0xE7E, v20  }
0x58: {  	[smem:$0x7FF] =	sst s4;
	s6 =	ssub.s32 $0x2, s6;
	s7 =	sor.u32 s8, s7;
	v4 =	vor.u32 $0x100, v2;
	v7 =	vsel vm2, $0x2380, v7;
	v20 =	vsel vm7, $0xE7F, v20  }
0x59: {  	_ =	strace $0x80000047;
	s25 =	sshrl.u32 s6, $0x1;
	s8 =	simm.s32 $0x15500;
	v9 =	vsel vm0, $0x3480, v9;
	v11 =	vsel vm0, $0x3580, v12;
	v20 =	vsel vm6, $0xEF8, v20  }
0x5a: {  	s9 =	sshrl.u32 s7, $0x3;
	s6 =	ssub.s32 s6, s25;
	s28 =	sadd.s32 s5, s7;
	v12 =	vor.u32 $0x1100, v2;
	v13 =	vsel vm0, $0x3680, v13;
	v20 =	vsel vm5, $0xEF9, v20  }
.Ltmp0:
0x5b: {  	s25 =	simm.s32 $0x2;
	s7 =	simm.s32 $0x0;
	v15 =	vsel vm0, $0x3780, v15;
	v21 =	vsel vm0, $0xFFE, v21;
	v20 =	vsel vm4, $0xEFA, v20;
	(pc) =	sbr.rel .LBB2_1-.Ltmp0, $4  }
0x5c: {  	s2 =	sadd.s32 s2, s9;
	s26 =	sadd.s32 s3, s9;
	[dreg:$0x8] =	wrdreg s28;
	v22 =	vsel vm0, $0x1CFE, v22;
	v23 =	vsel vm0, $0x1DFE, v23;
	v20 =	vsel vm3, $0xEFB, v20  }
0x5d: {  	s29 =	smax.u32 s6, $0x1;
	s9 =	simm.s32 $0x280;
	[dreg:$0x6] =	wrdreg s2;
	v24 =	vsel vm0, $0x1EFE, v24;
	v25 =	vsel vm0, $0x1FFE, v25;
	v20 =	vsel vm2, $0xEFC, v20  }
0x5e: {  	s6 =	simm.s32 $0x3;
	s3 =	simm.s32 $0x14500;
	[dreg:$0x7] =	wrdreg s26;
	v5 =	vsel vm0, $0x3280, v6;
	v7 =	vsel vm1, $0x2B80, v7;
	v20 =	vsel vm1, $0xEFD, v20  }
0x5f: {  	[dreg:$0x9] =	wrdreg s29;
	s2 =	simm.s32 $0x8500;
	s26 =	simm.s32 $0x18500;
	v6 =	vor.u32 $0x200, v2;
	v7 =	vsel vm0, $0x3380, v7;
	v20 =	vsel vm0, $0xEFE, v20  }
.LBB2_5:
0x60: {  	_ =	swait.ge [sflag:s24], $0x800  }
0x61: {  	[sflag:s24] =	ssyncset.done $0x0  }
0x62: {  	[sflag:s24] =	ssyncadd.s32 $0xFFFFF800  }
0x63: {  	_ =	swait.ge [sflag:s25], $0x800  }
0x64: {  	[sflag:s25] =	ssyncset.done $0x0  }
0x65: {  	[sflag:s25] =	ssyncadd.s32 $0xFFFFF800  }
0x66: {  	_ =	swait.ge [sflag:s24], $0x800  }
0x67: {  	[sflag:s24] =	ssyncset.done $0x0  }
0x68: {  	[sflag:s24] =	ssyncadd.s32 $0xFFFFF800  }
0x69: {  	_ =	swait.ge [sflag:s25], $0x800  }
0x6a: {  	[sflag:s25] =	ssyncset.done $0x0  }
0x6b: {  	[sflag:s25] =	ssyncadd.s32 $0xFFFFF800  }
0x6c: {  	_ =	swait.ge [sflag:s24], $0x800  }
0x6d: {  	[sflag:s24] =	ssyncset.done $0x0  }
0x6e: {  	[sflag:s24] =	ssyncadd.s32 $0xFFFFF800  }
0x6f: {  	_ =	swait.ge [sflag:s25], $0x800  }
0x70: {  	[sflag:s25] =	ssyncset.done $0x0  }
0x71: {  	[sflag:s25] =	ssyncadd.s32 $0xFFFFF800  }
0x72: {  	_ =	swait.ge [sflag:s24], $0x800  }
0x73: {  	[sflag:s24] =	ssyncset.done $0x0  }
0x74: {  	[sflag:s24] =	ssyncadd.s32 $0xFFFFF800  }
0x75: {  	_ =	swait.ge [sflag:s25], $0x800  }
0x76: {  	[sflag:s25] =	ssyncset.done $0x0  }
0x77: {  	[sflag:s25] =	ssyncadd.s32 $0xFFFFF800  }
0x78: {  	_ =	swait.ge [sflag:s24], $0x800  }
0x79: {  	[sflag:s24] =	ssyncset.done $0x0  }
0x7a: {  	[sflag:s24] =	ssyncadd.s32 $0xFFFFF800  }
0x7b: {  	_ =	swait.ge [sflag:s25], $0x800  }
0x7c: {  	[sflag:s25] =	ssyncset.done $0x0  }
0x7d: {  	[sflag:s25] =	ssyncadd.s32 $0xFFFFF800  }
0x7e: {  	_ =	swait.ge [sflag:s24], $0x800  }
0x7f: {  	[sflag:s24] =	ssyncset.done $0x0  }
0x80: {  	[sflag:s24] =	ssyncadd.s32 $0xFFFFF800  }
0x81: {  	_ =	swait.ge [sflag:s25], $0x800  }
0x82: {  	[sflag:s25] =	ssyncset.done $0x0  }
0x83: {  	[sflag:s25] =	ssyncadd.s32 $0xFFFFF800  }
0x84: {  	_ =	swait.ge [sflag:s24], $0x800  }
0x85: {  	[sflag:s24] =	ssyncset.done $0x0  }
0x86: {  	[sflag:s24] =	ssyncadd.s32 $0xFFFFF800  }
0x87: {  	_ =	swait.ge [sflag:s25], $0x800  }
0x88: {  	[sflag:s25] =	ssyncset.done $0x0  }
0x89: {  	[sflag:s25] =	ssyncadd.s32 $0xFFFFF800  }
0x8a: {  	_ =	swait.ge [sflag:s24], $0x800  }
0x8b: {  	[sflag:s24] =	ssyncset.done $0x0  }
0x8c: {  	[sflag:s24] =	ssyncadd.s32 $0xFFFFF800  }
0x8d: {  	_ =	swait.ge [sflag:s25], $0x800  }
0x8e: {  	[sflag:s25] =	ssyncset.done $0x0  }
0x8f: {  	[sflag:s25] =	ssyncadd.s32 $0xFFFFF800  }
0x90: {  	v26 =	vld.idx.msk [tilespmem:v17+s4+$0x0], $0xffff  }
0x91: {  	v27 =	vld.idx.msk [tilespmem:v17+s9+$0x0], $0xffff;
	_ =	sdelay $0x3  }
0x92: {  	v26 =	vand.u32 $0x7F, v26  }
0x93: {  	v27 =	vand.u32 $0x7F, v27;
	v28 =	vor.u32 v1, v26  }
0x94: {  	v29 =	vor.u32 v1, v27;
	_ =	sdelay $0x3  }
0x95: {  	v28 =	vld.idx.msk [tilespmem:v28+s13+$0x0], $0xffff  }
0x96: {  	v29 =	vld.idx.msk [tilespmem:v29+s14+$0x0], $0xffff;
	_ =	sdelay $0x2  }
0x97: {  	v30 =	vor.u32 v3, v26  }
0x98: {  	v31 =	vor.u32 v3, v27  }
0x99: {  	v28 =	vmul.f32 v29, v28;
	_ =	sdelay $0x1  }
0x9a: {  	[tilespmem:v18+s26+$0x0] =	vst.idx.msk $0xffff, v28  }
0x9b: {  	v28 =	vld.idx.msk [tilespmem:v30+s13+$0x0], $0xffff  }
0x9c: {  	v48 =	vld.idx.msk [tilespmem:v31+s14+$0x0], $0xffff;
	_ =	sdelay $0x2  }
0x9d: {  	v49 =	vor.u32 v5, v26  }
0x9e: {  	v50 =	vor.u32 v5, v27  }
0x9f: {  	v28 =	vmul.f32 v48, v28;
	_ =	sdelay $0x1  }
0xa0: {  	[tilespmem:v19+s26+$0x0] =	vst.idx.msk $0xffff, v28  }
0xa1: {  	v28 =	vld.idx.msk [tilespmem:v49+s13+$0x0], $0xffff  }
0xa2: {  	v51 =	vld.idx.msk [tilespmem:v50+s14+$0x0], $0xffff;
	_ =	sdelay $0x2  }
0xa3: {  	v52 =	vor.u32 v7, v26  }
0xa4: {  	v53 =	vor.u32 v7, v27  }
0xa5: {  	v28 =	vmul.f32 v51, v28;
	_ =	sdelay $0x1  }
0xa6: {  	[tilespmem:v20+s26+$0x0] =	vst.idx.msk $0xffff, v28  }
0xa7: {  	v28 =	vld.idx.msk [tilespmem:v52+s13+$0x0], $0xffff  }
0xa8: {  	v54 =	vld.idx.msk [tilespmem:v53+s14+$0x0], $0xffff;
	_ =	sdelay $0x2  }
0xa9: {  	v55 =	vor.u32 v9, v26  }
0xaa: {  	v56 =	vor.u32 v9, v27  }
0xab: {  	v28 =	vmul.f32 v54, v28;
	_ =	sdelay $0x1  }
0xac: {  	[tilespmem:v21+s26+$0x0] =	vst.idx.msk $0xffff, v28  }
0xad: {  	v28 =	vld.idx.msk [tilespmem:v55+s13+$0x0], $0xffff  }
0xae: {  	v57 =	vld.idx.msk [tilespmem:v56+s14+$0x0], $0xffff;
	_ =	sdelay $0x2  }
0xaf: {  	v58 =	vor.u32 v11, v26  }
0xb0: {  	v59 =	vor.u32 v11, v27  }
0xb1: {  	v28 =	vmul.f32 v57, v28;
	_ =	sdelay $0x1  }
0xb2: {  	[tilespmem:v22+s26+$0x0] =	vst.idx.msk $0xffff, v28  }
0xb3: {  	v28 =	vld.idx.msk [tilespmem:v58+s13+$0x0], $0xffff  }
0xb4: {  	v60 =	vld.idx.msk [tilespmem:v59+s14+$0x0], $0xffff;
	_ =	sdelay $0x2  }
0xb5: {  	v61 =	vor.u32 v13, v26  }
0xb6: {  	v62 =	vor.u32 v13, v27  }
0xb7: {  	v28 =	vmul.f32 v60, v28;
	_ =	sdelay $0x1  }
0xb8: {  	[tilespmem:v23+s26+$0x0] =	vst.idx.msk $0xffff, v28  }
0xb9: {  	v28 =	vld.idx.msk [tilespmem:v61+s13+$0x0], $0xffff  }
0xba: {  	v63 =	vld.idx.msk [tilespmem:v62+s14+$0x0], $0xffff;
	_ =	sdelay $0x2  }
0xbb: {  	v26 =	vor.u32 v15, v26  }
0xbc: {  	v27 =	vor.u32 v15, v27  }
0xbd: {  	v28 =	vmul.f32 v63, v28;
	_ =	sdelay $0x1  }
0xbe: {  	[tilespmem:v24+s26+$0x0] =	vst.idx.msk $0xffff, v28  }
0xbf: {  	v26 =	vld.idx.msk [tilespmem:v26+s13+$0x0], $0xffff  }
0xc0: {  	v27 =	vld.idx.msk [tilespmem:v27+s14+$0x0], $0xffff;
	_ =	sdelay $0x4  }
0xc1: {  	v26 =	vmul.f32 v27, v26;
	_ =	sdelay $0x1  }
0xc2: {  	s6 =	simm.s32 $0x1000;
	s7 =	simm.s32 $0x20000;
	s5 =	rddreg [dreg:$0x8];
	[tilespmem:v25+s26+$0x0] =	vst.idx.msk $0xffff, v26  }
0xc3: {  	[hbm4b:s5+s6] =	stream.strided.scatter [tilespmem:s26], [sflag:$0x3], $0x2000, s7, s6, $0x38;
	[tilespmem:$0x1A500] =	vst v63  }
0xc4: {  	s6 =	simm.s32 $0x3  }
0xc5: {  	_ =	swait.ge [sflag:s6], $0x2000  }
0xc6: {  	s28 =	rddreg [dreg:$0xa]  }
0xc7: {  	s29 =	rddreg [dreg:$0x9];
	s7 =	sadd.s32 $0x1, s28  }
0xc8: {  	p0 =	sne.s32 s7, s29  }
.Ltmp1:
0xc9: {  	_ = 	snop;
	(pc) =	sbr.rel @!p0 .LBB2_6-.Ltmp1, $3  }
0xca: {  	_ =	sdelay $0x1  }
0xcb: {  	[sflag:s6] =	ssyncset.done $0x0  }
0xcc: {  	[sflag:s6] =	ssyncadd.s32 $0xFFFFE000  }
.LBB2_1:
0xcd: {  	[dreg:$0xa] =	wrdreg s7  }
0xce: {  	s5 =	rddreg [dreg:$0x6]  }
0xcf: {  	[tilespmem:s4], [sflag:$0x3] =	stream.linear.gather [hbm4b:s5+s4], $0x200, $0x38;
	[tilespmem:$0x1A500] =	vst v63  }
0xd0: {  	_ =	swait.ge [sflag:s6], $0x200  }
0xd1: {  	[sflag:s6] =	ssyncset.done $0x0  }
0xd2: {  	s7 =	rddreg [dreg:$0x7];
	[sflag:s6] =	ssyncadd.s32 $0xFFFFFE00  }
0xd3: {  	[tilespmem:s9], [sflag:$0x3] =	stream.linear.gather [hbm4b:s7+s4], $0x200, $0x38;
	[tilespmem:$0x1A500] =	vst v63  }
0xd4: {  	_ =	swait.ge [sflag:s6], $0x200  }
0xd5: {  	[sflag:s6] =	ssyncset.done $0x0  }
0xd6: {  	[sflag:s6] =	ssyncadd.s32 $0xFFFFFE00  }
0xd7: {  	v26 =	vld [tilespmem:$0x0];
	_ =	sdelay $0x1  }
0xd8: {  	v27 =	vld [tilespmem:$0x280];
	_ =	sdelay $0x2  }
0xd9: {  	v26 =	vand.u32 $0xFFFFFF80, v26  }
0xda: {  	v26 =	vadd.s32 s0, v26  }
0xdb: {  	v27 =	vand.u32 $0xFFFFFF80, v27;
	(v2sf) =	vpush v26, $0x0  }
0xdc: {  	v27 =	vadd.s32 s1, v27  }
0xdd: {  	(v2sf) =	vpush v27, $0x0;
	_ =	sdelay $0x1  }
0xde: {  	(v2sf) =	vpush v26, $0x1;
	_ =	sdelay $0x1  }
0xdf: {  	(v2sf) =	vpush v27, $0x1;
	_ =	sdelay $0x1  }
0xe0: {  	(v2sf) =	vpush v26, $0x2;
	_ =	sdelay $0x1  }
0xe1: {  	(v2sf) =	vpush v27, $0x2;
	_ =	sdelay $0x1  }
0xe2: {  	(v2sf) =	vpush v26, $0x3;
	_ =	sdelay $0x1  }
0xe3: {  	(v2sf) =	vpush v27, $0x3  }
0xe4: {  	s6 =	spop (v2sf)  }
0xe5: {  	(v2sf) =	vpush v26, $0x4;
	[tilespmem:s13], [sflag:$0x1] =	stream.strided.gather [hbm4b:s6+s11], $0x800, s12, s11, $0x38;
	[tilespmem:$0x1A500] =	vst v63  }
0xe6: {  	s7 =	spop (v2sf)  }
0xe7: {  	(v2sf) =	vpush v27, $0x4;
	[tilespmem:s14], [sflag:$0x2] =	stream.strided.gather [hbm4b:s7+s11], $0x800, s12, s11, $0x38;
	[tilespmem:$0x1A500] =	vst v63  }
0xe8: {  	s6 =	spop (v2sf);
	s7 =	simm.s32 $0xD00  }
0xe9: {  	(v2sf) =	vpush v26, $0x5;
	[tilespmem:s7], [sflag:$0x1] =	stream.strided.gather [hbm4b:s6+s11], $0x800, s12, s11, $0x38;
	[tilespmem:$0x1A500] =	vst v63  }
0xea: {  	s6 =	spop (v2sf);
	s7 =	simm.s32 $0xCD00  }
0xeb: {  	(v2sf) =	vpush v27, $0x5;
	[tilespmem:s7], [sflag:$0x2] =	stream.strided.gather [hbm4b:s6+s11], $0x800, s12, s11, $0x38;
	[tilespmem:$0x1A500] =	vst v63  }
0xec: {  	s6 =	spop (v2sf);
	s7 =	simm.s32 $0x1500  }
0xed: {  	(v2sf) =	vpush v26, $0x6;
	[tilespmem:s7], [sflag:$0x1] =	stream.strided.gather [hbm4b:s6+s11], $0x800, s12, s11, $0x38;
	[tilespmem:$0x1A500] =	vst v63  }
0xee: {  	s6 =	spop (v2sf);
	s7 =	simm.s32 $0xD500  }
0xef: {  	(v2sf) =	vpush v27, $0x6;
	[tilespmem:s7], [sflag:$0x2] =	stream.strided.gather [hbm4b:s6+s11], $0x800, s12, s11, $0x38;
	[tilespmem:$0x1A500] =	vst v63  }
0xf0: {  	s6 =	spop (v2sf);
	s7 =	simm.s32 $0x1D00  }
0xf1: {  	(v2sf) =	vpush v26, $0x7;
	[tilespmem:s7], [sflag:$0x1] =	stream.strided.gather [hbm4b:s6+s11], $0x800, s12, s11, $0x38;
	[tilespmem:$0x1A500] =	vst v63  }
0xf2: {  	s6 =	spop (v2sf);
	s7 =	simm.s32 $0xDD00  }
0xf3: {  	(v2sf) =	vpush v27, $0x7;
	[tilespmem:s7], [sflag:$0x2] =	stream.strided.gather [hbm4b:s6+s11], $0x800, s12, s11, $0x38;
	[tilespmem:$0x1A500] =	vst v63  }
0xf4: {  	s6 =	spop (v2sf);
	s7 =	simm.s32 $0x2500  }
0xf5: {  	[tilespmem:s7], [sflag:$0x1] =	stream.strided.gather [hbm4b:s6+s11], $0x800, s12, s11, $0x38;
	[tilespmem:$0x1A500] =	vst v63  }
0xf6: {  	s6 =	spop (v2sf);
	s7 =	simm.s32 $0xE500  }
0xf7: {  	[tilespmem:s7], [sflag:$0x2] =	stream.strided.gather [hbm4b:s6+s11], $0x800, s12, s11, $0x38;
	[tilespmem:$0x1A500] =	vst v63  }
0xf8: {  	s6 =	spop (v2sf);
	s7 =	simm.s32 $0x2D00  }
0xf9: {  	[tilespmem:s7], [sflag:$0x1] =	stream.strided.gather [hbm4b:s6+s11], $0x800, s12, s11, $0x38;
	[tilespmem:$0x1A500] =	vst v63  }
0xfa: {  	s6 =	spop (v2sf);
	s7 =	simm.s32 $0xED00  }
0xfb: {  	[tilespmem:s7], [sflag:$0x2] =	stream.strided.gather [hbm4b:s6+s11], $0x800, s12, s11, $0x38;
	[tilespmem:$0x1A500] =	vst v63  }
0xfc: {  	s6 =	spop (v2sf);
	s7 =	simm.s32 $0x3500  }
0xfd: {  	[tilespmem:s7], [sflag:$0x1] =	stream.strided.gather [hbm4b:s6+s11], $0x800, s12, s11, $0x38;
	[tilespmem:$0x1A500] =	vst v63  }
0xfe: {  	s6 =	spop (v2sf);
	s7 =	simm.s32 $0xF500  }
0xff: {  	[tilespmem:s7], [sflag:$0x2] =	stream.strided.gather [hbm4b:s6+s11], $0x800, s12, s11, $0x38;
	[tilespmem:$0x1A500] =	vst v63  }
0x100: {  	s6 =	spop (v2sf);
	s7 =	simm.s32 $0x3D00  }
0x101: {  	[tilespmem:s7], [sflag:$0x1] =	stream.strided.gather [hbm4b:s6+s11], $0x800, s12, s11, $0x38;
	[tilespmem:$0x1A500] =	vst v63  }
0x102: {  	s6 =	spop (v2sf);
	s7 =	simm.s32 $0xFD00  }
0x103: {  	[tilespmem:s7], [sflag:$0x2] =	stream.strided.gather [hbm4b:s6+s11], $0x800, s12, s11, $0x38;
	[tilespmem:$0x1A500] =	vst v63  }
0x104: {  	v26 =	vld [tilespmem:$0x8];
	_ =	sdelay $0x1  }
0x105: {  	v27 =	vld [tilespmem:$0x288];
	_ =	sdelay $0x2  }
0x106: {  	v26 =	vand.u32 $0xFFFFFF80, v26  }
0x107: {  	v26 =	vadd.s32 s0, v26  }
0x108: {  	v27 =	vand.u32 $0xFFFFFF80, v27;
	(v2sf) =	vpush v26, $0x0  }
0x109: {  	v27 =	vadd.s32 s1, v27  }
0x10a: {  	(v2sf) =	vpush v27, $0x0;
	_ =	sdelay $0x1  }
0x10b: {  	(v2sf) =	vpush v26, $0x1;
	_ =	sdelay $0x1  }
0x10c: {  	(v2sf) =	vpush v27, $0x1;
	_ =	sdelay $0x1  }
0x10d: {  	(v2sf) =	vpush v26, $0x2;
	_ =	sdelay $0x1  }
0x10e: {  	(v2sf) =	vpush v27, $0x2;
	_ =	sdelay $0x1  }
0x10f: {  	(v2sf) =	vpush v26, $0x3;
	_ =	sdelay $0x1  }
0x110: {  	(v2sf) =	vpush v27, $0x3  }
0x111: {  	s6 =	spop (v2sf)  }
0x112: {  	(v2sf) =	vpush v26, $0x4;
	[tilespmem:s30], [sflag:$0x1] =	stream.strided.gather [hbm4b:s6+s11], $0x800, s12, s11, $0x38;
	[tilespmem:$0x1A500] =	vst v63  }
0x113: {  	s7 =	spop (v2sf)  }
0x114: {  	(v2sf) =	vpush v27, $0x4;
	[tilespmem:s31], [sflag:$0x2] =	stream.strided.gather [hbm4b:s7+s11], $0x800, s12, s11, $0x38;
	[tilespmem:$0x1A500] =	vst v63  }
0x115: {  	s6 =	spop (v2sf);
	s7 =	simm.s32 $0x4D00  }
0x116: {  	(v2sf) =	vpush v26, $0x5;
	[tilespmem:s7], [sflag:$0x1] =	stream.strided.gather [hbm4b:s6+s11], $0x800, s12, s11, $0x38;
	[tilespmem:$0x1A500] =	vst v63  }
0x117: {  	s6 =	spop (v2sf);
	s7 =	simm.s32 $0x10D00  }
0x118: {  	(v2sf) =	vpush v27, $0x5;
	[tilespmem:s7], [sflag:$0x2] =	stream.strided.gather [hbm4b:s6+s11], $0x800, s12, s11, $0x38;
	[tilespmem:$0x1A500] =	vst v63  }
0x119: {  	s6 =	spop (v2sf);
	s7 =	simm.s32 $0x5500  }
0x11a: {  	(v2sf) =	vpush v26, $0x6;
	[tilespmem:s7], [sflag:$0x1] =	stream.strided.gather [hbm4b:s6+s11], $0x800, s12, s11, $0x38;
	[tilespmem:$0x1A500] =	vst v63  }
0x11b: {  	s6 =	spop (v2sf);
	s7 =	simm.s32 $0x11500  }
0x11c: {  	(v2sf) =	vpush v27, $0x6;
	[tilespmem:s7], [sflag:$0x2] =	stream.strided.gather [hbm4b:s6+s11], $0x800, s12, s11, $0x38;
	[tilespmem:$0x1A500] =	vst v63  }
0x11d: {  	s6 =	spop (v2sf);
	s7 =	simm.s32 $0x5D00  }
0x11e: {  	[tilespmem:s7], [sflag:$0x1] =	stream.strided.gather [hbm4b:s6+s11], $0x800, s12, s11, $0x38;
	[tilespmem:$0x1A500] =	vst v63  }
0x11f: {  	(v2sf) =	vpush v26, $0x7;
	s6 =	spop (v2sf);
	s7 =	simm.s32 $0x11D00  }
0x120: {  	[tilespmem:s7], [sflag:$0x2] =	stream.strided.gather [hbm4b:s6+s11], $0x800, s12, s11, $0x38;
	[tilespmem:$0x1A500] =	vst v63  }
0x121: {  	(v2sf) =	vpush v27, $0x7;
	s6 =	spop (v2sf);
	s7 =	simm.s32 $0x6500  }
0x122: {  	[tilespmem:s7], [sflag:$0x1] =	stream.strided.gather [hbm4b:s6+s11], $0x800, s12, s11, $0x38;
	[tilespmem:$0x1A500] =	vst v63  }
0x123: {  	s6 =	spop (v2sf);
	s7 =	simm.s32 $0x12500  }
0x124: {  	[tilespmem:s7], [sflag:$0x2] =	stream.strided.gather [hbm4b:s6+s11], $0x800, s12, s11, $0x38;
	[tilespmem:$0x1A500] =	vst v63  }
0x125: {  	s6 =	spop (v2sf);
	s7 =	simm.s32 $0x6D00  }
0x126: {  	[tilespmem:s7], [sflag:$0x1] =	stream.strided.gather [hbm4b:s6+s11], $0x800, s12, s11, $0x38;
	[tilespmem:$0x1A500] =	vst v63  }
0x127: {  	s6 =	spop (v2sf);
	s7 =	simm.s32 $0x12D00  }
0x128: {  	[tilespmem:s7], [sflag:$0x2] =	stream.strided.gather [hbm4b:s6+s11], $0x800, s12, s11, $0x38;
	[tilespmem:$0x1A500] =	vst v63  }
0x129: {  	s6 =	spop (v2sf);
	s7 =	simm.s32 $0x7500  }
0x12a: {  	[tilespmem:s7], [sflag:$0x1] =	stream.strided.gather [hbm4b:s6+s11], $0x800, s12, s11, $0x38;
	[tilespmem:$0x1A500] =	vst v63  }
0x12b: {  	s6 =	spop (v2sf);
	s7 =	simm.s32 $0x13500  }
0x12c: {  	[tilespmem:s7], [sflag:$0x2] =	stream.strided.gather [hbm4b:s6+s11], $0x800, s12, s11, $0x38;
	[tilespmem:$0x1A500] =	vst v63  }
.Ltmp2:
0x12d: {  	s28 =	simm.s32 $0x2A0;
	(pc) =	sbr.rel .LBB2_2-.Ltmp2, $4  }
0x12e: {  	s29 =	simm.s32 $0x20;
	s6 =	spop (v2sf);
	s7 =	simm.s32 $0x7D00  }
0x12f: {  	[tilespmem:s7], [sflag:$0x1] =	stream.strided.gather [hbm4b:s6+s11], $0x800, s12, s11, $0x38;
	[tilespmem:$0x1A500] =	vst v63  }
0x130: {  	s5 =	simm.s32 $0x0;
	s6 =	spop (v2sf);
	s7 =	simm.s32 $0x13D00  }
0x131: {  	[tilespmem:s7], [sflag:$0x2] =	stream.strided.gather [hbm4b:s6+s11], $0x800, s12, s11, $0x38;
	[tilespmem:$0x1A500] =	vst v63  }
.LBB2_4:
0x132: {  	_ =	swait.ge [sflag:s24], $0x800  }
0x133: {  	[sflag:s24] =	ssyncset.done $0x0  }
0x134: {  	[sflag:s24] =	ssyncadd.s32 $0xFFFFF800  }
0x135: {  	_ =	swait.ge [sflag:s25], $0x800  }
0x136: {  	[sflag:s25] =	ssyncset.done $0x0  }
0x137: {  	[sflag:s25] =	ssyncadd.s32 $0xFFFFF800  }
0x138: {  	_ =	swait.ge [sflag:s24], $0x800  }
0x139: {  	[sflag:s24] =	ssyncset.done $0x0  }
0x13a: {  	[sflag:s24] =	ssyncadd.s32 $0xFFFFF800  }
0x13b: {  	_ =	swait.ge [sflag:s25], $0x800  }
0x13c: {  	[sflag:s25] =	ssyncset.done $0x0  }
0x13d: {  	[sflag:s25] =	ssyncadd.s32 $0xFFFFF800  }
0x13e: {  	_ =	swait.ge [sflag:s24], $0x800  }
0x13f: {  	[sflag:s24] =	ssyncset.done $0x0  }
0x140: {  	[sflag:s24] =	ssyncadd.s32 $0xFFFFF800  }
0x141: {  	_ =	swait.ge [sflag:s25], $0x800  }
0x142: {  	[sflag:s25] =	ssyncset.done $0x0  }
0x143: {  	[sflag:s25] =	ssyncadd.s32 $0xFFFFF800  }
0x144: {  	_ =	swait.ge [sflag:s24], $0x800  }
0x145: {  	[sflag:s24] =	ssyncset.done $0x0  }
0x146: {  	[sflag:s24] =	ssyncadd.s32 $0xFFFFF800  }
0x147: {  	_ =	swait.ge [sflag:s25], $0x800  }
0x148: {  	[sflag:s25] =	ssyncset.done $0x0  }
0x149: {  	[sflag:s25] =	ssyncadd.s32 $0xFFFFF800  }
0x14a: {  	_ =	swait.ge [sflag:s24], $0x800  }
0x14b: {  	[sflag:s24] =	ssyncset.done $0x0  }
0x14c: {  	[sflag:s24] =	ssyncadd.s32 $0xFFFFF800  }
0x14d: {  	_ =	swait.ge [sflag:s25], $0x800  }
0x14e: {  	[sflag:s25] =	ssyncset.done $0x0  }
0x14f: {  	[sflag:s25] =	ssyncadd.s32 $0xFFFFF800  }
0x150: {  	_ =	swait.ge [sflag:s24], $0x800  }
0x151: {  	[sflag:s24] =	ssyncset.done $0x0  }
0x152: {  	[sflag:s24] =	ssyncadd.s32 $0xFFFFF800  }
0x153: {  	_ =	swait.ge [sflag:s25], $0x800  }
0x154: {  	[sflag:s25] =	ssyncset.done $0x0  }
0x155: {  	[sflag:s25] =	ssyncadd.s32 $0xFFFFF800  }
0x156: {  	_ =	swait.ge [sflag:s24], $0x800  }
0x157: {  	[sflag:s24] =	ssyncset.done $0x0  }
0x158: {  	[sflag:s24] =	ssyncadd.s32 $0xFFFFF800  }
0x159: {  	_ =	swait.ge [sflag:s25], $0x800  }
0x15a: {  	[sflag:s25] =	ssyncset.done $0x0  }
0x15b: {  	[sflag:s25] =	ssyncadd.s32 $0xFFFFF800  }
0x15c: {  	s6 =	sadd.s32 $0x10, s5;
	_ =	swait.ge [sflag:s24], $0x800  }
0x15d: {  	v26 =	vor.u32 s6, v0;
	[sflag:s24] =	ssyncset.done $0x0  }
0x15e: {  	[sflag:s24] =	ssyncadd.s32 $0xFFFFF800  }
0x15f: {  	_ =	swait.ge [sflag:s25], $0x800  }
0x160: {  	[sflag:s25] =	ssyncset.done $0x0  }
0x161: {  	[sflag:s25] =	ssyncadd.s32 $0xFFFFF800  }
0x162: {  	v27 =	vld.idx.msk [tilespmem:v26+s4+$0x0], $0xffff  }
0x163: {  	v28 =	vld.idx.msk [tilespmem:v26+s9+$0x0], $0xffff;
	_ =	sdelay $0x3  }
0x164: {  	v27 =	vand.u32 $0x7F, v27  }
0x165: {  	v28 =	vand.u32 $0x7F, v28;
	v29 =	vor.u32 v1, v27  }
0x166: {  	v30 =	vor.u32 v1, v28;
	_ =	sdelay $0x2  }
0x167: {  	v31 =	vmov s6  }
0x168: {  	v31 =	vshll.u32 v31, $0x3;
	v29 =	vld.idx.msk [tilespmem:v29+s2+$0x0], $0xffff  }
0x169: {  	v31 =	vand.u32 $0x3C00, v31;
	v26 =	vand.u32 $0x7F, v26;
	v30 =	vld.idx.msk [tilespmem:v30+s3+$0x0], $0xffff  }
0x16a: {  	v26 =	vor.u32 v31, v26  }
0x16b: {  	v31 =	vor.u32 v2, v26  }
0x16c: {  	v32 =	vor.u32 v3, v27  }
0x16d: {  	v33 =	vor.u32 v3, v28  }
0x16e: {  	v29 =	vmul.f32 v30, v29;
	_ =	sdelay $0x1  }
0x16f: {  	[tilespmem:v31+s26+$0x0] =	vst.idx.msk $0xffff, v29  }
0x170: {  	v29 =	vld.idx.msk [tilespmem:v32+s2+$0x0], $0xffff  }
0x171: {  	v42 =	vld.idx.msk [tilespmem:v33+s3+$0x0], $0xffff;
	_ =	sdelay $0x1  }
0x172: {  	v43 =	vor.u32 v4, v26  }
0x173: {  	v44 =	vor.u32 v5, v27  }
0x174: {  	v45 =	vor.u32 v5, v28  }
0x175: {  	v29 =	vmul.f32 v42, v29;
	_ =	sdelay $0x1  }
0x176: {  	[tilespmem:v43+s26+$0x0] =	vst.idx.msk $0xffff, v29  }
0x177: {  	v29 =	vld.idx.msk [tilespmem:v44+s2+$0x0], $0xffff  }
0x178: {  	v46 =	vld.idx.msk [tilespmem:v45+s3+$0x0], $0xffff;
	_ =	sdelay $0x1  }
0x179: {  	v47 =	vor.u32 v6, v26  }
0x17a: {  	v48 =	vor.u32 v7, v27  }
0x17b: {  	v49 =	vor.u32 v7, v28  }
0x17c: {  	v29 =	vmul.f32 v46, v29;
	_ =	sdelay $0x1  }
0x17d: {  	[tilespmem:v47+s26+$0x0] =	vst.idx.msk $0xffff, v29  }
0x17e: {  	v29 =	vld.idx.msk [tilespmem:v48+s2+$0x0], $0xffff  }
0x17f: {  	v50 =	vld.idx.msk [tilespmem:v49+s3+$0x0], $0xffff;
	_ =	sdelay $0x1  }
0x180: {  	v51 =	vor.u32 v8, v26  }
0x181: {  	v52 =	vor.u32 v9, v27  }
0x182: {  	v53 =	vor.u32 v9, v28  }
0x183: {  	v29 =	vmul.f32 v50, v29;
	_ =	sdelay $0x1  }
0x184: {  	[tilespmem:v51+s26+$0x0] =	vst.idx.msk $0xffff, v29  }
0x185: {  	v29 =	vld.idx.msk [tilespmem:v52+s2+$0x0], $0xffff  }
0x186: {  	v54 =	vld.idx.msk [tilespmem:v53+s3+$0x0], $0xffff;
	_ =	sdelay $0x1  }
0x187: {  	v55 =	vadd.s32 v10, v26  }
0x188: {  	v56 =	vor.u32 v11, v27  }
0x189: {  	v57 =	vor.u32 v11, v28  }
0x18a: {  	v29 =	vmul.f32 v54, v29;
	_ =	sdelay $0x1  }
0x18b: {  	[tilespmem:v55+s26+$0x0] =	vst.idx.msk $0xffff, v29  }
0x18c: {  	v29 =	vld.idx.msk [tilespmem:v56+s2+$0x0], $0xffff  }
0x18d: {  	v58 =	vld.idx.msk [tilespmem:v57+s3+$0x0], $0xffff;
	_ =	sdelay $0x1  }
0x18e: {  	v59 =	vadd.s32 v12, v26  }
0x18f: {  	v60 =	vor.u32 v13, v27  }
0x190: {  	v61 =	vor.u32 v13, v28  }
0x191: {  	v29 =	vmul.f32 v58, v29;
	_ =	sdelay $0x1  }
0x192: {  	[tilespmem:v59+s26+$0x0] =	vst.idx.msk $0xffff, v29  }
0x193: {  	v29 =	vld.idx.msk [tilespmem:v60+s2+$0x0], $0xffff  }
0x194: {  	v62 =	vld.idx.msk [tilespmem:v61+s3+$0x0], $0xffff;
	_ =	sdelay $0x1  }
0x195: {  	v63 =	vadd.s32 v14, v26  }
0x196: {  	v27 =	vor.u32 v15, v27  }
0x197: {  	v28 =	vor.u32 v15, v28  }
0x198: {  	v29 =	vmul.f32 v62, v29;
	_ =	sdelay $0x1  }
0x199: {  	[tilespmem:v63+s26+$0x0] =	vst.idx.msk $0xffff, v29  }
0x19a: {  	v27 =	vld.idx.msk [tilespmem:v27+s2+$0x0], $0xffff  }
0x19b: {  	v28 =	vld.idx.msk [tilespmem:v28+s3+$0x0], $0xffff  }
0x19c: {  	s5 =	sadd.s32 $0x18, s5  }
0x19d: {  	p0 =	sne.s32 s5, $0x1F8;
	v26 =	vadd.s32 v16, v26  }
.Ltmp3:
0x19e: {  	_ = 	snop;
	(pc) =	sbr.rel @!p0 .LBB2_5-.Ltmp3, $3  }
0x19f: {  	_ = 	snop  }
0x1a0: {  	v27 =	vmul.f32 v28, v27;
	_ =	sdelay $0x1  }
0x1a1: {  	s28 =	sadd.s32 $0x18, s28;
	s29 =	sadd.s32 $0x18, s29;
	[tilespmem:v26+s26+$0x0] =	vst.idx.msk $0xffff, v27  }
.LBB2_2:
0x1a2: {  	v26 =	vld [tilespmem:s29+$0xFFFFFFF0];
	_ =	sdelay $0x1  }
0x1a3: {  	v27 =	vld [tilespmem:s28+$0xFFFFFFF0];
	_ =	sdelay $0x2  }
0x1a4: {  	v26 =	vand.u32 $0xFFFFFF80, v26  }
0x1a5: {  	v26 =	vadd.s32 s0, v26  }
0x1a6: {  	v27 =	vand.u32 $0xFFFFFF80, v27;
	(v2sf) =	vpush v26, $0x0  }
0x1a7: {  	v27 =	vadd.s32 s1, v27  }
0x1a8: {  	(v2sf) =	vpush v27, $0x0;
	_ =	sdelay $0x1  }
0x1a9: {  	(v2sf) =	vpush v26, $0x1;
	_ =	sdelay $0x1  }
0x1aa: {  	(v2sf) =	vpush v27, $0x1;
	_ =	sdelay $0x1  }
0x1ab: {  	(v2sf) =	vpush v26, $0x2;
	_ =	sdelay $0x1  }
0x1ac: {  	(v2sf) =	vpush v27, $0x2;
	_ =	sdelay $0x1  }
0x1ad: {  	(v2sf) =	vpush v26, $0x3;
	_ =	sdelay $0x1  }
0x1ae: {  	(v2sf) =	vpush v27, $0x3  }
0x1af: {  	s6 =	spop (v2sf)  }
0x1b0: {  	(v2sf) =	vpush v26, $0x4;
	[tilespmem:s2], [sflag:$0x1] =	stream.strided.gather [hbm4b:s6+s11], $0x800, s12, s11, $0x38;
	[tilespmem:$0x1A500] =	vst v63  }
0x1b1: {  	s7 =	spop (v2sf)  }
0x1b2: {  	(v2sf) =	vpush v27, $0x4;
	[tilespmem:s3], [sflag:$0x2] =	stream.strided.gather [hbm4b:s7+s11], $0x800, s12, s11, $0x38;
	[tilespmem:$0x1A500] =	vst v63  }
0x1b3: {  	s6 =	spop (v2sf);
	s7 =	simm.s32 $0x8D00  }
0x1b4: {  	(v2sf) =	vpush v26, $0x5;
	[tilespmem:s7], [sflag:$0x1] =	stream.strided.gather [hbm4b:s6+s11], $0x800, s12, s11, $0x38;
	[tilespmem:$0x1A500] =	vst v63  }
0x1b5: {  	s6 =	spop (v2sf);
	s7 =	simm.s32 $0x14D00  }
0x1b6: {  	(v2sf) =	vpush v27, $0x5;
	[tilespmem:s7], [sflag:$0x2] =	stream.strided.gather [hbm4b:s6+s11], $0x800, s12, s11, $0x38;
	[tilespmem:$0x1A500] =	vst v63  }
0x1b7: {  	s6 =	spop (v2sf);
	s7 =	simm.s32 $0x9500  }
0x1b8: {  	(v2sf) =	vpush v26, $0x6;
	[tilespmem:s7], [sflag:$0x1] =	stream.strided.gather [hbm4b:s6+s11], $0x800, s12, s11, $0x38;
	[tilespmem:$0x1A500] =	vst v63  }
0x1b9: {  	s7 =	spop (v2sf)  }
0x1ba: {  	(v2sf) =	vpush v27, $0x6;
	[tilespmem:s8], [sflag:$0x2] =	stream.strided.gather [hbm4b:s7+s11], $0x800, s12, s11, $0x38;
	[tilespmem:$0x1A500] =	vst v63  }
0x1bb: {  	s7 =	spop (v2sf)  }
0x1bc: {  	(v2sf) =	vpush v26, $0x7;
	[tilespmem:s10], [sflag:$0x1] =	stream.strided.gather [hbm4b:s7+s11], $0x800, s12, s11, $0x38;
	[tilespmem:$0x1A500] =	vst v63  }
0x1bd: {  	s7 =	spop (v2sf)  }
0x1be: {  	(v2sf) =	vpush v27, $0x7;
	[tilespmem:s15], [sflag:$0x2] =	stream.strided.gather [hbm4b:s7+s11], $0x800, s12, s11, $0x38;
	[tilespmem:$0x1A500] =	vst v63  }
0x1bf: {  	s7 =	spop (v2sf)  }
0x1c0: {  	[tilespmem:s16], [sflag:$0x1] =	stream.strided.gather [hbm4b:s7+s11], $0x800, s12, s11, $0x38;
	[tilespmem:$0x1A500] =	vst v63  }
0x1c1: {  	s7 =	spop (v2sf)  }
0x1c2: {  	[tilespmem:s17], [sflag:$0x2] =	stream.strided.gather [hbm4b:s7+s11], $0x800, s12, s11, $0x38;
	[tilespmem:$0x1A500] =	vst v63  }
0x1c3: {  	s7 =	spop (v2sf)  }
0x1c4: {  	[tilespmem:s18], [sflag:$0x1] =	stream.strided.gather [hbm4b:s7+s11], $0x800, s12, s11, $0x38;
	[tilespmem:$0x1A500] =	vst v63  }
0x1c5: {  	s7 =	spop (v2sf)  }
0x1c6: {  	[tilespmem:s19], [sflag:$0x2] =	stream.strided.gather [hbm4b:s7+s11], $0x800, s12, s11, $0x38;
	[tilespmem:$0x1A500] =	vst v63  }
0x1c7: {  	s7 =	spop (v2sf)  }
0x1c8: {  	[tilespmem:s20], [sflag:$0x1] =	stream.strided.gather [hbm4b:s7+s11], $0x800, s12, s11, $0x38;
	[tilespmem:$0x1A500] =	vst v63  }
0x1c9: {  	s7 =	spop (v2sf)  }
0x1ca: {  	[tilespmem:s21], [sflag:$0x2] =	stream.strided.gather [hbm4b:s7+s11], $0x800, s12, s11, $0x38;
	[tilespmem:$0x1A500] =	vst v63  }
0x1cb: {  	s7 =	spop (v2sf)  }
0x1cc: {  	[tilespmem:s22], [sflag:$0x1] =	stream.strided.gather [hbm4b:s7+s11], $0x800, s12, s11, $0x38;
	[tilespmem:$0x1A500] =	vst v63  }
0x1cd: {  	s7 =	spop (v2sf)  }
0x1ce: {  	[tilespmem:s23], [sflag:$0x2] =	stream.strided.gather [hbm4b:s7+s11], $0x800, s12, s11, $0x38;
	[tilespmem:$0x1A500] =	vst v63  }
0x1cf: {  	_ =	swait.ge [sflag:s24], $0x800  }
0x1d0: {  	[sflag:s24] =	ssyncset.done $0x0  }
0x1d1: {  	[sflag:s24] =	ssyncadd.s32 $0xFFFFF800  }
0x1d2: {  	_ =	swait.ge [sflag:s25], $0x800  }
0x1d3: {  	[sflag:s25] =	ssyncset.done $0x0  }
0x1d4: {  	[sflag:s25] =	ssyncadd.s32 $0xFFFFF800  }
0x1d5: {  	_ =	swait.ge [sflag:s24], $0x800  }
0x1d6: {  	[sflag:s24] =	ssyncset.done $0x0  }
0x1d7: {  	[sflag:s24] =	ssyncadd.s32 $0xFFFFF800  }
0x1d8: {  	_ =	swait.ge [sflag:s25], $0x800  }
0x1d9: {  	[sflag:s25] =	ssyncset.done $0x0  }
0x1da: {  	[sflag:s25] =	ssyncadd.s32 $0xFFFFF800  }
0x1db: {  	_ =	swait.ge [sflag:s24], $0x800  }
0x1dc: {  	[sflag:s24] =	ssyncset.done $0x0  }
0x1dd: {  	[sflag:s24] =	ssyncadd.s32 $0xFFFFF800  }
0x1de: {  	_ =	swait.ge [sflag:s25], $0x800  }
0x1df: {  	[sflag:s25] =	ssyncset.done $0x0  }
0x1e0: {  	[sflag:s25] =	ssyncadd.s32 $0xFFFFF800  }
0x1e1: {  	_ =	swait.ge [sflag:s24], $0x800  }
0x1e2: {  	[sflag:s24] =	ssyncset.done $0x0  }
0x1e3: {  	[sflag:s24] =	ssyncadd.s32 $0xFFFFF800  }
0x1e4: {  	_ =	swait.ge [sflag:s25], $0x800  }
0x1e5: {  	[sflag:s25] =	ssyncset.done $0x0  }
0x1e6: {  	[sflag:s25] =	ssyncadd.s32 $0xFFFFF800  }
0x1e7: {  	_ =	swait.ge [sflag:s24], $0x800  }
0x1e8: {  	[sflag:s24] =	ssyncset.done $0x0  }
0x1e9: {  	[sflag:s24] =	ssyncadd.s32 $0xFFFFF800  }
0x1ea: {  	_ =	swait.ge [sflag:s25], $0x800  }
0x1eb: {  	[sflag:s25] =	ssyncset.done $0x0  }
0x1ec: {  	[sflag:s25] =	ssyncadd.s32 $0xFFFFF800  }
0x1ed: {  	_ =	swait.ge [sflag:s24], $0x800  }
0x1ee: {  	[sflag:s24] =	ssyncset.done $0x0  }
0x1ef: {  	[sflag:s24] =	ssyncadd.s32 $0xFFFFF800  }
0x1f0: {  	_ =	swait.ge [sflag:s25], $0x800  }
0x1f1: {  	[sflag:s25] =	ssyncset.done $0x0  }
0x1f2: {  	[sflag:s25] =	ssyncadd.s32 $0xFFFFF800  }
0x1f3: {  	_ =	swait.ge [sflag:s24], $0x800  }
0x1f4: {  	[sflag:s24] =	ssyncset.done $0x0  }
0x1f5: {  	[sflag:s24] =	ssyncadd.s32 $0xFFFFF800  }
0x1f6: {  	_ =	swait.ge [sflag:s25], $0x800  }
0x1f7: {  	[sflag:s25] =	ssyncset.done $0x0  }
0x1f8: {  	[sflag:s25] =	ssyncadd.s32 $0xFFFFF800  }
0x1f9: {  	_ =	swait.ge [sflag:s24], $0x800  }
0x1fa: {  	v26 =	vor.u32 s5, v0;
	[sflag:s24] =	ssyncset.done $0x0  }
0x1fb: {  	[sflag:s24] =	ssyncadd.s32 $0xFFFFF800  }
0x1fc: {  	_ =	swait.ge [sflag:s25], $0x800  }
0x1fd: {  	[sflag:s25] =	ssyncset.done $0x0  }
0x1fe: {  	[sflag:s25] =	ssyncadd.s32 $0xFFFFF800  }
0x1ff: {  	v27 =	vld.idx.msk [tilespmem:v26+s4+$0x0], $0xffff  }
0x200: {  	v28 =	vld.idx.msk [tilespmem:v26+s9+$0x0], $0xffff;
	_ =	sdelay $0x3  }
0x201: {  	v27 =	vand.u32 $0x7F, v27  }
0x202: {  	v28 =	vand.u32 $0x7F, v28;
	v29 =	vor.u32 v1, v27  }
0x203: {  	v30 =	vor.u32 v1, v28;
	_ =	sdelay $0x2  }
0x204: {  	v31 =	vmov s5  }
0x205: {  	v31 =	vshll.u32 v31, $0x3;
	v29 =	vld.idx.msk [tilespmem:v29+s13+$0x0], $0xffff  }
0x206: {  	v31 =	vand.u32 $0x1C00, v31;
	v26 =	vand.u32 $0x7F, v26;
	v30 =	vld.idx.msk [tilespmem:v30+s14+$0x0], $0xffff  }
0x207: {  	v26 =	vor.u32 v31, v26  }
0x208: {  	v31 =	vor.u32 v2, v26  }
0x209: {  	v32 =	vor.u32 v3, v27  }
0x20a: {  	v33 =	vor.u32 v3, v28  }
0x20b: {  	v29 =	vmul.f32 v30, v29;
	_ =	sdelay $0x1  }
0x20c: {  	[tilespmem:v31+s26+$0x0] =	vst.idx.msk $0xffff, v29  }
0x20d: {  	v29 =	vld.idx.msk [tilespmem:v32+s13+$0x0], $0xffff  }
0x20e: {  	v44 =	vld.idx.msk [tilespmem:v33+s14+$0x0], $0xffff;
	_ =	sdelay $0x1  }
0x20f: {  	v45 =	vor.u32 v4, v26  }
0x210: {  	v46 =	vor.u32 v5, v27  }
0x211: {  	v47 =	vor.u32 v5, v28  }
0x212: {  	v29 =	vmul.f32 v44, v29;
	_ =	sdelay $0x1  }
0x213: {  	[tilespmem:v45+s26+$0x0] =	vst.idx.msk $0xffff, v29  }
0x214: {  	v29 =	vld.idx.msk [tilespmem:v46+s13+$0x0], $0xffff  }
0x215: {  	v48 =	vld.idx.msk [tilespmem:v47+s14+$0x0], $0xffff;
	_ =	sdelay $0x1  }
0x216: {  	v49 =	vor.u32 v6, v26  }
0x217: {  	v50 =	vor.u32 v7, v27  }
0x218: {  	v51 =	vor.u32 v7, v28  }
0x219: {  	v29 =	vmul.f32 v48, v29;
	_ =	sdelay $0x1  }
0x21a: {  	[tilespmem:v49+s26+$0x0] =	vst.idx.msk $0xffff, v29  }
0x21b: {  	v29 =	vld.idx.msk [tilespmem:v50+s13+$0x0], $0xffff  }
0x21c: {  	v52 =	vld.idx.msk [tilespmem:v51+s14+$0x0], $0xffff;
	_ =	sdelay $0x1  }
0x21d: {  	v53 =	vor.u32 v8, v26  }
0x21e: {  	v54 =	vor.u32 v9, v27  }
0x21f: {  	v55 =	vor.u32 v9, v28  }
0x220: {  	v29 =	vmul.f32 v52, v29;
	_ =	sdelay $0x1  }
0x221: {  	[tilespmem:v53+s26+$0x0] =	vst.idx.msk $0xffff, v29  }
0x222: {  	v29 =	vld.idx.msk [tilespmem:v54+s13+$0x0], $0xffff  }
0x223: {  	v56 =	vld.idx.msk [tilespmem:v55+s14+$0x0], $0xffff;
	_ =	sdelay $0x1  }
0x224: {  	v57 =	vadd.s32 v10, v26  }
0x225: {  	v58 =	vor.u32 v11, v27  }
0x226: {  	v59 =	vor.u32 v11, v28  }
0x227: {  	v29 =	vmul.f32 v56, v29;
	_ =	sdelay $0x1  }
0x228: {  	[tilespmem:v57+s26+$0x0] =	vst.idx.msk $0xffff, v29  }
0x229: {  	v29 =	vld.idx.msk [tilespmem:v58+s13+$0x0], $0xffff  }
0x22a: {  	v60 =	vld.idx.msk [tilespmem:v59+s14+$0x0], $0xffff;
	_ =	sdelay $0x1  }
0x22b: {  	v61 =	vadd.s32 v12, v26  }
0x22c: {  	v62 =	vor.u32 v13, v27  }
0x22d: {  	v63 =	vor.u32 v13, v28  }
0x22e: {  	v29 =	vmul.f32 v60, v29;
	_ =	sdelay $0x1  }
0x22f: {  	[tilespmem:v61+s26+$0x0] =	vst.idx.msk $0xffff, v29  }
0x230: {  	v29 =	vld.idx.msk [tilespmem:v62+s13+$0x0], $0xffff  }
0x231: {  	v34 =	vld.idx.msk [tilespmem:v63+s14+$0x0], $0xffff;
	_ =	sdelay $0x1  }
0x232: {  	v35 =	vadd.s32 v14, v26  }
0x233: {  	v27 =	vor.u32 v15, v27  }
0x234: {  	v28 =	vor.u32 v15, v28  }
0x235: {  	v29 =	vmul.f32 v34, v29;
	_ =	sdelay $0x1  }
0x236: {  	[tilespmem:v35+s26+$0x0] =	vst.idx.msk $0xffff, v29  }
0x237: {  	v27 =	vld.idx.msk [tilespmem:v27+s13+$0x0], $0xffff  }
0x238: {  	v28 =	vld.idx.msk [tilespmem:v28+s14+$0x0], $0xffff;
	_ =	sdelay $0x1  }
0x239: {  	v26 =	vadd.s32 v16, v26;
	_ =	sdelay $0x2  }
0x23a: {  	v27 =	vmul.f32 v28, v27;
	_ =	sdelay $0x1  }
0x23b: {  	[tilespmem:v26+s26+$0x0] =	vst.idx.msk $0xffff, v27  }
0x23c: {  	v26 =	vld [tilespmem:s29+$0xFFFFFFF8];
	_ =	sdelay $0x1  }
0x23d: {  	v27 =	vld [tilespmem:s28+$0xFFFFFFF8];
	_ =	sdelay $0x2  }
0x23e: {  	v26 =	vand.u32 $0xFFFFFF80, v26  }
0x23f: {  	v26 =	vadd.s32 s0, v26  }
0x240: {  	v27 =	vand.u32 $0xFFFFFF80, v27;
	(v2sf) =	vpush v26, $0x0  }
0x241: {  	v27 =	vadd.s32 s1, v27  }
0x242: {  	(v2sf) =	vpush v27, $0x0;
	_ =	sdelay $0x1  }
0x243: {  	(v2sf) =	vpush v26, $0x1;
	_ =	sdelay $0x1  }
0x244: {  	(v2sf) =	vpush v27, $0x1;
	_ =	sdelay $0x1  }
0x245: {  	(v2sf) =	vpush v26, $0x2;
	_ =	sdelay $0x1  }
0x246: {  	(v2sf) =	vpush v27, $0x2;
	_ =	sdelay $0x1  }
0x247: {  	(v2sf) =	vpush v26, $0x3;
	_ =	sdelay $0x1  }
0x248: {  	(v2sf) =	vpush v27, $0x3  }
0x249: {  	s7 =	spop (v2sf)  }
0x24a: {  	(v2sf) =	vpush v26, $0x4;
	[tilespmem:s13], [sflag:$0x1] =	stream.strided.gather [hbm4b:s7+s11], $0x800, s12, s11, $0x38;
	[tilespmem:$0x1A500] =	vst v63  }
0x24b: {  	s7 =	spop (v2sf)  }
0x24c: {  	(v2sf) =	vpush v27, $0x4;
	[tilespmem:s14], [sflag:$0x2] =	stream.strided.gather [hbm4b:s7+s11], $0x800, s12, s11, $0x38;
	[tilespmem:$0x1A500] =	vst v63  }
0x24d: {  	s6 =	spop (v2sf);
	s7 =	simm.s32 $0xD00  }
0x24e: {  	(v2sf) =	vpush v26, $0x5;
	[tilespmem:s7], [sflag:$0x1] =	stream.strided.gather [hbm4b:s6+s11], $0x800, s12, s11, $0x38;
	[tilespmem:$0x1A500] =	vst v63  }
0x24f: {  	s6 =	spop (v2sf);
	s7 =	simm.s32 $0xCD00  }
0x250: {  	(v2sf) =	vpush v27, $0x5;
	[tilespmem:s7], [sflag:$0x2] =	stream.strided.gather [hbm4b:s6+s11], $0x800, s12, s11, $0x38;
	[tilespmem:$0x1A500] =	vst v63  }
0x251: {  	s6 =	spop (v2sf);
	s7 =	simm.s32 $0x1500  }
0x252: {  	(v2sf) =	vpush v26, $0x6;
	[tilespmem:s7], [sflag:$0x1] =	stream.strided.gather [hbm4b:s6+s11], $0x800, s12, s11, $0x38;
	[tilespmem:$0x1A500] =	vst v63  }
0x253: {  	s6 =	spop (v2sf);
	s7 =	simm.s32 $0xD500  }
0x254: {  	(v2sf) =	vpush v27, $0x6;
	[tilespmem:s7], [sflag:$0x2] =	stream.strided.gather [hbm4b:s6+s11], $0x800, s12, s11, $0x38;
	[tilespmem:$0x1A500] =	vst v63  }
0x255: {  	s6 =	spop (v2sf);
	s7 =	simm.s32 $0x1D00  }
0x256: {  	(v2sf) =	vpush v26, $0x7;
	[tilespmem:s7], [sflag:$0x1] =	stream.strided.gather [hbm4b:s6+s11], $0x800, s12, s11, $0x38;
	[tilespmem:$0x1A500] =	vst v63  }
0x257: {  	s6 =	spop (v2sf);
	s7 =	simm.s32 $0xDD00  }
0x258: {  	(v2sf) =	vpush v27, $0x7;
	[tilespmem:s7], [sflag:$0x2] =	stream.strided.gather [hbm4b:s6+s11], $0x800, s12, s11, $0x38;
	[tilespmem:$0x1A500] =	vst v63  }
0x259: {  	s6 =	spop (v2sf);
	s7 =	simm.s32 $0x2500  }
0x25a: {  	[tilespmem:s7], [sflag:$0x1] =	stream.strided.gather [hbm4b:s6+s11], $0x800, s12, s11, $0x38;
	[tilespmem:$0x1A500] =	vst v63  }
0x25b: {  	s6 =	spop (v2sf);
	s7 =	simm.s32 $0xE500  }
0x25c: {  	[tilespmem:s7], [sflag:$0x2] =	stream.strided.gather [hbm4b:s6+s11], $0x800, s12, s11, $0x38;
	[tilespmem:$0x1A500] =	vst v63  }
0x25d: {  	s6 =	spop (v2sf);
	s7 =	simm.s32 $0x2D00  }
0x25e: {  	[tilespmem:s7], [sflag:$0x1] =	stream.strided.gather [hbm4b:s6+s11], $0x800, s12, s11, $0x38;
	[tilespmem:$0x1A500] =	vst v63  }
0x25f: {  	s6 =	spop (v2sf);
	s7 =	simm.s32 $0xED00  }
0x260: {  	[tilespmem:s7], [sflag:$0x2] =	stream.strided.gather [hbm4b:s6+s11], $0x800, s12, s11, $0x38;
	[tilespmem:$0x1A500] =	vst v63  }
0x261: {  	s6 =	spop (v2sf);
	s7 =	simm.s32 $0x3500  }
0x262: {  	[tilespmem:s7], [sflag:$0x1] =	stream.strided.gather [hbm4b:s6+s11], $0x800, s12, s11, $0x38;
	[tilespmem:$0x1A500] =	vst v63  }
0x263: {  	s6 =	spop (v2sf);
	s7 =	simm.s32 $0xF500  }
0x264: {  	[tilespmem:s7], [sflag:$0x2] =	stream.strided.gather [hbm4b:s6+s11], $0x800, s12, s11, $0x38;
	[tilespmem:$0x1A500] =	vst v63  }
0x265: {  	s6 =	spop (v2sf);
	s7 =	simm.s32 $0x3D00  }
0x266: {  	[tilespmem:s7], [sflag:$0x1] =	stream.strided.gather [hbm4b:s6+s11], $0x800, s12, s11, $0x38;
	[tilespmem:$0x1A500] =	vst v63  }
0x267: {  	s6 =	spop (v2sf);
	s7 =	simm.s32 $0xFD00  }
0x268: {  	[tilespmem:s7], [sflag:$0x2] =	stream.strided.gather [hbm4b:s6+s11], $0x800, s12, s11, $0x38;
	[tilespmem:$0x1A500] =	vst v63  }
0x269: {  	_ =	swait.ge [sflag:s24], $0x800  }
0x26a: {  	[sflag:s24] =	ssyncset.done $0x0  }
0x26b: {  	[sflag:s24] =	ssyncadd.s32 $0xFFFFF800  }
0x26c: {  	_ =	swait.ge [sflag:s25], $0x800  }
0x26d: {  	[sflag:s25] =	ssyncset.done $0x0  }
0x26e: {  	[sflag:s25] =	ssyncadd.s32 $0xFFFFF800  }
0x26f: {  	_ =	swait.ge [sflag:s24], $0x800  }
0x270: {  	[sflag:s24] =	ssyncset.done $0x0  }
0x271: {  	[sflag:s24] =	ssyncadd.s32 $0xFFFFF800  }
0x272: {  	_ =	swait.ge [sflag:s25], $0x800  }
0x273: {  	[sflag:s25] =	ssyncset.done $0x0  }
0x274: {  	[sflag:s25] =	ssyncadd.s32 $0xFFFFF800  }
0x275: {  	_ =	swait.ge [sflag:s24], $0x800  }
0x276: {  	[sflag:s24] =	ssyncset.done $0x0  }
0x277: {  	[sflag:s24] =	ssyncadd.s32 $0xFFFFF800  }
0x278: {  	_ =	swait.ge [sflag:s25], $0x800  }
0x279: {  	[sflag:s25] =	ssyncset.done $0x0  }
0x27a: {  	[sflag:s25] =	ssyncadd.s32 $0xFFFFF800  }
0x27b: {  	_ =	swait.ge [sflag:s24], $0x800  }
0x27c: {  	[sflag:s24] =	ssyncset.done $0x0  }
0x27d: {  	[sflag:s24] =	ssyncadd.s32 $0xFFFFF800  }
0x27e: {  	_ =	swait.ge [sflag:s25], $0x800  }
0x27f: {  	[sflag:s25] =	ssyncset.done $0x0  }
0x280: {  	[sflag:s25] =	ssyncadd.s32 $0xFFFFF800  }
0x281: {  	_ =	swait.ge [sflag:s24], $0x800  }
0x282: {  	[sflag:s24] =	ssyncset.done $0x0  }
0x283: {  	[sflag:s24] =	ssyncadd.s32 $0xFFFFF800  }
0x284: {  	_ =	swait.ge [sflag:s25], $0x800  }
0x285: {  	[sflag:s25] =	ssyncset.done $0x0  }
0x286: {  	[sflag:s25] =	ssyncadd.s32 $0xFFFFF800  }
0x287: {  	_ =	swait.ge [sflag:s24], $0x800  }
0x288: {  	[sflag:s24] =	ssyncset.done $0x0  }
0x289: {  	[sflag:s24] =	ssyncadd.s32 $0xFFFFF800  }
0x28a: {  	_ =	swait.ge [sflag:s25], $0x800  }
0x28b: {  	[sflag:s25] =	ssyncset.done $0x0  }
0x28c: {  	[sflag:s25] =	ssyncadd.s32 $0xFFFFF800  }
0x28d: {  	_ =	swait.ge [sflag:s24], $0x800  }
0x28e: {  	[sflag:s24] =	ssyncset.done $0x0  }
0x28f: {  	[sflag:s24] =	ssyncadd.s32 $0xFFFFF800  }
0x290: {  	_ =	swait.ge [sflag:s25], $0x800  }
0x291: {  	[sflag:s25] =	ssyncset.done $0x0  }
0x292: {  	[sflag:s25] =	ssyncadd.s32 $0xFFFFF800  }
0x293: {  	s7 =	sadd.s32 $0x8, s5;
	_ =	swait.ge [sflag:s24], $0x800  }
0x294: {  	v26 =	vor.u32 s7, v0;
	[sflag:s24] =	ssyncset.done $0x0  }
0x295: {  	[sflag:s24] =	ssyncadd.s32 $0xFFFFF800  }
0x296: {  	_ =	swait.ge [sflag:s25], $0x800  }
0x297: {  	[sflag:s25] =	ssyncset.done $0x0  }
0x298: {  	[sflag:s25] =	ssyncadd.s32 $0xFFFFF800  }
0x299: {  	v27 =	vld.idx.msk [tilespmem:v26+s4+$0x0], $0xffff  }
0x29a: {  	v36 =	vld.idx.msk [tilespmem:v26+s9+$0x0], $0xffff;
	_ =	sdelay $0x3  }
0x29b: {  	v27 =	vand.u32 $0x7F, v27  }
0x29c: {  	v28 =	vand.u32 $0x7F, v36;
	v37 =	vor.u32 v1, v27  }
0x29d: {  	v38 =	vor.u32 v1, v28;
	_ =	sdelay $0x2  }
0x29e: {  	v39 =	vmov s7  }
0x29f: {  	v31 =	vshll.u32 v39, $0x3;
	v29 =	vld.idx.msk [tilespmem:v37+s30+$0x0], $0xffff  }
0x2a0: {  	v31 =	vand.u32 $0x3C00, v31;
	v26 =	vand.u32 $0x7F, v26;
	v30 =	vld.idx.msk [tilespmem:v38+s31+$0x0], $0xffff  }
0x2a1: {  	v26 =	vor.u32 v31, v26  }
0x2a2: {  	v31 =	vor.u32 v2, v26  }
0x2a3: {  	v40 =	vor.u32 v3, v27  }
0x2a4: {  	v41 =	vor.u32 v3, v28  }
0x2a5: {  	v29 =	vmul.f32 v30, v29;
	_ =	sdelay $0x1  }
0x2a6: {  	[tilespmem:v31+s26+$0x0] =	vst.idx.msk $0xffff, v29  }
0x2a7: {  	v29 =	vld.idx.msk [tilespmem:v40+s30+$0x0], $0xffff  }
0x2a8: {  	v42 =	vld.idx.msk [tilespmem:v41+s31+$0x0], $0xffff;
	_ =	sdelay $0x1  }
0x2a9: {  	v43 =	vor.u32 v4, v26  }
0x2aa: {  	v44 =	vor.u32 v5, v27  }
0x2ab: {  	v45 =	vor.u32 v5, v28  }
0x2ac: {  	v29 =	vmul.f32 v42, v29;
	_ =	sdelay $0x1  }
0x2ad: {  	[tilespmem:v43+s26+$0x0] =	vst.idx.msk $0xffff, v29  }
0x2ae: {  	v29 =	vld.idx.msk [tilespmem:v44+s30+$0x0], $0xffff  }
0x2af: {  	v46 =	vld.idx.msk [tilespmem:v45+s31+$0x0], $0xffff;
	_ =	sdelay $0x1  }
0x2b0: {  	v47 =	vor.u32 v6, v26  }
0x2b1: {  	v48 =	vor.u32 v7, v27  }
0x2b2: {  	v49 =	vor.u32 v7, v28  }
0x2b3: {  	v29 =	vmul.f32 v46, v29;
	_ =	sdelay $0x1  }
0x2b4: {  	[tilespmem:v47+s26+$0x0] =	vst.idx.msk $0xffff, v29  }
0x2b5: {  	v29 =	vld.idx.msk [tilespmem:v48+s30+$0x0], $0xffff  }
0x2b6: {  	v50 =	vld.idx.msk [tilespmem:v49+s31+$0x0], $0xffff;
	_ =	sdelay $0x1  }
0x2b7: {  	v51 =	vor.u32 v8, v26  }
0x2b8: {  	v52 =	vor.u32 v9, v27  }
0x2b9: {  	v53 =	vor.u32 v9, v28  }
0x2ba: {  	v29 =	vmul.f32 v50, v29;
	_ =	sdelay $0x1  }
0x2bb: {  	[tilespmem:v51+s26+$0x0] =	vst.idx.msk $0xffff, v29  }
0x2bc: {  	v29 =	vld.idx.msk [tilespmem:v52+s30+$0x0], $0xffff  }
0x2bd: {  	v54 =	vld.idx.msk [tilespmem:v53+s31+$0x0], $0xffff;
	_ =	sdelay $0x1  }
0x2be: {  	v55 =	vadd.s32 v10, v26  }
0x2bf: {  	v56 =	vor.u32 v11, v27  }
0x2c0: {  	v57 =	vor.u32 v11, v28  }
0x2c1: {  	v29 =	vmul.f32 v54, v29;
	_ =	sdelay $0x1  }
0x2c2: {  	[tilespmem:v55+s26+$0x0] =	vst.idx.msk $0xffff, v29  }
0x2c3: {  	v29 =	vld.idx.msk [tilespmem:v56+s30+$0x0], $0xffff  }
0x2c4: {  	v58 =	vld.idx.msk [tilespmem:v57+s31+$0x0], $0xffff;
	_ =	sdelay $0x1  }
0x2c5: {  	v59 =	vadd.s32 v12, v26  }
0x2c6: {  	v60 =	vor.u32 v13, v27  }
0x2c7: {  	v61 =	vor.u32 v13, v28  }
0x2c8: {  	v29 =	vmul.f32 v58, v29;
	_ =	sdelay $0x1  }
0x2c9: {  	[tilespmem:v59+s26+$0x0] =	vst.idx.msk $0xffff, v29  }
0x2ca: {  	v29 =	vld.idx.msk [tilespmem:v60+s30+$0x0], $0xffff  }
0x2cb: {  	v62 =	vld.idx.msk [tilespmem:v61+s31+$0x0], $0xffff;
	_ =	sdelay $0x1  }
0x2cc: {  	v63 =	vadd.s32 v14, v26  }
0x2cd: {  	v27 =	vor.u32 v15, v27  }
0x2ce: {  	v28 =	vor.u32 v15, v28  }
0x2cf: {  	v29 =	vmul.f32 v62, v29;
	_ =	sdelay $0x1  }
0x2d0: {  	[tilespmem:v63+s26+$0x0] =	vst.idx.msk $0xffff, v29  }
0x2d1: {  	v27 =	vld.idx.msk [tilespmem:v27+s30+$0x0], $0xffff  }
0x2d2: {  	v28 =	vld.idx.msk [tilespmem:v28+s31+$0x0], $0xffff;
	_ =	sdelay $0x1  }
0x2d3: {  	p0 =	seq.s32 s5, $0x1E0;
	v26 =	vadd.s32 v16, v26  }
.Ltmp4:
0x2d4: {  	_ = 	snop;
	(pc) =	sbr.rel @p0 .LBB2_4-.Ltmp4, $3  }
0x2d5: {  	_ = 	snop  }
0x2d6: {  	v27 =	vmul.f32 v28, v27;
	_ =	sdelay $0x1  }
0x2d7: {  	[tilespmem:v26+s26+$0x0] =	vst.idx.msk $0xffff, v27  }
0x2d8: {  	v26 =	vld [tilespmem:s29+$0x0];
	_ =	sdelay $0x1  }
0x2d9: {  	v27 =	vld [tilespmem:s28+$0x0];
	_ =	sdelay $0x2  }
0x2da: {  	v26 =	vand.u32 $0xFFFFFF80, v26  }
0x2db: {  	v26 =	vadd.s32 s0, v26  }
0x2dc: {  	v27 =	vand.u32 $0xFFFFFF80, v27;
	(v2sf) =	vpush v26, $0x0  }
0x2dd: {  	v27 =	vadd.s32 s1, v27  }
0x2de: {  	(v2sf) =	vpush v27, $0x0;
	_ =	sdelay $0x1  }
0x2df: {  	(v2sf) =	vpush v26, $0x1;
	_ =	sdelay $0x1  }
0x2e0: {  	(v2sf) =	vpush v27, $0x1;
	_ =	sdelay $0x1  }
0x2e1: {  	(v2sf) =	vpush v26, $0x2;
	_ =	sdelay $0x1  }
0x2e2: {  	(v2sf) =	vpush v27, $0x2;
	_ =	sdelay $0x1  }
0x2e3: {  	(v2sf) =	vpush v26, $0x3;
	_ =	sdelay $0x1  }
0x2e4: {  	(v2sf) =	vpush v27, $0x3  }
0x2e5: {  	s6 =	spop (v2sf)  }
0x2e6: {  	(v2sf) =	vpush v26, $0x4;
	[tilespmem:s30], [sflag:$0x1] =	stream.strided.gather [hbm4b:s6+s11], $0x800, s12, s11, $0x38;
	[tilespmem:$0x1A500] =	vst v63  }
0x2e7: {  	s7 =	spop (v2sf)  }
0x2e8: {  	(v2sf) =	vpush v27, $0x4;
	[tilespmem:s31], [sflag:$0x2] =	stream.strided.gather [hbm4b:s7+s11], $0x800, s12, s11, $0x38;
	[tilespmem:$0x1A500] =	vst v63  }
0x2e9: {  	s6 =	spop (v2sf);
	s7 =	simm.s32 $0x4D00  }
0x2ea: {  	(v2sf) =	vpush v26, $0x5;
	[tilespmem:s7], [sflag:$0x1] =	stream.strided.gather [hbm4b:s6+s11], $0x800, s12, s11, $0x38;
	[tilespmem:$0x1A500] =	vst v63  }
0x2eb: {  	s6 =	spop (v2sf);
	s7 =	simm.s32 $0x10D00  }
0x2ec: {  	(v2sf) =	vpush v27, $0x5;
	[tilespmem:s7], [sflag:$0x2] =	stream.strided.gather [hbm4b:s6+s11], $0x800, s12, s11, $0x38;
	[tilespmem:$0x1A500] =	vst v63  }
0x2ed: {  	s6 =	spop (v2sf);
	s7 =	simm.s32 $0x5500  }
0x2ee: {  	(v2sf) =	vpush v26, $0x6;
	[tilespmem:s7], [sflag:$0x1] =	stream.strided.gather [hbm4b:s6+s11], $0x800, s12, s11, $0x38;
	[tilespmem:$0x1A500] =	vst v63  }
0x2ef: {  	s6 =	spop (v2sf);
	s7 =	simm.s32 $0x11500  }
0x2f0: {  	(v2sf) =	vpush v27, $0x6;
	[tilespmem:s7], [sflag:$0x2] =	stream.strided.gather [hbm4b:s6+s11], $0x800, s12, s11, $0x38;
	[tilespmem:$0x1A500] =	vst v63  }
0x2f1: {  	s6 =	spop (v2sf);
	s7 =	simm.s32 $0x5D00  }
0x2f2: {  	[tilespmem:s7], [sflag:$0x1] =	stream.strided.gather [hbm4b:s6+s11], $0x800, s12, s11, $0x38;
	[tilespmem:$0x1A500] =	vst v63  }
0x2f3: {  	(v2sf) =	vpush v26, $0x7;
	s6 =	spop (v2sf);
	s7 =	simm.s32 $0x11D00  }
0x2f4: {  	[tilespmem:s7], [sflag:$0x2] =	stream.strided.gather [hbm4b:s6+s11], $0x800, s12, s11, $0x38;
	[tilespmem:$0x1A500] =	vst v63  }
0x2f5: {  	(v2sf) =	vpush v27, $0x7;
	s6 =	spop (v2sf);
	s7 =	simm.s32 $0x6500  }
0x2f6: {  	[tilespmem:s7], [sflag:$0x1] =	stream.strided.gather [hbm4b:s6+s11], $0x800, s12, s11, $0x38;
	[tilespmem:$0x1A500] =	vst v63  }
0x2f7: {  	s6 =	spop (v2sf);
	s7 =	simm.s32 $0x12500  }
0x2f8: {  	[tilespmem:s7], [sflag:$0x2] =	stream.strided.gather [hbm4b:s6+s11], $0x800, s12, s11, $0x38;
	[tilespmem:$0x1A500] =	vst v63  }
0x2f9: {  	s6 =	spop (v2sf);
	s7 =	simm.s32 $0x6D00  }
0x2fa: {  	[tilespmem:s7], [sflag:$0x1] =	stream.strided.gather [hbm4b:s6+s11], $0x800, s12, s11, $0x38;
	[tilespmem:$0x1A500] =	vst v63  }
0x2fb: {  	s6 =	spop (v2sf);
	s7 =	simm.s32 $0x12D00  }
0x2fc: {  	[tilespmem:s7], [sflag:$0x2] =	stream.strided.gather [hbm4b:s6+s11], $0x800, s12, s11, $0x38;
	[tilespmem:$0x1A500] =	vst v63  }
0x2fd: {  	s6 =	spop (v2sf);
	s7 =	simm.s32 $0x7500  }
0x2fe: {  	[tilespmem:s7], [sflag:$0x1] =	stream.strided.gather [hbm4b:s6+s11], $0x800, s12, s11, $0x38;
	[tilespmem:$0x1A500] =	vst v63  }
0x2ff: {  	s6 =	spop (v2sf);
	s7 =	simm.s32 $0x13500  }
0x300: {  	[tilespmem:s7], [sflag:$0x2] =	stream.strided.gather [hbm4b:s6+s11], $0x800, s12, s11, $0x38;
	[tilespmem:$0x1A500] =	vst v63  }
.Ltmp5:
0x301: {  	_ = 	snop;
	(pc) =	sbr.rel .LBB2_4-.Ltmp5, $4  }
0x302: {  	s6 =	spop (v2sf);
	s7 =	simm.s32 $0x7D00  }
0x303: {  	[tilespmem:s7], [sflag:$0x1] =	stream.strided.gather [hbm4b:s6+s11], $0x800, s12, s11, $0x38;
	[tilespmem:$0x1A500] =	vst v63  }
0x304: {  	s6 =	spop (v2sf);
	s7 =	simm.s32 $0x13D00  }
0x305: {  	[tilespmem:s7], [sflag:$0x2] =	stream.strided.gather [hbm4b:s6+s11], $0x800, s12, s11, $0x38;
	[tilespmem:$0x1A500] =	vst v63  }
.LBB2_6:
0x306: {  	_ =	sfence.sel $0x180000  }
0x307: {  	[bflag:$0x0] =	sbarrier.arrive $0xFFFF  }
0x308: {  	_ =	strace $0x90000047  }
0x309: {  	s0 =	stileid.u32;
	[bflag:$0x2] =	sbarrier.arrive $0xFFFF  }
0x30a: {  	p0 =	sne.s32 s0, $0x0;
	s0 =	rddreg [dreg:$0x5]  }
0x30b: {  	s0 =	sadd.s32 @!p0 $0x100000, s0  }
0x30c: {  	[sflag:s0] =	ssyncadd.tile.s32 @!p0 $0x1;
	_ =	shalt  }
.Lfunc_end2:
_tile_overlayer_lowered:
.L_overlay_start_2:
0x30d: {  	(tag) =	ssettag $0x2  }
0x30e: {  	s0 =	rddreg [dreg:$0x0];
	s2 =	stileid.u32  }
0x30f: {  	s1 =	rddreg [dreg:$0x1];
	p0 =	sne.s32 s2, $0x0  }
0x310: {  	s3 =	rddreg [dreg:$0x2];
	[bflag:$0x3] =	sbarrier.arrive $0xFFFF;
	s2 =	simm.s32 @!p0 $0x1C03  }
0x311: {  	[timem:s3], [sflag:s2] =	dma.local @!p0 [hbm:s0], s1  }
0x312: {  	s0 =	simm.s32 @!p0 $0x3  }
0x313: {  	_ =	swait.ge @!p0 [sflag:s0], s1  }
0x314: {  	s1 =	ssub.s32 @!p0 $0x0, s1;
	[sflag:s0] =	ssyncset.done @!p0 $0x0  }
0x315: {  	[sflag:s0] =	ssyncadd.s32 @!p0 s1  }
0x316: {  	[bflag:$0x3] =	sbarrier.arrive $0xFFFF  }
0x317: {  	_ =	shalt  }

</sc_bundles>
